<compile_context>
chip_gen: v7x
topology: tpu7x:2x2x1
jax: 0.10.2.dev20260603
libtpu: 0.0.44.dev20260713+nightly
codegen_flags: <defaults>
</compile_context>

<pallas_src>
import jax
import jax.numpy as jnp
from jax import lax
from jax.experimental import pallas as pl
from jax.experimental.pallas import tpu as pltpu
from jax.experimental.pallas import tpu_sc as plsc

VOCAB = 1000000
D = 64
B = 16384
K = 20

NC, NS, L = 2, 16, 16
NW = NC * NS
PER_W = B // NW
CHUNK = 16
NSTEP = PER_W // CHUNK
NROW = CHUNK * (K + 1)
NSLC = [(o, min(128, NROW - o)) for o in range(0, NROW, 128)]
NV = D // L

GB = 4
CLAST = (VOCAB - 128) // 128 * 128
TAIL0 = CLAST + 128
TBLK = 2048
HALF = 248 * TBLK


def _tc_pair_body(lo_ref, hi_ref, out_ref):
    out_ref[:, 0:D] = lo_ref[...].T
    out_ref[:, D:2 * D] = hi_ref[...].T


def _tc_pair(w_t):
    grid = HALF // TBLK
    return pl.pallas_call(
        _tc_pair_body,
        grid=(grid,),
        in_specs=[pl.BlockSpec((D, TBLK), lambda i: (0, i)),
                  pl.BlockSpec(
                      (D, TBLK),
                      lambda i: (0, jnp.minimum(i + HALF // TBLK,
                                                VOCAB // TBLK)))],
        out_specs=pl.BlockSpec((TBLK, 2 * D), lambda i: (i, 0)),
        out_shape=jax.ShapeDtypeStruct((HALF, 2 * D), jnp.float32),
    )(w_t, w_t)


def _sc_center_body(cen_hbm, wt_hbm, tail_hbm, cen_out,
                    cidx, blk, ctile, wtail, sems):
    wid = lax.axis_index("s") * NC + lax.axis_index("c")
    tbase = wid * PER_W
    pltpu.sync_copy(cen_hbm.at[pl.ds(tbase, PER_W)], cidx.at[pl.ds(0, PER_W)])
    pltpu.sync_copy(tail_hbm, wtail)
    lanes = lax.iota(jnp.int32, L)

    def rof(b):
        vec = cidx[pl.ds(b & ~(L - 1), L)]
        return jnp.max(jnp.where(lanes == (b & (L - 1)), vec, 0))

    def c0of(r):
        return jnp.minimum(lax.shift_right_logical(r, 7), CLAST // 128) * 128

    def tiles(b, sg):
        c0 = pl.multiple_of(c0of(rof(b)), 128)
        return [(wt_hbm.at[pl.ds(t * 8, 8), pl.ds(c0, 128)],
                 blk.at[pl.ds(sg * D + t * 8, 8)]) for t in range(D // 8)]

    def issue(b, sg):
        for src, dst in tiles(b, sg):
            pltpu.async_copy(src, dst, sems[sg])

    def drain(b, sg):
        for src, dst in tiles(b, sg):
            pltpu.make_async_copy(src, dst, sems[sg]).wait()

    def extract(b, sg):
        r = rof(b)
        col = jnp.minimum(r - c0of(r), 127)
        rt = jnp.minimum(jnp.maximum(r - TAIL0, 0), 63)
        is_tail = r >= TAIL0
        csp = jnp.full((L,), col, jnp.int32)
        for j in range(NV):
            v = plsc.load_gather(blk, [sg * D + j * L + lanes, csp])
            tv = wtail[rt, pl.ds(j * L, L)]
            ctile[b, pl.ds(j * L, L)] = jnp.where(is_tail, tv, v)

    for sg in range(GB):
        issue(sg, sg)

    def step(g, _):
        for sg in range(GB):
            bp = (g - 1) * GB + sg
            drain(bp, sg)
            extract(bp, sg)
            issue(g * GB + sg, sg)
        return 0

    lax.fori_loop(1, PER_W // GB, step, 0)
    for sg in range(GB):
        bp = PER_W - GB + sg
        drain(bp, sg)
        extract(bp, sg)
    pltpu.sync_copy(ctile, cen_out.at[pl.ds(tbase, PER_W)])


@jax.jit
def _sc_center(cen, w_in_t, w_tail):
    f = pl.kernel(
        _sc_center_body,
        out_type=jax.ShapeDtypeStruct((B, D), jnp.float32),
        mesh=plsc.VectorSubcoreMesh(core_axis_name="c", subcore_axis_name="s"),
        compiler_params=pltpu.CompilerParams(needs_layout_passes=False),
        scratch_types=[
            pltpu.VMEM((PER_W + L,), jnp.int32),
            pltpu.VMEM((GB * D, 128), jnp.float32),
            pltpu.VMEM((PER_W, D), jnp.float32),
            pltpu.VMEM((64, 128), jnp.float32),
            [pltpu.SemaphoreType.DMA] * GB,
        ],
    )
    return f(cen, w_in_t, w_tail)


def _sc_scores_body(cen_hbm, ctx_hbm, neg_hbm, wp_hbm,
                    pos_out, neg_out,
                    nidx, np_i, crows, nrows, allsc,
                    isem, gsem):
    wid = lax.axis_index("s") * NC + lax.axis_index("c")
    lane15 = lax.iota(jnp.int32, L) == (L - 1)

    def stage_idx(c, p):
        base = wid * PER_W + c * CHUNK
        cps = [pltpu.async_copy(ctx_hbm.at[pl.ds(base, CHUNK)],
                                nidx[p].at[pl.ds(K * CHUNK, CHUNK)], isem),
               pltpu.async_copy(cen_hbm.at[pl.ds(base, CHUNK)], crows[p], isem)]

        def kcopy(k, _):
            pltpu.async_copy(neg_hbm.at[pl.ds(k * B + base, CHUNK)],
                             nidx[p].at[pl.ds(k * CHUNK, CHUNK)], isem)
            return 0

        lax.fori_loop(0, K, kcopy, 0)
        cps.append(pltpu.make_async_copy(
            neg_hbm.at[pl.ds(base * K, K * CHUNK)],
            nidx[p].at[pl.ds(0, K * CHUNK)], isem))
        return cps

    def gather_rows(p):
        def shift(j, _):
            v = nidx[p][pl.ds(j * L, L)]
            np_i[p][pl.ds(j * L, L)] = jnp.where(v >= HALF, v - HALF, v)
            return 0

        lax.fori_loop(0, NROW // L, shift, 0)
        cps = []
        for o, n in NSLC:
            cps.append(pltpu.async_copy(
                wp_hbm.at[np_i[p].at[pl.ds(o, n)]],
                nrows[p].at[pl.ds(o, n)], gsem))
        return cps

    def compute(c, p):
        def brow(b, _):
            cvs = [crows[p][b, pl.ds(j * L, L)] for j in range(NV)]

            def kstep(k, _):
                hn = (plsc.load_gather(
                    nidx[p], [jnp.full((L,), k * CHUNK + b, jnp.int32)])
                    >= HALF).astype(jnp.float32)
                nv = [nrows[p][k * CHUNK + b, pl.ds(j * L, L)]
                      for j in range(2 * NV)]
                tlo = sum(cv * v for cv, v in zip(cvs, nv[:NV]))
                thi = sum(cv * v for cv, v in zip(cvs, nv[NV:]))
                t = plsc.cumsum(tlo) * (1.0 - hn) + plsc.cumsum(thi) * hn
                plsc.store_scatter(
                    allsc, [jnp.full((L,), k * PER_W + c * CHUNK + b,
                                     jnp.int32)],
                    t, mask=lane15)
                return 0

            lax.fori_loop(0, K + 1, kstep, 0)
            return 0

        lax.fori_loop(0, CHUNK, brow, 0)

    idx_cps = stage_idx(0, 0)
    gat_cps = None
    for c in range(NSTEP):
        p = c % 2
        for cp in idx_cps:
            cp.wait()
        if gat_cps:
            for cp in gat_cps:
                cp.wait()
        idx_cps = stage_idx(c + 1, 1 - p) if c + 1 < NSTEP else []
        gat_cps = gather_rows(p)
        if c > 0:
            compute(c - 1, 1 - p)
    for cp in gat_cps:
        cp.wait()
    compute(NSTEP - 1, (NSTEP - 1) % 2)

    pltpu.sync_copy(allsc.at[pl.ds(K * PER_W, PER_W)],
                    pos_out.at[pl.ds(wid * PER_W, PER_W)])
    for k in range(K):
        pltpu.sync_copy(allsc.at[pl.ds(k * PER_W, PER_W)],
                        neg_out.at[pl.ds(k * B + wid * PER_W, PER_W)])


@jax.jit
def _sc_scores(cen_emb, ctx, neg1d, w_pair):
    f = pl.kernel(
        _sc_scores_body,
        out_type=(jax.ShapeDtypeStruct((B,), jnp.float32),
                  jax.ShapeDtypeStruct((B * K,), jnp.float32)),
        mesh=plsc.VectorSubcoreMesh(core_axis_name="c", subcore_axis_name="s"),
        compiler_params=pltpu.CompilerParams(needs_layout_passes=False),
        scratch_types=[
            [pltpu.VMEM((NROW,), jnp.int32)] * 2,
            [pltpu.VMEM((NROW,), jnp.int32)] * 2,
            [pltpu.VMEM((CHUNK, D), jnp.float32)] * 2,
            [pltpu.VMEM((NROW, 2 * D), jnp.float32)] * 2,
            pltpu.VMEM(((K + 1) * PER_W,), jnp.float32),
            pltpu.SemaphoreType.DMA,
            pltpu.SemaphoreType.DMA,
        ],
    )
    return f(cen_emb, ctx, neg1d, w_pair)


def _tc_loss_body(pos_ref, neg_ref, out_ref):
    pls = jax.nn.log_sigmoid(pos_ref[...])
    nls = jax.nn.log_sigmoid(-neg_ref[...])
    out_ref[0, 0] = -(jnp.sum(pls) + jnp.sum(nls)) / B


def _tc_loss(pos2d, neg2d):
    return pl.pallas_call(
        _tc_loss_body,
        out_shape=jax.ShapeDtypeStruct((1, 1), jnp.float32),
        out_specs=pl.BlockSpec(memory_space=pltpu.SMEM),
    )(pos2d, neg2d)


def kernel(center, context, negatives, W_in, W_out):
    cen = center.astype(jnp.int32)
    ctx = context.astype(jnp.int32)
    neg = negatives.astype(jnp.int32).T.reshape(B * K)
    w_tail = jnp.pad(W_in[VOCAB - 64:], ((0, 0), (0, 128 - D)))
    cen_emb = _sc_center(cen, W_in.T, w_tail)
    w_pair = _tc_pair(W_out.T)
    pos_s, neg_s = _sc_scores(cen_emb, ctx, neg, w_pair)
    loss = _tc_loss(pos_s.reshape(B // 128, 128),
                    neg_s.reshape(B * K // 128, 128))
    return loss[0, 0]

# --- scband reference (transcript-rebuilt; emitter-appended) ---
"""Pipeline reference for scband-word2-vec-42786464203439 (READ-ONLY COPY).

The authoritative reference and input builder live on the scoring server;
editing this copy changes nothing except your own understanding.
"""

import jax, jax.numpy as jnp
import numpy as np

VOCAB = 1000000
DIM = 64
B = 16384
K = 20

def setup_inputs(seed: int = 0) -> dict:
    key = jax.random.key(seed)
    k1, k2, k3, k4, k5 = jax.random.split(key, 5)
    bound = 0.5 / DIM
    center = jax.random.randint(k1, (B,), 0, VOCAB, dtype=jnp.int64) if jax.config.jax_enable_x64 else jax.random.randint(k1, (B,), 0, VOCAB, dtype=jnp.int32)
    context = jax.random.randint(k2, (B,), 0, VOCAB, dtype=center.dtype)
    negatives = jax.random.randint(k3, (B, K), 0, VOCAB, dtype=center.dtype)
    W_in = jax.random.uniform(k4, (VOCAB, DIM), dtype=jnp.float32, minval=-bound, maxval=bound)
    W_out = jax.random.uniform(k5, (VOCAB, DIM), dtype=jnp.float32, minval=-bound, maxval=bound)
    return {"center": center, "context": context, "negatives": negatives, "W_in": W_in, "W_out": W_out}

def reference(center, context, negatives, W_in, W_out):
    center_emb = jnp.take(W_in, center, axis=0)          # (B, D)
    pos_emb = jnp.take(W_out, context, axis=0)           # (B, D)
    neg_emb = jnp.take(W_out, negatives, axis=0)         # (B, K, D)
    pos_score = jnp.sum(center_emb * pos_emb, axis=1)    # (B,)
    pos_loss = jax.nn.log_sigmoid(pos_score)             # (B,)
    # bmm(neg_emb (B,K,D), center_emb (B,D,1)) -> (B,K)
    neg_score = jnp.einsum('bkd,bd->bk', neg_emb, center_emb)
    neg_loss = jnp.sum(jax.nn.log_sigmoid(-neg_score), axis=1)  # (B,)
    return -jnp.mean(pos_loss + neg_loss)

if __name__ == "__main__":
    import jax
    _d = setup_inputs()
    print(jax.jit(kernel)(*tuple(_d.values())))

</pallas_src>

<mosaic_0001>
#map = affine_map<(d0, d1) -> (0)>
#map1 = affine_map<(d0, d1) -> (0, 0)>
module attributes {stable_mosaic.version = 14 : i64} {
  func.func @_sc_center_body(%arg0: i32, %arg1: i32, %arg2: memref<16384xi32, #tpu.memory_space<hbm>>, %arg3: memref<64x1000000xf32, #tpu.memory_space<hbm>>, %arg4: memref<64x128xf32, #tpu.memory_space<hbm>>, %arg5: memref<16384x64xf32, #tpu.memory_space<hbm>>, %arg6: memref<528xi32, #tpu.memory_space<vmem>>, %arg7: memref<256x128xf32, #tpu.memory_space<vmem>>, %arg8: memref<512x64xf32, #tpu.memory_space<vmem>>, %arg9: memref<64x128xf32, #tpu.memory_space<vmem>>, %arg10: memref<!tpu.dma_semaphore, #tpu.memory_space<semaphore_mem>>, %arg11: memref<!tpu.dma_semaphore, #tpu.memory_space<semaphore_mem>>, %arg12: memref<!tpu.dma_semaphore, #tpu.memory_space<semaphore_mem>>, %arg13: memref<!tpu.dma_semaphore, #tpu.memory_space<semaphore_mem>>) attributes {dimension_semantics = [#tpu.dimension_semantics<core_parallel>, #tpu.dimension_semantics<subcore_parallel>], iteration_bounds = array<i64: 2, 16>, scalar_prefetch = 0 : i64, scratch_operands = 8 : i64, tpu.core_type = #tpu.core_type<sc_vector_subcore>, window_params = [{transform_indices = #map}, {transform_indices = #map1}, {transform_indices = #map1}, {transform_indices = #map1}]} {
    %mul3A = arith.constant 2 : i32
    %mul3A_0 = arith.muli %arg1, %mul3A : i32
    %add3A = arith.addi %mul3A_0, %arg0 : i32
    %mul3A_1 = arith.constant 512 : i32
    %mul3A_2 = arith.muli %add3A, %mul3A_1 : i32
    "tpu.region"() ({
      %run_scoped3A = tpu.sem_alloc : memref<!tpu.dma_semaphore, #tpu.memory_space<semaphore_mem>>
      %dma_start3A_1145 = arith.constant 0 : i32
      %dma_start3A_1146 = tpu.memref_slice %arg6[%dma_start3A_1145] : memref<528xi32, #tpu.memory_space<vmem>> -> memref<512xi32, #tpu.memory_space<vmem>>
      %dma_start3A_1147 = tpu.memref_slice %arg2[%mul3A_2] : memref<16384xi32, #tpu.memory_space<hbm>> -> memref<512xi32, #tpu.memory_space<hbm>>
      %dma_start3A_1148 = arith.constant 0 : i32
      %dma_start3A_1149 = tpu.memref_slice %arg6[%dma_start3A_1148] : memref<528xi32, #tpu.memory_space<vmem>> -> memref<512xi32, #tpu.memory_space<vmem>>
      %dma_start3A_1150 = tpu.memref_slice %arg2[%mul3A_2] : memref<16384xi32, #tpu.memory_space<hbm>> -> memref<512xi32, #tpu.memory_space<hbm>>
      tpu.enqueue_dma source(%dma_start3A_1150 : memref<512xi32, #tpu.memory_space<hbm>>) target(%dma_start3A_1149 : memref<512xi32, #tpu.memory_space<vmem>>) target_semaphore(%run_scoped3A : memref<!tpu.dma_semaphore, #tpu.memory_space<semaphore_mem>>)
      %dma_wait3A_1151 = arith.constant 0 : i32
      %dma_wait3A_1152 = tpu.memref_slice %arg6[%dma_wait3A_1151] : memref<528xi32, #tpu.memory_space<vmem>> -> memref<512xi32, #tpu.memory_space<vmem>>
      %dma_wait3A_1153 = tpu.memref_slice %arg2[%mul3A_2] : memref<16384xi32, #tpu.memory_space<hbm>> -> memref<512xi32, #tpu.memory_space<hbm>>
      %dma_wait3A_1154 = arith.constant 0 : i32
      %dma_wait3A_1155 = tpu.memref_slice %arg6[%dma_wait3A_1154] : memref<528xi32, #tpu.memory_space<vmem>> -> memref<512xi32, #tpu.memory_space<vmem>>
      %dma_wait3A_1156 = tpu.memref_slice %arg2[%mul3A_2] : memref<16384xi32, #tpu.memory_space<hbm>> -> memref<512xi32, #tpu.memory_space<hbm>>
      tpu.wait_dma2 semaphore(%run_scoped3A : memref<!tpu.dma_semaphore, #tpu.memory_space<semaphore_mem>>) src(%dma_wait3A_1156 : memref<512xi32, #tpu.memory_space<hbm>>) dst(%dma_wait3A_1155 : memref<512xi32, #tpu.memory_space<vmem>>)
      tpu.yield
    }) : () -> ()
    "tpu.region"() ({
      %run_scoped3A = tpu.sem_alloc : memref<!tpu.dma_semaphore, #tpu.memory_space<semaphore_mem>>
      tpu.enqueue_dma source(%arg4 : memref<64x128xf32, #tpu.memory_space<hbm>>) target(%arg9 : memref<64x128xf32, #tpu.memory_space<vmem>>) target_semaphore(%run_scoped3A : memref<!tpu.dma_semaphore, #tpu.memory_space<semaphore_mem>>)
      tpu.wait_dma2 semaphore(%run_scoped3A : memref<!tpu.dma_semaphore, #tpu.memory_space<semaphore_mem>>) src(%arg4 : memref<64x128xf32, #tpu.memory_space<hbm>>) dst(%arg9 : memref<64x128xf32, #tpu.memory_space<vmem>>)
      tpu.yield
    }) : () -> ()
    %iota3A = tpu.iota {dimensions = array<i32: 0>} : vector<16xi32>
    %get3A = arith.constant 0 : index
    %get3A_3 = tpu.vector_load %arg6[%get3A] {strides = array<i32>} : memref<528xi32, #tpu.memory_space<vmem>>, vector<16xi32>,
    %eq3A = arith.constant 0 : i32
    %eq3A_4 = vector.broadcast %eq3A : i32 to vector<16xi32>
    %eq3A_5 = arith.cmpi eq, %iota3A, %eq3A_4 : vector<16xi32>
    %jit3A = arith.constant 0 : i32
    %broadcast_in_dim3A = vector.broadcast %jit3A : i32 to vector<16xi32>
    %select_n3A = arith.select %eq3A_5, %get3A_3, %broadcast_in_dim3A : vector<16xi1>, vector<16xi32>
    %reduce_max3A = arith.constant true
    %reduce_max3A_6 = vector.broadcast %reduce_max3A : i1 to vector<16xi1>
    %reduce_max3A_7 = arith.constant -2147483648 : i32
    %reduce_max3A_8 = vector.broadcast %reduce_max3A_7 : i32 to vector<16xi32>
    %reduce_max3A_9 = arith.xori %select_n3A, %reduce_max3A_8 : vector<16xi32>
    %reduce_max3A_10 = tpu.scan <max>, %reduce_max3A_9 masked %reduce_max3A_6 : vector<16xi32>, vector<16xi1> -> vector<16xi32>
    %reduce_max3A_11 = arith.xori %reduce_max3A_10, %reduce_max3A_8 : vector<16xi32>
    %reduce_max3A_12 = vector.extract %reduce_max3A_11[15] : i32 from vector<16xi32>
    %shift_right_logical3A = arith.constant 7 : i32
    %shift_right_logical3A_13 = arith.shrui %reduce_max3A_12, %shift_right_logical3A : i32
    %min3A = arith.constant 7811 : i32
    %min3A_14 = arith.minsi %shift_right_logical3A_13, %min3A : i32
    %mul3A_15 = arith.constant 128 : i32
    %mul3A_16 = arith.muli %min3A_14, %mul3A_15 : i32
    %multiple_of3A = tpu.assume_multiple %mul3A_16, 128 : i32
    %dma_start3A = arith.constant 0 : i32
    %dma_start3A_17 = arith.constant 0 : i32
    %dma_start3A_18 = tpu.memref_slice %arg7[%dma_start3A, %dma_start3A_17] : memref<256x128xf32, #tpu.memory_space<vmem>> -> memref<8x128xf32, #tpu.memory_space<vmem>>
    %dma_start3A_19 = arith.constant 0 : i32
    %dma_start3A_20 = tpu.memref_slice %arg3[%dma_start3A_19, %multiple_of3A] : memref<64x1000000xf32, #tpu.memory_space<hbm>> -> memref<8x128xf32, #tpu.memory_space<hbm>>
    %dma_start3A_21 = arith.constant 0 : i32
    %dma_start3A_22 = arith.constant 0 : i32
    %dma_start3A_23 = tpu.memref_slice %arg7[%dma_start3A_21, %dma_start3A_22] : memref<256x128xf32, #tpu.memory_space<vmem>> -> memref<8x128xf32, #tpu.memory_space<vmem>>
    %dma_start3A_24 = arith.constant 0 : i32
    %dma_start3A_25 = tpu.memref_slice %arg3[%dma_start3A_24, %multiple_of3A] : memref<64x1000000xf32, #tpu.memory_space<hbm>> -> memref<8x128xf32, #tpu.memory_space<hbm>>
    tpu.enqueue_dma source(%dma_start3A_25 : memref<8x128xf32, #tpu.memory_space<hbm>>) target(%dma_start3A_23 : memref<8x128xf32, #tpu.memory_space<vmem>>) target_semaphore(%arg10 : memref<!tpu.dma_semaphore, #tpu.memory_space<semaphore_mem>>)
    %dma_start3A_26 = arith.constant 8 : i32
    %dma_start3A_27 = arith.constant 0 : i32
    %dma_start3A_28 = tpu.memref_slice %arg7[%dma_start3A_26, %dma_start3A_27] : memref<256x128xf32, #tpu.memory_space<vmem>> -> memref<8x128xf32, #tpu.memory_space<vmem>>
    %dma_start3A_29 = arith.constant 8 : i32
    %dma_start3A_30 = tpu.memref_slice %arg3[%dma_start3A_29, %multiple_of3A] : memref<64x1000000xf32, #tpu.memory_space<hbm>> -> memref<8x128xf32, #tpu.memory_space<hbm>>
    %dma_start3A_31 = arith.constant 8 : i32
    %dma_start3A_32 = arith.constant 0 : i32
    %dma_start3A_33 = tpu.memref_slice %arg7[%dma_start3A_31, %dma_start3A_32] : memref<256x128xf32, #tpu.memory_space<vmem>> -> memref<8x128xf32, #tpu.memory_space<vmem>>
    %dma_start3A_34 = arith.constant 8 : i32
    %dma_start3A_35 = tpu.memref_slice %arg3[%dma_start3A_34, %multiple_of3A] : memref<64x1000000xf32, #tpu.memory_space<hbm>> -> memref<8x128xf32, #tpu.memory_space<hbm>>
    tpu.enqueue_dma source(%dma_start3A_35 : memref<8x128xf32, #tpu.memory_space<hbm>>) target(%dma_start3A_33 : memref<8x128xf32, #tpu.memory_space<vmem>>) target_semaphore(%arg10 : memref<!tpu.dma_semaphore, #tpu.memory_space<semaphore_mem>>)
    %dma_start3A_36 = arith.constant 16 : i32
    %dma_start3A_37 = arith.constant 0 : i32
    %dma_start3A_38 = tpu.memref_slice %arg7[%dma_start3A_36, %dma_start3A_37] : memref<256x128xf32, #tpu.memory_space<vmem>> -> memref<8x128xf32, #tpu.memory_space<vmem>>
    %dma_start3A_39 = arith.constant 16 : i32
    %dma_start3A_40 = tpu.memref_slice %arg3[%dma_start3A_39, %multiple_of3A] : memref<64x1000000xf32, #tpu.memory_space<hbm>> -> memref<8x128xf32, #tpu.memory_space<hbm>>
    %dma_start3A_41 = arith.constant 16 : i32
    %dma_start3A_42 = arith.constant 0 : i32
    %dma_start3A_43 = tpu.memref_slice %arg7[%dma_start3A_41, %dma_start3A_42] : memref<256x128xf32, #tpu.memory_space<vmem>> -> memref<8x128xf32, #tpu.memory_space<vmem>>
    %dma_start3A_44 = arith.constant 16 : i32
    %dma_start3A_45 = tpu.memref_slice %arg3[%dma_start3A_44, %multiple_of3A] : memref<64x1000000xf32, #tpu.memory_space<hbm>> -> memref<8x128xf32, #tpu.memory_space<hbm>>
    tpu.enqueue_dma source(%dma_start3A_45 : memref<8x128xf32, #tpu.memory_space<hbm>>) target(%dma_start3A_43 : memref<8x128xf32, #tpu.memory_space<vmem>>) target_semaphore(%arg10 : memref<!tpu.dma_semaphore, #tpu.memory_space<semaphore_mem>>)
    %dma_start3A_46 = arith.constant 24 : i32
    %dma_start3A_47 = arith.constant 0 : i32
    %dma_start3A_48 = tpu.memref_slice %arg7[%dma_start3A_46, %dma_start3A_47] : memref<256x128xf32, #tpu.memory_space<vmem>> -> memref<8x128xf32, #tpu.memory_space<vmem>>
    %dma_start3A_49 = arith.constant 24 : i32
    %dma_start3A_50 = tpu.memref_slice %arg3[%dma_start3A_49, %multiple_of3A] : memref<64x1000000xf32, #tpu.memory_space<hbm>> -> memref<8x128xf32, #tpu.memory_space<hbm>>
    %dma_start3A_51 = arith.constant 24 : i32
    %dma_start3A_52 = arith.constant 0 : i32
    %dma_start3A_53 = tpu.memref_slice %arg7[%dma_start3A_51, %dma_start3A_52] : memref<256x128xf32, #tpu.memory_space<vmem>> -> memref<8x128xf32, #tpu.memory_space<vmem>>
    %dma_start3A_54 = arith.constant 24 : i32
    %dma_start3A_55 = tpu.memref_slice %arg3[%dma_start3A_54, %multiple_of3A] : memref<64x1000000xf32, #tpu.memory_space<hbm>> -> memref<8x128xf32, #tpu.memory_space<hbm>>
    tpu.enqueue_dma source(%dma_start3A_55 : memref<8x128xf32, #tpu.memory_space<hbm>>) target(%dma_start3A_53 : memref<8x128xf32, #tpu.memory_space<vmem>>) target_semaphore(%arg10 : memref<!tpu.dma_semaphore, #tpu.memory_space<semaphore_mem>>)
    %dma_start3A_56 = arith.constant 32 : i32
    %dma_start3A_57 = arith.constant 0 : i32
    %dma_start3A_58 = tpu.memref_slice %arg7[%dma_start3A_56, %dma_start3A_57] : memref<256x128xf32, #tpu.memory_space<vmem>> -> memref<8x128xf32, #tpu.memory_space<vmem>>
    %dma_start3A_59 = arith.constant 32 : i32
    %dma_start3A_60 = tpu.memref_slice %arg3[%dma_start3A_59, %multiple_of3A] : memref<64x1000000xf32, #tpu.memory_space<hbm>> -> memref<8x128xf32, #tpu.memory_space<hbm>>
    %dma_start3A_61 = arith.constant 32 : i32
    %dma_start3A_62 = arith.constant 0 : i32
    %dma_start3A_63 = tpu.memref_slice %arg7[%dma_start3A_61, %dma_start3A_62] : memref<256x128xf32, #tpu.memory_space<vmem>> -> memref<8x128xf32, #tpu.memory_space<vmem>>
    %dma_start3A_64 = arith.constant 32 : i32
    %dma_start3A_65 = tpu.memref_slice %arg3[%dma_start3A_64, %multiple_of3A] : memref<64x1000000xf32, #tpu.memory_space<hbm>> -> memref<8x128xf32, #tpu.memory_space<hbm>>
    tpu.enqueue_dma source(%dma_start3A_65 : memref<8x128xf32, #tpu.memory_space<hbm>>) target(%dma_start3A_63 : memref<8x128xf32, #tpu.memory_space<vmem>>) target_semaphore(%arg10 : memref<!tpu.dma_semaphore, #tpu.memory_space<semaphore_mem>>)
    %dma_start3A_66 = arith.constant 40 : i32
    %dma_start3A_67 = arith.constant 0 : i32
    %dma_start3A_68 = tpu.memref_slice %arg7[%dma_start3A_66, %dma_start3A_67] : memref<256x128xf32, #tpu.memory_space<vmem>> -> memref<8x128xf32, #tpu.memory_space<vmem>>
    %dma_start3A_69 = arith.constant 40 : i32
    %dma_start3A_70 = tpu.memref_slice %arg3[%dma_start3A_69, %multiple_of3A] : memref<64x1000000xf32, #tpu.memory_space<hbm>> -> memref<8x128xf32, #tpu.memory_space<hbm>>
    %dma_start3A_71 = arith.constant 40 : i32
    %dma_start3A_72 = arith.constant 0 : i32
    %dma_start3A_73 = tpu.memref_slice %arg7[%dma_start3A_71, %dma_start3A_72] : memref<256x128xf32, #tpu.memory_space<vmem>> -> memref<8x128xf32, #tpu.memory_space<vmem>>
    %dma_start3A_74 = arith.constant 40 : i32
    %dma_start3A_75 = tpu.memref_slice %arg3[%dma_start3A_74, %multiple_of3A] : memref<64x1000000xf32, #tpu.memory_space<hbm>> -> memref<8x128xf32, #tpu.memory_space<hbm>>
    tpu.enqueue_dma source(%dma_start3A_75 : memref<8x128xf32, #tpu.memory_space<hbm>>) target(%dma_start3A_73 : memref<8x128xf32, #tpu.memory_space<vmem>>) target_semaphore(%arg10 : memref<!tpu.dma_semaphore, #tpu.memory_space<semaphore_mem>>)
    %dma_start3A_76 = arith.constant 48 : i32
    %dma_start3A_77 = arith.constant 0 : i32
    %dma_start3A_78 = tpu.memref_slice %arg7[%dma_start3A_76, %dma_start3A_77] : memref<256x128xf32, #tpu.memory_space<vmem>> -> memref<8x128xf32, #tpu.memory_space<vmem>>
    %dma_start3A_79 = arith.constant 48 : i32
    %dma_start3A_80 = tpu.memref_slice %arg3[%dma_start3A_79, %multiple_of3A] : memref<64x1000000xf32, #tpu.memory_space<hbm>> -> memref<8x128xf32, #tpu.memory_space<hbm>>
    %dma_start3A_81 = arith.constant 48 : i32
    %dma_start3A_82 = arith.constant 0 : i32
    %dma_start3A_83 = tpu.memref_slice %arg7[%dma_start3A_81, %dma_start3A_82] : memref<256x128xf32, #tpu.memory_space<vmem>> -> memref<8x128xf32, #tpu.memory_space<vmem>>
    %dma_start3A_84 = arith.constant 48 : i32
    %dma_start3A_85 = tpu.memref_slice %arg3[%dma_start3A_84, %multiple_of3A] : memref<64x1000000xf32, #tpu.memory_space<hbm>> -> memref<8x128xf32, #tpu.memory_space<hbm>>
    tpu.enqueue_dma source(%dma_start3A_85 : memref<8x128xf32, #tpu.memory_space<hbm>>) target(%dma_start3A_83 : memref<8x128xf32, #tpu.memory_space<vmem>>) target_semaphore(%arg10 : memref<!tpu.dma_semaphore, #tpu.memory_space<semaphore_mem>>)
    %dma_start3A_86 = arith.constant 56 : i32
    %dma_start3A_87 = arith.constant 0 : i32
    %dma_start3A_88 = tpu.memref_slice %arg7[%dma_start3A_86, %dma_start3A_87] : memref<256x128xf32, #tpu.memory_space<vmem>> -> memref<8x128xf32, #tpu.memory_space<vmem>>
    %dma_start3A_89 = arith.constant 56 : i32
    %dma_start3A_90 = tpu.memref_slice %arg3[%dma_start3A_89, %multiple_of3A] : memref<64x1000000xf32, #tpu.memory_space<hbm>> -> memref<8x128xf32, #tpu.memory_space<hbm>>
    %dma_start3A_91 = arith.constant 56 : i32
    %dma_start3A_92 = arith.constant 0 : i32
    %dma_start3A_93 = tpu.memref_slice %arg7[%dma_start3A_91, %dma_start3A_92] : memref<256x128xf32, #tpu.memory_space<vmem>> -> memref<8x128xf32, #tpu.memory_space<vmem>>
    %dma_start3A_94 = arith.constant 56 : i32
    %dma_start3A_95 = tpu.memref_slice %arg3[%dma_start3A_94, %multiple_of3A] : memref<64x1000000xf32, #tpu.memory_space<hbm>> -> memref<8x128xf32, #tpu.memory_space<hbm>>
    tpu.enqueue_dma source(%dma_start3A_95 : memref<8x128xf32, #tpu.memory_space<hbm>>) target(%dma_start3A_93 : memref<8x128xf32, #tpu.memory_space<vmem>>) target_semaphore(%arg10 : memref<!tpu.dma_semaphore, #tpu.memory_space<semaphore_mem>>)
    %get3A_96 = arith.constant 0 : index
    %get3A_97 = tpu.vector_load %arg6[%get3A_96] {strides = array<i32>} : memref<528xi32, #tpu.memory_space<vmem>>, vector<16xi32>,
    %eq3A_98 = arith.constant 1 : i32
    %eq3A_99 = vector.broadcast %eq3A_98 : i32 to vector<16xi32>
    %eq3A_100 = arith.cmpi eq, %iota3A, %eq3A_99 : vector<16xi32>
    %jit3A_101 = arith.constant 0 : i32
    %broadcast_in_dim3A_102 = vector.broadcast %jit3A_101 : i32 to vector<16xi32>
    %select_n3A_103 = arith.select %eq3A_100, %get3A_97, %broadcast_in_dim3A_102 : vector<16xi1>, vector<16xi32>
    %reduce_max3A_104 = arith.constant true
    %reduce_max3A_105 = vector.broadcast %reduce_max3A_104 : i1 to vector<16xi1>
    %reduce_max3A_106 = arith.constant -2147483648 : i32
    %reduce_max3A_107 = vector.broadcast %reduce_max3A_106 : i32 to vector<16xi32>
    %reduce_max3A_108 = arith.xori %select_n3A_103, %reduce_max3A_107 : vector<16xi32>
    %reduce_max3A_109 = tpu.scan <max>, %reduce_max3A_108 masked %reduce_max3A_105 : vector<16xi32>, vector<16xi1> -> vector<16xi32>
    %reduce_max3A_110 = arith.xori %reduce_max3A_109, %reduce_max3A_107 : vector<16xi32>
    %reduce_max3A_111 = vector.extract %reduce_max3A_110[15] : i32 from vector<16xi32>
    %shift_right_logical3A_112 = arith.constant 7 : i32
    %shift_right_logical3A_113 = arith.shrui %reduce_max3A_111, %shift_right_logical3A_112 : i32
    %min3A_114 = arith.constant 7811 : i32
    %min3A_115 = arith.minsi %shift_right_logical3A_113, %min3A_114 : i32
    %mul3A_116 = arith.constant 128 : i32
    %mul3A_117 = arith.muli %min3A_115, %mul3A_116 : i32
    %multiple_of3A_118 = tpu.assume_multiple %mul3A_117, 128 : i32
    %dma_start3A_119 = arith.constant 64 : i32
    %dma_start3A_120 = arith.constant 0 : i32
    %dma_start3A_121 = tpu.memref_slice %arg7[%dma_start3A_119, %dma_start3A_120] : memref<256x128xf32, #tpu.memory_space<vmem>> -> memref<8x128xf32, #tpu.memory_space<vmem>>
    %dma_start3A_122 = arith.constant 0 : i32
    %dma_start3A_123 = tpu.memref_slice %arg3[%dma_start3A_122, %multiple_of3A_118] : memref<64x1000000xf32, #tpu.memory_space<hbm>> -> memref<8x128xf32, #tpu.memory_space<hbm>>
    %dma_start3A_124 = arith.constant 64 : i32
    %dma_start3A_125 = arith.constant 0 : i32
    %dma_start3A_126 = tpu.memref_slice %arg7[%dma_start3A_124, %dma_start3A_125] : memref<256x128xf32, #tpu.memory_space<vmem>> -> memref<8x128xf32, #tpu.memory_space<vmem>>
    %dma_start3A_127 = arith.constant 0 : i32
    %dma_start3A_128 = tpu.memref_slice %arg3[%dma_start3A_127, %multiple_of3A_118] : memref<64x1000000xf32, #tpu.memory_space<hbm>> -> memref<8x128xf32, #tpu.memory_space<hbm>>
    tpu.enqueue_dma source(%dma_start3A_128 : memref<8x128xf32, #tpu.memory_space<hbm>>) target(%dma_start3A_126 : memref<8x128xf32, #tpu.memory_space<vmem>>) target_semaphore(%arg11 : memref<!tpu.dma_semaphore, #tpu.memory_space<semaphore_mem>>)
    %dma_start3A_129 = arith.constant 72 : i32
    %dma_start3A_130 = arith.constant 0 : i32
    %dma_start3A_131 = tpu.memref_slice %arg7[%dma_start3A_129, %dma_start3A_130] : memref<256x128xf32, #tpu.memory_space<vmem>> -> memref<8x128xf32, #tpu.memory_space<vmem>>
    %dma_start3A_132 = arith.constant 8 : i32
    %dma_start3A_133 = tpu.memref_slice %arg3[%dma_start3A_132, %multiple_of3A_118] : memref<64x1000000xf32, #tpu.memory_space<hbm>> -> memref<8x128xf32, #tpu.memory_space<hbm>>
    %dma_start3A_134 = arith.constant 72 : i32
    %dma_start3A_135 = arith.constant 0 : i32
    %dma_start3A_136 = tpu.memref_slice %arg7[%dma_start3A_134, %dma_start3A_135] : memref<256x128xf32, #tpu.memory_space<vmem>> -> memref<8x128xf32, #tpu.memory_space<vmem>>
    %dma_start3A_137 = arith.constant 8 : i32
    %dma_start3A_138 = tpu.memref_slice %arg3[%dma_start3A_137, %multiple_of3A_118] : memref<64x1000000xf32, #tpu.memory_space<hbm>> -> memref<8x128xf32, #tpu.memory_space<hbm>>
    tpu.enqueue_dma source(%dma_start3A_138 : memref<8x128xf32, #tpu.memory_space<hbm>>) target(%dma_start3A_136 : memref<8x128xf32, #tpu.memory_space<vmem>>) target_semaphore(%arg11 : memref<!tpu.dma_semaphore, #tpu.memory_space<semaphore_mem>>)
    %dma_start3A_139 = arith.constant 80 : i32
    %dma_start3A_140 = arith.constant 0 : i32
    %dma_start3A_141 = tpu.memref_slice %arg7[%dma_start3A_139, %dma_start3A_140] : memref<256x128xf32, #tpu.memory_space<vmem>> -> memref<8x128xf32, #tpu.memory_space<vmem>>
    %dma_start3A_142 = arith.constant 16 : i32
    %dma_start3A_143 = tpu.memref_slice %arg3[%dma_start3A_142, %multiple_of3A_118] : memref<64x1000000xf32, #tpu.memory_space<hbm>> -> memref<8x128xf32, #tpu.memory_space<hbm>>
    %dma_start3A_144 = arith.constant 80 : i32
    %dma_start3A_145 = arith.constant 0 : i32
    %dma_start3A_146 = tpu.memref_slice %arg7[%dma_start3A_144, %dma_start3A_145] : memref<256x128xf32, #tpu.memory_space<vmem>> -> memref<8x128xf32, #tpu.memory_space<vmem>>
    %dma_start3A_147 = arith.constant 16 : i32
    %dma_start3A_148 = tpu.memref_slice %arg3[%dma_start3A_147, %multiple_of3A_118] : memref<64x1000000xf32, #tpu.memory_space<hbm>> -> memref<8x128xf32, #tpu.memory_space<hbm>>
    tpu.enqueue_dma source(%dma_start3A_148 : memref<8x128xf32, #tpu.memory_space<hbm>>) target(%dma_start3A_146 : memref<8x128xf32, #tpu.memory_space<vmem>>) target_semaphore(%arg11 : memref<!tpu.dma_semaphore, #tpu.memory_space<semaphore_mem>>)
    %dma_start3A_149 = arith.constant 88 : i32
    %dma_start3A_150 = arith.constant 0 : i32
    %dma_start3A_151 = tpu.memref_slice %arg7[%dma_start3A_149, %dma_start3A_150] : memref<256x128xf32, #tpu.memory_space<vmem>> -> memref<8x128xf32, #tpu.memory_space<vmem>>
    %dma_start3A_152 = arith.constant 24 : i32
    %dma_start3A_153 = tpu.memref_slice %arg3[%dma_start3A_152, %multiple_of3A_118] : memref<64x1000000xf32, #tpu.memory_space<hbm>> -> memref<8x128xf32, #tpu.memory_space<hbm>>
    %dma_start3A_154 = arith.constant 88 : i32
    %dma_start3A_155 = arith.constant 0 : i32
    %dma_start3A_156 = tpu.memref_slice %arg7[%dma_start3A_154, %dma_start3A_155] : memref<256x128xf32, #tpu.memory_space<vmem>> -> memref<8x128xf32, #tpu.memory_space<vmem>>
    %dma_start3A_157 = arith.constant 24 : i32
    %dma_start3A_158 = tpu.memref_slice %arg3[%dma_start3A_157, %multiple_of3A_118] : memref<64x1000000xf32, #tpu.memory_space<hbm>> -> memref<8x128xf32, #tpu.memory_space<hbm>>
    tpu.enqueue_dma source(%dma_start3A_158 : memref<8x128xf32, #tpu.memory_space<hbm>>) target(%dma_start3A_156 : memref<8x128xf32, #tpu.memory_space<vmem>>) target_semaphore(%arg11 : memref<!tpu.dma_semaphore, #tpu.memory_space<semaphore_mem>>)
    %dma_start3A_159 = arith.constant 96 : i32
    %dma_start3A_160 = arith.constant 0 : i32
    %dma_start3A_161 = tpu.memref_slice %arg7[%dma_start3A_159, %dma_start3A_160] : memref<256x128xf32, #tpu.memory_space<vmem>> -> memref<8x128xf32, #tpu.memory_space<vmem>>
    %dma_start3A_162 = arith.constant 32 : i32
    %dma_start3A_163 = tpu.memref_slice %arg3[%dma_start3A_162, %multiple_of3A_118] : memref<64x1000000xf32, #tpu.memory_space<hbm>> -> memref<8x128xf32, #tpu.memory_space<hbm>>
    %dma_start3A_164 = arith.constant 96 : i32
    %dma_start3A_165 = arith.constant 0 : i32
    %dma_start3A_166 = tpu.memref_slice %arg7[%dma_start3A_164, %dma_start3A_165] : memref<256x128xf32, #tpu.memory_space<vmem>> -> memref<8x128xf32, #tpu.memory_space<vmem>>
    %dma_start3A_167 = arith.constant 32 : i32
    %dma_start3A_168 = tpu.memref_slice %arg3[%dma_start3A_167, %multiple_of3A_118] : memref<64x1000000xf32, #tpu.memory_space<hbm>> -> memref<8x128xf32, #tpu.memory_space<hbm>>
    tpu.enqueue_dma source(%dma_start3A_168 : memref<8x128xf32, #tpu.memory_space<hbm>>) target(%dma_start3A_166 : memref<8x128xf32, #tpu.memory_space<vmem>>) target_semaphore(%arg11 : memref<!tpu.dma_semaphore, #tpu.memory_space<semaphore_mem>>)
    %dma_start3A_169 = arith.constant 104 : i32
    %dma_start3A_170 = arith.constant 0 : i32
    %dma_start3A_171 = tpu.memref_slice %arg7[%dma_start3A_169, %dma_start3A_170] : memref<256x128xf32, #tpu.memory_space<vmem>> -> memref<8x128xf32, #tpu.memory_space<vmem>>
    %dma_start3A_172 = arith.constant 40 : i32
    %dma_start3A_173 = tpu.memref_slice %arg3[%dma_start3A_172, %multiple_of3A_118] : memref<64x1000000xf32, #tpu.memory_space<hbm>> -> memref<8x128xf32, #tpu.memory_space<hbm>>
    %dma_start3A_174 = arith.constant 104 : i32
    %dma_start3A_175 = arith.constant 0 : i32
    %dma_start3A_176 = tpu.memref_slice %arg7[%dma_start3A_174, %dma_start3A_175] : memref<256x128xf32, #tpu.memory_space<vmem>> -> memref<8x128xf32, #tpu.memory_space<vmem>>
    %dma_start3A_177 = arith.constant 40 : i32
    %dma_start3A_178 = tpu.memref_slice %arg3[%dma_start3A_177, %multiple_of3A_118] : memref<64x1000000xf32, #tpu.memory_space<hbm>> -> memref<8x128xf32, #tpu.memory_space<hbm>>
    tpu.enqueue_dma source(%dma_start3A_178 : memref<8x128xf32, #tpu.memory_space<hbm>>) target(%dma_start3A_176 : memref<8x128xf32, #tpu.memory_space<vmem>>) target_semaphore(%arg11 : memref<!tpu.dma_semaphore, #tpu.memory_space<semaphore_mem>>)
    %dma_start3A_179 = arith.constant 112 : i32
    %dma_start3A_180 = arith.constant 0 : i32
    %dma_start3A_181 = tpu.memref_slice %arg7[%dma_start3A_179, %dma_start3A_180] : memref<256x128xf32, #tpu.memory_space<vmem>> -> memref<8x128xf32, #tpu.memory_space<vmem>>
    %dma_start3A_182 = arith.constant 48 : i32
    %dma_start3A_183 = tpu.memref_slice %arg3[%dma_start3A_182, %multiple_of3A_118] : memref<64x1000000xf32, #tpu.memory_space<hbm>> -> memref<8x128xf32, #tpu.memory_space<hbm>>
    %dma_start3A_184 = arith.constant 112 : i32
    %dma_start3A_185 = arith.constant 0 : i32
    %dma_start3A_186 = tpu.memref_slice %arg7[%dma_start3A_184, %dma_start3A_185] : memref<256x128xf32, #tpu.memory_space<vmem>> -> memref<8x128xf32, #tpu.memory_space<vmem>>
    %dma_start3A_187 = arith.constant 48 : i32
    %dma_start3A_188 = tpu.memref_slice %arg3[%dma_start3A_187, %multiple_of3A_118] : memref<64x1000000xf32, #tpu.memory_space<hbm>> -> memref<8x128xf32, #tpu.memory_space<hbm>>
    tpu.enqueue_dma source(%dma_start3A_188 : memref<8x128xf32, #tpu.memory_space<hbm>>) target(%dma_start3A_186 : memref<8x128xf32, #tpu.memory_space<vmem>>) target_semaphore(%arg11 : memref<!tpu.dma_semaphore, #tpu.memory_space<semaphore_mem>>)
    %dma_start3A_189 = arith.constant 120 : i32
    %dma_start3A_190 = arith.constant 0 : i32
    %dma_start3A_191 = tpu.memref_slice %arg7[%dma_start3A_189, %dma_start3A_190] : memref<256x128xf32, #tpu.memory_space<vmem>> -> memref<8x128xf32, #tpu.memory_space<vmem>>
    %dma_start3A_192 = arith.constant 56 : i32
    %dma_start3A_193 = tpu.memref_slice %arg3[%dma_start3A_192, %multiple_of3A_118] : memref<64x1000000xf32, #tpu.memory_space<hbm>> -> memref<8x128xf32, #tpu.memory_space<hbm>>
    %dma_start3A_194 = arith.constant 120 : i32
    %dma_start3A_195 = arith.constant 0 : i32
    %dma_start3A_196 = tpu.memref_slice %arg7[%dma_start3A_194, %dma_start3A_195] : memref<256x128xf32, #tpu.memory_space<vmem>> -> memref<8x128xf32, #tpu.memory_space<vmem>>
    %dma_start3A_197 = arith.constant 56 : i32
    %dma_start3A_198 = tpu.memref_slice %arg3[%dma_start3A_197, %multiple_of3A_118] : memref<64x1000000xf32, #tpu.memory_space<hbm>> -> memref<8x128xf32, #tpu.memory_space<hbm>>
    tpu.enqueue_dma source(%dma_start3A_198 : memref<8x128xf32, #tpu.memory_space<hbm>>) target(%dma_start3A_196 : memref<8x128xf32, #tpu.memory_space<vmem>>) target_semaphore(%arg11 : memref<!tpu.dma_semaphore, #tpu.memory_space<semaphore_mem>>)
    %get3A_199 = arith.constant 0 : index
    %get3A_200 = tpu.vector_load %arg6[%get3A_199] {strides = array<i32>} : memref<528xi32, #tpu.memory_space<vmem>>, vector<16xi32>,
    %eq3A_201 = arith.constant 2 : i32
    %eq3A_202 = vector.broadcast %eq3A_201 : i32 to vector<16xi32>
    %eq3A_203 = arith.cmpi eq, %iota3A, %eq3A_202 : vector<16xi32>
    %jit3A_204 = arith.constant 0 : i32
    %broadcast_in_dim3A_205 = vector.broadcast %jit3A_204 : i32 to vector<16xi32>
    %select_n3A_206 = arith.select %eq3A_203, %get3A_200, %broadcast_in_dim3A_205 : vector<16xi1>, vector<16xi32>
    %reduce_max3A_207 = arith.constant true
    %reduce_max3A_208 = vector.broadcast %reduce_max3A_207 : i1 to vector<16xi1>
    %reduce_max3A_209 = arith.constant -2147483648 : i32
    %reduce_max3A_210 = vector.broadcast %reduce_max3A_209 : i32 to vector<16xi32>
    %reduce_max3A_211 = arith.xori %select_n3A_206, %reduce_max3A_210 : vector<16xi32>
    %reduce_max3A_212 = tpu.scan <max>, %reduce_max3A_211 masked %reduce_max3A_208 : vector<16xi32>, vector<16xi1> -> vector<16xi32>
    %reduce_max3A_213 = arith.xori %reduce_max3A_212, %reduce_max3A_210 : vector<16xi32>
    %reduce_max3A_214 = vector.extract %reduce_max3A_213[15] : i32 from vector<16xi32>
    %shift_right_logical3A_215 = arith.constant 7 : i32
    %shift_right_logical3A_216 = arith.shrui %reduce_max3A_214, %shift_right_logical3A_215 : i32
    %min3A_217 = arith.constant 7811 : i32
    %min3A_218 = arith.minsi %shift_right_logical3A_216, %min3A_217 : i32
    %mul3A_219 = arith.constant 128 : i32
    %mul3A_220 = arith.muli %min3A_218, %mul3A_219 : i32
    %multiple_of3A_221 = tpu.assume_multiple %mul3A_220, 128 : i32
    %dma_start3A_222 = arith.constant 128 : i32
    %dma_start3A_223 = arith.constant 0 : i32
    %dma_start3A_224 = tpu.memref_slice %arg7[%dma_start3A_222, %dma_start3A_223] : memref<256x128xf32, #tpu.memory_space<vmem>> -> memref<8x128xf32, #tpu.memory_space<vmem>>
    %dma_start3A_225 = arith.constant 0 : i32
    %dma_start3A_226 = tpu.memref_slice %arg3[%dma_start3A_225, %multiple_of3A_221] : memref<64x1000000xf32, #tpu.memory_space<hbm>> -> memref<8x128xf32, #tpu.memory_space<hbm>>
    %dma_start3A_227 = arith.constant 128 : i32
    %dma_start3A_228 = arith.constant 0 : i32
    %dma_start3A_229 = tpu.memref_slice %arg7[%dma_start3A_227, %dma_start3A_228] : memref<256x128xf32, #tpu.memory_space<vmem>> -> memref<8x128xf32, #tpu.memory_space<vmem>>
    %dma_start3A_230 = arith.constant 0 : i32
    %dma_start3A_231 = tpu.memref_slice %arg3[%dma_start3A_230, %multiple_of3A_221] : memref<64x1000000xf32, #tpu.memory_space<hbm>> -> memref<8x128xf32, #tpu.memory_space<hbm>>
    tpu.enqueue_dma source(%dma_start3A_231 : memref<8x128xf32, #tpu.memory_space<hbm>>) target(%dma_start3A_229 : memref<8x128xf32, #tpu.memory_space<vmem>>) target_semaphore(%arg12 : memref<!tpu.dma_semaphore, #tpu.memory_space<semaphore_mem>>)
    %dma_start3A_232 = arith.constant 136 : i32
    %dma_start3A_233 = arith.constant 0 : i32
    %dma_start3A_234 = tpu.memref_slice %arg7[%dma_start3A_232, %dma_start3A_233] : memref<256x128xf32, #tpu.memory_space<vmem>> -> memref<8x128xf32, #tpu.memory_space<vmem>>
    %dma_start3A_235 = arith.constant 8 : i32
    %dma_start3A_236 = tpu.memref_slice %arg3[%dma_start3A_235, %multiple_of3A_221] : memref<64x1000000xf32, #tpu.memory_space<hbm>> -> memref<8x128xf32, #tpu.memory_space<hbm>>
    %dma_start3A_237 = arith.constant 136 : i32
    %dma_start3A_238 = arith.constant 0 : i32
    %dma_start3A_239 = tpu.memref_slice %arg7[%dma_start3A_237, %dma_start3A_238] : memref<256x128xf32, #tpu.memory_space<vmem>> -> memref<8x128xf32, #tpu.memory_space<vmem>>
    %dma_start3A_240 = arith.constant 8 : i32
    %dma_start3A_241 = tpu.memref_slice %arg3[%dma_start3A_240, %multiple_of3A_221] : memref<64x1000000xf32, #tpu.memory_space<hbm>> -> memref<8x128xf32, #tpu.memory_space<hbm>>
    tpu.enqueue_dma source(%dma_start3A_241 : memref<8x128xf32, #tpu.memory_space<hbm>>) target(%dma_start3A_239 : memref<8x128xf32, #tpu.memory_space<vmem>>) target_semaphore(%arg12 : memref<!tpu.dma_semaphore, #tpu.memory_space<semaphore_mem>>)
    %dma_start3A_242 = arith.constant 144 : i32
    %dma_start3A_243 = arith.constant 0 : i32
    %dma_start3A_244 = tpu.memref_slice %arg7[%dma_start3A_242, %dma_start3A_243] : memref<256x128xf32, #tpu.memory_space<vmem>> -> memref<8x128xf32, #tpu.memory_space<vmem>>
    %dma_start3A_245 = arith.constant 16 : i32
    %dma_start3A_246 = tpu.memref_slice %arg3[%dma_start3A_245, %multiple_of3A_221] : memref<64x1000000xf32, #tpu.memory_space<hbm>> -> memref<8x128xf32, #tpu.memory_space<hbm>>
    %dma_start3A_247 = arith.constant 144 : i32
    %dma_start3A_248 = arith.constant 0 : i32
    %dma_start3A_249 = tpu.memref_slice %arg7[%dma_start3A_247, %dma_start3A_248] : memref<256x128xf32, #tpu.memory_space<vmem>> -> memref<8x128xf32, #tpu.memory_space<vmem>>
    %dma_start3A_250 = arith.constant 16 : i32
    %dma_start3A_251 = tpu.memref_slice %arg3[%dma_start3A_250, %multiple_of3A_221] : memref<64x1000000xf32, #tpu.memory_space<hbm>> -> memref<8x128xf32, #tpu.memory_space<hbm>>
    tpu.enqueue_dma source(%dma_start3A_251 : memref<8x128xf32, #tpu.memory_space<hbm>>) target(%dma_start3A_249 : memref<8x128xf32, #tpu.memory_space<vmem>>) target_semaphore(%arg12 : memref<!tpu.dma_semaphore, #tpu.memory_space<semaphore_mem>>)
    %dma_start3A_252 = arith.constant 152 : i32
    %dma_start3A_253 = arith.constant 0 : i32
    %dma_start3A_254 = tpu.memref_slice %arg7[%dma_start3A_252, %dma_start3A_253] : memref<256x128xf32, #tpu.memory_space<vmem>> -> memref<8x128xf32, #tpu.memory_space<vmem>>
    %dma_start3A_255 = arith.constant 24 : i32
    %dma_start3A_256 = tpu.memref_slice %arg3[%dma_start3A_255, %multiple_of3A_221] : memref<64x1000000xf32, #tpu.memory_space<hbm>> -> memref<8x128xf32, #tpu.memory_space<hbm>>
    %dma_start3A_257 = arith.constant 152 : i32
    %dma_start3A_258 = arith.constant 0 : i32
    %dma_start3A_259 = tpu.memref_slice %arg7[%dma_start3A_257, %dma_start3A_258] : memref<256x128xf32, #tpu.memory_space<vmem>> -> memref<8x128xf32, #tpu.memory_space<vmem>>
    %dma_start3A_260 = arith.constant 24 : i32
    %dma_start3A_261 = tpu.memref_slice %arg3[%dma_start3A_260, %multiple_of3A_221] : memref<64x1000000xf32, #tpu.memory_space<hbm>> -> memref<8x128xf32, #tpu.memory_space<hbm>>
    tpu.enqueue_dma source(%dma_start3A_261 : memref<8x128xf32, #tpu.memory_space<hbm>>) target(%dma_start3A_259 : memref<8x128xf32, #tpu.memory_space<vmem>>) target_semaphore(%arg12 : memref<!tpu.dma_semaphore, #tpu.memory_space<semaphore_mem>>)
    %dma_start3A_262 = arith.constant 160 : i32
    %dma_start3A_263 = arith.constant 0 : i32
    %dma_start3A_264 = tpu.memref_slice %arg7[%dma_start3A_262, %dma_start3A_263] : memref<256x128xf32, #tpu.memory_space<vmem>> -> memref<8x128xf32, #tpu.memory_space<vmem>>
    %dma_start3A_265 = arith.constant 32 : i32
    %dma_start3A_266 = tpu.memref_slice %arg3[%dma_start3A_265, %multiple_of3A_221] : memref<64x1000000xf32, #tpu.memory_space<hbm>> -> memref<8x128xf32, #tpu.memory_space<hbm>>
    %dma_start3A_267 = arith.constant 160 : i32
    %dma_start3A_268 = arith.constant 0 : i32
    %dma_start3A_269 = tpu.memref_slice %arg7[%dma_start3A_267, %dma_start3A_268] : memref<256x128xf32, #tpu.memory_space<vmem>> -> memref<8x128xf32, #tpu.memory_space<vmem>>
    %dma_start3A_270 = arith.constant 32 : i32
    %dma_start3A_271 = tpu.memref_slice %arg3[%dma_start3A_270, %multiple_of3A_221] : memref<64x1000000xf32, #tpu.memory_space<hbm>> -> memref<8x128xf32, #tpu.memory_space<hbm>>
    tpu.enqueue_dma source(%dma_start3A_271 : memref<8x128xf32, #tpu.memory_space<hbm>>) target(%dma_start3A_269 : memref<8x128xf32, #tpu.memory_space<vmem>>) target_semaphore(%arg12 : memref<!tpu.dma_semaphore, #tpu.memory_space<semaphore_mem>>)
    %dma_start3A_272 = arith.constant 168 : i32
    %dma_start3A_273 = arith.constant 0 : i32
    %dma_start3A_274 = tpu.memref_slice %arg7[%dma_start3A_272, %dma_start3A_273] : memref<256x128xf32, #tpu.memory_space<vmem>> -> memref<8x128xf32, #tpu.memory_space<vmem>>
    %dma_start3A_275 = arith.constant 40 : i32
    %dma_start3A_276 = tpu.memref_slice %arg3[%dma_start3A_275, %multiple_of3A_221] : memref<64x1000000xf32, #tpu.memory_space<hbm>> -> memref<8x128xf32, #tpu.memory_space<hbm>>
    %dma_start3A_277 = arith.constant 168 : i32
    %dma_start3A_278 = arith.constant 0 : i32
    %dma_start3A_279 = tpu.memref_slice %arg7[%dma_start3A_277, %dma_start3A_278] : memref<256x128xf32, #tpu.memory_space<vmem>> -> memref<8x128xf32, #tpu.memory_space<vmem>>
    %dma_start3A_280 = arith.constant 40 : i32
    %dma_start3A_281 = tpu.memref_slice %arg3[%dma_start3A_280, %multiple_of3A_221] : memref<64x1000000xf32, #tpu.memory_space<hbm>> -> memref<8x128xf32, #tpu.memory_space<hbm>>
    tpu.enqueue_dma source(%dma_start3A_281 : memref<8x128xf32, #tpu.memory_space<hbm>>) target(%dma_start3A_279 : memref<8x128xf32, #tpu.memory_space<vmem>>) target_semaphore(%arg12 : memref<!tpu.dma_semaphore, #tpu.memory_space<semaphore_mem>>)
    %dma_start3A_282 = arith.constant 176 : i32
    %dma_start3A_283 = arith.constant 0 : i32
    %dma_start3A_284 = tpu.memref_slice %arg7[%dma_start3A_282, %dma_start3A_283] : memref<256x128xf32, #tpu.memory_space<vmem>> -> memref<8x128xf32, #tpu.memory_space<vmem>>
    %dma_start3A_285 = arith.constant 48 : i32
    %dma_start3A_286 = tpu.memref_slice %arg3[%dma_start3A_285, %multiple_of3A_221] : memref<64x1000000xf32, #tpu.memory_space<hbm>> -> memref<8x128xf32, #tpu.memory_space<hbm>>
    %dma_start3A_287 = arith.constant 176 : i32
    %dma_start3A_288 = arith.constant 0 : i32
    %dma_start3A_289 = tpu.memref_slice %arg7[%dma_start3A_287, %dma_start3A_288] : memref<256x128xf32, #tpu.memory_space<vmem>> -> memref<8x128xf32, #tpu.memory_space<vmem>>
    %dma_start3A_290 = arith.constant 48 : i32
    %dma_start3A_291 = tpu.memref_slice %arg3[%dma_start3A_290, %multiple_of3A_221] : memref<64x1000000xf32, #tpu.memory_space<hbm>> -> memref<8x128xf32, #tpu.memory_space<hbm>>
    tpu.enqueue_dma source(%dma_start3A_291 : memref<8x128xf32, #tpu.memory_space<hbm>>) target(%dma_start3A_289 : memref<8x128xf32, #tpu.memory_space<vmem>>) target_semaphore(%arg12 : memref<!tpu.dma_semaphore, #tpu.memory_space<semaphore_mem>>)
    %dma_start3A_292 = arith.constant 184 : i32
    %dma_start3A_293 = arith.constant 0 : i32
    %dma_start3A_294 = tpu.memref_slice %arg7[%dma_start3A_292, %dma_start3A_293] : memref<256x128xf32, #tpu.memory_space<vmem>> -> memref<8x128xf32, #tpu.memory_space<vmem>>
    %dma_start3A_295 = arith.constant 56 : i32
    %dma_start3A_296 = tpu.memref_slice %arg3[%dma_start3A_295, %multiple_of3A_221] : memref<64x1000000xf32, #tpu.memory_space<hbm>> -> memref<8x128xf32, #tpu.memory_space<hbm>>
    %dma_start3A_297 = arith.constant 184 : i32
    %dma_start3A_298 = arith.constant 0 : i32
    %dma_start3A_299 = tpu.memref_slice %arg7[%dma_start3A_297, %dma_start3A_298] : memref<256x128xf32, #tpu.memory_space<vmem>> -> memref<8x128xf32, #tpu.memory_space<vmem>>
    %dma_start3A_300 = arith.constant 56 : i32
    %dma_start3A_301 = tpu.memref_slice %arg3[%dma_start3A_300, %multiple_of3A_221] : memref<64x1000000xf32, #tpu.memory_space<hbm>> -> memref<8x128xf32, #tpu.memory_space<hbm>>
    tpu.enqueue_dma source(%dma_start3A_301 : memref<8x128xf32, #tpu.memory_space<hbm>>) target(%dma_start3A_299 : memref<8x128xf32, #tpu.memory_space<vmem>>) target_semaphore(%arg12 : memref<!tpu.dma_semaphore, #tpu.memory_space<semaphore_mem>>)
    %get3A_302 = arith.constant 0 : index
    %get3A_303 = tpu.vector_load %arg6[%get3A_302] {strides = array<i32>} : memref<528xi32, #tpu.memory_space<vmem>>, vector<16xi32>,
    %eq3A_304 = arith.constant 3 : i32
    %eq3A_305 = vector.broadcast %eq3A_304 : i32 to vector<16xi32>
    %eq3A_306 = arith.cmpi eq, %iota3A, %eq3A_305 : vector<16xi32>
    %jit3A_307 = arith.constant 0 : i32
    %broadcast_in_dim3A_308 = vector.broadcast %jit3A_307 : i32 to vector<16xi32>
    %select_n3A_309 = arith.select %eq3A_306, %get3A_303, %broadcast_in_dim3A_308 : vector<16xi1>, vector<16xi32>
    %reduce_max3A_310 = arith.constant true
    %reduce_max3A_311 = vector.broadcast %reduce_max3A_310 : i1 to vector<16xi1>
    %reduce_max3A_312 = arith.constant -2147483648 : i32
    %reduce_max3A_313 = vector.broadcast %reduce_max3A_312 : i32 to vector<16xi32>
    %reduce_max3A_314 = arith.xori %select_n3A_309, %reduce_max3A_313 : vector<16xi32>
    %reduce_max3A_315 = tpu.scan <max>, %reduce_max3A_314 masked %reduce_max3A_311 : vector<16xi32>, vector<16xi1> -> vector<16xi32>
    %reduce_max3A_316 = arith.xori %reduce_max3A_315, %reduce_max3A_313 : vector<16xi32>
    %reduce_max3A_317 = vector.extract %reduce_max3A_316[15] : i32 from vector<16xi32>
    %shift_right_logical3A_318 = arith.constant 7 : i32
    %shift_right_logical3A_319 = arith.shrui %reduce_max3A_317, %shift_right_logical3A_318 : i32
    %min3A_320 = arith.constant 7811 : i32
    %min3A_321 = arith.minsi %shift_right_logical3A_319, %min3A_320 : i32
    %mul3A_322 = arith.constant 128 : i32
    %mul3A_323 = arith.muli %min3A_321, %mul3A_322 : i32
    %multiple_of3A_324 = tpu.assume_multiple %mul3A_323, 128 : i32
    %dma_start3A_325 = arith.constant 192 : i32
    %dma_start3A_326 = arith.constant 0 : i32
    %dma_start3A_327 = tpu.memref_slice %arg7[%dma_start3A_325, %dma_start3A_326] : memref<256x128xf32, #tpu.memory_space<vmem>> -> memref<8x128xf32, #tpu.memory_space<vmem>>
    %dma_start3A_328 = arith.constant 0 : i32
    %dma_start3A_329 = tpu.memref_slice %arg3[%dma_start3A_328, %multiple_of3A_324] : memref<64x1000000xf32, #tpu.memory_space<hbm>> -> memref<8x128xf32, #tpu.memory_space<hbm>>
    %dma_start3A_330 = arith.constant 192 : i32
    %dma_start3A_331 = arith.constant 0 : i32
    %dma_start3A_332 = tpu.memref_slice %arg7[%dma_start3A_330, %dma_start3A_331] : memref<256x128xf32, #tpu.memory_space<vmem>> -> memref<8x128xf32, #tpu.memory_space<vmem>>
    %dma_start3A_333 = arith.constant 0 : i32
    %dma_start3A_334 = tpu.memref_slice %arg3[%dma_start3A_333, %multiple_of3A_324] : memref<64x1000000xf32, #tpu.memory_space<hbm>> -> memref<8x128xf32, #tpu.memory_space<hbm>>
    tpu.enqueue_dma source(%dma_start3A_334 : memref<8x128xf32, #tpu.memory_space<hbm>>) target(%dma_start3A_332 : memref<8x128xf32, #tpu.memory_space<vmem>>) target_semaphore(%arg13 : memref<!tpu.dma_semaphore, #tpu.memory_space<semaphore_mem>>)
    %dma_start3A_335 = arith.constant 200 : i32
    %dma_start3A_336 = arith.constant 0 : i32
    %dma_start3A_337 = tpu.memref_slice %arg7[%dma_start3A_335, %dma_start3A_336] : memref<256x128xf32, #tpu.memory_space<vmem>> -> memref<8x128xf32, #tpu.memory_space<vmem>>
    %dma_start3A_338 = arith.constant 8 : i32
    %dma_start3A_339 = tpu.memref_slice %arg3[%dma_start3A_338, %multiple_of3A_324] : memref<64x1000000xf32, #tpu.memory_space<hbm>> -> memref<8x128xf32, #tpu.memory_space<hbm>>
    %dma_start3A_340 = arith.constant 200 : i32
    %dma_start3A_341 = arith.constant 0 : i32
    %dma_start3A_342 = tpu.memref_slice %arg7[%dma_start3A_340, %dma_start3A_341] : memref<256x128xf32, #tpu.memory_space<vmem>> -> memref<8x128xf32, #tpu.memory_space<vmem>>
    %dma_start3A_343 = arith.constant 8 : i32
    %dma_start3A_344 = tpu.memref_slice %arg3[%dma_start3A_343, %multiple_of3A_324] : memref<64x1000000xf32, #tpu.memory_space<hbm>> -> memref<8x128xf32, #tpu.memory_space<hbm>>
    tpu.enqueue_dma source(%dma_start3A_344 : memref<8x128xf32, #tpu.memory_space<hbm>>) target(%dma_start3A_342 : memref<8x128xf32, #tpu.memory_space<vmem>>) target_semaphore(%arg13 : memref<!tpu.dma_semaphore, #tpu.memory_space<semaphore_mem>>)
    %dma_start3A_345 = arith.constant 208 : i32
    %dma_start3A_346 = arith.constant 0 : i32
    %dma_start3A_347 = tpu.memref_slice %arg7[%dma_start3A_345, %dma_start3A_346] : memref<256x128xf32, #tpu.memory_space<vmem>> -> memref<8x128xf32, #tpu.memory_space<vmem>>
    %dma_start3A_348 = arith.constant 16 : i32
    %dma_start3A_349 = tpu.memref_slice %arg3[%dma_start3A_348, %multiple_of3A_324] : memref<64x1000000xf32, #tpu.memory_space<hbm>> -> memref<8x128xf32, #tpu.memory_space<hbm>>
    %dma_start3A_350 = arith.constant 208 : i32
    %dma_start3A_351 = arith.constant 0 : i32
    %dma_start3A_352 = tpu.memref_slice %arg7[%dma_start3A_350, %dma_start3A_351] : memref<256x128xf32, #tpu.memory_space<vmem>> -> memref<8x128xf32, #tpu.memory_space<vmem>>
    %dma_start3A_353 = arith.constant 16 : i32
    %dma_start3A_354 = tpu.memref_slice %arg3[%dma_start3A_353, %multiple_of3A_324] : memref<64x1000000xf32, #tpu.memory_space<hbm>> -> memref<8x128xf32, #tpu.memory_space<hbm>>
    tpu.enqueue_dma source(%dma_start3A_354 : memref<8x128xf32, #tpu.memory_space<hbm>>) target(%dma_start3A_352 : memref<8x128xf32, #tpu.memory_space<vmem>>) target_semaphore(%arg13 : memref<!tpu.dma_semaphore, #tpu.memory_space<semaphore_mem>>)
    %dma_start3A_355 = arith.constant 216 : i32
    %dma_start3A_356 = arith.constant 0 : i32
    %dma_start3A_357 = tpu.memref_slice %arg7[%dma_start3A_355, %dma_start3A_356] : memref<256x128xf32, #tpu.memory_space<vmem>> -> memref<8x128xf32, #tpu.memory_space<vmem>>
    %dma_start3A_358 = arith.constant 24 : i32
    %dma_start3A_359 = tpu.memref_slice %arg3[%dma_start3A_358, %multiple_of3A_324] : memref<64x1000000xf32, #tpu.memory_space<hbm>> -> memref<8x128xf32, #tpu.memory_space<hbm>>
    %dma_start3A_360 = arith.constant 216 : i32
    %dma_start3A_361 = arith.constant 0 : i32
    %dma_start3A_362 = tpu.memref_slice %arg7[%dma_start3A_360, %dma_start3A_361] : memref<256x128xf32, #tpu.memory_space<vmem>> -> memref<8x128xf32, #tpu.memory_space<vmem>>
    %dma_start3A_363 = arith.constant 24 : i32
    %dma_start3A_364 = tpu.memref_slice %arg3[%dma_start3A_363, %multiple_of3A_324] : memref<64x1000000xf32, #tpu.memory_space<hbm>> -> memref<8x128xf32, #tpu.memory_space<hbm>>
    tpu.enqueue_dma source(%dma_start3A_364 : memref<8x128xf32, #tpu.memory_space<hbm>>) target(%dma_start3A_362 : memref<8x128xf32, #tpu.memory_space<vmem>>) target_semaphore(%arg13 : memref<!tpu.dma_semaphore, #tpu.memory_space<semaphore_mem>>)
    %dma_start3A_365 = arith.constant 224 : i32
    %dma_start3A_366 = arith.constant 0 : i32
    %dma_start3A_367 = tpu.memref_slice %arg7[%dma_start3A_365, %dma_start3A_366] : memref<256x128xf32, #tpu.memory_space<vmem>> -> memref<8x128xf32, #tpu.memory_space<vmem>>
    %dma_start3A_368 = arith.constant 32 : i32
    %dma_start3A_369 = tpu.memref_slice %arg3[%dma_start3A_368, %multiple_of3A_324] : memref<64x1000000xf32, #tpu.memory_space<hbm>> -> memref<8x128xf32, #tpu.memory_space<hbm>>
    %dma_start3A_370 = arith.constant 224 : i32
    %dma_start3A_371 = arith.constant 0 : i32
    %dma_start3A_372 = tpu.memref_slice %arg7[%dma_start3A_370, %dma_start3A_371] : memref<256x128xf32, #tpu.memory_space<vmem>> -> memref<8x128xf32, #tpu.memory_space<vmem>>
    %dma_start3A_373 = arith.constant 32 : i32
    %dma_start3A_374 = tpu.memref_slice %arg3[%dma_start3A_373, %multiple_of3A_324] : memref<64x1000000xf32, #tpu.memory_space<hbm>> -> memref<8x128xf32, #tpu.memory_space<hbm>>
    tpu.enqueue_dma source(%dma_start3A_374 : memref<8x128xf32, #tpu.memory_space<hbm>>) target(%dma_start3A_372 : memref<8x128xf32, #tpu.memory_space<vmem>>) target_semaphore(%arg13 : memref<!tpu.dma_semaphore, #tpu.memory_space<semaphore_mem>>)
    %dma_start3A_375 = arith.constant 232 : i32
    %dma_start3A_376 = arith.constant 0 : i32
    %dma_start3A_377 = tpu.memref_slice %arg7[%dma_start3A_375, %dma_start3A_376] : memref<256x128xf32, #tpu.memory_space<vmem>> -> memref<8x128xf32, #tpu.memory_space<vmem>>
    %dma_start3A_378 = arith.constant 40 : i32
    %dma_start3A_379 = tpu.memref_slice %arg3[%dma_start3A_378, %multiple_of3A_324] : memref<64x1000000xf32, #tpu.memory_space<hbm>> -> memref<8x128xf32, #tpu.memory_space<hbm>>
    %dma_start3A_380 = arith.constant 232 : i32
    %dma_start3A_381 = arith.constant 0 : i32
    %dma_start3A_382 = tpu.memref_slice %arg7[%dma_start3A_380, %dma_start3A_381] : memref<256x128xf32, #tpu.memory_space<vmem>> -> memref<8x128xf32, #tpu.memory_space<vmem>>
    %dma_start3A_383 = arith.constant 40 : i32
    %dma_start3A_384 = tpu.memref_slice %arg3[%dma_start3A_383, %multiple_of3A_324] : memref<64x1000000xf32, #tpu.memory_space<hbm>> -> memref<8x128xf32, #tpu.memory_space<hbm>>
    tpu.enqueue_dma source(%dma_start3A_384 : memref<8x128xf32, #tpu.memory_space<hbm>>) target(%dma_start3A_382 : memref<8x128xf32, #tpu.memory_space<vmem>>) target_semaphore(%arg13 : memref<!tpu.dma_semaphore, #tpu.memory_space<semaphore_mem>>)
    %dma_start3A_385 = arith.constant 240 : i32
    %dma_start3A_386 = arith.constant 0 : i32
    %dma_start3A_387 = tpu.memref_slice %arg7[%dma_start3A_385, %dma_start3A_386] : memref<256x128xf32, #tpu.memory_space<vmem>> -> memref<8x128xf32, #tpu.memory_space<vmem>>
    %dma_start3A_388 = arith.constant 48 : i32
    %dma_start3A_389 = tpu.memref_slice %arg3[%dma_start3A_388, %multiple_of3A_324] : memref<64x1000000xf32, #tpu.memory_space<hbm>> -> memref<8x128xf32, #tpu.memory_space<hbm>>
    %dma_start3A_390 = arith.constant 240 : i32
    %dma_start3A_391 = arith.constant 0 : i32
    %dma_start3A_392 = tpu.memref_slice %arg7[%dma_start3A_390, %dma_start3A_391] : memref<256x128xf32, #tpu.memory_space<vmem>> -> memref<8x128xf32, #tpu.memory_space<vmem>>
    %dma_start3A_393 = arith.constant 48 : i32
    %dma_start3A_394 = tpu.memref_slice %arg3[%dma_start3A_393, %multiple_of3A_324] : memref<64x1000000xf32, #tpu.memory_space<hbm>> -> memref<8x128xf32, #tpu.memory_space<hbm>>
    tpu.enqueue_dma source(%dma_start3A_394 : memref<8x128xf32, #tpu.memory_space<hbm>>) target(%dma_start3A_392 : memref<8x128xf32, #tpu.memory_space<vmem>>) target_semaphore(%arg13 : memref<!tpu.dma_semaphore, #tpu.memory_space<semaphore_mem>>)
    %dma_start3A_395 = arith.constant 248 : i32
    %dma_start3A_396 = arith.constant 0 : i32
    %dma_start3A_397 = tpu.memref_slice %arg7[%dma_start3A_395, %dma_start3A_396] : memref<256x128xf32, #tpu.memory_space<vmem>> -> memref<8x128xf32, #tpu.memory_space<vmem>>
    %dma_start3A_398 = arith.constant 56 : i32
    %dma_start3A_399 = tpu.memref_slice %arg3[%dma_start3A_398, %multiple_of3A_324] : memref<64x1000000xf32, #tpu.memory_space<hbm>> -> memref<8x128xf32, #tpu.memory_space<hbm>>
    %dma_start3A_400 = arith.constant 248 : i32
    %dma_start3A_401 = arith.constant 0 : i32
    %dma_start3A_402 = tpu.memref_slice %arg7[%dma_start3A_400, %dma_start3A_401] : memref<256x128xf32, #tpu.memory_space<vmem>> -> memref<8x128xf32, #tpu.memory_space<vmem>>
    %dma_start3A_403 = arith.constant 56 : i32
    %dma_start3A_404 = tpu.memref_slice %arg3[%dma_start3A_403, %multiple_of3A_324] : memref<64x1000000xf32, #tpu.memory_space<hbm>> -> memref<8x128xf32, #tpu.memory_space<hbm>>
    tpu.enqueue_dma source(%dma_start3A_404 : memref<8x128xf32, #tpu.memory_space<hbm>>) target(%dma_start3A_402 : memref<8x128xf32, #tpu.memory_space<vmem>>) target_semaphore(%arg13 : memref<!tpu.dma_semaphore, #tpu.memory_space<semaphore_mem>>)
    %scan3A = arith.constant 0 : i32
    %scan3A_405 = arith.constant 1 : i32
    %scan3A_406 = arith.constant 127 : i32
    %scan3A_407 = arith.addi %scan3A_405, %scan3A_406 : i32
    %scan3A_408 = arith.constant 1 : i32
    %scan3A_409 = scf.for %scan3A_1145 = %scan3A_405 to %scan3A_407 step %scan3A_408 iter_args(%scan3A_1146 = %scan3A) -> (i32)  : i32 {
      %sub3A_1147 = arith.constant 1 : i32
      %sub3A_1148 = arith.subi %scan3A_1145, %sub3A_1147 : i32
      %mul3A_1149 = arith.constant 4 : i32
      %mul3A_1150 = arith.muli %sub3A_1148, %mul3A_1149 : i32
      %add3A_1151 = arith.constant 0 : i32
      %add3A_1152 = arith.addi %mul3A_1150, %add3A_1151 : i32
      %and3A = arith.constant -16 : i32
      %and3A_1153 = arith.andi %add3A_1152, %and3A : i32
      %get3A_1154 = arith.index_cast %and3A_1153 : i32 to index
      %get3A_1155 = tpu.vector_load %arg6[%get3A_1154] {strides = array<i32>} : memref<528xi32, #tpu.memory_space<vmem>>, vector<16xi32>,
      %and3A_1156 = arith.constant 15 : i32
      %and3A_1157 = arith.andi %add3A_1152, %and3A_1156 : i32
      %eq3A_1158 = vector.broadcast %and3A_1157 : i32 to vector<16xi32>
      %eq3A_1159 = arith.cmpi eq, %iota3A, %eq3A_1158 : vector<16xi32>
      %jit3A_1160 = arith.constant 0 : i32
      %broadcast_in_dim3A_1161 = vector.broadcast %jit3A_1160 : i32 to vector<16xi32>
      %select_n3A_1162 = arith.select %eq3A_1159, %get3A_1155, %broadcast_in_dim3A_1161 : vector<16xi1>, vector<16xi32>
      %reduce_max3A_1163 = arith.constant true
      %reduce_max3A_1164 = vector.broadcast %reduce_max3A_1163 : i1 to vector<16xi1>
      %reduce_max3A_1165 = arith.constant -2147483648 : i32
      %reduce_max3A_1166 = vector.broadcast %reduce_max3A_1165 : i32 to vector<16xi32>
      %reduce_max3A_1167 = arith.xori %select_n3A_1162, %reduce_max3A_1166 : vector<16xi32>
      %reduce_max3A_1168 = tpu.scan <max>, %reduce_max3A_1167 masked %reduce_max3A_1164 : vector<16xi32>, vector<16xi1> -> vector<16xi32>
      %reduce_max3A_1169 = arith.xori %reduce_max3A_1168, %reduce_max3A_1166 : vector<16xi32>
      %reduce_max3A_1170 = vector.extract %reduce_max3A_1169[15] : i32 from vector<16xi32>
      %shift_right_logical3A_1171 = arith.constant 7 : i32
      %shift_right_logical3A_1172 = arith.shrui %reduce_max3A_1170, %shift_right_logical3A_1171 : i32
      %min3A_1173 = arith.constant 7811 : i32
      %min3A_1174 = arith.minsi %shift_right_logical3A_1172, %min3A_1173 : i32
      %mul3A_1175 = arith.constant 128 : i32
      %mul3A_1176 = arith.muli %min3A_1174, %mul3A_1175 : i32
      %multiple_of3A_1177 = tpu.assume_multiple %mul3A_1176, 128 : i32
      %dma_wait3A_1178 = arith.constant 0 : i32
      %dma_wait3A_1179 = arith.constant 0 : i32
      %dma_wait3A_1180 = tpu.memref_slice %arg7[%dma_wait3A_1178, %dma_wait3A_1179] : memref<256x128xf32, #tpu.memory_space<vmem>> -> memref<8x128xf32, #tpu.memory_space<vmem>>
      %dma_wait3A_1181 = arith.constant 0 : i32
      %dma_wait3A_1182 = tpu.memref_slice %arg3[%dma_wait3A_1181, %multiple_of3A_1177] : memref<64x1000000xf32, #tpu.memory_space<hbm>> -> memref<8x128xf32, #tpu.memory_space<hbm>>
      %dma_wait3A_1183 = arith.constant 0 : i32
      %dma_wait3A_1184 = arith.constant 0 : i32
      %dma_wait3A_1185 = tpu.memref_slice %arg7[%dma_wait3A_1183, %dma_wait3A_1184] : memref<256x128xf32, #tpu.memory_space<vmem>> -> memref<8x128xf32, #tpu.memory_space<vmem>>
      %dma_wait3A_1186 = arith.constant 0 : i32
      %dma_wait3A_1187 = tpu.memref_slice %arg3[%dma_wait3A_1186, %multiple_of3A_1177] : memref<64x1000000xf32, #tpu.memory_space<hbm>> -> memref<8x128xf32, #tpu.memory_space<hbm>>
      tpu.wait_dma2 semaphore(%arg10 : memref<!tpu.dma_semaphore, #tpu.memory_space<semaphore_mem>>) src(%dma_wait3A_1187 : memref<8x128xf32, #tpu.memory_space<hbm>>) dst(%dma_wait3A_1185 : memref<8x128xf32, #tpu.memory_space<vmem>>)
      %dma_wait3A_1188 = arith.constant 8 : i32
      %dma_wait3A_1189 = arith.constant 0 : i32
      %dma_wait3A_1190 = tpu.memref_slice %arg7[%dma_wait3A_1188, %dma_wait3A_1189] : memref<256x128xf32, #tpu.memory_space<vmem>> -> memref<8x128xf32, #tpu.memory_space<vmem>>
      %dma_wait3A_1191 = arith.constant 8 : i32
      %dma_wait3A_1192 = tpu.memref_slice %arg3[%dma_wait3A_1191, %multiple_of3A_1177] : memref<64x1000000xf32, #tpu.memory_space<hbm>> -> memref<8x128xf32, #tpu.memory_space<hbm>>
      %dma_wait3A_1193 = arith.constant 8 : i32
      %dma_wait3A_1194 = arith.constant 0 : i32
      %dma_wait3A_1195 = tpu.memref_slice %arg7[%dma_wait3A_1193, %dma_wait3A_1194] : memref<256x128xf32, #tpu.memory_space<vmem>> -> memref<8x128xf32, #tpu.memory_space<vmem>>
      %dma_wait3A_1196 = arith.constant 8 : i32
      %dma_wait3A_1197 = tpu.memref_slice %arg3[%dma_wait3A_1196, %multiple_of3A_1177] : memref<64x1000000xf32, #tpu.memory_space<hbm>> -> memref<8x128xf32, #tpu.memory_space<hbm>>
      tpu.wait_dma2 semaphore(%arg10 : memref<!tpu.dma_semaphore, #tpu.memory_space<semaphore_mem>>) src(%dma_wait3A_1197 : memref<8x128xf32, #tpu.memory_space<hbm>>) dst(%dma_wait3A_1195 : memref<8x128xf32, #tpu.memory_space<vmem>>)
      %dma_wait3A_1198 = arith.constant 16 : i32
      %dma_wait3A_1199 = arith.constant 0 : i32
      %dma_wait3A_1200 = tpu.memref_slice %arg7[%dma_wait3A_1198, %dma_wait3A_1199] : memref<256x128xf32, #tpu.memory_space<vmem>> -> memref<8x128xf32, #tpu.memory_space<vmem>>
      %dma_wait3A_1201 = arith.constant 16 : i32
      %dma_wait3A_1202 = tpu.memref_slice %arg3[%dma_wait3A_1201, %multiple_of3A_1177] : memref<64x1000000xf32, #tpu.memory_space<hbm>> -> memref<8x128xf32, #tpu.memory_space<hbm>>
      %dma_wait3A_1203 = arith.constant 16 : i32
      %dma_wait3A_1204 = arith.constant 0 : i32
      %dma_wait3A_1205 = tpu.memref_slice %arg7[%dma_wait3A_1203, %dma_wait3A_1204] : memref<256x128xf32, #tpu.memory_space<vmem>> -> memref<8x128xf32, #tpu.memory_space<vmem>>
      %dma_wait3A_1206 = arith.constant 16 : i32
      %dma_wait3A_1207 = tpu.memref_slice %arg3[%dma_wait3A_1206, %multiple_of3A_1177] : memref<64x1000000xf32, #tpu.memory_space<hbm>> -> memref<8x128xf32, #tpu.memory_space<hbm>>
      tpu.wait_dma2 semaphore(%arg10 : memref<!tpu.dma_semaphore, #tpu.memory_space<semaphore_mem>>) src(%dma_wait3A_1207 : memref<8x128xf32, #tpu.memory_space<hbm>>) dst(%dma_wait3A_1205 : memref<8x128xf32, #tpu.memory_space<vmem>>)
      %dma_wait3A_1208 = arith.constant 24 : i32
      %dma_wait3A_1209 = arith.constant 0 : i32
      %dma_wait3A_1210 = tpu.memref_slice %arg7[%dma_wait3A_1208, %dma_wait3A_1209] : memref<256x128xf32, #tpu.memory_space<vmem>> -> memref<8x128xf32, #tpu.memory_space<vmem>>
      %dma_wait3A_1211 = arith.constant 24 : i32
      %dma_wait3A_1212 = tpu.memref_slice %arg3[%dma_wait3A_1211, %multiple_of3A_1177] : memref<64x1000000xf32, #tpu.memory_space<hbm>> -> memref<8x128xf32, #tpu.memory_space<hbm>>
      %dma_wait3A_1213 = arith.constant 24 : i32
      %dma_wait3A_1214 = arith.constant 0 : i32
      %dma_wait3A_1215 = tpu.memref_slice %arg7[%dma_wait3A_1213, %dma_wait3A_1214] : memref<256x128xf32, #tpu.memory_space<vmem>> -> memref<8x128xf32, #tpu.memory_space<vmem>>
      %dma_wait3A_1216 = arith.constant 24 : i32
      %dma_wait3A_1217 = tpu.memref_slice %arg3[%dma_wait3A_1216, %multiple_of3A_1177] : memref<64x1000000xf32, #tpu.memory_space<hbm>> -> memref<8x128xf32, #tpu.memory_space<hbm>>
      tpu.wait_dma2 semaphore(%arg10 : memref<!tpu.dma_semaphore, #tpu.memory_space<semaphore_mem>>) src(%dma_wait3A_1217 : memref<8x128xf32, #tpu.memory_space<hbm>>) dst(%dma_wait3A_1215 : memref<8x128xf32, #tpu.memory_space<vmem>>)
      %dma_wait3A_1218 = arith.constant 32 : i32
      %dma_wait3A_1219 = arith.constant 0 : i32
      %dma_wait3A_1220 = tpu.memref_slice %arg7[%dma_wait3A_1218, %dma_wait3A_1219] : memref<256x128xf32, #tpu.memory_space<vmem>> -> memref<8x128xf32, #tpu.memory_space<vmem>>
      %dma_wait3A_1221 = arith.constant 32 : i32
      %dma_wait3A_1222 = tpu.memref_slice %arg3[%dma_wait3A_1221, %multiple_of3A_1177] : memref<64x1000000xf32, #tpu.memory_space<hbm>> -> memref<8x128xf32, #tpu.memory_space<hbm>>
      %dma_wait3A_1223 = arith.constant 32 : i32
      %dma_wait3A_1224 = arith.constant 0 : i32
      %dma_wait3A_1225 = tpu.memref_slice %arg7[%dma_wait3A_1223, %dma_wait3A_1224] : memref<256x128xf32, #tpu.memory_space<vmem>> -> memref<8x128xf32, #tpu.memory_space<vmem>>
      %dma_wait3A_1226 = arith.constant 32 : i32
      %dma_wait3A_1227 = tpu.memref_slice %arg3[%dma_wait3A_1226, %multiple_of3A_1177] : memref<64x1000000xf32, #tpu.memory_space<hbm>> -> memref<8x128xf32, #tpu.memory_space<hbm>>
      tpu.wait_dma2 semaphore(%arg10 : memref<!tpu.dma_semaphore, #tpu.memory_space<semaphore_mem>>) src(%dma_wait3A_1227 : memref<8x128xf32, #tpu.memory_space<hbm>>) dst(%dma_wait3A_1225 : memref<8x128xf32, #tpu.memory_space<vmem>>)
      %dma_wait3A_1228 = arith.constant 40 : i32
      %dma_wait3A_1229 = arith.constant 0 : i32
      %dma_wait3A_1230 = tpu.memref_slice %arg7[%dma_wait3A_1228, %dma_wait3A_1229] : memref<256x128xf32, #tpu.memory_space<vmem>> -> memref<8x128xf32, #tpu.memory_space<vmem>>
      %dma_wait3A_1231 = arith.constant 40 : i32
      %dma_wait3A_1232 = tpu.memref_slice %arg3[%dma_wait3A_1231, %multiple_of3A_1177] : memref<64x1000000xf32, #tpu.memory_space<hbm>> -> memref<8x128xf32, #tpu.memory_space<hbm>>
      %dma_wait3A_1233 = arith.constant 40 : i32
      %dma_wait3A_1234 = arith.constant 0 : i32
      %dma_wait3A_1235 = tpu.memref_slice %arg7[%dma_wait3A_1233, %dma_wait3A_1234] : memref<256x128xf32, #tpu.memory_space<vmem>> -> memref<8x128xf32, #tpu.memory_space<vmem>>
      %dma_wait3A_1236 = arith.constant 40 : i32
      %dma_wait3A_1237 = tpu.memref_slice %arg3[%dma_wait3A_1236, %multiple_of3A_1177] : memref<64x1000000xf32, #tpu.memory_space<hbm>> -> memref<8x128xf32, #tpu.memory_space<hbm>>
      tpu.wait_dma2 semaphore(%arg10 : memref<!tpu.dma_semaphore, #tpu.memory_space<semaphore_mem>>) src(%dma_wait3A_1237 : memref<8x128xf32, #tpu.memory_space<hbm>>) dst(%dma_wait3A_1235 : memref<8x128xf32, #tpu.memory_space<vmem>>)
      %dma_wait3A_1238 = arith.constant 48 : i32
      %dma_wait3A_1239 = arith.constant 0 : i32
      %dma_wait3A_1240 = tpu.memref_slice %arg7[%dma_wait3A_1238, %dma_wait3A_1239] : memref<256x128xf32, #tpu.memory_space<vmem>> -> memref<8x128xf32, #tpu.memory_space<vmem>>
      %dma_wait3A_1241 = arith.constant 48 : i32
      %dma_wait3A_1242 = tpu.memref_slice %arg3[%dma_wait3A_1241, %multiple_of3A_1177] : memref<64x1000000xf32, #tpu.memory_space<hbm>> -> memref<8x128xf32, #tpu.memory_space<hbm>>
      %dma_wait3A_1243 = arith.constant 48 : i32
      %dma_wait3A_1244 = arith.constant 0 : i32
      %dma_wait3A_1245 = tpu.memref_slice %arg7[%dma_wait3A_1243, %dma_wait3A_1244] : memref<256x128xf32, #tpu.memory_space<vmem>> -> memref<8x128xf32, #tpu.memory_space<vmem>>
      %dma_wait3A_1246 = arith.constant 48 : i32
      %dma_wait3A_1247 = tpu.memref_slice %arg3[%dma_wait3A_1246, %multiple_of3A_1177] : memref<64x1000000xf32, #tpu.memory_space<hbm>> -> memref<8x128xf32, #tpu.memory_space<hbm>>
      tpu.wait_dma2 semaphore(%arg10 : memref<!tpu.dma_semaphore, #tpu.memory_space<semaphore_mem>>) src(%dma_wait3A_1247 : memref<8x128xf32, #tpu.memory_space<hbm>>) dst(%dma_wait3A_1245 : memref<8x128xf32, #tpu.memory_space<vmem>>)
      %dma_wait3A_1248 = arith.constant 56 : i32
      %dma_wait3A_1249 = arith.constant 0 : i32
      %dma_wait3A_1250 = tpu.memref_slice %arg7[%dma_wait3A_1248, %dma_wait3A_1249] : memref<256x128xf32, #tpu.memory_space<vmem>> -> memref<8x128xf32, #tpu.memory_space<vmem>>
      %dma_wait3A_1251 = arith.constant 56 : i32
      %dma_wait3A_1252 = tpu.memref_slice %arg3[%dma_wait3A_1251, %multiple_of3A_1177] : memref<64x1000000xf32, #tpu.memory_space<hbm>> -> memref<8x128xf32, #tpu.memory_space<hbm>>
      %dma_wait3A_1253 = arith.constant 56 : i32
      %dma_wait3A_1254 = arith.constant 0 : i32
      %dma_wait3A_1255 = tpu.memref_slice %arg7[%dma_wait3A_1253, %dma_wait3A_1254] : memref<256x128xf32, #tpu.memory_space<vmem>> -> memref<8x128xf32, #tpu.memory_space<vmem>>
      %dma_wait3A_1256 = arith.constant 56 : i32
      %dma_wait3A_1257 = tpu.memref_slice %arg3[%dma_wait3A_1256, %multiple_of3A_1177] : memref<64x1000000xf32, #tpu.memory_space<hbm>> -> memref<8x128xf32, #tpu.memory_space<hbm>>
      tpu.wait_dma2 semaphore(%arg10 : memref<!tpu.dma_semaphore, #tpu.memory_space<semaphore_mem>>) src(%dma_wait3A_1257 : memref<8x128xf32, #tpu.memory_space<hbm>>) dst(%dma_wait3A_1255 : memref<8x128xf32, #tpu.memory_space<vmem>>)
      %and3A_1258 = arith.constant -16 : i32
      %and3A_1259 = arith.andi %add3A_1152, %and3A_1258 : i32
      %get3A_1260 = arith.index_cast %and3A_1259 : i32 to index
      %get3A_1261 = tpu.vector_load %arg6[%get3A_1260] {strides = array<i32>} : memref<528xi32, #tpu.memory_space<vmem>>, vector<16xi32>,
      %and3A_1262 = arith.constant 15 : i32
      %and3A_1263 = arith.andi %add3A_1152, %and3A_1262 : i32
      %eq3A_1264 = vector.broadcast %and3A_1263 : i32 to vector<16xi32>
      %eq3A_1265 = arith.cmpi eq, %iota3A, %eq3A_1264 : vector<16xi32>
      %jit3A_1266 = arith.constant 0 : i32
      %broadcast_in_dim3A_1267 = vector.broadcast %jit3A_1266 : i32 to vector<16xi32>
      %select_n3A_1268 = arith.select %eq3A_1265, %get3A_1261, %broadcast_in_dim3A_1267 : vector<16xi1>, vector<16xi32>
      %reduce_max3A_1269 = arith.constant true
      %reduce_max3A_1270 = vector.broadcast %reduce_max3A_1269 : i1 to vector<16xi1>
      %reduce_max3A_1271 = arith.constant -2147483648 : i32
      %reduce_max3A_1272 = vector.broadcast %reduce_max3A_1271 : i32 to vector<16xi32>
      %reduce_max3A_1273 = arith.xori %select_n3A_1268, %reduce_max3A_1272 : vector<16xi32>
      %reduce_max3A_1274 = tpu.scan <max>, %reduce_max3A_1273 masked %reduce_max3A_1270 : vector<16xi32>, vector<16xi1> -> vector<16xi32>
      %reduce_max3A_1275 = arith.xori %reduce_max3A_1274, %reduce_max3A_1272 : vector<16xi32>
      %reduce_max3A_1276 = vector.extract %reduce_max3A_1275[15] : i32 from vector<16xi32>
      %shift_right_logical3A_1277 = arith.constant 7 : i32
      %shift_right_logical3A_1278 = arith.shrui %reduce_max3A_1276, %shift_right_logical3A_1277 : i32
      %min3A_1279 = arith.constant 7811 : i32
      %min3A_1280 = arith.minsi %shift_right_logical3A_1278, %min3A_1279 : i32
      %mul3A_1281 = arith.constant 128 : i32
      %mul3A_1282 = arith.muli %min3A_1280, %mul3A_1281 : i32
      %sub3A_1283 = arith.subi %reduce_max3A_1276, %mul3A_1282 : i32
      %min3A_1284 = arith.constant 127 : i32
      %min3A_1285 = arith.minsi %sub3A_1283, %min3A_1284 : i32
      %sub3A_1286 = arith.constant 999936 : i32
      %sub3A_1287 = arith.subi %reduce_max3A_1276, %sub3A_1286 : i32
      %max3A_1288 = arith.constant 0 : i32
      %max3A_1289 = arith.maxsi %sub3A_1287, %max3A_1288 : i32
      %min3A_1290 = arith.constant 63 : i32
      %min3A_1291 = arith.minsi %max3A_1289, %min3A_1290 : i32
      %ge3A_1292 = arith.constant 999936 : i32
      %ge3A_1293 = arith.cmpi sge, %reduce_max3A_1276, %ge3A_1292 : i32
      %broadcast_in_dim3A_1294 = vector.broadcast %min3A_1285 : i32 to vector<16xi32>
      %add3A_1295 = arith.constant 0 : i32
      %add3A_1296 = vector.broadcast %add3A_1295 : i32 to vector<16xi32>
      %add3A_1297 = arith.addi %add3A_1296, %iota3A : vector<16xi32>
      %gather3A_1298 = tpu.vector_load_idx %arg7[%add3A_1297, %broadcast_in_dim3A_1294] : memref<256x128xf32, #tpu.memory_space<vmem>>[vector<16xi32>, vector<16xi32>], vector<16xf32>,
      %get3A_1299 = arith.index_cast %min3A_1291 : i32 to index
      %get3A_1300 = arith.constant 0 : index
      %get3A_1301 = tpu.vector_load %arg9[%get3A_1299, %get3A_1300] {strides = array<i32>} : memref<64x128xf32, #tpu.memory_space<vmem>>, vector<16xf32>,
      %select_n3A_1302 = arith.select %ge3A_1293, %get3A_1301, %gather3A_1298 : vector<16xf32>
      %swap3A_1303 = arith.index_cast %add3A_1152 : i32 to index
      %swap3A_1304 = arith.constant 0 : index
      %swap3A_1305 = tpu.vector_load %arg8[%swap3A_1303, %swap3A_1304] {strides = array<i32>} : memref<512x64xf32, #tpu.memory_space<vmem>>, vector<16xf32>,
      tpu.vector_store %arg8[%swap3A_1303, %swap3A_1304], %select_n3A_1302 {strides = array<i32>} : memref<512x64xf32, #tpu.memory_space<vmem>>, vector<16xf32>,
      %add3A_1306 = arith.constant 16 : i32
      %add3A_1307 = vector.broadcast %add3A_1306 : i32 to vector<16xi32>
      %add3A_1308 = arith.addi %add3A_1307, %iota3A : vector<16xi32>
      %gather3A_1309 = tpu.vector_load_idx %arg7[%add3A_1308, %broadcast_in_dim3A_1294] : memref<256x128xf32, #tpu.memory_space<vmem>>[vector<16xi32>, vector<16xi32>], vector<16xf32>,
      %get3A_1310 = arith.index_cast %min3A_1291 : i32 to index
      %get3A_1311 = arith.constant 16 : index
      %get3A_1312 = tpu.vector_load %arg9[%get3A_1310, %get3A_1311] {strides = array<i32>} : memref<64x128xf32, #tpu.memory_space<vmem>>, vector<16xf32>,
      %select_n3A_1313 = arith.select %ge3A_1293, %get3A_1312, %gather3A_1309 : vector<16xf32>
      %swap3A_1314 = arith.index_cast %add3A_1152 : i32 to index
      %swap3A_1315 = arith.constant 16 : index
      %swap3A_1316 = tpu.vector_load %arg8[%swap3A_1314, %swap3A_1315] {strides = array<i32>} : memref<512x64xf32, #tpu.memory_space<vmem>>, vector<16xf32>,
      tpu.vector_store %arg8[%swap3A_1314, %swap3A_1315], %select_n3A_1313 {strides = array<i32>} : memref<512x64xf32, #tpu.memory_space<vmem>>, vector<16xf32>,
      %add3A_1317 = arith.constant 32 : i32
      %add3A_1318 = vector.broadcast %add3A_1317 : i32 to vector<16xi32>
      %add3A_1319 = arith.addi %add3A_1318, %iota3A : vector<16xi32>
      %gather3A_1320 = tpu.vector_load_idx %arg7[%add3A_1319, %broadcast_in_dim3A_1294] : memref<256x128xf32, #tpu.memory_space<vmem>>[vector<16xi32>, vector<16xi32>], vector<16xf32>,
      %get3A_1321 = arith.index_cast %min3A_1291 : i32 to index
      %get3A_1322 = arith.constant 32 : index
      %get3A_1323 = tpu.vector_load %arg9[%get3A_1321, %get3A_1322] {strides = array<i32>} : memref<64x128xf32, #tpu.memory_space<vmem>>, vector<16xf32>,
      %select_n3A_1324 = arith.select %ge3A_1293, %get3A_1323, %gather3A_1320 : vector<16xf32>
      %swap3A_1325 = arith.index_cast %add3A_1152 : i32 to index
      %swap3A_1326 = arith.constant 32 : index
      %swap3A_1327 = tpu.vector_load %arg8[%swap3A_1325, %swap3A_1326] {strides = array<i32>} : memref<512x64xf32, #tpu.memory_space<vmem>>, vector<16xf32>,
      tpu.vector_store %arg8[%swap3A_1325, %swap3A_1326], %select_n3A_1324 {strides = array<i32>} : memref<512x64xf32, #tpu.memory_space<vmem>>, vector<16xf32>,
      %add3A_1328 = arith.constant 48 : i32
      %add3A_1329 = vector.broadcast %add3A_1328 : i32 to vector<16xi32>
      %add3A_1330 = arith.addi %add3A_1329, %iota3A : vector<16xi32>
      %gather3A_1331 = tpu.vector_load_idx %arg7[%add3A_1330, %broadcast_in_dim3A_1294] : memref<256x128xf32, #tpu.memory_space<vmem>>[vector<16xi32>, vector<16xi32>], vector<16xf32>,
      %get3A_1332 = arith.index_cast %min3A_1291 : i32 to index
      %get3A_1333 = arith.constant 48 : index
      %get3A_1334 = tpu.vector_load %arg9[%get3A_1332, %get3A_1333] {strides = array<i32>} : memref<64x128xf32, #tpu.memory_space<vmem>>, vector<16xf32>,
      %select_n3A_1335 = arith.select %ge3A_1293, %get3A_1334, %gather3A_1331 : vector<16xf32>
      %swap3A_1336 = arith.index_cast %add3A_1152 : i32 to index
      %swap3A_1337 = arith.constant 48 : index
      %swap3A_1338 = tpu.vector_load %arg8[%swap3A_1336, %swap3A_1337] {strides = array<i32>} : memref<512x64xf32, #tpu.memory_space<vmem>>, vector<16xf32>,
      tpu.vector_store %arg8[%swap3A_1336, %swap3A_1337], %select_n3A_1335 {strides = array<i32>} : memref<512x64xf32, #tpu.memory_space<vmem>>, vector<16xf32>,
      %mul3A_1339 = arith.constant 4 : i32
      %mul3A_1340 = arith.muli %scan3A_1145, %mul3A_1339 : i32
      %add3A_1341 = arith.constant 0 : i32
      %add3A_1342 = arith.addi %mul3A_1340, %add3A_1341 : i32
      %and3A_1343 = arith.constant -16 : i32
      %and3A_1344 = arith.andi %add3A_1342, %and3A_1343 : i32
      %get3A_1345 = arith.index_cast %and3A_1344 : i32 to index
      %get3A_1346 = tpu.vector_load %arg6[%get3A_1345] {strides = array<i32>} : memref<528xi32, #tpu.memory_space<vmem>>, vector<16xi32>,
      %and3A_1347 = arith.constant 15 : i32
      %and3A_1348 = arith.andi %add3A_1342, %and3A_1347 : i32
      %eq3A_1349 = vector.broadcast %and3A_1348 : i32 to vector<16xi32>
      %eq3A_1350 = arith.cmpi eq, %iota3A, %eq3A_1349 : vector<16xi32>
      %jit3A_1351 = arith.constant 0 : i32
      %broadcast_in_dim3A_1352 = vector.broadcast %jit3A_1351 : i32 to vector<16xi32>
      %select_n3A_1353 = arith.select %eq3A_1350, %get3A_1346, %broadcast_in_dim3A_1352 : vector<16xi1>, vector<16xi32>
      %reduce_max3A_1354 = arith.constant true
      %reduce_max3A_1355 = vector.broadcast %reduce_max3A_1354 : i1 to vector<16xi1>
      %reduce_max3A_1356 = arith.constant -2147483648 : i32
      %reduce_max3A_1357 = vector.broadcast %reduce_max3A_1356 : i32 to vector<16xi32>
      %reduce_max3A_1358 = arith.xori %select_n3A_1353, %reduce_max3A_1357 : vector<16xi32>
      %reduce_max3A_1359 = tpu.scan <max>, %reduce_max3A_1358 masked %reduce_max3A_1355 : vector<16xi32>, vector<16xi1> -> vector<16xi32>
      %reduce_max3A_1360 = arith.xori %reduce_max3A_1359, %reduce_max3A_1357 : vector<16xi32>
      %reduce_max3A_1361 = vector.extract %reduce_max3A_1360[15] : i32 from vector<16xi32>
      %shift_right_logical3A_1362 = arith.constant 7 : i32
      %shift_right_logical3A_1363 = arith.shrui %reduce_max3A_1361, %shift_right_logical3A_1362 : i32
      %min3A_1364 = arith.constant 7811 : i32
      %min3A_1365 = arith.minsi %shift_right_logical3A_1363, %min3A_1364 : i32
      %mul3A_1366 = arith.constant 128 : i32
      %mul3A_1367 = arith.muli %min3A_1365, %mul3A_1366 : i32
      %multiple_of3A_1368 = tpu.assume_multiple %mul3A_1367, 128 : i32
      %dma_start3A_1369 = arith.constant 0 : i32
      %dma_start3A_1370 = arith.constant 0 : i32
      %dma_start3A_1371 = tpu.memref_slice %arg7[%dma_start3A_1369, %dma_start3A_1370] : memref<256x128xf32, #tpu.memory_space<vmem>> -> memref<8x128xf32, #tpu.memory_space<vmem>>
      %dma_start3A_1372 = arith.constant 0 : i32
      %dma_start3A_1373 = tpu.memref_slice %arg3[%dma_start3A_1372, %multiple_of3A_1368] : memref<64x1000000xf32, #tpu.memory_space<hbm>> -> memref<8x128xf32, #tpu.memory_space<hbm>>
      %dma_start3A_1374 = arith.constant 0 : i32
      %dma_start3A_1375 = arith.constant 0 : i32
      %dma_start3A_1376 = tpu.memref_slice %arg7[%dma_start3A_1374, %dma_start3A_1375] : memref<256x128xf32, #tpu.memory_space<vmem>> -> memref<8x128xf32, #tpu.memory_space<vmem>>
      %dma_start3A_1377 = arith.constant 0 : i32
      %dma_start3A_1378 = tpu.memref_slice %arg3[%dma_start3A_1377, %multiple_of3A_1368] : memref<64x1000000xf32, #tpu.memory_space<hbm>> -> memref<8x128xf32, #tpu.memory_space<hbm>>
      tpu.enqueue_dma source(%dma_start3A_1378 : memref<8x128xf32, #tpu.memory_space<hbm>>) target(%dma_start3A_1376 : memref<8x128xf32, #tpu.memory_space<vmem>>) target_semaphore(%arg10 : memref<!tpu.dma_semaphore, #tpu.memory_space<semaphore_mem>>)
      %dma_start3A_1379 = arith.constant 8 : i32
      %dma_start3A_1380 = arith.constant 0 : i32
      %dma_start3A_1381 = tpu.memref_slice %arg7[%dma_start3A_1379, %dma_start3A_1380] : memref<256x128xf32, #tpu.memory_space<vmem>> -> memref<8x128xf32, #tpu.memory_space<vmem>>
      %dma_start3A_1382 = arith.constant 8 : i32
      %dma_start3A_1383 = tpu.memref_slice %arg3[%dma_start3A_1382, %multiple_of3A_1368] : memref<64x1000000xf32, #tpu.memory_space<hbm>> -> memref<8x128xf32, #tpu.memory_space<hbm>>
      %dma_start3A_1384 = arith.constant 8 : i32
      %dma_start3A_1385 = arith.constant 0 : i32
      %dma_start3A_1386 = tpu.memref_slice %arg7[%dma_start3A_1384, %dma_start3A_1385] : memref<256x128xf32, #tpu.memory_space<vmem>> -> memref<8x128xf32, #tpu.memory_space<vmem>>
      %dma_start3A_1387 = arith.constant 8 : i32
      %dma_start3A_1388 = tpu.memref_slice %arg3[%dma_start3A_1387, %multiple_of3A_1368] : memref<64x1000000xf32, #tpu.memory_space<hbm>> -> memref<8x128xf32, #tpu.memory_space<hbm>>
      tpu.enqueue_dma source(%dma_start3A_1388 : memref<8x128xf32, #tpu.memory_space<hbm>>) target(%dma_start3A_1386 : memref<8x128xf32, #tpu.memory_space<vmem>>) target_semaphore(%arg10 : memref<!tpu.dma_semaphore, #tpu.memory_space<semaphore_mem>>)
      %dma_start3A_1389 = arith.constant 16 : i32
      %dma_start3A_1390 = arith.constant 0 : i32
      %dma_start3A_1391 = tpu.memref_slice %arg7[%dma_start3A_1389, %dma_start3A_1390] : memref<256x128xf32, #tpu.memory_space<vmem>> -> memref<8x128xf32, #tpu.memory_space<vmem>>
      %dma_start3A_1392 = arith.constant 16 : i32
      %dma_start3A_1393 = tpu.memref_slice %arg3[%dma_start3A_1392, %multiple_of3A_1368] : memref<64x1000000xf32, #tpu.memory_space<hbm>> -> memref<8x128xf32, #tpu.memory_space<hbm>>
      %dma_start3A_1394 = arith.constant 16 : i32
      %dma_start3A_1395 = arith.constant 0 : i32
      %dma_start3A_1396 = tpu.memref_slice %arg7[%dma_start3A_1394, %dma_start3A_1395] : memref<256x128xf32, #tpu.memory_space<vmem>> -> memref<8x128xf32, #tpu.memory_space<vmem>>
      %dma_start3A_1397 = arith.constant 16 : i32
      %dma_start3A_1398 = tpu.memref_slice %arg3[%dma_start3A_1397, %multiple_of3A_1368] : memref<64x1000000xf32, #tpu.memory_space<hbm>> -> memref<8x128xf32, #tpu.memory_space<hbm>>
      tpu.enqueue_dma source(%dma_start3A_1398 : memref<8x128xf32, #tpu.memory_space<hbm>>) target(%dma_start3A_1396 : memref<8x128xf32, #tpu.memory_space<vmem>>) target_semaphore(%arg10 : memref<!tpu.dma_semaphore, #tpu.memory_space<semaphore_mem>>)
      %dma_start3A_1399 = arith.constant 24 : i32
      %dma_start3A_1400 = arith.constant 0 : i32
      %dma_start3A_1401 = tpu.memref_slice %arg7[%dma_start3A_1399, %dma_start3A_1400] : memref<256x128xf32, #tpu.memory_space<vmem>> -> memref<8x128xf32, #tpu.memory_space<vmem>>
      %dma_start3A_1402 = arith.constant 24 : i32
      %dma_start3A_1403 = tpu.memref_slice %arg3[%dma_start3A_1402, %multiple_of3A_1368] : memref<64x1000000xf32, #tpu.memory_space<hbm>> -> memref<8x128xf32, #tpu.memory_space<hbm>>
      %dma_start3A_1404 = arith.constant 24 : i32
      %dma_start3A_1405 = arith.constant 0 : i32
      %dma_start3A_1406 = tpu.memref_slice %arg7[%dma_start3A_1404, %dma_start3A_1405] : memref<256x128xf32, #tpu.memory_space<vmem>> -> memref<8x128xf32, #tpu.memory_space<vmem>>
      %dma_start3A_1407 = arith.constant 24 : i32
      %dma_start3A_1408 = tpu.memref_slice %arg3[%dma_start3A_1407, %multiple_of3A_1368] : memref<64x1000000xf32, #tpu.memory_space<hbm>> -> memref<8x128xf32, #tpu.memory_space<hbm>>
      tpu.enqueue_dma source(%dma_start3A_1408 : memref<8x128xf32, #tpu.memory_space<hbm>>) target(%dma_start3A_1406 : memref<8x128xf32, #tpu.memory_space<vmem>>) target_semaphore(%arg10 : memref<!tpu.dma_semaphore, #tpu.memory_space<semaphore_mem>>)
      %dma_start3A_1409 = arith.constant 32 : i32
      %dma_start3A_1410 = arith.constant 0 : i32
      %dma_start3A_1411 = tpu.memref_slice %arg7[%dma_start3A_1409, %dma_start3A_1410] : memref<256x128xf32, #tpu.memory_space<vmem>> -> memref<8x128xf32, #tpu.memory_space<vmem>>
      %dma_start3A_1412 = arith.constant 32 : i32
      %dma_start3A_1413 = tpu.memref_slice %arg3[%dma_start3A_1412, %multiple_of3A_1368] : memref<64x1000000xf32, #tpu.memory_space<hbm>> -> memref<8x128xf32, #tpu.memory_space<hbm>>
      %dma_start3A_1414 = arith.constant 32 : i32
      %dma_start3A_1415 = arith.constant 0 : i32
      %dma_start3A_1416 = tpu.memref_slice %arg7[%dma_start3A_1414, %dma_start3A_1415] : memref<256x128xf32, #tpu.memory_space<vmem>> -> memref<8x128xf32, #tpu.memory_space<vmem>>
      %dma_start3A_1417 = arith.constant 32 : i32
      %dma_start3A_1418 = tpu.memref_slice %arg3[%dma_start3A_1417, %multiple_of3A_1368] : memref<64x1000000xf32, #tpu.memory_space<hbm>> -> memref<8x128xf32, #tpu.memory_space<hbm>>
      tpu.enqueue_dma source(%dma_start3A_1418 : memref<8x128xf32, #tpu.memory_space<hbm>>) target(%dma_start3A_1416 : memref<8x128xf32, #tpu.memory_space<vmem>>) target_semaphore(%arg10 : memref<!tpu.dma_semaphore, #tpu.memory_space<semaphore_mem>>)
      %dma_start3A_1419 = arith.constant 40 : i32
      %dma_start3A_1420 = arith.constant 0 : i32
      %dma_start3A_1421 = tpu.memref_slice %arg7[%dma_start3A_1419, %dma_start3A_1420] : memref<256x128xf32, #tpu.memory_space<vmem>> -> memref<8x128xf32, #tpu.memory_space<vmem>>
      %dma_start3A_1422 = arith.constant 40 : i32
      %dma_start3A_1423 = tpu.memref_slice %arg3[%dma_start3A_1422, %multiple_of3A_1368] : memref<64x1000000xf32, #tpu.memory_space<hbm>> -> memref<8x128xf32, #tpu.memory_space<hbm>>
      %dma_start3A_1424 = arith.constant 40 : i32
      %dma_start3A_1425 = arith.constant 0 : i32
      %dma_start3A_1426 = tpu.memref_slice %arg7[%dma_start3A_1424, %dma_start3A_1425] : memref<256x128xf32, #tpu.memory_space<vmem>> -> memref<8x128xf32, #tpu.memory_space<vmem>>
      %dma_start3A_1427 = arith.constant 40 : i32
      %dma_start3A_1428 = tpu.memref_slice %arg3[%dma_start3A_1427, %multiple_of3A_1368] : memref<64x1000000xf32, #tpu.memory_space<hbm>> -> memref<8x128xf32, #tpu.memory_space<hbm>>
      tpu.enqueue_dma source(%dma_start3A_1428 : memref<8x128xf32, #tpu.memory_space<hbm>>) target(%dma_start3A_1426 : memref<8x128xf32, #tpu.memory_space<vmem>>) target_semaphore(%arg10 : memref<!tpu.dma_semaphore, #tpu.memory_space<semaphore_mem>>)
      %dma_start3A_1429 = arith.constant 48 : i32
      %dma_start3A_1430 = arith.constant 0 : i32
      %dma_start3A_1431 = tpu.memref_slice %arg7[%dma_start3A_1429, %dma_start3A_1430] : memref<256x128xf32, #tpu.memory_space<vmem>> -> memref<8x128xf32, #tpu.memory_space<vmem>>
      %dma_start3A_1432 = arith.constant 48 : i32
      %dma_start3A_1433 = tpu.memref_slice %arg3[%dma_start3A_1432, %multiple_of3A_1368] : memref<64x1000000xf32, #tpu.memory_space<hbm>> -> memref<8x128xf32, #tpu.memory_space<hbm>>
      %dma_start3A_1434 = arith.constant 48 : i32
      %dma_start3A_1435 = arith.constant 0 : i32
      %dma_start3A_1436 = tpu.memref_slice %arg7[%dma_start3A_1434, %dma_start3A_1435] : memref<256x128xf32, #tpu.memory_space<vmem>> -> memref<8x128xf32, #tpu.memory_space<vmem>>
      %dma_start3A_1437 = arith.constant 48 : i32
      %dma_start3A_1438 = tpu.memref_slice %arg3[%dma_start3A_1437, %multiple_of3A_1368] : memref<64x1000000xf32, #tpu.memory_space<hbm>> -> memref<8x128xf32, #tpu.memory_space<hbm>>
      tpu.enqueue_dma source(%dma_start3A_1438 : memref<8x128xf32, #tpu.memory_space<hbm>>) target(%dma_start3A_1436 : memref<8x128xf32, #tpu.memory_space<vmem>>) target_semaphore(%arg10 : memref<!tpu.dma_semaphore, #tpu.memory_space<semaphore_mem>>)
      %dma_start3A_1439 = arith.constant 56 : i32
      %dma_start3A_1440 = arith.constant 0 : i32
      %dma_start3A_1441 = tpu.memref_slice %arg7[%dma_start3A_1439, %dma_start3A_1440] : memref<256x128xf32, #tpu.memory_space<vmem>> -> memref<8x128xf32, #tpu.memory_space<vmem>>
      %dma_start3A_1442 = arith.constant 56 : i32
      %dma_start3A_1443 = tpu.memref_slice %arg3[%dma_start3A_1442, %multiple_of3A_1368] : memref<64x1000000xf32, #tpu.memory_space<hbm>> -> memref<8x128xf32, #tpu.memory_space<hbm>>
      %dma_start3A_1444 = arith.constant 56 : i32
      %dma_start3A_1445 = arith.constant 0 : i32
      %dma_start3A_1446 = tpu.memref_slice %arg7[%dma_start3A_1444, %dma_start3A_1445] : memref<256x128xf32, #tpu.memory_space<vmem>> -> memref<8x128xf32, #tpu.memory_space<vmem>>
      %dma_start3A_1447 = arith.constant 56 : i32
      %dma_start3A_1448 = tpu.memref_slice %arg3[%dma_start3A_1447, %multiple_of3A_1368] : memref<64x1000000xf32, #tpu.memory_space<hbm>> -> memref<8x128xf32, #tpu.memory_space<hbm>>
      tpu.enqueue_dma source(%dma_start3A_1448 : memref<8x128xf32, #tpu.memory_space<hbm>>) target(%dma_start3A_1446 : memref<8x128xf32, #tpu.memory_space<vmem>>) target_semaphore(%arg10 : memref<!tpu.dma_semaphore, #tpu.memory_space<semaphore_mem>>)
      %sub3A_1449 = arith.constant 1 : i32
      %sub3A_1450 = arith.subi %scan3A_1145, %sub3A_1449 : i32
      %mul3A_1451 = arith.constant 4 : i32
      %mul3A_1452 = arith.muli %sub3A_1450, %mul3A_1451 : i32
      %add3A_1453 = arith.constant 1 : i32
      %add3A_1454 = arith.addi %mul3A_1452, %add3A_1453 : i32
      %and3A_1455 = arith.constant -16 : i32
      %and3A_1456 = arith.andi %add3A_1454, %and3A_1455 : i32
      %get3A_1457 = arith.index_cast %and3A_1456 : i32 to index
      %get3A_1458 = tpu.vector_load %arg6[%get3A_1457] {strides = array<i32>} : memref<528xi32, #tpu.memory_space<vmem>>, vector<16xi32>,
      %and3A_1459 = arith.constant 15 : i32
      %and3A_1460 = arith.andi %add3A_1454, %and3A_1459 : i32
      %eq3A_1461 = vector.broadcast %and3A_1460 : i32 to vector<16xi32>
      %eq3A_1462 = arith.cmpi eq, %iota3A, %eq3A_1461 : vector<16xi32>
      %jit3A_1463 = arith.constant 0 : i32
      %broadcast_in_dim3A_1464 = vector.broadcast %jit3A_1463 : i32 to vector<16xi32>
      %select_n3A_1465 = arith.select %eq3A_1462, %get3A_1458, %broadcast_in_dim3A_1464 : vector<16xi1>, vector<16xi32>
      %reduce_max3A_1466 = arith.constant true
      %reduce_max3A_1467 = vector.broadcast %reduce_max3A_1466 : i1 to vector<16xi1>
      %reduce_max3A_1468 = arith.constant -2147483648 : i32
      %reduce_max3A_1469 = vector.broadcast %reduce_max3A_1468 : i32 to vector<16xi32>
      %reduce_max3A_1470 = arith.xori %select_n3A_1465, %reduce_max3A_1469 : vector<16xi32>
      %reduce_max3A_1471 = tpu.scan <max>, %reduce_max3A_1470 masked %reduce_max3A_1467 : vector<16xi32>, vector<16xi1> -> vector<16xi32>
      %reduce_max3A_1472 = arith.xori %reduce_max3A_1471, %reduce_max3A_1469 : vector<16xi32>
      %reduce_max3A_1473 = vector.extract %reduce_max3A_1472[15] : i32 from vector<16xi32>
      %shift_right_logical3A_1474 = arith.constant 7 : i32
      %shift_right_logical3A_1475 = arith.shrui %reduce_max3A_1473, %shift_right_logical3A_1474 : i32
      %min3A_1476 = arith.constant 7811 : i32
      %min3A_1477 = arith.minsi %shift_right_logical3A_1475, %min3A_1476 : i32
      %mul3A_1478 = arith.constant 128 : i32
      %mul3A_1479 = arith.muli %min3A_1477, %mul3A_1478 : i32
      %multiple_of3A_1480 = tpu.assume_multiple %mul3A_1479, 128 : i32
      %dma_wait3A_1481 = arith.constant 64 : i32
      %dma_wait3A_1482 = arith.constant 0 : i32
      %dma_wait3A_1483 = tpu.memref_slice %arg7[%dma_wait3A_1481, %dma_wait3A_1482] : memref<256x128xf32, #tpu.memory_space<vmem>> -> memref<8x128xf32, #tpu.memory_space<vmem>>
      %dma_wait3A_1484 = arith.constant 0 : i32
      %dma_wait3A_1485 = tpu.memref_slice %arg3[%dma_wait3A_1484, %multiple_of3A_1480] : memref<64x1000000xf32, #tpu.memory_space<hbm>> -> memref<8x128xf32, #tpu.memory_space<hbm>>
      %dma_wait3A_1486 = arith.constant 64 : i32
      %dma_wait3A_1487 = arith.constant 0 : i32
      %dma_wait3A_1488 = tpu.memref_slice %arg7[%dma_wait3A_1486, %dma_wait3A_1487] : memref<256x128xf32, #tpu.memory_space<vmem>> -> memref<8x128xf32, #tpu.memory_space<vmem>>
      %dma_wait3A_1489 = arith.constant 0 : i32
      %dma_wait3A_1490 = tpu.memref_slice %arg3[%dma_wait3A_1489, %multiple_of3A_1480] : memref<64x1000000xf32, #tpu.memory_space<hbm>> -> memref<8x128xf32, #tpu.memory_space<hbm>>
      tpu.wait_dma2 semaphore(%arg11 : memref<!tpu.dma_semaphore, #tpu.memory_space<semaphore_mem>>) src(%dma_wait3A_1490 : memref<8x128xf32, #tpu.memory_space<hbm>>) dst(%dma_wait3A_1488 : memref<8x128xf32, #tpu.memory_space<vmem>>)
      %dma_wait3A_1491 = arith.constant 72 : i32
      %dma_wait3A_1492 = arith.constant 0 : i32
      %dma_wait3A_1493 = tpu.memref_slice %arg7[%dma_wait3A_1491, %dma_wait3A_1492] : memref<256x128xf32, #tpu.memory_space<vmem>> -> memref<8x128xf32, #tpu.memory_space<vmem>>
      %dma_wait3A_1494 = arith.constant 8 : i32
      %dma_wait3A_1495 = tpu.memref_slice %arg3[%dma_wait3A_1494, %multiple_of3A_1480] : memref<64x1000000xf32, #tpu.memory_space<hbm>> -> memref<8x128xf32, #tpu.memory_space<hbm>>
      %dma_wait3A_1496 = arith.constant 72 : i32
      %dma_wait3A_1497 = arith.constant 0 : i32
      %dma_wait3A_1498 = tpu.memref_slice %arg7[%dma_wait3A_1496, %dma_wait3A_1497] : memref<256x128xf32, #tpu.memory_space<vmem>> -> memref<8x128xf32, #tpu.memory_space<vmem>>
      %dma_wait3A_1499 = arith.constant 8 : i32
      %dma_wait3A_1500 = tpu.memref_slice %arg3[%dma_wait3A_1499, %multiple_of3A_1480] : memref<64x1000000xf32, #tpu.memory_space<hbm>> -> memref<8x128xf32, #tpu.memory_space<hbm>>
      tpu.wait_dma2 semaphore(%arg11 : memref<!tpu.dma_semaphore, #tpu.memory_space<semaphore_mem>>) src(%dma_wait3A_1500 : memref<8x128xf32, #tpu.memory_space<hbm>>) dst(%dma_wait3A_1498 : memref<8x128xf32, #tpu.memory_space<vmem>>)
      %dma_wait3A_1501 = arith.constant 80 : i32
      %dma_wait3A_1502 = arith.constant 0 : i32
      %dma_wait3A_1503 = tpu.memref_slice %arg7[%dma_wait3A_1501, %dma_wait3A_1502] : memref<256x128xf32, #tpu.memory_space<vmem>> -> memref<8x128xf32, #tpu.memory_space<vmem>>
      %dma_wait3A_1504 = arith.constant 16 : i32
      %dma_wait3A_1505 = tpu.memref_slice %arg3[%dma_wait3A_1504, %multiple_of3A_1480] : memref<64x1000000xf32, #tpu.memory_space<hbm>> -> memref<8x128xf32, #tpu.memory_space<hbm>>
      %dma_wait3A_1506 = arith.constant 80 : i32
      %dma_wait3A_1507 = arith.constant 0 : i32
      %dma_wait3A_1508 = tpu.memref_slice %arg7[%dma_wait3A_1506, %dma_wait3A_1507] : memref<256x128xf32, #tpu.memory_space<vmem>> -> memref<8x128xf32, #tpu.memory_space<vmem>>
      %dma_wait3A_1509 = arith.constant 16 : i32
      %dma_wait3A_1510 = tpu.memref_slice %arg3[%dma_wait3A_1509, %multiple_of3A_1480] : memref<64x1000000xf32, #tpu.memory_space<hbm>> -> memref<8x128xf32, #tpu.memory_space<hbm>>
      tpu.wait_dma2 semaphore(%arg11 : memref<!tpu.dma_semaphore, #tpu.memory_space<semaphore_mem>>) src(%dma_wait3A_1510 : memref<8x128xf32, #tpu.memory_space<hbm>>) dst(%dma_wait3A_1508 : memref<8x128xf32, #tpu.memory_space<vmem>>)
      %dma_wait3A_1511 = arith.constant 88 : i32
      %dma_wait3A_1512 = arith.constant 0 : i32
      %dma_wait3A_1513 = tpu.memref_slice %arg7[%dma_wait3A_1511, %dma_wait3A_1512] : memref<256x128xf32, #tpu.memory_space<vmem>> -> memref<8x128xf32, #tpu.memory_space<vmem>>
      %dma_wait3A_1514 = arith.constant 24 : i32
      %dma_wait3A_1515 = tpu.memref_slice %arg3[%dma_wait3A_1514, %multiple_of3A_1480] : memref<64x1000000xf32, #tpu.memory_space<hbm>> -> memref<8x128xf32, #tpu.memory_space<hbm>>
      %dma_wait3A_1516 = arith.constant 88 : i32
      %dma_wait3A_1517 = arith.constant 0 : i32
      %dma_wait3A_1518 = tpu.memref_slice %arg7[%dma_wait3A_1516, %dma_wait3A_1517] : memref<256x128xf32, #tpu.memory_space<vmem>> -> memref<8x128xf32, #tpu.memory_space<vmem>>
      %dma_wait3A_1519 = arith.constant 24 : i32
      %dma_wait3A_1520 = tpu.memref_slice %arg3[%dma_wait3A_1519, %multiple_of3A_1480] : memref<64x1000000xf32, #tpu.memory_space<hbm>> -> memref<8x128xf32, #tpu.memory_space<hbm>>
      tpu.wait_dma2 semaphore(%arg11 : memref<!tpu.dma_semaphore, #tpu.memory_space<semaphore_mem>>) src(%dma_wait3A_1520 : memref<8x128xf32, #tpu.memory_space<hbm>>) dst(%dma_wait3A_1518 : memref<8x128xf32, #tpu.memory_space<vmem>>)
      %dma_wait3A_1521 = arith.constant 96 : i32
      %dma_wait3A_1522 = arith.constant 0 : i32
      %dma_wait3A_1523 = tpu.memref_slice %arg7[%dma_wait3A_1521, %dma_wait3A_1522] : memref<256x128xf32, #tpu.memory_space<vmem>> -> memref<8x128xf32, #tpu.memory_space<vmem>>
      %dma_wait3A_1524 = arith.constant 32 : i32
      %dma_wait3A_1525 = tpu.memref_slice %arg3[%dma_wait3A_1524, %multiple_of3A_1480] : memref<64x1000000xf32, #tpu.memory_space<hbm>> -> memref<8x128xf32, #tpu.memory_space<hbm>>
      %dma_wait3A_1526 = arith.constant 96 : i32
      %dma_wait3A_1527 = arith.constant 0 : i32
      %dma_wait3A_1528 = tpu.memref_slice %arg7[%dma_wait3A_1526, %dma_wait3A_1527] : memref<256x128xf32, #tpu.memory_space<vmem>> -> memref<8x128xf32, #tpu.memory_space<vmem>>
      %dma_wait3A_1529 = arith.constant 32 : i32
      %dma_wait3A_1530 = tpu.memref_slice %arg3[%dma_wait3A_1529, %multiple_of3A_1480] : memref<64x1000000xf32, #tpu.memory_space<hbm>> -> memref<8x128xf32, #tpu.memory_space<hbm>>
      tpu.wait_dma2 semaphore(%arg11 : memref<!tpu.dma_semaphore, #tpu.memory_space<semaphore_mem>>) src(%dma_wait3A_1530 : memref<8x128xf32, #tpu.memory_space<hbm>>) dst(%dma_wait3A_1528 : memref<8x128xf32, #tpu.memory_space<vmem>>)
      %dma_wait3A_1531 = arith.constant 104 : i32
      %dma_wait3A_1532 = arith.constant 0 : i32
      %dma_wait3A_1533 = tpu.memref_slice %arg7[%dma_wait3A_1531, %dma_wait3A_1532] : memref<256x128xf32, #tpu.memory_space<vmem>> -> memref<8x128xf32, #tpu.memory_space<vmem>>
      %dma_wait3A_1534 = arith.constant 40 : i32
      %dma_wait3A_1535 = tpu.memref_slice %arg3[%dma_wait3A_1534, %multiple_of3A_1480] : memref<64x1000000xf32, #tpu.memory_space<hbm>> -> memref<8x128xf32, #tpu.memory_space<hbm>>
      %dma_wait3A_1536 = arith.constant 104 : i32
      %dma_wait3A_1537 = arith.constant 0 : i32
      %dma_wait3A_1538 = tpu.memref_slice %arg7[%dma_wait3A_1536, %dma_wait3A_1537] : memref<256x128xf32, #tpu.memory_space<vmem>> -> memref<8x128xf32, #tpu.memory_space<vmem>>
      %dma_wait3A_1539 = arith.constant 40 : i32
      %dma_wait3A_1540 = tpu.memref_slice %arg3[%dma_wait3A_1539, %multiple_of3A_1480] : memref<64x1000000xf32, #tpu.memory_space<hbm>> -> memref<8x128xf32, #tpu.memory_space<hbm>>
      tpu.wait_dma2 semaphore(%arg11 : memref<!tpu.dma_semaphore, #tpu.memory_space<semaphore_mem>>) src(%dma_wait3A_1540 : memref<8x128xf32, #tpu.memory_space<hbm>>) dst(%dma_wait3A_1538 : memref<8x128xf32, #tpu.memory_space<vmem>>)
      %dma_wait3A_1541 = arith.constant 112 : i32
      %dma_wait3A_1542 = arith.constant 0 : i32
      %dma_wait3A_1543 = tpu.memref_slice %arg7[%dma_wait3A_1541, %dma_wait3A_1542] : memref<256x128xf32, #tpu.memory_space<vmem>> -> memref<8x128xf32, #tpu.memory_space<vmem>>
      %dma_wait3A_1544 = arith.constant 48 : i32
      %dma_wait3A_1545 = tpu.memref_slice %arg3[%dma_wait3A_1544, %multiple_of3A_1480] : memref<64x1000000xf32, #tpu.memory_space<hbm>> -> memref<8x128xf32, #tpu.memory_space<hbm>>
      %dma_wait3A_1546 = arith.constant 112 : i32
      %dma_wait3A_1547 = arith.constant 0 : i32
      %dma_wait3A_1548 = tpu.memref_slice %arg7[%dma_wait3A_1546, %dma_wait3A_1547] : memref<256x128xf32, #tpu.memory_space<vmem>> -> memref<8x128xf32, #tpu.memory_space<vmem>>
      %dma_wait3A_1549 = arith.constant 48 : i32
      %dma_wait3A_1550 = tpu.memref_slice %arg3[%dma_wait3A_1549, %multiple_of3A_1480] : memref<64x1000000xf32, #tpu.memory_space<hbm>> -> memref<8x128xf32, #tpu.memory_space<hbm>>
      tpu.wait_dma2 semaphore(%arg11 : memref<!tpu.dma_semaphore, #tpu.memory_space<semaphore_mem>>) src(%dma_wait3A_1550 : memref<8x128xf32, #tpu.memory_space<hbm>>) dst(%dma_wait3A_1548 : memref<8x128xf32, #tpu.memory_space<vmem>>)
      %dma_wait3A_1551 = arith.constant 120 : i32
      %dma_wait3A_1552 = arith.constant 0 : i32
      %dma_wait3A_1553 = tpu.memref_slice %arg7[%dma_wait3A_1551, %dma_wait3A_1552] : memref<256x128xf32, #tpu.memory_space<vmem>> -> memref<8x128xf32, #tpu.memory_space<vmem>>
      %dma_wait3A_1554 = arith.constant 56 : i32
      %dma_wait3A_1555 = tpu.memref_slice %arg3[%dma_wait3A_1554, %multiple_of3A_1480] : memref<64x1000000xf32, #tpu.memory_space<hbm>> -> memref<8x128xf32, #tpu.memory_space<hbm>>
      %dma_wait3A_1556 = arith.constant 120 : i32
      %dma_wait3A_1557 = arith.constant 0 : i32
      %dma_wait3A_1558 = tpu.memref_slice %arg7[%dma_wait3A_1556, %dma_wait3A_1557] : memref<256x128xf32, #tpu.memory_space<vmem>> -> memref<8x128xf32, #tpu.memory_space<vmem>>
      %dma_wait3A_1559 = arith.constant 56 : i32
      %dma_wait3A_1560 = tpu.memref_slice %arg3[%dma_wait3A_1559, %multiple_of3A_1480] : memref<64x1000000xf32, #tpu.memory_space<hbm>> -> memref<8x128xf32, #tpu.memory_space<hbm>>
      tpu.wait_dma2 semaphore(%arg11 : memref<!tpu.dma_semaphore, #tpu.memory_space<semaphore_mem>>) src(%dma_wait3A_1560 : memref<8x128xf32, #tpu.memory_space<hbm>>) dst(%dma_wait3A_1558 : memref<8x128xf32, #tpu.memory_space<vmem>>)
      %and3A_1561 = arith.constant -16 : i32
      %and3A_1562 = arith.andi %add3A_1454, %and3A_1561 : i32
      %get3A_1563 = arith.index_cast %and3A_1562 : i32 to index
      %get3A_1564 = tpu.vector_load %arg6[%get3A_1563] {strides = array<i32>} : memref<528xi32, #tpu.memory_space<vmem>>, vector<16xi32>,
      %and3A_1565 = arith.constant 15 : i32
      %and3A_1566 = arith.andi %add3A_1454, %and3A_1565 : i32
      %eq3A_1567 = vector.broadcast %and3A_1566 : i32 to vector<16xi32>
      %eq3A_1568 = arith.cmpi eq, %iota3A, %eq3A_1567 : vector<16xi32>
      %jit3A_1569 = arith.constant 0 : i32
      %broadcast_in_dim3A_1570 = vector.broadcast %jit3A_1569 : i32 to vector<16xi32>
      %select_n3A_1571 = arith.select %eq3A_1568, %get3A_1564, %broadcast_in_dim3A_1570 : vector<16xi1>, vector<16xi32>
      %reduce_max3A_1572 = arith.constant true
      %reduce_max3A_1573 = vector.broadcast %reduce_max3A_1572 : i1 to vector<16xi1>
      %reduce_max3A_1574 = arith.constant -2147483648 : i32
      %reduce_max3A_1575 = vector.broadcast %reduce_max3A_1574 : i32 to vector<16xi32>
      %reduce_max3A_1576 = arith.xori %select_n3A_1571, %reduce_max3A_1575 : vector<16xi32>
      %reduce_max3A_1577 = tpu.scan <max>, %reduce_max3A_1576 masked %reduce_max3A_1573 : vector<16xi32>, vector<16xi1> -> vector<16xi32>
      %reduce_max3A_1578 = arith.xori %reduce_max3A_1577, %reduce_max3A_1575 : vector<16xi32>
      %reduce_max3A_1579 = vector.extract %reduce_max3A_1578[15] : i32 from vector<16xi32>
      %shift_right_logical3A_1580 = arith.constant 7 : i32
      %shift_right_logical3A_1581 = arith.shrui %reduce_max3A_1579, %shift_right_logical3A_1580 : i32
      %min3A_1582 = arith.constant 7811 : i32
      %min3A_1583 = arith.minsi %shift_right_logical3A_1581, %min3A_1582 : i32
      %mul3A_1584 = arith.constant 128 : i32
      %mul3A_1585 = arith.muli %min3A_1583, %mul3A_1584 : i32
      %sub3A_1586 = arith.subi %reduce_max3A_1579, %mul3A_1585 : i32
      %min3A_1587 = arith.constant 127 : i32
      %min3A_1588 = arith.minsi %sub3A_1586, %min3A_1587 : i32
      %sub3A_1589 = arith.constant 999936 : i32
      %sub3A_1590 = arith.subi %reduce_max3A_1579, %sub3A_1589 : i32
      %max3A_1591 = arith.constant 0 : i32
      %max3A_1592 = arith.maxsi %sub3A_1590, %max3A_1591 : i32
      %min3A_1593 = arith.constant 63 : i32
      %min3A_1594 = arith.minsi %max3A_1592, %min3A_1593 : i32
      %ge3A_1595 = arith.constant 999936 : i32
      %ge3A_1596 = arith.cmpi sge, %reduce_max3A_1579, %ge3A_1595 : i32
      %broadcast_in_dim3A_1597 = vector.broadcast %min3A_1588 : i32 to vector<16xi32>
      %add3A_1598 = arith.constant 64 : i32
      %add3A_1599 = vector.broadcast %add3A_1598 : i32 to vector<16xi32>
      %add3A_1600 = arith.addi %add3A_1599, %iota3A : vector<16xi32>
      %gather3A_1601 = tpu.vector_load_idx %arg7[%add3A_1600, %broadcast_in_dim3A_1597] : memref<256x128xf32, #tpu.memory_space<vmem>>[vector<16xi32>, vector<16xi32>], vector<16xf32>,
      %get3A_1602 = arith.index_cast %min3A_1594 : i32 to index
      %get3A_1603 = arith.constant 0 : index
      %get3A_1604 = tpu.vector_load %arg9[%get3A_1602, %get3A_1603] {strides = array<i32>} : memref<64x128xf32, #tpu.memory_space<vmem>>, vector<16xf32>,
      %select_n3A_1605 = arith.select %ge3A_1596, %get3A_1604, %gather3A_1601 : vector<16xf32>
      %swap3A_1606 = arith.index_cast %add3A_1454 : i32 to index
      %swap3A_1607 = arith.constant 0 : index
      %swap3A_1608 = tpu.vector_load %arg8[%swap3A_1606, %swap3A_1607] {strides = array<i32>} : memref<512x64xf32, #tpu.memory_space<vmem>>, vector<16xf32>,
      tpu.vector_store %arg8[%swap3A_1606, %swap3A_1607], %select_n3A_1605 {strides = array<i32>} : memref<512x64xf32, #tpu.memory_space<vmem>>, vector<16xf32>,
      %add3A_1609 = arith.constant 80 : i32
      %add3A_1610 = vector.broadcast %add3A_1609 : i32 to vector<16xi32>
      %add3A_1611 = arith.addi %add3A_1610, %iota3A : vector<16xi32>
      %gather3A_1612 = tpu.vector_load_idx %arg7[%add3A_1611, %broadcast_in_dim3A_1597] : memref<256x128xf32, #tpu.memory_space<vmem>>[vector<16xi32>, vector<16xi32>], vector<16xf32>,
      %get3A_1613 = arith.index_cast %min3A_1594 : i32 to index
      %get3A_1614 = arith.constant 16 : index
      %get3A_1615 = tpu.vector_load %arg9[%get3A_1613, %get3A_1614] {strides = array<i32>} : memref<64x128xf32, #tpu.memory_space<vmem>>, vector<16xf32>,
      %select_n3A_1616 = arith.select %ge3A_1596, %get3A_1615, %gather3A_1612 : vector<16xf32>
      %swap3A_1617 = arith.index_cast %add3A_1454 : i32 to index
      %swap3A_1618 = arith.constant 16 : index
      %swap3A_1619 = tpu.vector_load %arg8[%swap3A_1617, %swap3A_1618] {strides = array<i32>} : memref<512x64xf32, #tpu.memory_space<vmem>>, vector<16xf32>,
      tpu.vector_store %arg8[%swap3A_1617, %swap3A_1618], %select_n3A_1616 {strides = array<i32>} : memref<512x64xf32, #tpu.memory_space<vmem>>, vector<16xf32>,
      %add3A_1620 = arith.constant 96 : i32
      %add3A_1621 = vector.broadcast %add3A_1620 : i32 to vector<16xi32>
      %add3A_1622 = arith.addi %add3A_1621, %iota3A : vector<16xi32>
      %gather3A_1623 = tpu.vector_load_idx %arg7[%add3A_1622, %broadcast_in_dim3A_1597] : memref<256x128xf32, #tpu.memory_space<vmem>>[vector<16xi32>, vector<16xi32>], vector<16xf32>,
      %get3A_1624 = arith.index_cast %min3A_1594 : i32 to index
      %get3A_1625 = arith.constant 32 : index
      %get3A_1626 = tpu.vector_load %arg9[%get3A_1624, %get3A_1625] {strides = array<i32>} : memref<64x128xf32, #tpu.memory_space<vmem>>, vector<16xf32>,
      %select_n3A_1627 = arith.select %ge3A_1596, %get3A_1626, %gather3A_1623 : vector<16xf32>
      %swap3A_1628 = arith.index_cast %add3A_1454 : i32 to index
      %swap3A_1629 = arith.constant 32 : index
      %swap3A_1630 = tpu.vector_load %arg8[%swap3A_1628, %swap3A_1629] {strides = array<i32>} : memref<512x64xf32, #tpu.memory_space<vmem>>, vector<16xf32>,
      tpu.vector_store %arg8[%swap3A_1628, %swap3A_1629], %select_n3A_1627 {strides = array<i32>} : memref<512x64xf32, #tpu.memory_space<vmem>>, vector<16xf32>,
      %add3A_1631 = arith.constant 112 : i32
      %add3A_1632 = vector.broadcast %add3A_1631 : i32 to vector<16xi32>
      %add3A_1633 = arith.addi %add3A_1632, %iota3A : vector<16xi32>
      %gather3A_1634 = tpu.vector_load_idx %arg7[%add3A_1633, %broadcast_in_dim3A_1597] : memref<256x128xf32, #tpu.memory_space<vmem>>[vector<16xi32>, vector<16xi32>], vector<16xf32>,
      %get3A_1635 = arith.index_cast %min3A_1594 : i32 to index
      %get3A_1636 = arith.constant 48 : index
      %get3A_1637 = tpu.vector_load %arg9[%get3A_1635, %get3A_1636] {strides = array<i32>} : memref<64x128xf32, #tpu.memory_space<vmem>>, vector<16xf32>,
      %select_n3A_1638 = arith.select %ge3A_1596, %get3A_1637, %gather3A_1634 : vector<16xf32>
      %swap3A_1639 = arith.index_cast %add3A_1454 : i32 to index
      %swap3A_1640 = arith.constant 48 : index
      %swap3A_1641 = tpu.vector_load %arg8[%swap3A_1639, %swap3A_1640] {strides = array<i32>} : memref<512x64xf32, #tpu.memory_space<vmem>>, vector<16xf32>,
      tpu.vector_store %arg8[%swap3A_1639, %swap3A_1640], %select_n3A_1638 {strides = array<i32>} : memref<512x64xf32, #tpu.memory_space<vmem>>, vector<16xf32>,
      %mul3A_1642 = arith.constant 4 : i32
      %mul3A_1643 = arith.muli %scan3A_1145, %mul3A_1642 : i32
      %add3A_1644 = arith.constant 1 : i32
      %add3A_1645 = arith.addi %mul3A_1643, %add3A_1644 : i32
      %and3A_1646 = arith.constant -16 : i32
      %and3A_1647 = arith.andi %add3A_1645, %and3A_1646 : i32
      %get3A_1648 = arith.index_cast %and3A_1647 : i32 to index
      %get3A_1649 = tpu.vector_load %arg6[%get3A_1648] {strides = array<i32>} : memref<528xi32, #tpu.memory_space<vmem>>, vector<16xi32>,
      %and3A_1650 = arith.constant 15 : i32
      %and3A_1651 = arith.andi %add3A_1645, %and3A_1650 : i32
      %eq3A_1652 = vector.broadcast %and3A_1651 : i32 to vector<16xi32>
      %eq3A_1653 = arith.cmpi eq, %iota3A, %eq3A_1652 : vector<16xi32>
      %jit3A_1654 = arith.constant 0 : i32
      %broadcast_in_dim3A_1655 = vector.broadcast %jit3A_1654 : i32 to vector<16xi32>
      %select_n3A_1656 = arith.select %eq3A_1653, %get3A_1649, %broadcast_in_dim3A_1655 : vector<16xi1>, vector<16xi32>
      %reduce_max3A_1657 = arith.constant true
      %reduce_max3A_1658 = vector.broadcast %reduce_max3A_1657 : i1 to vector<16xi1>
      %reduce_max3A_1659 = arith.constant -2147483648 : i32
      %reduce_max3A_1660 = vector.broadcast %reduce_max3A_1659 : i32 to vector<16xi32>
      %reduce_max3A_1661 = arith.xori %select_n3A_1656, %reduce_max3A_1660 : vector<16xi32>
      %reduce_max3A_1662 = tpu.scan <max>, %reduce_max3A_1661 masked %reduce_max3A_1658 : vector<16xi32>, vector<16xi1> -> vector<16xi32>
      %reduce_max3A_1663 = arith.xori %reduce_max3A_1662, %reduce_max3A_1660 : vector<16xi32>
      %reduce_max3A_1664 = vector.extract %reduce_max3A_1663[15] : i32 from vector<16xi32>
      %shift_right_logical3A_1665 = arith.constant 7 : i32
      %shift_right_logical3A_1666 = arith.shrui %reduce_max3A_1664, %shift_right_logical3A_1665 : i32
      %min3A_1667 = arith.constant 7811 : i32
      %min3A_1668 = arith.minsi %shift_right_logical3A_1666, %min3A_1667 : i32
      %mul3A_1669 = arith.constant 128 : i32
      %mul3A_1670 = arith.muli %min3A_1668, %mul3A_1669 : i32
      %multiple_of3A_1671 = tpu.assume_multiple %mul3A_1670, 128 : i32
      %dma_start3A_1672 = arith.constant 64 : i32
      %dma_start3A_1673 = arith.constant 0 : i32
      %dma_start3A_1674 = tpu.memref_slice %arg7[%dma_start3A_1672, %dma_start3A_1673] : memref<256x128xf32, #tpu.memory_space<vmem>> -> memref<8x128xf32, #tpu.memory_space<vmem>>
      %dma_start3A_1675 = arith.constant 0 : i32
      %dma_start3A_1676 = tpu.memref_slice %arg3[%dma_start3A_1675, %multiple_of3A_1671] : memref<64x1000000xf32, #tpu.memory_space<hbm>> -> memref<8x128xf32, #tpu.memory_space<hbm>>
      %dma_start3A_1677 = arith.constant 64 : i32
      %dma_start3A_1678 = arith.constant 0 : i32
      %dma_start3A_1679 = tpu.memref_slice %arg7[%dma_start3A_1677, %dma_start3A_1678] : memref<256x128xf32, #tpu.memory_space<vmem>> -> memref<8x128xf32, #tpu.memory_space<vmem>>
      %dma_start3A_1680 = arith.constant 0 : i32
      %dma_start3A_1681 = tpu.memref_slice %arg3[%dma_start3A_1680, %multiple_of3A_1671] : memref<64x1000000xf32, #tpu.memory_space<hbm>> -> memref<8x128xf32, #tpu.memory_space<hbm>>
      tpu.enqueue_dma source(%dma_start3A_1681 : memref<8x128xf32, #tpu.memory_space<hbm>>) target(%dma_start3A_1679 : memref<8x128xf32, #tpu.memory_space<vmem>>) target_semaphore(%arg11 : memref<!tpu.dma_semaphore, #tpu.memory_space<semaphore_mem>>)
      %dma_start3A_1682 = arith.constant 72 : i32
      %dma_start3A_1683 = arith.constant 0 : i32
      %dma_start3A_1684 = tpu.memref_slice %arg7[%dma_start3A_1682, %dma_start3A_1683] : memref<256x128xf32, #tpu.memory_space<vmem>> -> memref<8x128xf32, #tpu.memory_space<vmem>>
      %dma_start3A_1685 = arith.constant 8 : i32
      %dma_start3A_1686 = tpu.memref_slice %arg3[%dma_start3A_1685, %multiple_of3A_1671] : memref<64x1000000xf32, #tpu.memory_space<hbm>> -> memref<8x128xf32, #tpu.memory_space<hbm>>
      %dma_start3A_1687 = arith.constant 72 : i32
      %dma_start3A_1688 = arith.constant 0 : i32
      %dma_start3A_1689 = tpu.memref_slice %arg7[%dma_start3A_1687, %dma_start3A_1688] : memref<256x128xf32, #tpu.memory_space<vmem>> -> memref<8x128xf32, #tpu.memory_space<vmem>>
      %dma_start3A_1690 = arith.constant 8 : i32
      %dma_start3A_1691 = tpu.memref_slice %arg3[%dma_start3A_1690, %multiple_of3A_1671] : memref<64x1000000xf32, #tpu.memory_space<hbm>> -> memref<8x128xf32, #tpu.memory_space<hbm>>
      tpu.enqueue_dma source(%dma_start3A_1691 : memref<8x128xf32, #tpu.memory_space<hbm>>) target(%dma_start3A_1689 : memref<8x128xf32, #tpu.memory_space<vmem>>) target_semaphore(%arg11 : memref<!tpu.dma_semaphore, #tpu.memory_space<semaphore_mem>>)
      %dma_start3A_1692 = arith.constant 80 : i32
      %dma_start3A_1693 = arith.constant 0 : i32
      %dma_start3A_1694 = tpu.memref_slice %arg7[%dma_start3A_1692, %dma_start3A_1693] : memref<256x128xf32, #tpu.memory_space<vmem>> -> memref<8x128xf32, #tpu.memory_space<vmem>>
      %dma_start3A_1695 = arith.constant 16 : i32
      %dma_start3A_1696 = tpu.memref_slice %arg3[%dma_start3A_1695, %multiple_of3A_1671] : memref<64x1000000xf32, #tpu.memory_space<hbm>> -> memref<8x128xf32, #tpu.memory_space<hbm>>
      %dma_start3A_1697 = arith.constant 80 : i32
      %dma_start3A_1698 = arith.constant 0 : i32
      %dma_start3A_1699 = tpu.memref_slice %arg7[%dma_start3A_1697, %dma_start3A_1698] : memref<256x128xf32, #tpu.memory_space<vmem>> -> memref<8x128xf32, #tpu.memory_space<vmem>>
      %dma_start3A_1700 = arith.constant 16 : i32
      %dma_start3A_1701 = tpu.memref_slice %arg3[%dma_start3A_1700, %multiple_of3A_1671] : memref<64x1000000xf32, #tpu.memory_space<hbm>> -> memref<8x128xf32, #tpu.memory_space<hbm>>
      tpu.enqueue_dma source(%dma_start3A_1701 : memref<8x128xf32, #tpu.memory_space<hbm>>) target(%dma_start3A_1699 : memref<8x128xf32, #tpu.memory_space<vmem>>) target_semaphore(%arg11 : memref<!tpu.dma_semaphore, #tpu.memory_space<semaphore_mem>>)
      %dma_start3A_1702 = arith.constant 88 : i32
      %dma_start3A_1703 = arith.constant 0 : i32
      %dma_start3A_1704 = tpu.memref_slice %arg7[%dma_start3A_1702, %dma_start3A_1703] : memref<256x128xf32, #tpu.memory_space<vmem>> -> memref<8x128xf32, #tpu.memory_space<vmem>>
      %dma_start3A_1705 = arith.constant 24 : i32
      %dma_start3A_1706 = tpu.memref_slice %arg3[%dma_start3A_1705, %multiple_of3A_1671] : memref<64x1000000xf32, #tpu.memory_space<hbm>> -> memref<8x128xf32, #tpu.memory_space<hbm>>
      %dma_start3A_1707 = arith.constant 88 : i32
      %dma_start3A_1708 = arith.constant 0 : i32
      %dma_start3A_1709 = tpu.memref_slice %arg7[%dma_start3A_1707, %dma_start3A_1708] : memref<256x128xf32, #tpu.memory_space<vmem>> -> memref<8x128xf32, #tpu.memory_space<vmem>>
      %dma_start3A_1710 = arith.constant 24 : i32
      %dma_start3A_1711 = tpu.memref_slice %arg3[%dma_start3A_1710, %multiple_of3A_1671] : memref<64x1000000xf32, #tpu.memory_space<hbm>> -> memref<8x128xf32, #tpu.memory_space<hbm>>
      tpu.enqueue_dma source(%dma_start3A_1711 : memref<8x128xf32, #tpu.memory_space<hbm>>) target(%dma_start3A_1709 : memref<8x128xf32, #tpu.memory_space<vmem>>) target_semaphore(%arg11 : memref<!tpu.dma_semaphore, #tpu.memory_space<semaphore_mem>>)
      %dma_start3A_1712 = arith.constant 96 : i32
      %dma_start3A_1713 = arith.constant 0 : i32
      %dma_start3A_1714 = tpu.memref_slice %arg7[%dma_start3A_1712, %dma_start3A_1713] : memref<256x128xf32, #tpu.memory_space<vmem>> -> memref<8x128xf32, #tpu.memory_space<vmem>>
      %dma_start3A_1715 = arith.constant 32 : i32
      %dma_start3A_1716 = tpu.memref_slice %arg3[%dma_start3A_1715, %multiple_of3A_1671] : memref<64x1000000xf32, #tpu.memory_space<hbm>> -> memref<8x128xf32, #tpu.memory_space<hbm>>
      %dma_start3A_1717 = arith.constant 96 : i32
      %dma_start3A_1718 = arith.constant 0 : i32
      %dma_start3A_1719 = tpu.memref_slice %arg7[%dma_start3A_1717, %dma_start3A_1718] : memref<256x128xf32, #tpu.memory_space<vmem>> -> memref<8x128xf32, #tpu.memory_space<vmem>>
      %dma_start3A_1720 = arith.constant 32 : i32
      %dma_start3A_1721 = tpu.memref_slice %arg3[%dma_start3A_1720, %multiple_of3A_1671] : memref<64x1000000xf32, #tpu.memory_space<hbm>> -> memref<8x128xf32, #tpu.memory_space<hbm>>
      tpu.enqueue_dma source(%dma_start3A_1721 : memref<8x128xf32, #tpu.memory_space<hbm>>) target(%dma_start3A_1719 : memref<8x128xf32, #tpu.memory_space<vmem>>) target_semaphore(%arg11 : memref<!tpu.dma_semaphore, #tpu.memory_space<semaphore_mem>>)
      %dma_start3A_1722 = arith.constant 104 : i32
      %dma_start3A_1723 = arith.constant 0 : i32
      %dma_start3A_1724 = tpu.memref_slice %arg7[%dma_start3A_1722, %dma_start3A_1723] : memref<256x128xf32, #tpu.memory_space<vmem>> -> memref<8x128xf32, #tpu.memory_space<vmem>>
      %dma_start3A_1725 = arith.constant 40 : i32
      %dma_start3A_1726 = tpu.memref_slice %arg3[%dma_start3A_1725, %multiple_of3A_1671] : memref<64x1000000xf32, #tpu.memory_space<hbm>> -> memref<8x128xf32, #tpu.memory_space<hbm>>
      %dma_start3A_1727 = arith.constant 104 : i32
      %dma_start3A_1728 = arith.constant 0 : i32
      %dma_start3A_1729 = tpu.memref_slice %arg7[%dma_start3A_1727, %dma_start3A_1728] : memref<256x128xf32, #tpu.memory_space<vmem>> -> memref<8x128xf32, #tpu.memory_space<vmem>>
      %dma_start3A_1730 = arith.constant 40 : i32
      %dma_start3A_1731 = tpu.memref_slice %arg3[%dma_start3A_1730, %multiple_of3A_1671] : memref<64x1000000xf32, #tpu.memory_space<hbm>> -> memref<8x128xf32, #tpu.memory_space<hbm>>
      tpu.enqueue_dma source(%dma_start3A_1731 : memref<8x128xf32, #tpu.memory_space<hbm>>) target(%dma_start3A_1729 : memref<8x128xf32, #tpu.memory_space<vmem>>) target_semaphore(%arg11 : memref<!tpu.dma_semaphore, #tpu.memory_space<semaphore_mem>>)
      %dma_start3A_1732 = arith.constant 112 : i32
      %dma_start3A_1733 = arith.constant 0 : i32
      %dma_start3A_1734 = tpu.memref_slice %arg7[%dma_start3A_1732, %dma_start3A_1733] : memref<256x128xf32, #tpu.memory_space<vmem>> -> memref<8x128xf32, #tpu.memory_space<vmem>>
      %dma_start3A_1735 = arith.constant 48 : i32
      %dma_start3A_1736 = tpu.memref_slice %arg3[%dma_start3A_1735, %multiple_of3A_1671] : memref<64x1000000xf32, #tpu.memory_space<hbm>> -> memref<8x128xf32, #tpu.memory_space<hbm>>
      %dma_start3A_1737 = arith.constant 112 : i32
      %dma_start3A_1738 = arith.constant 0 : i32
      %dma_start3A_1739 = tpu.memref_slice %arg7[%dma_start3A_1737, %dma_start3A_1738] : memref<256x128xf32, #tpu.memory_space<vmem>> -> memref<8x128xf32, #tpu.memory_space<vmem>>
      %dma_start3A_1740 = arith.constant 48 : i32
      %dma_start3A_1741 = tpu.memref_slice %arg3[%dma_start3A_1740, %multiple_of3A_1671] : memref<64x1000000xf32, #tpu.memory_space<hbm>> -> memref<8x128xf32, #tpu.memory_space<hbm>>
      tpu.enqueue_dma source(%dma_start3A_1741 : memref<8x128xf32, #tpu.memory_space<hbm>>) target(%dma_start3A_1739 : memref<8x128xf32, #tpu.memory_space<vmem>>) target_semaphore(%arg11 : memref<!tpu.dma_semaphore, #tpu.memory_space<semaphore_mem>>)
      %dma_start3A_1742 = arith.constant 120 : i32
      %dma_start3A_1743 = arith.constant 0 : i32
      %dma_start3A_1744 = tpu.memref_slice %arg7[%dma_start3A_1742, %dma_start3A_1743] : memref<256x128xf32, #tpu.memory_space<vmem>> -> memref<8x128xf32, #tpu.memory_space<vmem>>
      %dma_start3A_1745 = arith.constant 56 : i32
      %dma_start3A_1746 = tpu.memref_slice %arg3[%dma_start3A_1745, %multiple_of3A_1671] : memref<64x1000000xf32, #tpu.memory_space<hbm>> -> memref<8x128xf32, #tpu.memory_space<hbm>>
      %dma_start3A_1747 = arith.constant 120 : i32
      %dma_start3A_1748 = arith.constant 0 : i32
      %dma_start3A_1749 = tpu.memref_slice %arg7[%dma_start3A_1747, %dma_start3A_1748] : memref<256x128xf32, #tpu.memory_space<vmem>> -> memref<8x128xf32, #tpu.memory_space<vmem>>
      %dma_start3A_1750 = arith.constant 56 : i32
      %dma_start3A_1751 = tpu.memref_slice %arg3[%dma_start3A_1750, %multiple_of3A_1671] : memref<64x1000000xf32, #tpu.memory_space<hbm>> -> memref<8x128xf32, #tpu.memory_space<hbm>>
      tpu.enqueue_dma source(%dma_start3A_1751 : memref<8x128xf32, #tpu.memory_space<hbm>>) target(%dma_start3A_1749 : memref<8x128xf32, #tpu.memory_space<vmem>>) target_semaphore(%arg11 : memref<!tpu.dma_semaphore, #tpu.memory_space<semaphore_mem>>)
      %sub3A_1752 = arith.constant 1 : i32
      %sub3A_1753 = arith.subi %scan3A_1145, %sub3A_1752 : i32
      %mul3A_1754 = arith.constant 4 : i32
      %mul3A_1755 = arith.muli %sub3A_1753, %mul3A_1754 : i32
      %add3A_1756 = arith.constant 2 : i32
      %add3A_1757 = arith.addi %mul3A_1755, %add3A_1756 : i32
      %and3A_1758 = arith.constant -16 : i32
      %and3A_1759 = arith.andi %add3A_1757, %and3A_1758 : i32
      %get3A_1760 = arith.index_cast %and3A_1759 : i32 to index
      %get3A_1761 = tpu.vector_load %arg6[%get3A_1760] {strides = array<i32>} : memref<528xi32, #tpu.memory_space<vmem>>, vector<16xi32>,
      %and3A_1762 = arith.constant 15 : i32
      %and3A_1763 = arith.andi %add3A_1757, %and3A_1762 : i32
      %eq3A_1764 = vector.broadcast %and3A_1763 : i32 to vector<16xi32>
      %eq3A_1765 = arith.cmpi eq, %iota3A, %eq3A_1764 : vector<16xi32>
      %jit3A_1766 = arith.constant 0 : i32
      %broadcast_in_dim3A_1767 = vector.broadcast %jit3A_1766 : i32 to vector<16xi32>
      %select_n3A_1768 = arith.select %eq3A_1765, %get3A_1761, %broadcast_in_dim3A_1767 : vector<16xi1>, vector<16xi32>
      %reduce_max3A_1769 = arith.constant true
      %reduce_max3A_1770 = vector.broadcast %reduce_max3A_1769 : i1 to vector<16xi1>
      %reduce_max3A_1771 = arith.constant -2147483648 : i32
      %reduce_max3A_1772 = vector.broadcast %reduce_max3A_1771 : i32 to vector<16xi32>
      %reduce_max3A_1773 = arith.xori %select_n3A_1768, %reduce_max3A_1772 : vector<16xi32>
      %reduce_max3A_1774 = tpu.scan <max>, %reduce_max3A_1773 masked %reduce_max3A_1770 : vector<16xi32>, vector<16xi1> -> vector<16xi32>
      %reduce_max3A_1775 = arith.xori %reduce_max3A_1774, %reduce_max3A_1772 : vector<16xi32>
      %reduce_max3A_1776 = vector.extract %reduce_max3A_1775[15] : i32 from vector<16xi32>
      %shift_right_logical3A_1777 = arith.constant 7 : i32
      %shift_right_logical3A_1778 = arith.shrui %reduce_max3A_1776, %shift_right_logical3A_1777 : i32
      %min3A_1779 = arith.constant 7811 : i32
      %min3A_1780 = arith.minsi %shift_right_logical3A_1778, %min3A_1779 : i32
      %mul3A_1781 = arith.constant 128 : i32
      %mul3A_1782 = arith.muli %min3A_1780, %mul3A_1781 : i32
      %multiple_of3A_1783 = tpu.assume_multiple %mul3A_1782, 128 : i32
      %dma_wait3A_1784 = arith.constant 128 : i32
      %dma_wait3A_1785 = arith.constant 0 : i32
      %dma_wait3A_1786 = tpu.memref_slice %arg7[%dma_wait3A_1784, %dma_wait3A_1785] : memref<256x128xf32, #tpu.memory_space<vmem>> -> memref<8x128xf32, #tpu.memory_space<vmem>>
      %dma_wait3A_1787 = arith.constant 0 : i32
      %dma_wait3A_1788 = tpu.memref_slice %arg3[%dma_wait3A_1787, %multiple_of3A_1783] : memref<64x1000000xf32, #tpu.memory_space<hbm>> -> memref<8x128xf32, #tpu.memory_space<hbm>>
      %dma_wait3A_1789 = arith.constant 128 : i32
      %dma_wait3A_1790 = arith.constant 0 : i32
      %dma_wait3A_1791 = tpu.memref_slice %arg7[%dma_wait3A_1789, %dma_wait3A_1790] : memref<256x128xf32, #tpu.memory_space<vmem>> -> memref<8x128xf32, #tpu.memory_space<vmem>>
      %dma_wait3A_1792 = arith.constant 0 : i32
      %dma_wait3A_1793 = tpu.memref_slice %arg3[%dma_wait3A_1792, %multiple_of3A_1783] : memref<64x1000000xf32, #tpu.memory_space<hbm>> -> memref<8x128xf32, #tpu.memory_space<hbm>>
      tpu.wait_dma2 semaphore(%arg12 : memref<!tpu.dma_semaphore, #tpu.memory_space<semaphore_mem>>) src(%dma_wait3A_1793 : memref<8x128xf32, #tpu.memory_space<hbm>>) dst(%dma_wait3A_1791 : memref<8x128xf32, #tpu.memory_space<vmem>>)
      %dma_wait3A_1794 = arith.constant 136 : i32
      %dma_wait3A_1795 = arith.constant 0 : i32
      %dma_wait3A_1796 = tpu.memref_slice %arg7[%dma_wait3A_1794, %dma_wait3A_1795] : memref<256x128xf32, #tpu.memory_space<vmem>> -> memref<8x128xf32, #tpu.memory_space<vmem>>
      %dma_wait3A_1797 = arith.constant 8 : i32
      %dma_wait3A_1798 = tpu.memref_slice %arg3[%dma_wait3A_1797, %multiple_of3A_1783] : memref<64x1000000xf32, #tpu.memory_space<hbm>> -> memref<8x128xf32, #tpu.memory_space<hbm>>
      %dma_wait3A_1799 = arith.constant 136 : i32
      %dma_wait3A_1800 = arith.constant 0 : i32
      %dma_wait3A_1801 = tpu.memref_slice %arg7[%dma_wait3A_1799, %dma_wait3A_1800] : memref<256x128xf32, #tpu.memory_space<vmem>> -> memref<8x128xf32, #tpu.memory_space<vmem>>
      %dma_wait3A_1802 = arith.constant 8 : i32
      %dma_wait3A_1803 = tpu.memref_slice %arg3[%dma_wait3A_1802, %multiple_of3A_1783] : memref<64x1000000xf32, #tpu.memory_space<hbm>> -> memref<8x128xf32, #tpu.memory_space<hbm>>
      tpu.wait_dma2 semaphore(%arg12 : memref<!tpu.dma_semaphore, #tpu.memory_space<semaphore_mem>>) src(%dma_wait3A_1803 : memref<8x128xf32, #tpu.memory_space<hbm>>) dst(%dma_wait3A_1801 : memref<8x128xf32, #tpu.memory_space<vmem>>)
      %dma_wait3A_1804 = arith.constant 144 : i32
      %dma_wait3A_1805 = arith.constant 0 : i32
      %dma_wait3A_1806 = tpu.memref_slice %arg7[%dma_wait3A_1804, %dma_wait3A_1805] : memref<256x128xf32, #tpu.memory_space<vmem>> -> memref<8x128xf32, #tpu.memory_space<vmem>>
      %dma_wait3A_1807 = arith.constant 16 : i32
      %dma_wait3A_1808 = tpu.memref_slice %arg3[%dma_wait3A_1807, %multiple_of3A_1783] : memref<64x1000000xf32, #tpu.memory_space<hbm>> -> memref<8x128xf32, #tpu.memory_space<hbm>>
      %dma_wait3A_1809 = arith.constant 144 : i32
      %dma_wait3A_1810 = arith.constant 0 : i32
      %dma_wait3A_1811 = tpu.memref_slice %arg7[%dma_wait3A_1809, %dma_wait3A_1810] : memref<256x128xf32, #tpu.memory_space<vmem>> -> memref<8x128xf32, #tpu.memory_space<vmem>>
      %dma_wait3A_1812 = arith.constant 16 : i32
      %dma_wait3A_1813 = tpu.memref_slice %arg3[%dma_wait3A_1812, %multiple_of3A_1783] : memref<64x1000000xf32, #tpu.memory_space<hbm>> -> memref<8x128xf32, #tpu.memory_space<hbm>>
      tpu.wait_dma2 semaphore(%arg12 : memref<!tpu.dma_semaphore, #tpu.memory_space<semaphore_mem>>) src(%dma_wait3A_1813 : memref<8x128xf32, #tpu.memory_space<hbm>>) dst(%dma_wait3A_1811 : memref<8x128xf32, #tpu.memory_space<vmem>>)
      %dma_wait3A_1814 = arith.constant 152 : i32
      %dma_wait3A_1815 = arith.constant 0 : i32
      %dma_wait3A_1816 = tpu.memref_slice %arg7[%dma_wait3A_1814, %dma_wait3A_1815] : memref<256x128xf32, #tpu.memory_space<vmem>> -> memref<8x128xf32, #tpu.memory_space<vmem>>
      %dma_wait3A_1817 = arith.constant 24 : i32
      %dma_wait3A_1818 = tpu.memref_slice %arg3[%dma_wait3A_1817, %multiple_of3A_1783] : memref<64x1000000xf32, #tpu.memory_space<hbm>> -> memref<8x128xf32, #tpu.memory_space<hbm>>
      %dma_wait3A_1819 = arith.constant 152 : i32
      %dma_wait3A_1820 = arith.constant 0 : i32
      %dma_wait3A_1821 = tpu.memref_slice %arg7[%dma_wait3A_1819, %dma_wait3A_1820] : memref<256x128xf32, #tpu.memory_space<vmem>> -> memref<8x128xf32, #tpu.memory_space<vmem>>
      %dma_wait3A_1822 = arith.constant 24 : i32
      %dma_wait3A_1823 = tpu.memref_slice %arg3[%dma_wait3A_1822, %multiple_of3A_1783] : memref<64x1000000xf32, #tpu.memory_space<hbm>> -> memref<8x128xf32, #tpu.memory_space<hbm>>
      tpu.wait_dma2 semaphore(%arg12 : memref<!tpu.dma_semaphore, #tpu.memory_space<semaphore_mem>>) src(%dma_wait3A_1823 : memref<8x128xf32, #tpu.memory_space<hbm>>) dst(%dma_wait3A_1821 : memref<8x128xf32, #tpu.memory_space<vmem>>)
      %dma_wait3A_1824 = arith.constant 160 : i32
      %dma_wait3A_1825 = arith.constant 0 : i32
      %dma_wait3A_1826 = tpu.memref_slice %arg7[%dma_wait3A_1824, %dma_wait3A_1825] : memref<256x128xf32, #tpu.memory_space<vmem>> -> memref<8x128xf32, #tpu.memory_space<vmem>>
      %dma_wait3A_1827 = arith.constant 32 : i32
      %dma_wait3A_1828 = tpu.memref_slice %arg3[%dma_wait3A_1827, %multiple_of3A_1783] : memref<64x1000000xf32, #tpu.memory_space<hbm>> -> memref<8x128xf32, #tpu.memory_space<hbm>>
      %dma_wait3A_1829 = arith.constant 160 : i32
      %dma_wait3A_1830 = arith.constant 0 : i32
      %dma_wait3A_1831 = tpu.memref_slice %arg7[%dma_wait3A_1829, %dma_wait3A_1830] : memref<256x128xf32, #tpu.memory_space<vmem>> -> memref<8x128xf32, #tpu.memory_space<vmem>>
      %dma_wait3A_1832 = arith.constant 32 : i32
      %dma_wait3A_1833 = tpu.memref_slice %arg3[%dma_wait3A_1832, %multiple_of3A_1783] : memref<64x1000000xf32, #tpu.memory_space<hbm>> -> memref<8x128xf32, #tpu.memory_space<hbm>>
      tpu.wait_dma2 semaphore(%arg12 : memref<!tpu.dma_semaphore, #tpu.memory_space<semaphore_mem>>) src(%dma_wait3A_1833 : memref<8x128xf32, #tpu.memory_space<hbm>>) dst(%dma_wait3A_1831 : memref<8x128xf32, #tpu.memory_space<vmem>>)
      %dma_wait3A_1834 = arith.constant 168 : i32
      %dma_wait3A_1835 = arith.constant 0 : i32
      %dma_wait3A_1836 = tpu.memref_slice %arg7[%dma_wait3A_1834, %dma_wait3A_1835] : memref<256x128xf32, #tpu.memory_space<vmem>> -> memref<8x128xf32, #tpu.memory_space<vmem>>
      %dma_wait3A_1837 = arith.constant 40 : i32
      %dma_wait3A_1838 = tpu.memref_slice %arg3[%dma_wait3A_1837, %multiple_of3A_1783] : memref<64x1000000xf32, #tpu.memory_space<hbm>> -> memref<8x128xf32, #tpu.memory_space<hbm>>
      %dma_wait3A_1839 = arith.constant 168 : i32
      %dma_wait3A_1840 = arith.constant 0 : i32
      %dma_wait3A_1841 = tpu.memref_slice %arg7[%dma_wait3A_1839, %dma_wait3A_1840] : memref<256x128xf32, #tpu.memory_space<vmem>> -> memref<8x128xf32, #tpu.memory_space<vmem>>
      %dma_wait3A_1842 = arith.constant 40 : i32
      %dma_wait3A_1843 = tpu.memref_slice %arg3[%dma_wait3A_1842, %multiple_of3A_1783] : memref<64x1000000xf32, #tpu.memory_space<hbm>> -> memref<8x128xf32, #tpu.memory_space<hbm>>
      tpu.wait_dma2 semaphore(%arg12 : memref<!tpu.dma_semaphore, #tpu.memory_space<semaphore_mem>>) src(%dma_wait3A_1843 : memref<8x128xf32, #tpu.memory_space<hbm>>) dst(%dma_wait3A_1841 : memref<8x128xf32, #tpu.memory_space<vmem>>)
      %dma_wait3A_1844 = arith.constant 176 : i32
      %dma_wait3A_1845 = arith.constant 0 : i32
      %dma_wait3A_1846 = tpu.memref_slice %arg7[%dma_wait3A_1844, %dma_wait3A_1845] : memref<256x128xf32, #tpu.memory_space<vmem>> -> memref<8x128xf32, #tpu.memory_space<vmem>>
      %dma_wait3A_1847 = arith.constant 48 : i32
      %dma_wait3A_1848 = tpu.memref_slice %arg3[%dma_wait3A_1847, %multiple_of3A_1783] : memref<64x1000000xf32, #tpu.memory_space<hbm>> -> memref<8x128xf32, #tpu.memory_space<hbm>>
      %dma_wait3A_1849 = arith.constant 176 : i32
      %dma_wait3A_1850 = arith.constant 0 : i32
      %dma_wait3A_1851 = tpu.memref_slice %arg7[%dma_wait3A_1849, %dma_wait3A_1850] : memref<256x128xf32, #tpu.memory_space<vmem>> -> memref<8x128xf32, #tpu.memory_space<vmem>>
      %dma_wait3A_1852 = arith.constant 48 : i32
      %dma_wait3A_1853 = tpu.memref_slice %arg3[%dma_wait3A_1852, %multiple_of3A_1783] : memref<64x1000000xf32, #tpu.memory_space<hbm>> -> memref<8x128xf32, #tpu.memory_space<hbm>>
      tpu.wait_dma2 semaphore(%arg12 : memref<!tpu.dma_semaphore, #tpu.memory_space<semaphore_mem>>) src(%dma_wait3A_1853 : memref<8x128xf32, #tpu.memory_space<hbm>>) dst(%dma_wait3A_1851 : memref<8x128xf32, #tpu.memory_space<vmem>>)
      %dma_wait3A_1854 = arith.constant 184 : i32
      %dma_wait3A_1855 = arith.constant 0 : i32
      %dma_wait3A_1856 = tpu.memref_slice %arg7[%dma_wait3A_1854, %dma_wait3A_1855] : memref<256x128xf32, #tpu.memory_space<vmem>> -> memref<8x128xf32, #tpu.memory_space<vmem>>
      %dma_wait3A_1857 = arith.constant 56 : i32
      %dma_wait3A_1858 = tpu.memref_slice %arg3[%dma_wait3A_1857, %multiple_of3A_1783] : memref<64x1000000xf32, #tpu.memory_space<hbm>> -> memref<8x128xf32, #tpu.memory_space<hbm>>
      %dma_wait3A_1859 = arith.constant 184 : i32
      %dma_wait3A_1860 = arith.constant 0 : i32
      %dma_wait3A_1861 = tpu.memref_slice %arg7[%dma_wait3A_1859, %dma_wait3A_1860] : memref<256x128xf32, #tpu.memory_space<vmem>> -> memref<8x128xf32, #tpu.memory_space<vmem>>
      %dma_wait3A_1862 = arith.constant 56 : i32
      %dma_wait3A_1863 = tpu.memref_slice %arg3[%dma_wait3A_1862, %multiple_of3A_1783] : memref<64x1000000xf32, #tpu.memory_space<hbm>> -> memref<8x128xf32, #tpu.memory_space<hbm>>
      tpu.wait_dma2 semaphore(%arg12 : memref<!tpu.dma_semaphore, #tpu.memory_space<semaphore_mem>>) src(%dma_wait3A_1863 : memref<8x128xf32, #tpu.memory_space<hbm>>) dst(%dma_wait3A_1861 : memref<8x128xf32, #tpu.memory_space<vmem>>)
      %and3A_1864 = arith.constant -16 : i32
      %and3A_1865 = arith.andi %add3A_1757, %and3A_1864 : i32
      %get3A_1866 = arith.index_cast %and3A_1865 : i32 to index
      %get3A_1867 = tpu.vector_load %arg6[%get3A_1866] {strides = array<i32>} : memref<528xi32, #tpu.memory_space<vmem>>, vector<16xi32>,
      %and3A_1868 = arith.constant 15 : i32
      %and3A_1869 = arith.andi %add3A_1757, %and3A_1868 : i32
      %eq3A_1870 = vector.broadcast %and3A_1869 : i32 to vector<16xi32>
      %eq3A_1871 = arith.cmpi eq, %iota3A, %eq3A_1870 : vector<16xi32>
      %jit3A_1872 = arith.constant 0 : i32
      %broadcast_in_dim3A_1873 = vector.broadcast %jit3A_1872 : i32 to vector<16xi32>
      %select_n3A_1874 = arith.select %eq3A_1871, %get3A_1867, %broadcast_in_dim3A_1873 : vector<16xi1>, vector<16xi32>
      %reduce_max3A_1875 = arith.constant true
      %reduce_max3A_1876 = vector.broadcast %reduce_max3A_1875 : i1 to vector<16xi1>
      %reduce_max3A_1877 = arith.constant -2147483648 : i32
      %reduce_max3A_1878 = vector.broadcast %reduce_max3A_1877 : i32 to vector<16xi32>
      %reduce_max3A_1879 = arith.xori %select_n3A_1874, %reduce_max3A_1878 : vector<16xi32>
      %reduce_max3A_1880 = tpu.scan <max>, %reduce_max3A_1879 masked %reduce_max3A_1876 : vector<16xi32>, vector<16xi1> -> vector<16xi32>
      %reduce_max3A_1881 = arith.xori %reduce_max3A_1880, %reduce_max3A_1878 : vector<16xi32>
      %reduce_max3A_1882 = vector.extract %reduce_max3A_1881[15] : i32 from vector<16xi32>
      %shift_right_logical3A_1883 = arith.constant 7 : i32
      %shift_right_logical3A_1884 = arith.shrui %reduce_max3A_1882, %shift_right_logical3A_1883 : i32
      %min3A_1885 = arith.constant 7811 : i32
      %min3A_1886 = arith.minsi %shift_right_logical3A_1884, %min3A_1885 : i32
      %mul3A_1887 = arith.constant 128 : i32
      %mul3A_1888 = arith.muli %min3A_1886, %mul3A_1887 : i32
      %sub3A_1889 = arith.subi %reduce_max3A_1882, %mul3A_1888 : i32
      %min3A_1890 = arith.constant 127 : i32
      %min3A_1891 = arith.minsi %sub3A_1889, %min3A_1890 : i32
      %sub3A_1892 = arith.constant 999936 : i32
      %sub3A_1893 = arith.subi %reduce_max3A_1882, %sub3A_1892 : i32
      %max3A_1894 = arith.constant 0 : i32
      %max3A_1895 = arith.maxsi %sub3A_1893, %max3A_1894 : i32
      %min3A_1896 = arith.constant 63 : i32
      %min3A_1897 = arith.minsi %max3A_1895, %min3A_1896 : i32
      %ge3A_1898 = arith.constant 999936 : i32
      %ge3A_1899 = arith.cmpi sge, %reduce_max3A_1882, %ge3A_1898 : i32
      %broadcast_in_dim3A_1900 = vector.broadcast %min3A_1891 : i32 to vector<16xi32>
      %add3A_1901 = arith.constant 128 : i32
      %add3A_1902 = vector.broadcast %add3A_1901 : i32 to vector<16xi32>
      %add3A_1903 = arith.addi %add3A_1902, %iota3A : vector<16xi32>
      %gather3A_1904 = tpu.vector_load_idx %arg7[%add3A_1903, %broadcast_in_dim3A_1900] : memref<256x128xf32, #tpu.memory_space<vmem>>[vector<16xi32>, vector<16xi32>], vector<16xf32>,
      %get3A_1905 = arith.index_cast %min3A_1897 : i32 to index
      %get3A_1906 = arith.constant 0 : index
      %get3A_1907 = tpu.vector_load %arg9[%get3A_1905, %get3A_1906] {strides = array<i32>} : memref<64x128xf32, #tpu.memory_space<vmem>>, vector<16xf32>,
      %select_n3A_1908 = arith.select %ge3A_1899, %get3A_1907, %gather3A_1904 : vector<16xf32>
      %swap3A_1909 = arith.index_cast %add3A_1757 : i32 to index
      %swap3A_1910 = arith.constant 0 : index
      %swap3A_1911 = tpu.vector_load %arg8[%swap3A_1909, %swap3A_1910] {strides = array<i32>} : memref<512x64xf32, #tpu.memory_space<vmem>>, vector<16xf32>,
      tpu.vector_store %arg8[%swap3A_1909, %swap3A_1910], %select_n3A_1908 {strides = array<i32>} : memref<512x64xf32, #tpu.memory_space<vmem>>, vector<16xf32>,
      %add3A_1912 = arith.constant 144 : i32
      %add3A_1913 = vector.broadcast %add3A_1912 : i32 to vector<16xi32>
      %add3A_1914 = arith.addi %add3A_1913, %iota3A : vector<16xi32>
      %gather3A_1915 = tpu.vector_load_idx %arg7[%add3A_1914, %broadcast_in_dim3A_1900] : memref<256x128xf32, #tpu.memory_space<vmem>>[vector<16xi32>, vector<16xi32>], vector<16xf32>,
      %get3A_1916 = arith.index_cast %min3A_1897 : i32 to index
      %get3A_1917 = arith.constant 16 : index
      %get3A_1918 = tpu.vector_load %arg9[%get3A_1916, %get3A_1917] {strides = array<i32>} : memref<64x128xf32, #tpu.memory_space<vmem>>, vector<16xf32>,
      %select_n3A_1919 = arith.select %ge3A_1899, %get3A_1918, %gather3A_1915 : vector<16xf32>
      %swap3A_1920 = arith.index_cast %add3A_1757 : i32 to index
      %swap3A_1921 = arith.constant 16 : index
      %swap3A_1922 = tpu.vector_load %arg8[%swap3A_1920, %swap3A_1921] {strides = array<i32>} : memref<512x64xf32, #tpu.memory_space<vmem>>, vector<16xf32>,
      tpu.vector_store %arg8[%swap3A_1920, %swap3A_1921], %select_n3A_1919 {strides = array<i32>} : memref<512x64xf32, #tpu.memory_space<vmem>>, vector<16xf32>,
      %add3A_1923 = arith.constant 160 : i32
      %add3A_1924 = vector.broadcast %add3A_1923 : i32 to vector<16xi32>
      %add3A_1925 = arith.addi %add3A_1924, %iota3A : vector<16xi32>
      %gather3A_1926 = tpu.vector_load_idx %arg7[%add3A_1925, %broadcast_in_dim3A_1900] : memref<256x128xf32, #tpu.memory_space<vmem>>[vector<16xi32>, vector<16xi32>], vector<16xf32>,
      %get3A_1927 = arith.index_cast %min3A_1897 : i32 to index
      %get3A_1928 = arith.constant 32 : index
      %get3A_1929 = tpu.vector_load %arg9[%get3A_1927, %get3A_1928] {strides = array<i32>} : memref<64x128xf32, #tpu.memory_space<vmem>>, vector<16xf32>,
      %select_n3A_1930 = arith.select %ge3A_1899, %get3A_1929, %gather3A_1926 : vector<16xf32>
      %swap3A_1931 = arith.index_cast %add3A_1757 : i32 to index
      %swap3A_1932 = arith.constant 32 : index
      %swap3A_1933 = tpu.vector_load %arg8[%swap3A_1931, %swap3A_1932] {strides = array<i32>} : memref<512x64xf32, #tpu.memory_space<vmem>>, vector<16xf32>,
      tpu.vector_store %arg8[%swap3A_1931, %swap3A_1932], %select_n3A_1930 {strides = array<i32>} : memref<512x64xf32, #tpu.memory_space<vmem>>, vector<16xf32>,
      %add3A_1934 = arith.constant 176 : i32
      %add3A_1935 = vector.broadcast %add3A_1934 : i32 to vector<16xi32>
      %add3A_1936 = arith.addi %add3A_1935, %iota3A : vector<16xi32>
      %gather3A_1937 = tpu.vector_load_idx %arg7[%add3A_1936, %broadcast_in_dim3A_1900] : memref<256x128xf32, #tpu.memory_space<vmem>>[vector<16xi32>, vector<16xi32>], vector<16xf32>,
      %get3A_1938 = arith.index_cast %min3A_1897 : i32 to index
      %get3A_1939 = arith.constant 48 : index
      %get3A_1940 = tpu.vector_load %arg9[%get3A_1938, %get3A_1939] {strides = array<i32>} : memref<64x128xf32, #tpu.memory_space<vmem>>, vector<16xf32>,
      %select_n3A_1941 = arith.select %ge3A_1899, %get3A_1940, %gather3A_1937 : vector<16xf32>
      %swap3A_1942 = arith.index_cast %add3A_1757 : i32 to index
      %swap3A_1943 = arith.constant 48 : index
      %swap3A_1944 = tpu.vector_load %arg8[%swap3A_1942, %swap3A_1943] {strides = array<i32>} : memref<512x64xf32, #tpu.memory_space<vmem>>, vector<16xf32>,
      tpu.vector_store %arg8[%swap3A_1942, %swap3A_1943], %select_n3A_1941 {strides = array<i32>} : memref<512x64xf32, #tpu.memory_space<vmem>>, vector<16xf32>,
      %mul3A_1945 = arith.constant 4 : i32
      %mul3A_1946 = arith.muli %scan3A_1145, %mul3A_1945 : i32
      %add3A_1947 = arith.constant 2 : i32
      %add3A_1948 = arith.addi %mul3A_1946, %add3A_1947 : i32
      %and3A_1949 = arith.constant -16 : i32
      %and3A_1950 = arith.andi %add3A_1948, %and3A_1949 : i32
      %get3A_1951 = arith.index_cast %and3A_1950 : i32 to index
      %get3A_1952 = tpu.vector_load %arg6[%get3A_1951] {strides = array<i32>} : memref<528xi32, #tpu.memory_space<vmem>>, vector<16xi32>,
      %and3A_1953 = arith.constant 15 : i32
      %and3A_1954 = arith.andi %add3A_1948, %and3A_1953 : i32
      %eq3A_1955 = vector.broadcast %and3A_1954 : i32 to vector<16xi32>
      %eq3A_1956 = arith.cmpi eq, %iota3A, %eq3A_1955 : vector<16xi32>
      %jit3A_1957 = arith.constant 0 : i32
      %broadcast_in_dim3A_1958 = vector.broadcast %jit3A_1957 : i32 to vector<16xi32>
      %select_n3A_1959 = arith.select %eq3A_1956, %get3A_1952, %broadcast_in_dim3A_1958 : vector<16xi1>, vector<16xi32>
      %reduce_max3A_1960 = arith.constant true
      %reduce_max3A_1961 = vector.broadcast %reduce_max3A_1960 : i1 to vector<16xi1>
      %reduce_max3A_1962 = arith.constant -2147483648 : i32
      %reduce_max3A_1963 = vector.broadcast %reduce_max3A_1962 : i32 to vector<16xi32>
      %reduce_max3A_1964 = arith.xori %select_n3A_1959, %reduce_max3A_1963 : vector<16xi32>
      %reduce_max3A_1965 = tpu.scan <max>, %reduce_max3A_1964 masked %reduce_max3A_1961 : vector<16xi32>, vector<16xi1> -> vector<16xi32>
      %reduce_max3A_1966 = arith.xori %reduce_max3A_1965, %reduce_max3A_1963 : vector<16xi32>
      %reduce_max3A_1967 = vector.extract %reduce_max3A_1966[15] : i32 from vector<16xi32>
      %shift_right_logical3A_1968 = arith.constant 7 : i32
      %shift_right_logical3A_1969 = arith.shrui %reduce_max3A_1967, %shift_right_logical3A_1968 : i32
      %min3A_1970 = arith.constant 7811 : i32
      %min3A_1971 = arith.minsi %shift_right_logical3A_1969, %min3A_1970 : i32
      %mul3A_1972 = arith.constant 128 : i32
      %mul3A_1973 = arith.muli %min3A_1971, %mul3A_1972 : i32
      %multiple_of3A_1974 = tpu.assume_multiple %mul3A_1973, 128 : i32
      %dma_start3A_1975 = arith.constant 128 : i32
      %dma_start3A_1976 = arith.constant 0 : i32
      %dma_start3A_1977 = tpu.memref_slice %arg7[%dma_start3A_1975, %dma_start3A_1976] : memref<256x128xf32, #tpu.memory_space<vmem>> -> memref<8x128xf32, #tpu.memory_space<vmem>>
      %dma_start3A_1978 = arith.constant 0 : i32
      %dma_start3A_1979 = tpu.memref_slice %arg3[%dma_start3A_1978, %multiple_of3A_1974] : memref<64x1000000xf32, #tpu.memory_space<hbm>> -> memref<8x128xf32, #tpu.memory_space<hbm>>
      %dma_start3A_1980 = arith.constant 128 : i32
      %dma_start3A_1981 = arith.constant 0 : i32
      %dma_start3A_1982 = tpu.memref_slice %arg7[%dma_start3A_1980, %dma_start3A_1981] : memref<256x128xf32, #tpu.memory_space<vmem>> -> memref<8x128xf32, #tpu.memory_space<vmem>>
      %dma_start3A_1983 = arith.constant 0 : i32
      %dma_start3A_1984 = tpu.memref_slice %arg3[%dma_start3A_1983, %multiple_of3A_1974] : memref<64x1000000xf32, #tpu.memory_space<hbm>> -> memref<8x128xf32, #tpu.memory_space<hbm>>
      tpu.enqueue_dma source(%dma_start3A_1984 : memref<8x128xf32, #tpu.memory_space<hbm>>) target(%dma_start3A_1982 : memref<8x128xf32, #tpu.memory_space<vmem>>) target_semaphore(%arg12 : memref<!tpu.dma_semaphore, #tpu.memory_space<semaphore_mem>>)
      %dma_start3A_1985 = arith.constant 136 : i32
      %dma_start3A_1986 = arith.constant 0 : i32
      %dma_start3A_1987 = tpu.memref_slice %arg7[%dma_start3A_1985, %dma_start3A_1986] : memref<256x128xf32, #tpu.memory_space<vmem>> -> memref<8x128xf32, #tpu.memory_space<vmem>>
      %dma_start3A_1988 = arith.constant 8 : i32
      %dma_start3A_1989 = tpu.memref_slice %arg3[%dma_start3A_1988, %multiple_of3A_1974] : memref<64x1000000xf32, #tpu.memory_space<hbm>> -> memref<8x128xf32, #tpu.memory_space<hbm>>
      %dma_start3A_1990 = arith.constant 136 : i32
      %dma_start3A_1991 = arith.constant 0 : i32
      %dma_start3A_1992 = tpu.memref_slice %arg7[%dma_start3A_1990, %dma_start3A_1991] : memref<256x128xf32, #tpu.memory_space<vmem>> -> memref<8x128xf32, #tpu.memory_space<vmem>>
      %dma_start3A_1993 = arith.constant 8 : i32
      %dma_start3A_1994 = tpu.memref_slice %arg3[%dma_start3A_1993, %multiple_of3A_1974] : memref<64x1000000xf32, #tpu.memory_space<hbm>> -> memref<8x128xf32, #tpu.memory_space<hbm>>
      tpu.enqueue_dma source(%dma_start3A_1994 : memref<8x128xf32, #tpu.memory_space<hbm>>) target(%dma_start3A_1992 : memref<8x128xf32, #tpu.memory_space<vmem>>) target_semaphore(%arg12 : memref<!tpu.dma_semaphore, #tpu.memory_space<semaphore_mem>>)
      %dma_start3A_1995 = arith.constant 144 : i32
      %dma_start3A_1996 = arith.constant 0 : i32
      %dma_start3A_1997 = tpu.memref_slice %arg7[%dma_start3A_1995, %dma_start3A_1996] : memref<256x128xf32, #tpu.memory_space<vmem>> -> memref<8x128xf32, #tpu.memory_space<vmem>>
      %dma_start3A_1998 = arith.constant 16 : i32
      %dma_start3A_1999 = tpu.memref_slice %arg3[%dma_start3A_1998, %multiple_of3A_1974] : memref<64x1000000xf32, #tpu.memory_space<hbm>> -> memref<8x128xf32, #tpu.memory_space<hbm>>
      %dma_start3A_2000 = arith.constant 144 : i32
      %dma_start3A_2001 = arith.constant 0 : i32
      %dma_start3A_2002 = tpu.memref_slice %arg7[%dma_start3A_2000, %dma_start3A_2001] : memref<256x128xf32, #tpu.memory_space<vmem>> -> memref<8x128xf32, #tpu.memory_space<vmem>>
      %dma_start3A_2003 = arith.constant 16 : i32
      %dma_start3A_2004 = tpu.memref_slice %arg3[%dma_start3A_2003, %multiple_of3A_1974] : memref<64x1000000xf32, #tpu.memory_space<hbm>> -> memref<8x128xf32, #tpu.memory_space<hbm>>
      tpu.enqueue_dma source(%dma_start3A_2004 : memref<8x128xf32, #tpu.memory_space<hbm>>) target(%dma_start3A_2002 : memref<8x128xf32, #tpu.memory_space<vmem>>) target_semaphore(%arg12 : memref<!tpu.dma_semaphore, #tpu.memory_space<semaphore_mem>>)
      %dma_start3A_2005 = arith.constant 152 : i32
      %dma_start3A_2006 = arith.constant 0 : i32
      %dma_start3A_2007 = tpu.memref_slice %arg7[%dma_start3A_2005, %dma_start3A_2006] : memref<256x128xf32, #tpu.memory_space<vmem>> -> memref<8x128xf32, #tpu.memory_space<vmem>>
      %dma_start3A_2008 = arith.constant 24 : i32
      %dma_start3A_2009 = tpu.memref_slice %arg3[%dma_start3A_2008, %multiple_of3A_1974] : memref<64x1000000xf32, #tpu.memory_space<hbm>> -> memref<8x128xf32, #tpu.memory_space<hbm>>
      %dma_start3A_2010 = arith.constant 152 : i32
      %dma_start3A_2011 = arith.constant 0 : i32
      %dma_start3A_2012 = tpu.memref_slice %arg7[%dma_start3A_2010, %dma_start3A_2011] : memref<256x128xf32, #tpu.memory_space<vmem>> -> memref<8x128xf32, #tpu.memory_space<vmem>>
      %dma_start3A_2013 = arith.constant 24 : i32
      %dma_start3A_2014 = tpu.memref_slice %arg3[%dma_start3A_2013, %multiple_of3A_1974] : memref<64x1000000xf32, #tpu.memory_space<hbm>> -> memref<8x128xf32, #tpu.memory_space<hbm>>
      tpu.enqueue_dma source(%dma_start3A_2014 : memref<8x128xf32, #tpu.memory_space<hbm>>) target(%dma_start3A_2012 : memref<8x128xf32, #tpu.memory_space<vmem>>) target_semaphore(%arg12 : memref<!tpu.dma_semaphore, #tpu.memory_space<semaphore_mem>>)
      %dma_start3A_2015 = arith.constant 160 : i32
      %dma_start3A_2016 = arith.constant 0 : i32
      %dma_start3A_2017 = tpu.memref_slice %arg7[%dma_start3A_2015, %dma_start3A_2016] : memref<256x128xf32, #tpu.memory_space<vmem>> -> memref<8x128xf32, #tpu.memory_space<vmem>>
      %dma_start3A_2018 = arith.constant 32 : i32
      %dma_start3A_2019 = tpu.memref_slice %arg3[%dma_start3A_2018, %multiple_of3A_1974] : memref<64x1000000xf32, #tpu.memory_space<hbm>> -> memref<8x128xf32, #tpu.memory_space<hbm>>
      %dma_start3A_2020 = arith.constant 160 : i32
      %dma_start3A_2021 = arith.constant 0 : i32
      %dma_start3A_2022 = tpu.memref_slice %arg7[%dma_start3A_2020, %dma_start3A_2021] : memref<256x128xf32, #tpu.memory_space<vmem>> -> memref<8x128xf32, #tpu.memory_space<vmem>>
      %dma_start3A_2023 = arith.constant 32 : i32
      %dma_start3A_2024 = tpu.memref_slice %arg3[%dma_start3A_2023, %multiple_of3A_1974] : memref<64x1000000xf32, #tpu.memory_space<hbm>> -> memref<8x128xf32, #tpu.memory_space<hbm>>
      tpu.enqueue_dma source(%dma_start3A_2024 : memref<8x128xf32, #tpu.memory_space<hbm>>) target(%dma_start3A_2022 : memref<8x128xf32, #tpu.memory_space<vmem>>) target_semaphore(%arg12 : memref<!tpu.dma_semaphore, #tpu.memory_space<semaphore_mem>>)
      %dma_start3A_2025 = arith.constant 168 : i32
      %dma_start3A_2026 = arith.constant 0 : i32
      %dma_start3A_2027 = tpu.memref_slice %arg7[%dma_start3A_2025, %dma_start3A_2026] : memref<256x128xf32, #tpu.memory_space<vmem>> -> memref<8x128xf32, #tpu.memory_space<vmem>>
      %dma_start3A_2028 = arith.constant 40 : i32
      %dma_start3A_2029 = tpu.memref_slice %arg3[%dma_start3A_2028, %multiple_of3A_1974] : memref<64x1000000xf32, #tpu.memory_space<hbm>> -> memref<8x128xf32, #tpu.memory_space<hbm>>
      %dma_start3A_2030 = arith.constant 168 : i32
      %dma_start3A_2031 = arith.constant 0 : i32
      %dma_start3A_2032 = tpu.memref_slice %arg7[%dma_start3A_2030, %dma_start3A_2031] : memref<256x128xf32, #tpu.memory_space<vmem>> -> memref<8x128xf32, #tpu.memory_space<vmem>>
      %dma_start3A_2033 = arith.constant 40 : i32
      %dma_start3A_2034 = tpu.memref_slice %arg3[%dma_start3A_2033, %multiple_of3A_1974] : memref<64x1000000xf32, #tpu.memory_space<hbm>> -> memref<8x128xf32, #tpu.memory_space<hbm>>
      tpu.enqueue_dma source(%dma_start3A_2034 : memref<8x128xf32, #tpu.memory_space<hbm>>) target(%dma_start3A_2032 : memref<8x128xf32, #tpu.memory_space<vmem>>) target_semaphore(%arg12 : memref<!tpu.dma_semaphore, #tpu.memory_space<semaphore_mem>>)
      %dma_start3A_2035 = arith.constant 176 : i32
      %dma_start3A_2036 = arith.constant 0 : i32
      %dma_start3A_2037 = tpu.memref_slice %arg7[%dma_start3A_2035, %dma_start3A_2036] : memref<256x128xf32, #tpu.memory_space<vmem>> -> memref<8x128xf32, #tpu.memory_space<vmem>>
      %dma_start3A_2038 = arith.constant 48 : i32
      %dma_start3A_2039 = tpu.memref_slice %arg3[%dma_start3A_2038, %multiple_of3A_1974] : memref<64x1000000xf32, #tpu.memory_space<hbm>> -> memref<8x128xf32, #tpu.memory_space<hbm>>
      %dma_start3A_2040 = arith.constant 176 : i32
      %dma_start3A_2041 = arith.constant 0 : i32
      %dma_start3A_2042 = tpu.memref_slice %arg7[%dma_start3A_2040, %dma_start3A_2041] : memref<256x128xf32, #tpu.memory_space<vmem>> -> memref<8x128xf32, #tpu.memory_space<vmem>>
      %dma_start3A_2043 = arith.constant 48 : i32
      %dma_start3A_2044 = tpu.memref_slice %arg3[%dma_start3A_2043, %multiple_of3A_1974] : memref<64x1000000xf32, #tpu.memory_space<hbm>> -> memref<8x128xf32, #tpu.memory_space<hbm>>
      tpu.enqueue_dma source(%dma_start3A_2044 : memref<8x128xf32, #tpu.memory_space<hbm>>) target(%dma_start3A_2042 : memref<8x128xf32, #tpu.memory_space<vmem>>) target_semaphore(%arg12 : memref<!tpu.dma_semaphore, #tpu.memory_space<semaphore_mem>>)
      %dma_start3A_2045 = arith.constant 184 : i32
      %dma_start3A_2046 = arith.constant 0 : i32
      %dma_start3A_2047 = tpu.memref_slice %arg7[%dma_start3A_2045, %dma_start3A_2046] : memref<256x128xf32, #tpu.memory_space<vmem>> -> memref<8x128xf32, #tpu.memory_space<vmem>>
      %dma_start3A_2048 = arith.constant 56 : i32
      %dma_start3A_2049 = tpu.memref_slice %arg3[%dma_start3A_2048, %multiple_of3A_1974] : memref<64x1000000xf32, #tpu.memory_space<hbm>> -> memref<8x128xf32, #tpu.memory_space<hbm>>
      %dma_start3A_2050 = arith.constant 184 : i32
      %dma_start3A_2051 = arith.constant 0 : i32
      %dma_start3A_2052 = tpu.memref_slice %arg7[%dma_start3A_2050, %dma_start3A_2051] : memref<256x128xf32, #tpu.memory_space<vmem>> -> memref<8x128xf32, #tpu.memory_space<vmem>>
      %dma_start3A_2053 = arith.constant 56 : i32
      %dma_start3A_2054 = tpu.memref_slice %arg3[%dma_start3A_2053, %multiple_of3A_1974] : memref<64x1000000xf32, #tpu.memory_space<hbm>> -> memref<8x128xf32, #tpu.memory_space<hbm>>
      tpu.enqueue_dma source(%dma_start3A_2054 : memref<8x128xf32, #tpu.memory_space<hbm>>) target(%dma_start3A_2052 : memref<8x128xf32, #tpu.memory_space<vmem>>) target_semaphore(%arg12 : memref<!tpu.dma_semaphore, #tpu.memory_space<semaphore_mem>>)
      %sub3A_2055 = arith.constant 1 : i32
      %sub3A_2056 = arith.subi %scan3A_1145, %sub3A_2055 : i32
      %mul3A_2057 = arith.constant 4 : i32
      %mul3A_2058 = arith.muli %sub3A_2056, %mul3A_2057 : i32
      %add3A_2059 = arith.constant 3 : i32
      %add3A_2060 = arith.addi %mul3A_2058, %add3A_2059 : i32
      %and3A_2061 = arith.constant -16 : i32
      %and3A_2062 = arith.andi %add3A_2060, %and3A_2061 : i32
      %get3A_2063 = arith.index_cast %and3A_2062 : i32 to index
      %get3A_2064 = tpu.vector_load %arg6[%get3A_2063] {strides = array<i32>} : memref<528xi32, #tpu.memory_space<vmem>>, vector<16xi32>,
      %and3A_2065 = arith.constant 15 : i32
      %and3A_2066 = arith.andi %add3A_2060, %and3A_2065 : i32
      %eq3A_2067 = vector.broadcast %and3A_2066 : i32 to vector<16xi32>
      %eq3A_2068 = arith.cmpi eq, %iota3A, %eq3A_2067 : vector<16xi32>
      %jit3A_2069 = arith.constant 0 : i32
      %broadcast_in_dim3A_2070 = vector.broadcast %jit3A_2069 : i32 to vector<16xi32>
      %select_n3A_2071 = arith.select %eq3A_2068, %get3A_2064, %broadcast_in_dim3A_2070 : vector<16xi1>, vector<16xi32>
      %reduce_max3A_2072 = arith.constant true
      %reduce_max3A_2073 = vector.broadcast %reduce_max3A_2072 : i1 to vector<16xi1>
      %reduce_max3A_2074 = arith.constant -2147483648 : i32
      %reduce_max3A_2075 = vector.broadcast %reduce_max3A_2074 : i32 to vector<16xi32>
      %reduce_max3A_2076 = arith.xori %select_n3A_2071, %reduce_max3A_2075 : vector<16xi32>
      %reduce_max3A_2077 = tpu.scan <max>, %reduce_max3A_2076 masked %reduce_max3A_2073 : vector<16xi32>, vector<16xi1> -> vector<16xi32>
      %reduce_max3A_2078 = arith.xori %reduce_max3A_2077, %reduce_max3A_2075 : vector<16xi32>
      %reduce_max3A_2079 = vector.extract %reduce_max3A_2078[15] : i32 from vector<16xi32>
      %shift_right_logical3A_2080 = arith.constant 7 : i32
      %shift_right_logical3A_2081 = arith.shrui %reduce_max3A_2079, %shift_right_logical3A_2080 : i32
      %min3A_2082 = arith.constant 7811 : i32
      %min3A_2083 = arith.minsi %shift_right_logical3A_2081, %min3A_2082 : i32
      %mul3A_2084 = arith.constant 128 : i32
      %mul3A_2085 = arith.muli %min3A_2083, %mul3A_2084 : i32
      %multiple_of3A_2086 = tpu.assume_multiple %mul3A_2085, 128 : i32
      %dma_wait3A_2087 = arith.constant 192 : i32
      %dma_wait3A_2088 = arith.constant 0 : i32
      %dma_wait3A_2089 = tpu.memref_slice %arg7[%dma_wait3A_2087, %dma_wait3A_2088] : memref<256x128xf32, #tpu.memory_space<vmem>> -> memref<8x128xf32, #tpu.memory_space<vmem>>
      %dma_wait3A_2090 = arith.constant 0 : i32
      %dma_wait3A_2091 = tpu.memref_slice %arg3[%dma_wait3A_2090, %multiple_of3A_2086] : memref<64x1000000xf32, #tpu.memory_space<hbm>> -> memref<8x128xf32, #tpu.memory_space<hbm>>
      %dma_wait3A_2092 = arith.constant 192 : i32
      %dma_wait3A_2093 = arith.constant 0 : i32
      %dma_wait3A_2094 = tpu.memref_slice %arg7[%dma_wait3A_2092, %dma_wait3A_2093] : memref<256x128xf32, #tpu.memory_space<vmem>> -> memref<8x128xf32, #tpu.memory_space<vmem>>
      %dma_wait3A_2095 = arith.constant 0 : i32
      %dma_wait3A_2096 = tpu.memref_slice %arg3[%dma_wait3A_2095, %multiple_of3A_2086] : memref<64x1000000xf32, #tpu.memory_space<hbm>> -> memref<8x128xf32, #tpu.memory_space<hbm>>
      tpu.wait_dma2 semaphore(%arg13 : memref<!tpu.dma_semaphore, #tpu.memory_space<semaphore_mem>>) src(%dma_wait3A_2096 : memref<8x128xf32, #tpu.memory_space<hbm>>) dst(%dma_wait3A_2094 : memref<8x128xf32, #tpu.memory_space<vmem>>)
      %dma_wait3A_2097 = arith.constant 200 : i32
      %dma_wait3A_2098 = arith.constant 0 : i32
      %dma_wait3A_2099 = tpu.memref_slice %arg7[%dma_wait3A_2097, %dma_wait3A_2098] : memref<256x128xf32, #tpu.memory_space<vmem>> -> memref<8x128xf32, #tpu.memory_space<vmem>>
      %dma_wait3A_2100 = arith.constant 8 : i32
      %dma_wait3A_2101 = tpu.memref_slice %arg3[%dma_wait3A_2100, %multiple_of3A_2086] : memref<64x1000000xf32, #tpu.memory_space<hbm>> -> memref<8x128xf32, #tpu.memory_space<hbm>>
      %dma_wait3A_2102 = arith.constant 200 : i32
      %dma_wait3A_2103 = arith.constant 0 : i32
      %dma_wait3A_2104 = tpu.memref_slice %arg7[%dma_wait3A_2102, %dma_wait3A_2103] : memref<256x128xf32, #tpu.memory_space<vmem>> -> memref<8x128xf32, #tpu.memory_space<vmem>>
      %dma_wait3A_2105 = arith.constant 8 : i32
      %dma_wait3A_2106 = tpu.memref_slice %arg3[%dma_wait3A_2105, %multiple_of3A_2086] : memref<64x1000000xf32, #tpu.memory_space<hbm>> -> memref<8x128xf32, #tpu.memory_space<hbm>>
      tpu.wait_dma2 semaphore(%arg13 : memref<!tpu.dma_semaphore, #tpu.memory_space<semaphore_mem>>) src(%dma_wait3A_2106 : memref<8x128xf32, #tpu.memory_space<hbm>>) dst(%dma_wait3A_2104 : memref<8x128xf32, #tpu.memory_space<vmem>>)
      %dma_wait3A_2107 = arith.constant 208 : i32
      %dma_wait3A_2108 = arith.constant 0 : i32
      %dma_wait3A_2109 = tpu.memref_slice %arg7[%dma_wait3A_2107, %dma_wait3A_2108] : memref<256x128xf32, #tpu.memory_space<vmem>> -> memref<8x128xf32, #tpu.memory_space<vmem>>
      %dma_wait3A_2110 = arith.constant 16 : i32
      %dma_wait3A_2111 = tpu.memref_slice %arg3[%dma_wait3A_2110, %multiple_of3A_2086] : memref<64x1000000xf32, #tpu.memory_space<hbm>> -> memref<8x128xf32, #tpu.memory_space<hbm>>
      %dma_wait3A_2112 = arith.constant 208 : i32
      %dma_wait3A_2113 = arith.constant 0 : i32
      %dma_wait3A_2114 = tpu.memref_slice %arg7[%dma_wait3A_2112, %dma_wait3A_2113] : memref<256x128xf32, #tpu.memory_space<vmem>> -> memref<8x128xf32, #tpu.memory_space<vmem>>
      %dma_wait3A_2115 = arith.constant 16 : i32
      %dma_wait3A_2116 = tpu.memref_slice %arg3[%dma_wait3A_2115, %multiple_of3A_2086] : memref<64x1000000xf32, #tpu.memory_space<hbm>> -> memref<8x128xf32, #tpu.memory_space<hbm>>
      tpu.wait_dma2 semaphore(%arg13 : memref<!tpu.dma_semaphore, #tpu.memory_space<semaphore_mem>>) src(%dma_wait3A_2116 : memref<8x128xf32, #tpu.memory_space<hbm>>) dst(%dma_wait3A_2114 : memref<8x128xf32, #tpu.memory_space<vmem>>)
      %dma_wait3A_2117 = arith.constant 216 : i32
      %dma_wait3A_2118 = arith.constant 0 : i32
      %dma_wait3A_2119 = tpu.memref_slice %arg7[%dma_wait3A_2117, %dma_wait3A_2118] : memref<256x128xf32, #tpu.memory_space<vmem>> -> memref<8x128xf32, #tpu.memory_space<vmem>>
      %dma_wait3A_2120 = arith.constant 24 : i32
      %dma_wait3A_2121 = tpu.memref_slice %arg3[%dma_wait3A_2120, %multiple_of3A_2086] : memref<64x1000000xf32, #tpu.memory_space<hbm>> -> memref<8x128xf32, #tpu.memory_space<hbm>>
      %dma_wait3A_2122 = arith.constant 216 : i32
      %dma_wait3A_2123 = arith.constant 0 : i32
      %dma_wait3A_2124 = tpu.memref_slice %arg7[%dma_wait3A_2122, %dma_wait3A_2123] : memref<256x128xf32, #tpu.memory_space<vmem>> -> memref<8x128xf32, #tpu.memory_space<vmem>>
      %dma_wait3A_2125 = arith.constant 24 : i32
      %dma_wait3A_2126 = tpu.memref_slice %arg3[%dma_wait3A_2125, %multiple_of3A_2086] : memref<64x1000000xf32, #tpu.memory_space<hbm>> -> memref<8x128xf32, #tpu.memory_space<hbm>>
      tpu.wait_dma2 semaphore(%arg13 : memref<!tpu.dma_semaphore, #tpu.memory_space<semaphore_mem>>) src(%dma_wait3A_2126 : memref<8x128xf32, #tpu.memory_space<hbm>>) dst(%dma_wait3A_2124 : memref<8x128xf32, #tpu.memory_space<vmem>>)
      %dma_wait3A_2127 = arith.constant 224 : i32
      %dma_wait3A_2128 = arith.constant 0 : i32
      %dma_wait3A_2129 = tpu.memref_slice %arg7[%dma_wait3A_2127, %dma_wait3A_2128] : memref<256x128xf32, #tpu.memory_space<vmem>> -> memref<8x128xf32, #tpu.memory_space<vmem>>
      %dma_wait3A_2130 = arith.constant 32 : i32
      %dma_wait3A_2131 = tpu.memref_slice %arg3[%dma_wait3A_2130, %multiple_of3A_2086] : memref<64x1000000xf32, #tpu.memory_space<hbm>> -> memref<8x128xf32, #tpu.memory_space<hbm>>
      %dma_wait3A_2132 = arith.constant 224 : i32
      %dma_wait3A_2133 = arith.constant 0 : i32
      %dma_wait3A_2134 = tpu.memref_slice %arg7[%dma_wait3A_2132, %dma_wait3A_2133] : memref<256x128xf32, #tpu.memory_space<vmem>> -> memref<8x128xf32, #tpu.memory_space<vmem>>
      %dma_wait3A_2135 = arith.constant 32 : i32
      %dma_wait3A_2136 = tpu.memref_slice %arg3[%dma_wait3A_2135, %multiple_of3A_2086] : memref<64x1000000xf32, #tpu.memory_space<hbm>> -> memref<8x128xf32, #tpu.memory_space<hbm>>
      tpu.wait_dma2 semaphore(%arg13 : memref<!tpu.dma_semaphore, #tpu.memory_space<semaphore_mem>>) src(%dma_wait3A_2136 : memref<8x128xf32, #tpu.memory_space<hbm>>) dst(%dma_wait3A_2134 : memref<8x128xf32, #tpu.memory_space<vmem>>)
      %dma_wait3A_2137 = arith.constant 232 : i32
      %dma_wait3A_2138 = arith.constant 0 : i32
      %dma_wait3A_2139 = tpu.memref_slice %arg7[%dma_wait3A_2137, %dma_wait3A_2138] : memref<256x128xf32, #tpu.memory_space<vmem>> -> memref<8x128xf32, #tpu.memory_space<vmem>>
      %dma_wait3A_2140 = arith.constant 40 : i32
      %dma_wait3A_2141 = tpu.memref_slice %arg3[%dma_wait3A_2140, %multiple_of3A_2086] : memref<64x1000000xf32, #tpu.memory_space<hbm>> -> memref<8x128xf32, #tpu.memory_space<hbm>>
      %dma_wait3A_2142 = arith.constant 232 : i32
      %dma_wait3A_2143 = arith.constant 0 : i32
      %dma_wait3A_2144 = tpu.memref_slice %arg7[%dma_wait3A_2142, %dma_wait3A_2143] : memref<256x128xf32, #tpu.memory_space<vmem>> -> memref<8x128xf32, #tpu.memory_space<vmem>>
      %dma_wait3A_2145 = arith.constant 40 : i32
      %dma_wait3A_2146 = tpu.memref_slice %arg3[%dma_wait3A_2145, %multiple_of3A_2086] : memref<64x1000000xf32, #tpu.memory_space<hbm>> -> memref<8x128xf32, #tpu.memory_space<hbm>>
      tpu.wait_dma2 semaphore(%arg13 : memref<!tpu.dma_semaphore, #tpu.memory_space<semaphore_mem>>) src(%dma_wait3A_2146 : memref<8x128xf32, #tpu.memory_space<hbm>>) dst(%dma_wait3A_2144 : memref<8x128xf32, #tpu.memory_space<vmem>>)
      %dma_wait3A_2147 = arith.constant 240 : i32
      %dma_wait3A_2148 = arith.constant 0 : i32
      %dma_wait3A_2149 = tpu.memref_slice %arg7[%dma_wait3A_2147, %dma_wait3A_2148] : memref<256x128xf32, #tpu.memory_space<vmem>> -> memref<8x128xf32, #tpu.memory_space<vmem>>
      %dma_wait3A_2150 = arith.constant 48 : i32
      %dma_wait3A_2151 = tpu.memref_slice %arg3[%dma_wait3A_2150, %multiple_of3A_2086] : memref<64x1000000xf32, #tpu.memory_space<hbm>> -> memref<8x128xf32, #tpu.memory_space<hbm>>
      %dma_wait3A_2152 = arith.constant 240 : i32
      %dma_wait3A_2153 = arith.constant 0 : i32
      %dma_wait3A_2154 = tpu.memref_slice %arg7[%dma_wait3A_2152, %dma_wait3A_2153] : memref<256x128xf32, #tpu.memory_space<vmem>> -> memref<8x128xf32, #tpu.memory_space<vmem>>
      %dma_wait3A_2155 = arith.constant 48 : i32
      %dma_wait3A_2156 = tpu.memref_slice %arg3[%dma_wait3A_2155, %multiple_of3A_2086] : memref<64x1000000xf32, #tpu.memory_space<hbm>> -> memref<8x128xf32, #tpu.memory_space<hbm>>
      tpu.wait_dma2 semaphore(%arg13 : memref<!tpu.dma_semaphore, #tpu.memory_space<semaphore_mem>>) src(%dma_wait3A_2156 : memref<8x128xf32, #tpu.memory_space<hbm>>) dst(%dma_wait3A_2154 : memref<8x128xf32, #tpu.memory_space<vmem>>)
      %dma_wait3A_2157 = arith.constant 248 : i32
      %dma_wait3A_2158 = arith.constant 0 : i32
      %dma_wait3A_2159 = tpu.memref_slice %arg7[%dma_wait3A_2157, %dma_wait3A_2158] : memref<256x128xf32, #tpu.memory_space<vmem>> -> memref<8x128xf32, #tpu.memory_space<vmem>>
      %dma_wait3A_2160 = arith.constant 56 : i32
      %dma_wait3A_2161 = tpu.memref_slice %arg3[%dma_wait3A_2160, %multiple_of3A_2086] : memref<64x1000000xf32, #tpu.memory_space<hbm>> -> memref<8x128xf32, #tpu.memory_space<hbm>>
      %dma_wait3A_2162 = arith.constant 248 : i32
      %dma_wait3A_2163 = arith.constant 0 : i32
      %dma_wait3A_2164 = tpu.memref_slice %arg7[%dma_wait3A_2162, %dma_wait3A_2163] : memref<256x128xf32, #tpu.memory_space<vmem>> -> memref<8x128xf32, #tpu.memory_space<vmem>>
      %dma_wait3A_2165 = arith.constant 56 : i32
      %dma_wait3A_2166 = tpu.memref_slice %arg3[%dma_wait3A_2165, %multiple_of3A_2086] : memref<64x1000000xf32, #tpu.memory_space<hbm>> -> memref<8x128xf32, #tpu.memory_space<hbm>>
      tpu.wait_dma2 semaphore(%arg13 : memref<!tpu.dma_semaphore, #tpu.memory_space<semaphore_mem>>) src(%dma_wait3A_2166 : memref<8x128xf32, #tpu.memory_space<hbm>>) dst(%dma_wait3A_2164 : memref<8x128xf32, #tpu.memory_space<vmem>>)
      %and3A_2167 = arith.constant -16 : i32
      %and3A_2168 = arith.andi %add3A_2060, %and3A_2167 : i32
      %get3A_2169 = arith.index_cast %and3A_2168 : i32 to index
      %get3A_2170 = tpu.vector_load %arg6[%get3A_2169] {strides = array<i32>} : memref<528xi32, #tpu.memory_space<vmem>>, vector<16xi32>,
      %and3A_2171 = arith.constant 15 : i32
      %and3A_2172 = arith.andi %add3A_2060, %and3A_2171 : i32
      %eq3A_2173 = vector.broadcast %and3A_2172 : i32 to vector<16xi32>
      %eq3A_2174 = arith.cmpi eq, %iota3A, %eq3A_2173 : vector<16xi32>
      %jit3A_2175 = arith.constant 0 : i32
      %broadcast_in_dim3A_2176 = vector.broadcast %jit3A_2175 : i32 to vector<16xi32>
      %select_n3A_2177 = arith.select %eq3A_2174, %get3A_2170, %broadcast_in_dim3A_2176 : vector<16xi1>, vector<16xi32>
      %reduce_max3A_2178 = arith.constant true
      %reduce_max3A_2179 = vector.broadcast %reduce_max3A_2178 : i1 to vector<16xi1>
      %reduce_max3A_2180 = arith.constant -2147483648 : i32
      %reduce_max3A_2181 = vector.broadcast %reduce_max3A_2180 : i32 to vector<16xi32>
      %reduce_max3A_2182 = arith.xori %select_n3A_2177, %reduce_max3A_2181 : vector<16xi32>
      %reduce_max3A_2183 = tpu.scan <max>, %reduce_max3A_2182 masked %reduce_max3A_2179 : vector<16xi32>, vector<16xi1> -> vector<16xi32>
      %reduce_max3A_2184 = arith.xori %reduce_max3A_2183, %reduce_max3A_2181 : vector<16xi32>
      %reduce_max3A_2185 = vector.extract %reduce_max3A_2184[15] : i32 from vector<16xi32>
      %shift_right_logical3A_2186 = arith.constant 7 : i32
      %shift_right_logical3A_2187 = arith.shrui %reduce_max3A_2185, %shift_right_logical3A_2186 : i32
      %min3A_2188 = arith.constant 7811 : i32
      %min3A_2189 = arith.minsi %shift_right_logical3A_2187, %min3A_2188 : i32
      %mul3A_2190 = arith.constant 128 : i32
      %mul3A_2191 = arith.muli %min3A_2189, %mul3A_2190 : i32
      %sub3A_2192 = arith.subi %reduce_max3A_2185, %mul3A_2191 : i32
      %min3A_2193 = arith.constant 127 : i32
      %min3A_2194 = arith.minsi %sub3A_2192, %min3A_2193 : i32
      %sub3A_2195 = arith.constant 999936 : i32
      %sub3A_2196 = arith.subi %reduce_max3A_2185, %sub3A_2195 : i32
      %max3A_2197 = arith.constant 0 : i32
      %max3A_2198 = arith.maxsi %sub3A_2196, %max3A_2197 : i32
      %min3A_2199 = arith.constant 63 : i32
      %min3A_2200 = arith.minsi %max3A_2198, %min3A_2199 : i32
      %ge3A_2201 = arith.constant 999936 : i32
      %ge3A_2202 = arith.cmpi sge, %reduce_max3A_2185, %ge3A_2201 : i32
      %broadcast_in_dim3A_2203 = vector.broadcast %min3A_2194 : i32 to vector<16xi32>
      %add3A_2204 = arith.constant 192 : i32
      %add3A_2205 = vector.broadcast %add3A_2204 : i32 to vector<16xi32>
      %add3A_2206 = arith.addi %add3A_2205, %iota3A : vector<16xi32>
      %gather3A_2207 = tpu.vector_load_idx %arg7[%add3A_2206, %broadcast_in_dim3A_2203] : memref<256x128xf32, #tpu.memory_space<vmem>>[vector<16xi32>, vector<16xi32>], vector<16xf32>,
      %get3A_2208 = arith.index_cast %min3A_2200 : i32 to index
      %get3A_2209 = arith.constant 0 : index
      %get3A_2210 = tpu.vector_load %arg9[%get3A_2208, %get3A_2209] {strides = array<i32>} : memref<64x128xf32, #tpu.memory_space<vmem>>, vector<16xf32>,
      %select_n3A_2211 = arith.select %ge3A_2202, %get3A_2210, %gather3A_2207 : vector<16xf32>
      %swap3A_2212 = arith.index_cast %add3A_2060 : i32 to index
      %swap3A_2213 = arith.constant 0 : index
      %swap3A_2214 = tpu.vector_load %arg8[%swap3A_2212, %swap3A_2213] {strides = array<i32>} : memref<512x64xf32, #tpu.memory_space<vmem>>, vector<16xf32>,
      tpu.vector_store %arg8[%swap3A_2212, %swap3A_2213], %select_n3A_2211 {strides = array<i32>} : memref<512x64xf32, #tpu.memory_space<vmem>>, vector<16xf32>,
      %add3A_2215 = arith.constant 208 : i32
      %add3A_2216 = vector.broadcast %add3A_2215 : i32 to vector<16xi32>
      %add3A_2217 = arith.addi %add3A_2216, %iota3A : vector<16xi32>
      %gather3A_2218 = tpu.vector_load_idx %arg7[%add3A_2217, %broadcast_in_dim3A_2203] : memref<256x128xf32, #tpu.memory_space<vmem>>[vector<16xi32>, vector<16xi32>], vector<16xf32>,
      %get3A_2219 = arith.index_cast %min3A_2200 : i32 to index
      %get3A_2220 = arith.constant 16 : index
      %get3A_2221 = tpu.vector_load %arg9[%get3A_2219, %get3A_2220] {strides = array<i32>} : memref<64x128xf32, #tpu.memory_space<vmem>>, vector<16xf32>,
      %select_n3A_2222 = arith.select %ge3A_2202, %get3A_2221, %gather3A_2218 : vector<16xf32>
      %swap3A_2223 = arith.index_cast %add3A_2060 : i32 to index
      %swap3A_2224 = arith.constant 16 : index
      %swap3A_2225 = tpu.vector_load %arg8[%swap3A_2223, %swap3A_2224] {strides = array<i32>} : memref<512x64xf32, #tpu.memory_space<vmem>>, vector<16xf32>,
      tpu.vector_store %arg8[%swap3A_2223, %swap3A_2224], %select_n3A_2222 {strides = array<i32>} : memref<512x64xf32, #tpu.memory_space<vmem>>, vector<16xf32>,
      %add3A_2226 = arith.constant 224 : i32
      %add3A_2227 = vector.broadcast %add3A_2226 : i32 to vector<16xi32>
      %add3A_2228 = arith.addi %add3A_2227, %iota3A : vector<16xi32>
      %gather3A_2229 = tpu.vector_load_idx %arg7[%add3A_2228, %broadcast_in_dim3A_2203] : memref<256x128xf32, #tpu.memory_space<vmem>>[vector<16xi32>, vector<16xi32>], vector<16xf32>,
      %get3A_2230 = arith.index_cast %min3A_2200 : i32 to index
      %get3A_2231 = arith.constant 32 : index
      %get3A_2232 = tpu.vector_load %arg9[%get3A_2230, %get3A_2231] {strides = array<i32>} : memref<64x128xf32, #tpu.memory_space<vmem>>, vector<16xf32>,
      %select_n3A_2233 = arith.select %ge3A_2202, %get3A_2232, %gather3A_2229 : vector<16xf32>
      %swap3A_2234 = arith.index_cast %add3A_2060 : i32 to index
      %swap3A_2235 = arith.constant 32 : index
      %swap3A_2236 = tpu.vector_load %arg8[%swap3A_2234, %swap3A_2235] {strides = array<i32>} : memref<512x64xf32, #tpu.memory_space<vmem>>, vector<16xf32>,
      tpu.vector_store %arg8[%swap3A_2234, %swap3A_2235], %select_n3A_2233 {strides = array<i32>} : memref<512x64xf32, #tpu.memory_space<vmem>>, vector<16xf32>,
      %add3A_2237 = arith.constant 240 : i32
      %add3A_2238 = vector.broadcast %add3A_2237 : i32 to vector<16xi32>
      %add3A_2239 = arith.addi %add3A_2238, %iota3A : vector<16xi32>
      %gather3A_2240 = tpu.vector_load_idx %arg7[%add3A_2239, %broadcast_in_dim3A_2203] : memref<256x128xf32, #tpu.memory_space<vmem>>[vector<16xi32>, vector<16xi32>], vector<16xf32>,
      %get3A_2241 = arith.index_cast %min3A_2200 : i32 to index
      %get3A_2242 = arith.constant 48 : index
      %get3A_2243 = tpu.vector_load %arg9[%get3A_2241, %get3A_2242] {strides = array<i32>} : memref<64x128xf32, #tpu.memory_space<vmem>>, vector<16xf32>,
      %select_n3A_2244 = arith.select %ge3A_2202, %get3A_2243, %gather3A_2240 : vector<16xf32>
      %swap3A_2245 = arith.index_cast %add3A_2060 : i32 to index
      %swap3A_2246 = arith.constant 48 : index
      %swap3A_2247 = tpu.vector_load %arg8[%swap3A_2245, %swap3A_2246] {strides = array<i32>} : memref<512x64xf32, #tpu.memory_space<vmem>>, vector<16xf32>,
      tpu.vector_store %arg8[%swap3A_2245, %swap3A_2246], %select_n3A_2244 {strides = array<i32>} : memref<512x64xf32, #tpu.memory_space<vmem>>, vector<16xf32>,
      %mul3A_2248 = arith.constant 4 : i32
      %mul3A_2249 = arith.muli %scan3A_1145, %mul3A_2248 : i32
      %add3A_2250 = arith.constant 3 : i32
      %add3A_2251 = arith.addi %mul3A_2249, %add3A_2250 : i32
      %and3A_2252 = arith.constant -16 : i32
      %and3A_2253 = arith.andi %add3A_2251, %and3A_2252 : i32
      %get3A_2254 = arith.index_cast %and3A_2253 : i32 to index
      %get3A_2255 = tpu.vector_load %arg6[%get3A_2254] {strides = array<i32>} : memref<528xi32, #tpu.memory_space<vmem>>, vector<16xi32>,
      %and3A_2256 = arith.constant 15 : i32
      %and3A_2257 = arith.andi %add3A_2251, %and3A_2256 : i32
      %eq3A_2258 = vector.broadcast %and3A_2257 : i32 to vector<16xi32>
      %eq3A_2259 = arith.cmpi eq, %iota3A, %eq3A_2258 : vector<16xi32>
      %jit3A_2260 = arith.constant 0 : i32
      %broadcast_in_dim3A_2261 = vector.broadcast %jit3A_2260 : i32 to vector<16xi32>
      %select_n3A_2262 = arith.select %eq3A_2259, %get3A_2255, %broadcast_in_dim3A_2261 : vector<16xi1>, vector<16xi32>
      %reduce_max3A_2263 = arith.constant true
      %reduce_max3A_2264 = vector.broadcast %reduce_max3A_2263 : i1 to vector<16xi1>
      %reduce_max3A_2265 = arith.constant -2147483648 : i32
      %reduce_max3A_2266 = vector.broadcast %reduce_max3A_2265 : i32 to vector<16xi32>
      %reduce_max3A_2267 = arith.xori %select_n3A_2262, %reduce_max3A_2266 : vector<16xi32>
      %reduce_max3A_2268 = tpu.scan <max>, %reduce_max3A_2267 masked %reduce_max3A_2264 : vector<16xi32>, vector<16xi1> -> vector<16xi32>
      %reduce_max3A_2269 = arith.xori %reduce_max3A_2268, %reduce_max3A_2266 : vector<16xi32>
      %reduce_max3A_2270 = vector.extract %reduce_max3A_2269[15] : i32 from vector<16xi32>
      %shift_right_logical3A_2271 = arith.constant 7 : i32
      %shift_right_logical3A_2272 = arith.shrui %reduce_max3A_2270, %shift_right_logical3A_2271 : i32
      %min3A_2273 = arith.constant 7811 : i32
      %min3A_2274 = arith.minsi %shift_right_logical3A_2272, %min3A_2273 : i32
      %mul3A_2275 = arith.constant 128 : i32
      %mul3A_2276 = arith.muli %min3A_2274, %mul3A_2275 : i32
      %multiple_of3A_2277 = tpu.assume_multiple %mul3A_2276, 128 : i32
      %dma_start3A_2278 = arith.constant 192 : i32
      %dma_start3A_2279 = arith.constant 0 : i32
      %dma_start3A_2280 = tpu.memref_slice %arg7[%dma_start3A_2278, %dma_start3A_2279] : memref<256x128xf32, #tpu.memory_space<vmem>> -> memref<8x128xf32, #tpu.memory_space<vmem>>
      %dma_start3A_2281 = arith.constant 0 : i32
      %dma_start3A_2282 = tpu.memref_slice %arg3[%dma_start3A_2281, %multiple_of3A_2277] : memref<64x1000000xf32, #tpu.memory_space<hbm>> -> memref<8x128xf32, #tpu.memory_space<hbm>>
      %dma_start3A_2283 = arith.constant 192 : i32
      %dma_start3A_2284 = arith.constant 0 : i32
      %dma_start3A_2285 = tpu.memref_slice %arg7[%dma_start3A_2283, %dma_start3A_2284] : memref<256x128xf32, #tpu.memory_space<vmem>> -> memref<8x128xf32, #tpu.memory_space<vmem>>
      %dma_start3A_2286 = arith.constant 0 : i32
      %dma_start3A_2287 = tpu.memref_slice %arg3[%dma_start3A_2286, %multiple_of3A_2277] : memref<64x1000000xf32, #tpu.memory_space<hbm>> -> memref<8x128xf32, #tpu.memory_space<hbm>>
      tpu.enqueue_dma source(%dma_start3A_2287 : memref<8x128xf32, #tpu.memory_space<hbm>>) target(%dma_start3A_2285 : memref<8x128xf32, #tpu.memory_space<vmem>>) target_semaphore(%arg13 : memref<!tpu.dma_semaphore, #tpu.memory_space<semaphore_mem>>)
      %dma_start3A_2288 = arith.constant 200 : i32
      %dma_start3A_2289 = arith.constant 0 : i32
      %dma_start3A_2290 = tpu.memref_slice %arg7[%dma_start3A_2288, %dma_start3A_2289] : memref<256x128xf32, #tpu.memory_space<vmem>> -> memref<8x128xf32, #tpu.memory_space<vmem>>
      %dma_start3A_2291 = arith.constant 8 : i32
      %dma_start3A_2292 = tpu.memref_slice %arg3[%dma_start3A_2291, %multiple_of3A_2277] : memref<64x1000000xf32, #tpu.memory_space<hbm>> -> memref<8x128xf32, #tpu.memory_space<hbm>>
      %dma_start3A_2293 = arith.constant 200 : i32
      %dma_start3A_2294 = arith.constant 0 : i32
      %dma_start3A_2295 = tpu.memref_slice %arg7[%dma_start3A_2293, %dma_start3A_2294] : memref<256x128xf32, #tpu.memory_space<vmem>> -> memref<8x128xf32, #tpu.memory_space<vmem>>
      %dma_start3A_2296 = arith.constant 8 : i32
      %dma_start3A_2297 = tpu.memref_slice %arg3[%dma_start3A_2296, %multiple_of3A_2277] : memref<64x1000000xf32, #tpu.memory_space<hbm>> -> memref<8x128xf32, #tpu.memory_space<hbm>>
      tpu.enqueue_dma source(%dma_start3A_2297 : memref<8x128xf32, #tpu.memory_space<hbm>>) target(%dma_start3A_2295 : memref<8x128xf32, #tpu.memory_space<vmem>>) target_semaphore(%arg13 : memref<!tpu.dma_semaphore, #tpu.memory_space<semaphore_mem>>)
      %dma_start3A_2298 = arith.constant 208 : i32
      %dma_start3A_2299 = arith.constant 0 : i32
      %dma_start3A_2300 = tpu.memref_slice %arg7[%dma_start3A_2298, %dma_start3A_2299] : memref<256x128xf32, #tpu.memory_space<vmem>> -> memref<8x128xf32, #tpu.memory_space<vmem>>
      %dma_start3A_2301 = arith.constant 16 : i32
      %dma_start3A_2302 = tpu.memref_slice %arg3[%dma_start3A_2301, %multiple_of3A_2277] : memref<64x1000000xf32, #tpu.memory_space<hbm>> -> memref<8x128xf32, #tpu.memory_space<hbm>>
      %dma_start3A_2303 = arith.constant 208 : i32
      %dma_start3A_2304 = arith.constant 0 : i32
      %dma_start3A_2305 = tpu.memref_slice %arg7[%dma_start3A_2303, %dma_start3A_2304] : memref<256x128xf32, #tpu.memory_space<vmem>> -> memref<8x128xf32, #tpu.memory_space<vmem>>
      %dma_start3A_2306 = arith.constant 16 : i32
      %dma_start3A_2307 = tpu.memref_slice %arg3[%dma_start3A_2306, %multiple_of3A_2277] : memref<64x1000000xf32, #tpu.memory_space<hbm>> -> memref<8x128xf32, #tpu.memory_space<hbm>>
      tpu.enqueue_dma source(%dma_start3A_2307 : memref<8x128xf32, #tpu.memory_space<hbm>>) target(%dma_start3A_2305 : memref<8x128xf32, #tpu.memory_space<vmem>>) target_semaphore(%arg13 : memref<!tpu.dma_semaphore, #tpu.memory_space<semaphore_mem>>)
      %dma_start3A_2308 = arith.constant 216 : i32
      %dma_start3A_2309 = arith.constant 0 : i32
      %dma_start3A_2310 = tpu.memref_slice %arg7[%dma_start3A_2308, %dma_start3A_2309] : memref<256x128xf32, #tpu.memory_space<vmem>> -> memref<8x128xf32, #tpu.memory_space<vmem>>
      %dma_start3A_2311 = arith.constant 24 : i32
      %dma_start3A_2312 = tpu.memref_slice %arg3[%dma_start3A_2311, %multiple_of3A_2277] : memref<64x1000000xf32, #tpu.memory_space<hbm>> -> memref<8x128xf32, #tpu.memory_space<hbm>>
      %dma_start3A_2313 = arith.constant 216 : i32
      %dma_start3A_2314 = arith.constant 0 : i32
      %dma_start3A_2315 = tpu.memref_slice %arg7[%dma_start3A_2313, %dma_start3A_2314] : memref<256x128xf32, #tpu.memory_space<vmem>> -> memref<8x128xf32, #tpu.memory_space<vmem>>
      %dma_start3A_2316 = arith.constant 24 : i32
      %dma_start3A_2317 = tpu.memref_slice %arg3[%dma_start3A_2316, %multiple_of3A_2277] : memref<64x1000000xf32, #tpu.memory_space<hbm>> -> memref<8x128xf32, #tpu.memory_space<hbm>>
      tpu.enqueue_dma source(%dma_start3A_2317 : memref<8x128xf32, #tpu.memory_space<hbm>>) target(%dma_start3A_2315 : memref<8x128xf32, #tpu.memory_space<vmem>>) target_semaphore(%arg13 : memref<!tpu.dma_semaphore, #tpu.memory_space<semaphore_mem>>)
      %dma_start3A_2318 = arith.constant 224 : i32
      %dma_start3A_2319 = arith.constant 0 : i32
      %dma_start3A_2320 = tpu.memref_slice %arg7[%dma_start3A_2318, %dma_start3A_2319] : memref<256x128xf32, #tpu.memory_space<vmem>> -> memref<8x128xf32, #tpu.memory_space<vmem>>
      %dma_start3A_2321 = arith.constant 32 : i32
      %dma_start3A_2322 = tpu.memref_slice %arg3[%dma_start3A_2321, %multiple_of3A_2277] : memref<64x1000000xf32, #tpu.memory_space<hbm>> -> memref<8x128xf32, #tpu.memory_space<hbm>>
      %dma_start3A_2323 = arith.constant 224 : i32
      %dma_start3A_2324 = arith.constant 0 : i32
      %dma_start3A_2325 = tpu.memref_slice %arg7[%dma_start3A_2323, %dma_start3A_2324] : memref<256x128xf32, #tpu.memory_space<vmem>> -> memref<8x128xf32, #tpu.memory_space<vmem>>
      %dma_start3A_2326 = arith.constant 32 : i32
      %dma_start3A_2327 = tpu.memref_slice %arg3[%dma_start3A_2326, %multiple_of3A_2277] : memref<64x1000000xf32, #tpu.memory_space<hbm>> -> memref<8x128xf32, #tpu.memory_space<hbm>>
      tpu.enqueue_dma source(%dma_start3A_2327 : memref<8x128xf32, #tpu.memory_space<hbm>>) target(%dma_start3A_2325 : memref<8x128xf32, #tpu.memory_space<vmem>>) target_semaphore(%arg13 : memref<!tpu.dma_semaphore, #tpu.memory_space<semaphore_mem>>)
      %dma_start3A_2328 = arith.constant 232 : i32
      %dma_start3A_2329 = arith.constant 0 : i32
      %dma_start3A_2330 = tpu.memref_slice %arg7[%dma_start3A_2328, %dma_start3A_2329] : memref<256x128xf32, #tpu.memory_space<vmem>> -> memref<8x128xf32, #tpu.memory_space<vmem>>
      %dma_start3A_2331 = arith.constant 40 : i32
      %dma_start3A_2332 = tpu.memref_slice %arg3[%dma_start3A_2331, %multiple_of3A_2277] : memref<64x1000000xf32, #tpu.memory_space<hbm>> -> memref<8x128xf32, #tpu.memory_space<hbm>>
      %dma_start3A_2333 = arith.constant 232 : i32
      %dma_start3A_2334 = arith.constant 0 : i32
      %dma_start3A_2335 = tpu.memref_slice %arg7[%dma_start3A_2333, %dma_start3A_2334] : memref<256x128xf32, #tpu.memory_space<vmem>> -> memref<8x128xf32, #tpu.memory_space<vmem>>
      %dma_start3A_2336 = arith.constant 40 : i32
      %dma_start3A_2337 = tpu.memref_slice %arg3[%dma_start3A_2336, %multiple_of3A_2277] : memref<64x1000000xf32, #tpu.memory_space<hbm>> -> memref<8x128xf32, #tpu.memory_space<hbm>>
      tpu.enqueue_dma source(%dma_start3A_2337 : memref<8x128xf32, #tpu.memory_space<hbm>>) target(%dma_start3A_2335 : memref<8x128xf32, #tpu.memory_space<vmem>>) target_semaphore(%arg13 : memref<!tpu.dma_semaphore, #tpu.memory_space<semaphore_mem>>)
      %dma_start3A_2338 = arith.constant 240 : i32
      %dma_start3A_2339 = arith.constant 0 : i32
      %dma_start3A_2340 = tpu.memref_slice %arg7[%dma_start3A_2338, %dma_start3A_2339] : memref<256x128xf32, #tpu.memory_space<vmem>> -> memref<8x128xf32, #tpu.memory_space<vmem>>
      %dma_start3A_2341 = arith.constant 48 : i32
      %dma_start3A_2342 = tpu.memref_slice %arg3[%dma_start3A_2341, %multiple_of3A_2277] : memref<64x1000000xf32, #tpu.memory_space<hbm>> -> memref<8x128xf32, #tpu.memory_space<hbm>>
      %dma_start3A_2343 = arith.constant 240 : i32
      %dma_start3A_2344 = arith.constant 0 : i32
      %dma_start3A_2345 = tpu.memref_slice %arg7[%dma_start3A_2343, %dma_start3A_2344] : memref<256x128xf32, #tpu.memory_space<vmem>> -> memref<8x128xf32, #tpu.memory_space<vmem>>
      %dma_start3A_2346 = arith.constant 48 : i32
      %dma_start3A_2347 = tpu.memref_slice %arg3[%dma_start3A_2346, %multiple_of3A_2277] : memref<64x1000000xf32, #tpu.memory_space<hbm>> -> memref<8x128xf32, #tpu.memory_space<hbm>>
      tpu.enqueue_dma source(%dma_start3A_2347 : memref<8x128xf32, #tpu.memory_space<hbm>>) target(%dma_start3A_2345 : memref<8x128xf32, #tpu.memory_space<vmem>>) target_semaphore(%arg13 : memref<!tpu.dma_semaphore, #tpu.memory_space<semaphore_mem>>)
      %dma_start3A_2348 = arith.constant 248 : i32
      %dma_start3A_2349 = arith.constant 0 : i32
      %dma_start3A_2350 = tpu.memref_slice %arg7[%dma_start3A_2348, %dma_start3A_2349] : memref<256x128xf32, #tpu.memory_space<vmem>> -> memref<8x128xf32, #tpu.memory_space<vmem>>
      %dma_start3A_2351 = arith.constant 56 : i32
      %dma_start3A_2352 = tpu.memref_slice %arg3[%dma_start3A_2351, %multiple_of3A_2277] : memref<64x1000000xf32, #tpu.memory_space<hbm>> -> memref<8x128xf32, #tpu.memory_space<hbm>>
      %dma_start3A_2353 = arith.constant 248 : i32
      %dma_start3A_2354 = arith.constant 0 : i32
      %dma_start3A_2355 = tpu.memref_slice %arg7[%dma_start3A_2353, %dma_start3A_2354] : memref<256x128xf32, #tpu.memory_space<vmem>> -> memref<8x128xf32, #tpu.memory_space<vmem>>
      %dma_start3A_2356 = arith.constant 56 : i32
      %dma_start3A_2357 = tpu.memref_slice %arg3[%dma_start3A_2356, %multiple_of3A_2277] : memref<64x1000000xf32, #tpu.memory_space<hbm>> -> memref<8x128xf32, #tpu.memory_space<hbm>>
      tpu.enqueue_dma source(%dma_start3A_2357 : memref<8x128xf32, #tpu.memory_space<hbm>>) target(%dma_start3A_2355 : memref<8x128xf32, #tpu.memory_space<vmem>>) target_semaphore(%arg13 : memref<!tpu.dma_semaphore, #tpu.memory_space<semaphore_mem>>)
      %scan3A_2358 = arith.constant 0 : i32
      scf.yield %scan3A_2358 : i32
    }
    %scan3A_410 = arith.constant 127 : i32
    %get3A_411 = arith.constant 496 : index
    %get3A_412 = tpu.vector_load %arg6[%get3A_411] {strides = array<i32>} : memref<528xi32, #tpu.memory_space<vmem>>, vector<16xi32>,
    %eq3A_413 = arith.constant 12 : i32
    %eq3A_414 = vector.broadcast %eq3A_413 : i32 to vector<16xi32>
    %eq3A_415 = arith.cmpi eq, %iota3A, %eq3A_414 : vector<16xi32>
    %jit3A_416 = arith.constant 0 : i32
    %broadcast_in_dim3A_417 = vector.broadcast %jit3A_416 : i32 to vector<16xi32>
    %select_n3A_418 = arith.select %eq3A_415, %get3A_412, %broadcast_in_dim3A_417 : vector<16xi1>, vector<16xi32>
    %reduce_max3A_419 = arith.constant true
    %reduce_max3A_420 = vector.broadcast %reduce_max3A_419 : i1 to vector<16xi1>
    %reduce_max3A_421 = arith.constant -2147483648 : i32
    %reduce_max3A_422 = vector.broadcast %reduce_max3A_421 : i32 to vector<16xi32>
    %reduce_max3A_423 = arith.xori %select_n3A_418, %reduce_max3A_422 : vector<16xi32>
    %reduce_max3A_424 = tpu.scan <max>, %reduce_max3A_423 masked %reduce_max3A_420 : vector<16xi32>, vector<16xi1> -> vector<16xi32>
    %reduce_max3A_425 = arith.xori %reduce_max3A_424, %reduce_max3A_422 : vector<16xi32>
    %reduce_max3A_426 = vector.extract %reduce_max3A_425[15] : i32 from vector<16xi32>
    %shift_right_logical3A_427 = arith.constant 7 : i32
    %shift_right_logical3A_428 = arith.shrui %reduce_max3A_426, %shift_right_logical3A_427 : i32
    %min3A_429 = arith.constant 7811 : i32
    %min3A_430 = arith.minsi %shift_right_logical3A_428, %min3A_429 : i32
    %mul3A_431 = arith.constant 128 : i32
    %mul3A_432 = arith.muli %min3A_430, %mul3A_431 : i32
    %multiple_of3A_433 = tpu.assume_multiple %mul3A_432, 128 : i32
    %dma_wait3A = arith.constant 0 : i32
    %dma_wait3A_434 = arith.constant 0 : i32
    %dma_wait3A_435 = tpu.memref_slice %arg7[%dma_wait3A, %dma_wait3A_434] : memref<256x128xf32, #tpu.memory_space<vmem>> -> memref<8x128xf32, #tpu.memory_space<vmem>>
    %dma_wait3A_436 = arith.constant 0 : i32
    %dma_wait3A_437 = tpu.memref_slice %arg3[%dma_wait3A_436, %multiple_of3A_433] : memref<64x1000000xf32, #tpu.memory_space<hbm>> -> memref<8x128xf32, #tpu.memory_space<hbm>>
    %dma_wait3A_438 = arith.constant 0 : i32
    %dma_wait3A_439 = arith.constant 0 : i32
    %dma_wait3A_440 = tpu.memref_slice %arg7[%dma_wait3A_438, %dma_wait3A_439] : memref<256x128xf32, #tpu.memory_space<vmem>> -> memref<8x128xf32, #tpu.memory_space<vmem>>
    %dma_wait3A_441 = arith.constant 0 : i32
    %dma_wait3A_442 = tpu.memref_slice %arg3[%dma_wait3A_441, %multiple_of3A_433] : memref<64x1000000xf32, #tpu.memory_space<hbm>> -> memref<8x128xf32, #tpu.memory_space<hbm>>
    tpu.wait_dma2 semaphore(%arg10 : memref<!tpu.dma_semaphore, #tpu.memory_space<semaphore_mem>>) src(%dma_wait3A_442 : memref<8x128xf32, #tpu.memory_space<hbm>>) dst(%dma_wait3A_440 : memref<8x128xf32, #tpu.memory_space<vmem>>)
    %dma_wait3A_443 = arith.constant 8 : i32
    %dma_wait3A_444 = arith.constant 0 : i32
    %dma_wait3A_445 = tpu.memref_slice %arg7[%dma_wait3A_443, %dma_wait3A_444] : memref<256x128xf32, #tpu.memory_space<vmem>> -> memref<8x128xf32, #tpu.memory_space<vmem>>
    %dma_wait3A_446 = arith.constant 8 : i32
    %dma_wait3A_447 = tpu.memref_slice %arg3[%dma_wait3A_446, %multiple_of3A_433] : memref<64x1000000xf32, #tpu.memory_space<hbm>> -> memref<8x128xf32, #tpu.memory_space<hbm>>
    %dma_wait3A_448 = arith.constant 8 : i32
    %dma_wait3A_449 = arith.constant 0 : i32
    %dma_wait3A_450 = tpu.memref_slice %arg7[%dma_wait3A_448, %dma_wait3A_449] : memref<256x128xf32, #tpu.memory_space<vmem>> -> memref<8x128xf32, #tpu.memory_space<vmem>>
    %dma_wait3A_451 = arith.constant 8 : i32
    %dma_wait3A_452 = tpu.memref_slice %arg3[%dma_wait3A_451, %multiple_of3A_433] : memref<64x1000000xf32, #tpu.memory_space<hbm>> -> memref<8x128xf32, #tpu.memory_space<hbm>>
    tpu.wait_dma2 semaphore(%arg10 : memref<!tpu.dma_semaphore, #tpu.memory_space<semaphore_mem>>) src(%dma_wait3A_452 : memref<8x128xf32, #tpu.memory_space<hbm>>) dst(%dma_wait3A_450 : memref<8x128xf32, #tpu.memory_space<vmem>>)
    %dma_wait3A_453 = arith.constant 16 : i32
    %dma_wait3A_454 = arith.constant 0 : i32
    %dma_wait3A_455 = tpu.memref_slice %arg7[%dma_wait3A_453, %dma_wait3A_454] : memref<256x128xf32, #tpu.memory_space<vmem>> -> memref<8x128xf32, #tpu.memory_space<vmem>>
    %dma_wait3A_456 = arith.constant 16 : i32
    %dma_wait3A_457 = tpu.memref_slice %arg3[%dma_wait3A_456, %multiple_of3A_433] : memref<64x1000000xf32, #tpu.memory_space<hbm>> -> memref<8x128xf32, #tpu.memory_space<hbm>>
    %dma_wait3A_458 = arith.constant 16 : i32
    %dma_wait3A_459 = arith.constant 0 : i32
    %dma_wait3A_460 = tpu.memref_slice %arg7[%dma_wait3A_458, %dma_wait3A_459] : memref<256x128xf32, #tpu.memory_space<vmem>> -> memref<8x128xf32, #tpu.memory_space<vmem>>
    %dma_wait3A_461 = arith.constant 16 : i32
    %dma_wait3A_462 = tpu.memref_slice %arg3[%dma_wait3A_461, %multiple_of3A_433] : memref<64x1000000xf32, #tpu.memory_space<hbm>> -> memref<8x128xf32, #tpu.memory_space<hbm>>
    tpu.wait_dma2 semaphore(%arg10 : memref<!tpu.dma_semaphore, #tpu.memory_space<semaphore_mem>>) src(%dma_wait3A_462 : memref<8x128xf32, #tpu.memory_space<hbm>>) dst(%dma_wait3A_460 : memref<8x128xf32, #tpu.memory_space<vmem>>)
    %dma_wait3A_463 = arith.constant 24 : i32
    %dma_wait3A_464 = arith.constant 0 : i32
    %dma_wait3A_465 = tpu.memref_slice %arg7[%dma_wait3A_463, %dma_wait3A_464] : memref<256x128xf32, #tpu.memory_space<vmem>> -> memref<8x128xf32, #tpu.memory_space<vmem>>
    %dma_wait3A_466 = arith.constant 24 : i32
    %dma_wait3A_467 = tpu.memref_slice %arg3[%dma_wait3A_466, %multiple_of3A_433] : memref<64x1000000xf32, #tpu.memory_space<hbm>> -> memref<8x128xf32, #tpu.memory_space<hbm>>
    %dma_wait3A_468 = arith.constant 24 : i32
    %dma_wait3A_469 = arith.constant 0 : i32
    %dma_wait3A_470 = tpu.memref_slice %arg7[%dma_wait3A_468, %dma_wait3A_469] : memref<256x128xf32, #tpu.memory_space<vmem>> -> memref<8x128xf32, #tpu.memory_space<vmem>>
    %dma_wait3A_471 = arith.constant 24 : i32
    %dma_wait3A_472 = tpu.memref_slice %arg3[%dma_wait3A_471, %multiple_of3A_433] : memref<64x1000000xf32, #tpu.memory_space<hbm>> -> memref<8x128xf32, #tpu.memory_space<hbm>>
    tpu.wait_dma2 semaphore(%arg10 : memref<!tpu.dma_semaphore, #tpu.memory_space<semaphore_mem>>) src(%dma_wait3A_472 : memref<8x128xf32, #tpu.memory_space<hbm>>) dst(%dma_wait3A_470 : memref<8x128xf32, #tpu.memory_space<vmem>>)
    %dma_wait3A_473 = arith.constant 32 : i32
    %dma_wait3A_474 = arith.constant 0 : i32
    %dma_wait3A_475 = tpu.memref_slice %arg7[%dma_wait3A_473, %dma_wait3A_474] : memref<256x128xf32, #tpu.memory_space<vmem>> -> memref<8x128xf32, #tpu.memory_space<vmem>>
    %dma_wait3A_476 = arith.constant 32 : i32
    %dma_wait3A_477 = tpu.memref_slice %arg3[%dma_wait3A_476, %multiple_of3A_433] : memref<64x1000000xf32, #tpu.memory_space<hbm>> -> memref<8x128xf32, #tpu.memory_space<hbm>>
    %dma_wait3A_478 = arith.constant 32 : i32
    %dma_wait3A_479 = arith.constant 0 : i32
    %dma_wait3A_480 = tpu.memref_slice %arg7[%dma_wait3A_478, %dma_wait3A_479] : memref<256x128xf32, #tpu.memory_space<vmem>> -> memref<8x128xf32, #tpu.memory_space<vmem>>
    %dma_wait3A_481 = arith.constant 32 : i32
    %dma_wait3A_482 = tpu.memref_slice %arg3[%dma_wait3A_481, %multiple_of3A_433] : memref<64x1000000xf32, #tpu.memory_space<hbm>> -> memref<8x128xf32, #tpu.memory_space<hbm>>
    tpu.wait_dma2 semaphore(%arg10 : memref<!tpu.dma_semaphore, #tpu.memory_space<semaphore_mem>>) src(%dma_wait3A_482 : memref<8x128xf32, #tpu.memory_space<hbm>>) dst(%dma_wait3A_480 : memref<8x128xf32, #tpu.memory_space<vmem>>)
    %dma_wait3A_483 = arith.constant 40 : i32
    %dma_wait3A_484 = arith.constant 0 : i32
    %dma_wait3A_485 = tpu.memref_slice %arg7[%dma_wait3A_483, %dma_wait3A_484] : memref<256x128xf32, #tpu.memory_space<vmem>> -> memref<8x128xf32, #tpu.memory_space<vmem>>
    %dma_wait3A_486 = arith.constant 40 : i32
    %dma_wait3A_487 = tpu.memref_slice %arg3[%dma_wait3A_486, %multiple_of3A_433] : memref<64x1000000xf32, #tpu.memory_space<hbm>> -> memref<8x128xf32, #tpu.memory_space<hbm>>
    %dma_wait3A_488 = arith.constant 40 : i32
    %dma_wait3A_489 = arith.constant 0 : i32
    %dma_wait3A_490 = tpu.memref_slice %arg7[%dma_wait3A_488, %dma_wait3A_489] : memref<256x128xf32, #tpu.memory_space<vmem>> -> memref<8x128xf32, #tpu.memory_space<vmem>>
    %dma_wait3A_491 = arith.constant 40 : i32
    %dma_wait3A_492 = tpu.memref_slice %arg3[%dma_wait3A_491, %multiple_of3A_433] : memref<64x1000000xf32, #tpu.memory_space<hbm>> -> memref<8x128xf32, #tpu.memory_space<hbm>>
    tpu.wait_dma2 semaphore(%arg10 : memref<!tpu.dma_semaphore, #tpu.memory_space<semaphore_mem>>) src(%dma_wait3A_492 : memref<8x128xf32, #tpu.memory_space<hbm>>) dst(%dma_wait3A_490 : memref<8x128xf32, #tpu.memory_space<vmem>>)
    %dma_wait3A_493 = arith.constant 48 : i32
    %dma_wait3A_494 = arith.constant 0 : i32
    %dma_wait3A_495 = tpu.memref_slice %arg7[%dma_wait3A_493, %dma_wait3A_494] : memref<256x128xf32, #tpu.memory_space<vmem>> -> memref<8x128xf32, #tpu.memory_space<vmem>>
    %dma_wait3A_496 = arith.constant 48 : i32
    %dma_wait3A_497 = tpu.memref_slice %arg3[%dma_wait3A_496, %multiple_of3A_433] : memref<64x1000000xf32, #tpu.memory_space<hbm>> -> memref<8x128xf32, #tpu.memory_space<hbm>>
    %dma_wait3A_498 = arith.constant 48 : i32
    %dma_wait3A_499 = arith.constant 0 : i32
    %dma_wait3A_500 = tpu.memref_slice %arg7[%dma_wait3A_498, %dma_wait3A_499] : memref<256x128xf32, #tpu.memory_space<vmem>> -> memref<8x128xf32, #tpu.memory_space<vmem>>
    %dma_wait3A_501 = arith.constant 48 : i32
    %dma_wait3A_502 = tpu.memref_slice %arg3[%dma_wait3A_501, %multiple_of3A_433] : memref<64x1000000xf32, #tpu.memory_space<hbm>> -> memref<8x128xf32, #tpu.memory_space<hbm>>
    tpu.wait_dma2 semaphore(%arg10 : memref<!tpu.dma_semaphore, #tpu.memory_space<semaphore_mem>>) src(%dma_wait3A_502 : memref<8x128xf32, #tpu.memory_space<hbm>>) dst(%dma_wait3A_500 : memref<8x128xf32, #tpu.memory_space<vmem>>)
    %dma_wait3A_503 = arith.constant 56 : i32
    %dma_wait3A_504 = arith.constant 0 : i32
    %dma_wait3A_505 = tpu.memref_slice %arg7[%dma_wait3A_503, %dma_wait3A_504] : memref<256x128xf32, #tpu.memory_space<vmem>> -> memref<8x128xf32, #tpu.memory_space<vmem>>
    %dma_wait3A_506 = arith.constant 56 : i32
    %dma_wait3A_507 = tpu.memref_slice %arg3[%dma_wait3A_506, %multiple_of3A_433] : memref<64x1000000xf32, #tpu.memory_space<hbm>> -> memref<8x128xf32, #tpu.memory_space<hbm>>
    %dma_wait3A_508 = arith.constant 56 : i32
    %dma_wait3A_509 = arith.constant 0 : i32
    %dma_wait3A_510 = tpu.memref_slice %arg7[%dma_wait3A_508, %dma_wait3A_509] : memref<256x128xf32, #tpu.memory_space<vmem>> -> memref<8x128xf32, #tpu.memory_space<vmem>>
    %dma_wait3A_511 = arith.constant 56 : i32
    %dma_wait3A_512 = tpu.memref_slice %arg3[%dma_wait3A_511, %multiple_of3A_433] : memref<64x1000000xf32, #tpu.memory_space<hbm>> -> memref<8x128xf32, #tpu.memory_space<hbm>>
    tpu.wait_dma2 semaphore(%arg10 : memref<!tpu.dma_semaphore, #tpu.memory_space<semaphore_mem>>) src(%dma_wait3A_512 : memref<8x128xf32, #tpu.memory_space<hbm>>) dst(%dma_wait3A_510 : memref<8x128xf32, #tpu.memory_space<vmem>>)
    %get3A_513 = arith.constant 496 : index
    %get3A_514 = tpu.vector_load %arg6[%get3A_513] {strides = array<i32>} : memref<528xi32, #tpu.memory_space<vmem>>, vector<16xi32>,
    %eq3A_515 = arith.constant 12 : i32
    %eq3A_516 = vector.broadcast %eq3A_515 : i32 to vector<16xi32>
    %eq3A_517 = arith.cmpi eq, %iota3A, %eq3A_516 : vector<16xi32>
    %jit3A_518 = arith.constant 0 : i32
    %broadcast_in_dim3A_519 = vector.broadcast %jit3A_518 : i32 to vector<16xi32>
    %select_n3A_520 = arith.select %eq3A_517, %get3A_514, %broadcast_in_dim3A_519 : vector<16xi1>, vector<16xi32>
    %reduce_max3A_521 = arith.constant true
    %reduce_max3A_522 = vector.broadcast %reduce_max3A_521 : i1 to vector<16xi1>
    %reduce_max3A_523 = arith.constant -2147483648 : i32
    %reduce_max3A_524 = vector.broadcast %reduce_max3A_523 : i32 to vector<16xi32>
    %reduce_max3A_525 = arith.xori %select_n3A_520, %reduce_max3A_524 : vector<16xi32>
    %reduce_max3A_526 = tpu.scan <max>, %reduce_max3A_525 masked %reduce_max3A_522 : vector<16xi32>, vector<16xi1> -> vector<16xi32>
    %reduce_max3A_527 = arith.xori %reduce_max3A_526, %reduce_max3A_524 : vector<16xi32>
    %reduce_max3A_528 = vector.extract %reduce_max3A_527[15] : i32 from vector<16xi32>
    %shift_right_logical3A_529 = arith.constant 7 : i32
    %shift_right_logical3A_530 = arith.shrui %reduce_max3A_528, %shift_right_logical3A_529 : i32
    %min3A_531 = arith.constant 7811 : i32
    %min3A_532 = arith.minsi %shift_right_logical3A_530, %min3A_531 : i32
    %mul3A_533 = arith.constant 128 : i32
    %mul3A_534 = arith.muli %min3A_532, %mul3A_533 : i32
    %sub3A = arith.subi %reduce_max3A_528, %mul3A_534 : i32
    %min3A_535 = arith.constant 127 : i32
    %min3A_536 = arith.minsi %sub3A, %min3A_535 : i32
    %sub3A_537 = arith.constant 999936 : i32
    %sub3A_538 = arith.subi %reduce_max3A_528, %sub3A_537 : i32
    %max3A = arith.constant 0 : i32
    %max3A_539 = arith.maxsi %sub3A_538, %max3A : i32
    %min3A_540 = arith.constant 63 : i32
    %min3A_541 = arith.minsi %max3A_539, %min3A_540 : i32
    %ge3A = arith.constant 999936 : i32
    %ge3A_542 = arith.cmpi sge, %reduce_max3A_528, %ge3A : i32
    %broadcast_in_dim3A_543 = vector.broadcast %min3A_536 : i32 to vector<16xi32>
    %add3A_544 = arith.constant 0 : i32
    %add3A_545 = vector.broadcast %add3A_544 : i32 to vector<16xi32>
    %add3A_546 = arith.addi %add3A_545, %iota3A : vector<16xi32>
    %gather3A = tpu.vector_load_idx %arg7[%add3A_546, %broadcast_in_dim3A_543] : memref<256x128xf32, #tpu.memory_space<vmem>>[vector<16xi32>, vector<16xi32>], vector<16xf32>,
    %get3A_547 = arith.index_cast %min3A_541 : i32 to index
    %get3A_548 = arith.constant 0 : index
    %get3A_549 = tpu.vector_load %arg9[%get3A_547, %get3A_548] {strides = array<i32>} : memref<64x128xf32, #tpu.memory_space<vmem>>, vector<16xf32>,
    %select_n3A_550 = arith.select %ge3A_542, %get3A_549, %gather3A : vector<16xf32>
    %swap3A = arith.constant 508 : i32
    %swap3A_551 = arith.index_cast %swap3A : i32 to index
    %swap3A_552 = arith.constant 0 : index
    %swap3A_553 = tpu.vector_load %arg8[%swap3A_551, %swap3A_552] {strides = array<i32>} : memref<512x64xf32, #tpu.memory_space<vmem>>, vector<16xf32>,
    tpu.vector_store %arg8[%swap3A_551, %swap3A_552], %select_n3A_550 {strides = array<i32>} : memref<512x64xf32, #tpu.memory_space<vmem>>, vector<16xf32>,
    %add3A_554 = arith.constant 16 : i32
    %add3A_555 = vector.broadcast %add3A_554 : i32 to vector<16xi32>
    %add3A_556 = arith.addi %add3A_555, %iota3A : vector<16xi32>
    %gather3A_557 = tpu.vector_load_idx %arg7[%add3A_556, %broadcast_in_dim3A_543] : memref<256x128xf32, #tpu.memory_space<vmem>>[vector<16xi32>, vector<16xi32>], vector<16xf32>,
    %get3A_558 = arith.index_cast %min3A_541 : i32 to index
    %get3A_559 = arith.constant 16 : index
    %get3A_560 = tpu.vector_load %arg9[%get3A_558, %get3A_559] {strides = array<i32>} : memref<64x128xf32, #tpu.memory_space<vmem>>, vector<16xf32>,
    %select_n3A_561 = arith.select %ge3A_542, %get3A_560, %gather3A_557 : vector<16xf32>
    %swap3A_562 = arith.constant 508 : i32
    %swap3A_563 = arith.index_cast %swap3A_562 : i32 to index
    %swap3A_564 = arith.constant 16 : index
    %swap3A_565 = tpu.vector_load %arg8[%swap3A_563, %swap3A_564] {strides = array<i32>} : memref<512x64xf32, #tpu.memory_space<vmem>>, vector<16xf32>,
    tpu.vector_store %arg8[%swap3A_563, %swap3A_564], %select_n3A_561 {strides = array<i32>} : memref<512x64xf32, #tpu.memory_space<vmem>>, vector<16xf32>,
    %add3A_566 = arith.constant 32 : i32
    %add3A_567 = vector.broadcast %add3A_566 : i32 to vector<16xi32>
    %add3A_568 = arith.addi %add3A_567, %iota3A : vector<16xi32>
    %gather3A_569 = tpu.vector_load_idx %arg7[%add3A_568, %broadcast_in_dim3A_543] : memref<256x128xf32, #tpu.memory_space<vmem>>[vector<16xi32>, vector<16xi32>], vector<16xf32>,
    %get3A_570 = arith.index_cast %min3A_541 : i32 to index
    %get3A_571 = arith.constant 32 : index
    %get3A_572 = tpu.vector_load %arg9[%get3A_570, %get3A_571] {strides = array<i32>} : memref<64x128xf32, #tpu.memory_space<vmem>>, vector<16xf32>,
    %select_n3A_573 = arith.select %ge3A_542, %get3A_572, %gather3A_569 : vector<16xf32>
    %swap3A_574 = arith.constant 508 : i32
    %swap3A_575 = arith.index_cast %swap3A_574 : i32 to index
    %swap3A_576 = arith.constant 32 : index
    %swap3A_577 = tpu.vector_load %arg8[%swap3A_575, %swap3A_576] {strides = array<i32>} : memref<512x64xf32, #tpu.memory_space<vmem>>, vector<16xf32>,
    tpu.vector_store %arg8[%swap3A_575, %swap3A_576], %select_n3A_573 {strides = array<i32>} : memref<512x64xf32, #tpu.memory_space<vmem>>, vector<16xf32>,
    %add3A_578 = arith.constant 48 : i32
    %add3A_579 = vector.broadcast %add3A_578 : i32 to vector<16xi32>
    %add3A_580 = arith.addi %add3A_579, %iota3A : vector<16xi32>
    %gather3A_581 = tpu.vector_load_idx %arg7[%add3A_580, %broadcast_in_dim3A_543] : memref<256x128xf32, #tpu.memory_space<vmem>>[vector<16xi32>, vector<16xi32>], vector<16xf32>,
    %get3A_582 = arith.index_cast %min3A_541 : i32 to index
    %get3A_583 = arith.constant 48 : index
    %get3A_584 = tpu.vector_load %arg9[%get3A_582, %get3A_583] {strides = array<i32>} : memref<64x128xf32, #tpu.memory_space<vmem>>, vector<16xf32>,
    %select_n3A_585 = arith.select %ge3A_542, %get3A_584, %gather3A_581 : vector<16xf32>
    %swap3A_586 = arith.constant 508 : i32
    %swap3A_587 = arith.index_cast %swap3A_586 : i32 to index
    %swap3A_588 = arith.constant 48 : index
    %swap3A_589 = tpu.vector_load %arg8[%swap3A_587, %swap3A_588] {strides = array<i32>} : memref<512x64xf32, #tpu.memory_space<vmem>>, vector<16xf32>,
    tpu.vector_store %arg8[%swap3A_587, %swap3A_588], %select_n3A_585 {strides = array<i32>} : memref<512x64xf32, #tpu.memory_space<vmem>>, vector<16xf32>,
    %get3A_590 = arith.constant 496 : index
    %get3A_591 = tpu.vector_load %arg6[%get3A_590] {strides = array<i32>} : memref<528xi32, #tpu.memory_space<vmem>>, vector<16xi32>,
    %eq3A_592 = arith.constant 13 : i32
    %eq3A_593 = vector.broadcast %eq3A_592 : i32 to vector<16xi32>
    %eq3A_594 = arith.cmpi eq, %iota3A, %eq3A_593 : vector<16xi32>
    %jit3A_595 = arith.constant 0 : i32
    %broadcast_in_dim3A_596 = vector.broadcast %jit3A_595 : i32 to vector<16xi32>
    %select_n3A_597 = arith.select %eq3A_594, %get3A_591, %broadcast_in_dim3A_596 : vector<16xi1>, vector<16xi32>
    %reduce_max3A_598 = arith.constant true
    %reduce_max3A_599 = vector.broadcast %reduce_max3A_598 : i1 to vector<16xi1>
    %reduce_max3A_600 = arith.constant -2147483648 : i32
    %reduce_max3A_601 = vector.broadcast %reduce_max3A_600 : i32 to vector<16xi32>
    %reduce_max3A_602 = arith.xori %select_n3A_597, %reduce_max3A_601 : vector<16xi32>
    %reduce_max3A_603 = tpu.scan <max>, %reduce_max3A_602 masked %reduce_max3A_599 : vector<16xi32>, vector<16xi1> -> vector<16xi32>
    %reduce_max3A_604 = arith.xori %reduce_max3A_603, %reduce_max3A_601 : vector<16xi32>
    %reduce_max3A_605 = vector.extract %reduce_max3A_604[15] : i32 from vector<16xi32>
    %shift_right_logical3A_606 = arith.constant 7 : i32
    %shift_right_logical3A_607 = arith.shrui %reduce_max3A_605, %shift_right_logical3A_606 : i32
    %min3A_608 = arith.constant 7811 : i32
    %min3A_609 = arith.minsi %shift_right_logical3A_607, %min3A_608 : i32
    %mul3A_610 = arith.constant 128 : i32
    %mul3A_611 = arith.muli %min3A_609, %mul3A_610 : i32
    %multiple_of3A_612 = tpu.assume_multiple %mul3A_611, 128 : i32
    %dma_wait3A_613 = arith.constant 64 : i32
    %dma_wait3A_614 = arith.constant 0 : i32
    %dma_wait3A_615 = tpu.memref_slice %arg7[%dma_wait3A_613, %dma_wait3A_614] : memref<256x128xf32, #tpu.memory_space<vmem>> -> memref<8x128xf32, #tpu.memory_space<vmem>>
    %dma_wait3A_616 = arith.constant 0 : i32
    %dma_wait3A_617 = tpu.memref_slice %arg3[%dma_wait3A_616, %multiple_of3A_612] : memref<64x1000000xf32, #tpu.memory_space<hbm>> -> memref<8x128xf32, #tpu.memory_space<hbm>>
    %dma_wait3A_618 = arith.constant 64 : i32
    %dma_wait3A_619 = arith.constant 0 : i32
    %dma_wait3A_620 = tpu.memref_slice %arg7[%dma_wait3A_618, %dma_wait3A_619] : memref<256x128xf32, #tpu.memory_space<vmem>> -> memref<8x128xf32, #tpu.memory_space<vmem>>
    %dma_wait3A_621 = arith.constant 0 : i32
    %dma_wait3A_622 = tpu.memref_slice %arg3[%dma_wait3A_621, %multiple_of3A_612] : memref<64x1000000xf32, #tpu.memory_space<hbm>> -> memref<8x128xf32, #tpu.memory_space<hbm>>
    tpu.wait_dma2 semaphore(%arg11 : memref<!tpu.dma_semaphore, #tpu.memory_space<semaphore_mem>>) src(%dma_wait3A_622 : memref<8x128xf32, #tpu.memory_space<hbm>>) dst(%dma_wait3A_620 : memref<8x128xf32, #tpu.memory_space<vmem>>)
    %dma_wait3A_623 = arith.constant 72 : i32
    %dma_wait3A_624 = arith.constant 0 : i32
    %dma_wait3A_625 = tpu.memref_slice %arg7[%dma_wait3A_623, %dma_wait3A_624] : memref<256x128xf32, #tpu.memory_space<vmem>> -> memref<8x128xf32, #tpu.memory_space<vmem>>
    %dma_wait3A_626 = arith.constant 8 : i32
    %dma_wait3A_627 = tpu.memref_slice %arg3[%dma_wait3A_626, %multiple_of3A_612] : memref<64x1000000xf32, #tpu.memory_space<hbm>> -> memref<8x128xf32, #tpu.memory_space<hbm>>
    %dma_wait3A_628 = arith.constant 72 : i32
    %dma_wait3A_629 = arith.constant 0 : i32
    %dma_wait3A_630 = tpu.memref_slice %arg7[%dma_wait3A_628, %dma_wait3A_629] : memref<256x128xf32, #tpu.memory_space<vmem>> -> memref<8x128xf32, #tpu.memory_space<vmem>>
    %dma_wait3A_631 = arith.constant 8 : i32
    %dma_wait3A_632 = tpu.memref_slice %arg3[%dma_wait3A_631, %multiple_of3A_612] : memref<64x1000000xf32, #tpu.memory_space<hbm>> -> memref<8x128xf32, #tpu.memory_space<hbm>>
    tpu.wait_dma2 semaphore(%arg11 : memref<!tpu.dma_semaphore, #tpu.memory_space<semaphore_mem>>) src(%dma_wait3A_632 : memref<8x128xf32, #tpu.memory_space<hbm>>) dst(%dma_wait3A_630 : memref<8x128xf32, #tpu.memory_space<vmem>>)
    %dma_wait3A_633 = arith.constant 80 : i32
    %dma_wait3A_634 = arith.constant 0 : i32
    %dma_wait3A_635 = tpu.memref_slice %arg7[%dma_wait3A_633, %dma_wait3A_634] : memref<256x128xf32, #tpu.memory_space<vmem>> -> memref<8x128xf32, #tpu.memory_space<vmem>>
    %dma_wait3A_636 = arith.constant 16 : i32
    %dma_wait3A_637 = tpu.memref_slice %arg3[%dma_wait3A_636, %multiple_of3A_612] : memref<64x1000000xf32, #tpu.memory_space<hbm>> -> memref<8x128xf32, #tpu.memory_space<hbm>>
    %dma_wait3A_638 = arith.constant 80 : i32
    %dma_wait3A_639 = arith.constant 0 : i32
    %dma_wait3A_640 = tpu.memref_slice %arg7[%dma_wait3A_638, %dma_wait3A_639] : memref<256x128xf32, #tpu.memory_space<vmem>> -> memref<8x128xf32, #tpu.memory_space<vmem>>
    %dma_wait3A_641 = arith.constant 16 : i32
    %dma_wait3A_642 = tpu.memref_slice %arg3[%dma_wait3A_641, %multiple_of3A_612] : memref<64x1000000xf32, #tpu.memory_space<hbm>> -> memref<8x128xf32, #tpu.memory_space<hbm>>
    tpu.wait_dma2 semaphore(%arg11 : memref<!tpu.dma_semaphore, #tpu.memory_space<semaphore_mem>>) src(%dma_wait3A_642 : memref<8x128xf32, #tpu.memory_space<hbm>>) dst(%dma_wait3A_640 : memref<8x128xf32, #tpu.memory_space<vmem>>)
    %dma_wait3A_643 = arith.constant 88 : i32
    %dma_wait3A_644 = arith.constant 0 : i32
    %dma_wait3A_645 = tpu.memref_slice %arg7[%dma_wait3A_643, %dma_wait3A_644] : memref<256x128xf32, #tpu.memory_space<vmem>> -> memref<8x128xf32, #tpu.memory_space<vmem>>
    %dma_wait3A_646 = arith.constant 24 : i32
    %dma_wait3A_647 = tpu.memref_slice %arg3[%dma_wait3A_646, %multiple_of3A_612] : memref<64x1000000xf32, #tpu.memory_space<hbm>> -> memref<8x128xf32, #tpu.memory_space<hbm>>
    %dma_wait3A_648 = arith.constant 88 : i32
    %dma_wait3A_649 = arith.constant 0 : i32
    %dma_wait3A_650 = tpu.memref_slice %arg7[%dma_wait3A_648, %dma_wait3A_649] : memref<256x128xf32, #tpu.memory_space<vmem>> -> memref<8x128xf32, #tpu.memory_space<vmem>>
    %dma_wait3A_651 = arith.constant 24 : i32
    %dma_wait3A_652 = tpu.memref_slice %arg3[%dma_wait3A_651, %multiple_of3A_612] : memref<64x1000000xf32, #tpu.memory_space<hbm>> -> memref<8x128xf32, #tpu.memory_space<hbm>>
    tpu.wait_dma2 semaphore(%arg11 : memref<!tpu.dma_semaphore, #tpu.memory_space<semaphore_mem>>) src(%dma_wait3A_652 : memref<8x128xf32, #tpu.memory_space<hbm>>) dst(%dma_wait3A_650 : memref<8x128xf32, #tpu.memory_space<vmem>>)
    %dma_wait3A_653 = arith.constant 96 : i32
    %dma_wait3A_654 = arith.constant 0 : i32
    %dma_wait3A_655 = tpu.memref_slice %arg7[%dma_wait3A_653, %dma_wait3A_654] : memref<256x128xf32, #tpu.memory_space<vmem>> -> memref<8x128xf32, #tpu.memory_space<vmem>>
    %dma_wait3A_656 = arith.constant 32 : i32
    %dma_wait3A_657 = tpu.memref_slice %arg3[%dma_wait3A_656, %multiple_of3A_612] : memref<64x1000000xf32, #tpu.memory_space<hbm>> -> memref<8x128xf32, #tpu.memory_space<hbm>>
    %dma_wait3A_658 = arith.constant 96 : i32
    %dma_wait3A_659 = arith.constant 0 : i32
    %dma_wait3A_660 = tpu.memref_slice %arg7[%dma_wait3A_658, %dma_wait3A_659] : memref<256x128xf32, #tpu.memory_space<vmem>> -> memref<8x128xf32, #tpu.memory_space<vmem>>
    %dma_wait3A_661 = arith.constant 32 : i32
    %dma_wait3A_662 = tpu.memref_slice %arg3[%dma_wait3A_661, %multiple_of3A_612] : memref<64x1000000xf32, #tpu.memory_space<hbm>> -> memref<8x128xf32, #tpu.memory_space<hbm>>
    tpu.wait_dma2 semaphore(%arg11 : memref<!tpu.dma_semaphore, #tpu.memory_space<semaphore_mem>>) src(%dma_wait3A_662 : memref<8x128xf32, #tpu.memory_space<hbm>>) dst(%dma_wait3A_660 : memref<8x128xf32, #tpu.memory_space<vmem>>)
    %dma_wait3A_663 = arith.constant 104 : i32
    %dma_wait3A_664 = arith.constant 0 : i32
    %dma_wait3A_665 = tpu.memref_slice %arg7[%dma_wait3A_663, %dma_wait3A_664] : memref<256x128xf32, #tpu.memory_space<vmem>> -> memref<8x128xf32, #tpu.memory_space<vmem>>
    %dma_wait3A_666 = arith.constant 40 : i32
    %dma_wait3A_667 = tpu.memref_slice %arg3[%dma_wait3A_666, %multiple_of3A_612] : memref<64x1000000xf32, #tpu.memory_space<hbm>> -> memref<8x128xf32, #tpu.memory_space<hbm>>
    %dma_wait3A_668 = arith.constant 104 : i32
    %dma_wait3A_669 = arith.constant 0 : i32
    %dma_wait3A_670 = tpu.memref_slice %arg7[%dma_wait3A_668, %dma_wait3A_669] : memref<256x128xf32, #tpu.memory_space<vmem>> -> memref<8x128xf32, #tpu.memory_space<vmem>>
    %dma_wait3A_671 = arith.constant 40 : i32
    %dma_wait3A_672 = tpu.memref_slice %arg3[%dma_wait3A_671, %multiple_of3A_612] : memref<64x1000000xf32, #tpu.memory_space<hbm>> -> memref<8x128xf32, #tpu.memory_space<hbm>>
    tpu.wait_dma2 semaphore(%arg11 : memref<!tpu.dma_semaphore, #tpu.memory_space<semaphore_mem>>) src(%dma_wait3A_672 : memref<8x128xf32, #tpu.memory_space<hbm>>) dst(%dma_wait3A_670 : memref<8x128xf32, #tpu.memory_space<vmem>>)
    %dma_wait3A_673 = arith.constant 112 : i32
    %dma_wait3A_674 = arith.constant 0 : i32
    %dma_wait3A_675 = tpu.memref_slice %arg7[%dma_wait3A_673, %dma_wait3A_674] : memref<256x128xf32, #tpu.memory_space<vmem>> -> memref<8x128xf32, #tpu.memory_space<vmem>>
    %dma_wait3A_676 = arith.constant 48 : i32
    %dma_wait3A_677 = tpu.memref_slice %arg3[%dma_wait3A_676, %multiple_of3A_612] : memref<64x1000000xf32, #tpu.memory_space<hbm>> -> memref<8x128xf32, #tpu.memory_space<hbm>>
    %dma_wait3A_678 = arith.constant 112 : i32
    %dma_wait3A_679 = arith.constant 0 : i32
    %dma_wait3A_680 = tpu.memref_slice %arg7[%dma_wait3A_678, %dma_wait3A_679] : memref<256x128xf32, #tpu.memory_space<vmem>> -> memref<8x128xf32, #tpu.memory_space<vmem>>
    %dma_wait3A_681 = arith.constant 48 : i32
    %dma_wait3A_682 = tpu.memref_slice %arg3[%dma_wait3A_681, %multiple_of3A_612] : memref<64x1000000xf32, #tpu.memory_space<hbm>> -> memref<8x128xf32, #tpu.memory_space<hbm>>
    tpu.wait_dma2 semaphore(%arg11 : memref<!tpu.dma_semaphore, #tpu.memory_space<semaphore_mem>>) src(%dma_wait3A_682 : memref<8x128xf32, #tpu.memory_space<hbm>>) dst(%dma_wait3A_680 : memref<8x128xf32, #tpu.memory_space<vmem>>)
    %dma_wait3A_683 = arith.constant 120 : i32
    %dma_wait3A_684 = arith.constant 0 : i32
    %dma_wait3A_685 = tpu.memref_slice %arg7[%dma_wait3A_683, %dma_wait3A_684] : memref<256x128xf32, #tpu.memory_space<vmem>> -> memref<8x128xf32, #tpu.memory_space<vmem>>
    %dma_wait3A_686 = arith.constant 56 : i32
    %dma_wait3A_687 = tpu.memref_slice %arg3[%dma_wait3A_686, %multiple_of3A_612] : memref<64x1000000xf32, #tpu.memory_space<hbm>> -> memref<8x128xf32, #tpu.memory_space<hbm>>
    %dma_wait3A_688 = arith.constant 120 : i32
    %dma_wait3A_689 = arith.constant 0 : i32
    %dma_wait3A_690 = tpu.memref_slice %arg7[%dma_wait3A_688, %dma_wait3A_689] : memref<256x128xf32, #tpu.memory_space<vmem>> -> memref<8x128xf32, #tpu.memory_space<vmem>>
    %dma_wait3A_691 = arith.constant 56 : i32
    %dma_wait3A_692 = tpu.memref_slice %arg3[%dma_wait3A_691, %multiple_of3A_612] : memref<64x1000000xf32, #tpu.memory_space<hbm>> -> memref<8x128xf32, #tpu.memory_space<hbm>>
    tpu.wait_dma2 semaphore(%arg11 : memref<!tpu.dma_semaphore, #tpu.memory_space<semaphore_mem>>) src(%dma_wait3A_692 : memref<8x128xf32, #tpu.memory_space<hbm>>) dst(%dma_wait3A_690 : memref<8x128xf32, #tpu.memory_space<vmem>>)
    %get3A_693 = arith.constant 496 : index
    %get3A_694 = tpu.vector_load %arg6[%get3A_693] {strides = array<i32>} : memref<528xi32, #tpu.memory_space<vmem>>, vector<16xi32>,
    %eq3A_695 = arith.constant 13 : i32
    %eq3A_696 = vector.broadcast %eq3A_695 : i32 to vector<16xi32>
    %eq3A_697 = arith.cmpi eq, %iota3A, %eq3A_696 : vector<16xi32>
    %jit3A_698 = arith.constant 0 : i32
    %broadcast_in_dim3A_699 = vector.broadcast %jit3A_698 : i32 to vector<16xi32>
    %select_n3A_700 = arith.select %eq3A_697, %get3A_694, %broadcast_in_dim3A_699 : vector<16xi1>, vector<16xi32>
    %reduce_max3A_701 = arith.constant true
    %reduce_max3A_702 = vector.broadcast %reduce_max3A_701 : i1 to vector<16xi1>
    %reduce_max3A_703 = arith.constant -2147483648 : i32
    %reduce_max3A_704 = vector.broadcast %reduce_max3A_703 : i32 to vector<16xi32>
    %reduce_max3A_705 = arith.xori %select_n3A_700, %reduce_max3A_704 : vector<16xi32>
    %reduce_max3A_706 = tpu.scan <max>, %reduce_max3A_705 masked %reduce_max3A_702 : vector<16xi32>, vector<16xi1> -> vector<16xi32>
    %reduce_max3A_707 = arith.xori %reduce_max3A_706, %reduce_max3A_704 : vector<16xi32>
    %reduce_max3A_708 = vector.extract %reduce_max3A_707[15] : i32 from vector<16xi32>
    %shift_right_logical3A_709 = arith.constant 7 : i32
    %shift_right_logical3A_710 = arith.shrui %reduce_max3A_708, %shift_right_logical3A_709 : i32
    %min3A_711 = arith.constant 7811 : i32
    %min3A_712 = arith.minsi %shift_right_logical3A_710, %min3A_711 : i32
    %mul3A_713 = arith.constant 128 : i32
    %mul3A_714 = arith.muli %min3A_712, %mul3A_713 : i32
    %sub3A_715 = arith.subi %reduce_max3A_708, %mul3A_714 : i32
    %min3A_716 = arith.constant 127 : i32
    %min3A_717 = arith.minsi %sub3A_715, %min3A_716 : i32
    %sub3A_718 = arith.constant 999936 : i32
    %sub3A_719 = arith.subi %reduce_max3A_708, %sub3A_718 : i32
    %max3A_720 = arith.constant 0 : i32
    %max3A_721 = arith.maxsi %sub3A_719, %max3A_720 : i32
    %min3A_722 = arith.constant 63 : i32
    %min3A_723 = arith.minsi %max3A_721, %min3A_722 : i32
    %ge3A_724 = arith.constant 999936 : i32
    %ge3A_725 = arith.cmpi sge, %reduce_max3A_708, %ge3A_724 : i32
    %broadcast_in_dim3A_726 = vector.broadcast %min3A_717 : i32 to vector<16xi32>
    %add3A_727 = arith.constant 64 : i32
    %add3A_728 = vector.broadcast %add3A_727 : i32 to vector<16xi32>
    %add3A_729 = arith.addi %add3A_728, %iota3A : vector<16xi32>
    %gather3A_730 = tpu.vector_load_idx %arg7[%add3A_729, %broadcast_in_dim3A_726] : memref<256x128xf32, #tpu.memory_space<vmem>>[vector<16xi32>, vector<16xi32>], vector<16xf32>,
    %get3A_731 = arith.index_cast %min3A_723 : i32 to index
    %get3A_732 = arith.constant 0 : index
    %get3A_733 = tpu.vector_load %arg9[%get3A_731, %get3A_732] {strides = array<i32>} : memref<64x128xf32, #tpu.memory_space<vmem>>, vector<16xf32>,
    %select_n3A_734 = arith.select %ge3A_725, %get3A_733, %gather3A_730 : vector<16xf32>
    %swap3A_735 = arith.constant 509 : i32
    %swap3A_736 = arith.index_cast %swap3A_735 : i32 to index
    %swap3A_737 = arith.constant 0 : index
    %swap3A_738 = tpu.vector_load %arg8[%swap3A_736, %swap3A_737] {strides = array<i32>} : memref<512x64xf32, #tpu.memory_space<vmem>>, vector<16xf32>,
    tpu.vector_store %arg8[%swap3A_736, %swap3A_737], %select_n3A_734 {strides = array<i32>} : memref<512x64xf32, #tpu.memory_space<vmem>>, vector<16xf32>,
    %add3A_739 = arith.constant 80 : i32
    %add3A_740 = vector.broadcast %add3A_739 : i32 to vector<16xi32>
    %add3A_741 = arith.addi %add3A_740, %iota3A : vector<16xi32>
    %gather3A_742 = tpu.vector_load_idx %arg7[%add3A_741, %broadcast_in_dim3A_726] : memref<256x128xf32, #tpu.memory_space<vmem>>[vector<16xi32>, vector<16xi32>], vector<16xf32>,
    %get3A_743 = arith.index_cast %min3A_723 : i32 to index
    %get3A_744 = arith.constant 16 : index
    %get3A_745 = tpu.vector_load %arg9[%get3A_743, %get3A_744] {strides = array<i32>} : memref<64x128xf32, #tpu.memory_space<vmem>>, vector<16xf32>,
    %select_n3A_746 = arith.select %ge3A_725, %get3A_745, %gather3A_742 : vector<16xf32>
    %swap3A_747 = arith.constant 509 : i32
    %swap3A_748 = arith.index_cast %swap3A_747 : i32 to index
    %swap3A_749 = arith.constant 16 : index
    %swap3A_750 = tpu.vector_load %arg8[%swap3A_748, %swap3A_749] {strides = array<i32>} : memref<512x64xf32, #tpu.memory_space<vmem>>, vector<16xf32>,
    tpu.vector_store %arg8[%swap3A_748, %swap3A_749], %select_n3A_746 {strides = array<i32>} : memref<512x64xf32, #tpu.memory_space<vmem>>, vector<16xf32>,
    %add3A_751 = arith.constant 96 : i32
    %add3A_752 = vector.broadcast %add3A_751 : i32 to vector<16xi32>
    %add3A_753 = arith.addi %add3A_752, %iota3A : vector<16xi32>
    %gather3A_754 = tpu.vector_load_idx %arg7[%add3A_753, %broadcast_in_dim3A_726] : memref<256x128xf32, #tpu.memory_space<vmem>>[vector<16xi32>, vector<16xi32>], vector<16xf32>,
    %get3A_755 = arith.index_cast %min3A_723 : i32 to index
    %get3A_756 = arith.constant 32 : index
    %get3A_757 = tpu.vector_load %arg9[%get3A_755, %get3A_756] {strides = array<i32>} : memref<64x128xf32, #tpu.memory_space<vmem>>, vector<16xf32>,
    %select_n3A_758 = arith.select %ge3A_725, %get3A_757, %gather3A_754 : vector<16xf32>
    %swap3A_759 = arith.constant 509 : i32
    %swap3A_760 = arith.index_cast %swap3A_759 : i32 to index
    %swap3A_761 = arith.constant 32 : index
    %swap3A_762 = tpu.vector_load %arg8[%swap3A_760, %swap3A_761] {strides = array<i32>} : memref<512x64xf32, #tpu.memory_space<vmem>>, vector<16xf32>,
    tpu.vector_store %arg8[%swap3A_760, %swap3A_761], %select_n3A_758 {strides = array<i32>} : memref<512x64xf32, #tpu.memory_space<vmem>>, vector<16xf32>,
    %add3A_763 = arith.constant 112 : i32
    %add3A_764 = vector.broadcast %add3A_763 : i32 to vector<16xi32>
    %add3A_765 = arith.addi %add3A_764, %iota3A : vector<16xi32>
    %gather3A_766 = tpu.vector_load_idx %arg7[%add3A_765, %broadcast_in_dim3A_726] : memref<256x128xf32, #tpu.memory_space<vmem>>[vector<16xi32>, vector<16xi32>], vector<16xf32>,
    %get3A_767 = arith.index_cast %min3A_723 : i32 to index
    %get3A_768 = arith.constant 48 : index
    %get3A_769 = tpu.vector_load %arg9[%get3A_767, %get3A_768] {strides = array<i32>} : memref<64x128xf32, #tpu.memory_space<vmem>>, vector<16xf32>,
    %select_n3A_770 = arith.select %ge3A_725, %get3A_769, %gather3A_766 : vector<16xf32>
    %swap3A_771 = arith.constant 509 : i32
    %swap3A_772 = arith.index_cast %swap3A_771 : i32 to index
    %swap3A_773 = arith.constant 48 : index
    %swap3A_774 = tpu.vector_load %arg8[%swap3A_772, %swap3A_773] {strides = array<i32>} : memref<512x64xf32, #tpu.memory_space<vmem>>, vector<16xf32>,
    tpu.vector_store %arg8[%swap3A_772, %swap3A_773], %select_n3A_770 {strides = array<i32>} : memref<512x64xf32, #tpu.memory_space<vmem>>, vector<16xf32>,
    %get3A_775 = arith.constant 496 : index
    %get3A_776 = tpu.vector_load %arg6[%get3A_775] {strides = array<i32>} : memref<528xi32, #tpu.memory_space<vmem>>, vector<16xi32>,
    %eq3A_777 = arith.constant 14 : i32
    %eq3A_778 = vector.broadcast %eq3A_777 : i32 to vector<16xi32>
    %eq3A_779 = arith.cmpi eq, %iota3A, %eq3A_778 : vector<16xi32>
    %jit3A_780 = arith.constant 0 : i32
    %broadcast_in_dim3A_781 = vector.broadcast %jit3A_780 : i32 to vector<16xi32>
    %select_n3A_782 = arith.select %eq3A_779, %get3A_776, %broadcast_in_dim3A_781 : vector<16xi1>, vector<16xi32>
    %reduce_max3A_783 = arith.constant true
    %reduce_max3A_784 = vector.broadcast %reduce_max3A_783 : i1 to vector<16xi1>
    %reduce_max3A_785 = arith.constant -2147483648 : i32
    %reduce_max3A_786 = vector.broadcast %reduce_max3A_785 : i32 to vector<16xi32>
    %reduce_max3A_787 = arith.xori %select_n3A_782, %reduce_max3A_786 : vector<16xi32>
    %reduce_max3A_788 = tpu.scan <max>, %reduce_max3A_787 masked %reduce_max3A_784 : vector<16xi32>, vector<16xi1> -> vector<16xi32>
    %reduce_max3A_789 = arith.xori %reduce_max3A_788, %reduce_max3A_786 : vector<16xi32>
    %reduce_max3A_790 = vector.extract %reduce_max3A_789[15] : i32 from vector<16xi32>
    %shift_right_logical3A_791 = arith.constant 7 : i32
    %shift_right_logical3A_792 = arith.shrui %reduce_max3A_790, %shift_right_logical3A_791 : i32
    %min3A_793 = arith.constant 7811 : i32
    %min3A_794 = arith.minsi %shift_right_logical3A_792, %min3A_793 : i32
    %mul3A_795 = arith.constant 128 : i32
    %mul3A_796 = arith.muli %min3A_794, %mul3A_795 : i32
    %multiple_of3A_797 = tpu.assume_multiple %mul3A_796, 128 : i32
    %dma_wait3A_798 = arith.constant 128 : i32
    %dma_wait3A_799 = arith.constant 0 : i32
    %dma_wait3A_800 = tpu.memref_slice %arg7[%dma_wait3A_798, %dma_wait3A_799] : memref<256x128xf32, #tpu.memory_space<vmem>> -> memref<8x128xf32, #tpu.memory_space<vmem>>
    %dma_wait3A_801 = arith.constant 0 : i32
    %dma_wait3A_802 = tpu.memref_slice %arg3[%dma_wait3A_801, %multiple_of3A_797] : memref<64x1000000xf32, #tpu.memory_space<hbm>> -> memref<8x128xf32, #tpu.memory_space<hbm>>
    %dma_wait3A_803 = arith.constant 128 : i32
    %dma_wait3A_804 = arith.constant 0 : i32
    %dma_wait3A_805 = tpu.memref_slice %arg7[%dma_wait3A_803, %dma_wait3A_804] : memref<256x128xf32, #tpu.memory_space<vmem>> -> memref<8x128xf32, #tpu.memory_space<vmem>>
    %dma_wait3A_806 = arith.constant 0 : i32
    %dma_wait3A_807 = tpu.memref_slice %arg3[%dma_wait3A_806, %multiple_of3A_797] : memref<64x1000000xf32, #tpu.memory_space<hbm>> -> memref<8x128xf32, #tpu.memory_space<hbm>>
    tpu.wait_dma2 semaphore(%arg12 : memref<!tpu.dma_semaphore, #tpu.memory_space<semaphore_mem>>) src(%dma_wait3A_807 : memref<8x128xf32, #tpu.memory_space<hbm>>) dst(%dma_wait3A_805 : memref<8x128xf32, #tpu.memory_space<vmem>>)
    %dma_wait3A_808 = arith.constant 136 : i32
    %dma_wait3A_809 = arith.constant 0 : i32
    %dma_wait3A_810 = tpu.memref_slice %arg7[%dma_wait3A_808, %dma_wait3A_809] : memref<256x128xf32, #tpu.memory_space<vmem>> -> memref<8x128xf32, #tpu.memory_space<vmem>>
    %dma_wait3A_811 = arith.constant 8 : i32
    %dma_wait3A_812 = tpu.memref_slice %arg3[%dma_wait3A_811, %multiple_of3A_797] : memref<64x1000000xf32, #tpu.memory_space<hbm>> -> memref<8x128xf32, #tpu.memory_space<hbm>>
    %dma_wait3A_813 = arith.constant 136 : i32
    %dma_wait3A_814 = arith.constant 0 : i32
    %dma_wait3A_815 = tpu.memref_slice %arg7[%dma_wait3A_813, %dma_wait3A_814] : memref<256x128xf32, #tpu.memory_space<vmem>> -> memref<8x128xf32, #tpu.memory_space<vmem>>
    %dma_wait3A_816 = arith.constant 8 : i32
    %dma_wait3A_817 = tpu.memref_slice %arg3[%dma_wait3A_816, %multiple_of3A_797] : memref<64x1000000xf32, #tpu.memory_space<hbm>> -> memref<8x128xf32, #tpu.memory_space<hbm>>
    tpu.wait_dma2 semaphore(%arg12 : memref<!tpu.dma_semaphore, #tpu.memory_space<semaphore_mem>>) src(%dma_wait3A_817 : memref<8x128xf32, #tpu.memory_space<hbm>>) dst(%dma_wait3A_815 : memref<8x128xf32, #tpu.memory_space<vmem>>)
    %dma_wait3A_818 = arith.constant 144 : i32
    %dma_wait3A_819 = arith.constant 0 : i32
    %dma_wait3A_820 = tpu.memref_slice %arg7[%dma_wait3A_818, %dma_wait3A_819] : memref<256x128xf32, #tpu.memory_space<vmem>> -> memref<8x128xf32, #tpu.memory_space<vmem>>
    %dma_wait3A_821 = arith.constant 16 : i32
    %dma_wait3A_822 = tpu.memref_slice %arg3[%dma_wait3A_821, %multiple_of3A_797] : memref<64x1000000xf32, #tpu.memory_space<hbm>> -> memref<8x128xf32, #tpu.memory_space<hbm>>
    %dma_wait3A_823 = arith.constant 144 : i32
    %dma_wait3A_824 = arith.constant 0 : i32
    %dma_wait3A_825 = tpu.memref_slice %arg7[%dma_wait3A_823, %dma_wait3A_824] : memref<256x128xf32, #tpu.memory_space<vmem>> -> memref<8x128xf32, #tpu.memory_space<vmem>>
    %dma_wait3A_826 = arith.constant 16 : i32
    %dma_wait3A_827 = tpu.memref_slice %arg3[%dma_wait3A_826, %multiple_of3A_797] : memref<64x1000000xf32, #tpu.memory_space<hbm>> -> memref<8x128xf32, #tpu.memory_space<hbm>>
    tpu.wait_dma2 semaphore(%arg12 : memref<!tpu.dma_semaphore, #tpu.memory_space<semaphore_mem>>) src(%dma_wait3A_827 : memref<8x128xf32, #tpu.memory_space<hbm>>) dst(%dma_wait3A_825 : memref<8x128xf32, #tpu.memory_space<vmem>>)
    %dma_wait3A_828 = arith.constant 152 : i32
    %dma_wait3A_829 = arith.constant 0 : i32
    %dma_wait3A_830 = tpu.memref_slice %arg7[%dma_wait3A_828, %dma_wait3A_829] : memref<256x128xf32, #tpu.memory_space<vmem>> -> memref<8x128xf32, #tpu.memory_space<vmem>>
    %dma_wait3A_831 = arith.constant 24 : i32
    %dma_wait3A_832 = tpu.memref_slice %arg3[%dma_wait3A_831, %multiple_of3A_797] : memref<64x1000000xf32, #tpu.memory_space<hbm>> -> memref<8x128xf32, #tpu.memory_space<hbm>>
    %dma_wait3A_833 = arith.constant 152 : i32
    %dma_wait3A_834 = arith.constant 0 : i32
    %dma_wait3A_835 = tpu.memref_slice %arg7[%dma_wait3A_833, %dma_wait3A_834] : memref<256x128xf32, #tpu.memory_space<vmem>> -> memref<8x128xf32, #tpu.memory_space<vmem>>
    %dma_wait3A_836 = arith.constant 24 : i32
    %dma_wait3A_837 = tpu.memref_slice %arg3[%dma_wait3A_836, %multiple_of3A_797] : memref<64x1000000xf32, #tpu.memory_space<hbm>> -> memref<8x128xf32, #tpu.memory_space<hbm>>
    tpu.wait_dma2 semaphore(%arg12 : memref<!tpu.dma_semaphore, #tpu.memory_space<semaphore_mem>>) src(%dma_wait3A_837 : memref<8x128xf32, #tpu.memory_space<hbm>>) dst(%dma_wait3A_835 : memref<8x128xf32, #tpu.memory_space<vmem>>)
    %dma_wait3A_838 = arith.constant 160 : i32
    %dma_wait3A_839 = arith.constant 0 : i32
    %dma_wait3A_840 = tpu.memref_slice %arg7[%dma_wait3A_838, %dma_wait3A_839] : memref<256x128xf32, #tpu.memory_space<vmem>> -> memref<8x128xf32, #tpu.memory_space<vmem>>
    %dma_wait3A_841 = arith.constant 32 : i32
    %dma_wait3A_842 = tpu.memref_slice %arg3[%dma_wait3A_841, %multiple_of3A_797] : memref<64x1000000xf32, #tpu.memory_space<hbm>> -> memref<8x128xf32, #tpu.memory_space<hbm>>
    %dma_wait3A_843 = arith.constant 160 : i32
    %dma_wait3A_844 = arith.constant 0 : i32
    %dma_wait3A_845 = tpu.memref_slice %arg7[%dma_wait3A_843, %dma_wait3A_844] : memref<256x128xf32, #tpu.memory_space<vmem>> -> memref<8x128xf32, #tpu.memory_space<vmem>>
    %dma_wait3A_846 = arith.constant 32 : i32
    %dma_wait3A_847 = tpu.memref_slice %arg3[%dma_wait3A_846, %multiple_of3A_797] : memref<64x1000000xf32, #tpu.memory_space<hbm>> -> memref<8x128xf32, #tpu.memory_space<hbm>>
    tpu.wait_dma2 semaphore(%arg12 : memref<!tpu.dma_semaphore, #tpu.memory_space<semaphore_mem>>) src(%dma_wait3A_847 : memref<8x128xf32, #tpu.memory_space<hbm>>) dst(%dma_wait3A_845 : memref<8x128xf32, #tpu.memory_space<vmem>>)
    %dma_wait3A_848 = arith.constant 168 : i32
    %dma_wait3A_849 = arith.constant 0 : i32
    %dma_wait3A_850 = tpu.memref_slice %arg7[%dma_wait3A_848, %dma_wait3A_849] : memref<256x128xf32, #tpu.memory_space<vmem>> -> memref<8x128xf32, #tpu.memory_space<vmem>>
    %dma_wait3A_851 = arith.constant 40 : i32
    %dma_wait3A_852 = tpu.memref_slice %arg3[%dma_wait3A_851, %multiple_of3A_797] : memref<64x1000000xf32, #tpu.memory_space<hbm>> -> memref<8x128xf32, #tpu.memory_space<hbm>>
    %dma_wait3A_853 = arith.constant 168 : i32
    %dma_wait3A_854 = arith.constant 0 : i32
    %dma_wait3A_855 = tpu.memref_slice %arg7[%dma_wait3A_853, %dma_wait3A_854] : memref<256x128xf32, #tpu.memory_space<vmem>> -> memref<8x128xf32, #tpu.memory_space<vmem>>
    %dma_wait3A_856 = arith.constant 40 : i32
    %dma_wait3A_857 = tpu.memref_slice %arg3[%dma_wait3A_856, %multiple_of3A_797] : memref<64x1000000xf32, #tpu.memory_space<hbm>> -> memref<8x128xf32, #tpu.memory_space<hbm>>
    tpu.wait_dma2 semaphore(%arg12 : memref<!tpu.dma_semaphore, #tpu.memory_space<semaphore_mem>>) src(%dma_wait3A_857 : memref<8x128xf32, #tpu.memory_space<hbm>>) dst(%dma_wait3A_855 : memref<8x128xf32, #tpu.memory_space<vmem>>)
    %dma_wait3A_858 = arith.constant 176 : i32
    %dma_wait3A_859 = arith.constant 0 : i32
    %dma_wait3A_860 = tpu.memref_slice %arg7[%dma_wait3A_858, %dma_wait3A_859] : memref<256x128xf32, #tpu.memory_space<vmem>> -> memref<8x128xf32, #tpu.memory_space<vmem>>
    %dma_wait3A_861 = arith.constant 48 : i32
    %dma_wait3A_862 = tpu.memref_slice %arg3[%dma_wait3A_861, %multiple_of3A_797] : memref<64x1000000xf32, #tpu.memory_space<hbm>> -> memref<8x128xf32, #tpu.memory_space<hbm>>
    %dma_wait3A_863 = arith.constant 176 : i32
    %dma_wait3A_864 = arith.constant 0 : i32
    %dma_wait3A_865 = tpu.memref_slice %arg7[%dma_wait3A_863, %dma_wait3A_864] : memref<256x128xf32, #tpu.memory_space<vmem>> -> memref<8x128xf32, #tpu.memory_space<vmem>>
    %dma_wait3A_866 = arith.constant 48 : i32
    %dma_wait3A_867 = tpu.memref_slice %arg3[%dma_wait3A_866, %multiple_of3A_797] : memref<64x1000000xf32, #tpu.memory_space<hbm>> -> memref<8x128xf32, #tpu.memory_space<hbm>>
    tpu.wait_dma2 semaphore(%arg12 : memref<!tpu.dma_semaphore, #tpu.memory_space<semaphore_mem>>) src(%dma_wait3A_867 : memref<8x128xf32, #tpu.memory_space<hbm>>) dst(%dma_wait3A_865 : memref<8x128xf32, #tpu.memory_space<vmem>>)
    %dma_wait3A_868 = arith.constant 184 : i32
    %dma_wait3A_869 = arith.constant 0 : i32
    %dma_wait3A_870 = tpu.memref_slice %arg7[%dma_wait3A_868, %dma_wait3A_869] : memref<256x128xf32, #tpu.memory_space<vmem>> -> memref<8x128xf32, #tpu.memory_space<vmem>>
    %dma_wait3A_871 = arith.constant 56 : i32
    %dma_wait3A_872 = tpu.memref_slice %arg3[%dma_wait3A_871, %multiple_of3A_797] : memref<64x1000000xf32, #tpu.memory_space<hbm>> -> memref<8x128xf32, #tpu.memory_space<hbm>>
    %dma_wait3A_873 = arith.constant 184 : i32
    %dma_wait3A_874 = arith.constant 0 : i32
    %dma_wait3A_875 = tpu.memref_slice %arg7[%dma_wait3A_873, %dma_wait3A_874] : memref<256x128xf32, #tpu.memory_space<vmem>> -> memref<8x128xf32, #tpu.memory_space<vmem>>
    %dma_wait3A_876 = arith.constant 56 : i32
    %dma_wait3A_877 = tpu.memref_slice %arg3[%dma_wait3A_876, %multiple_of3A_797] : memref<64x1000000xf32, #tpu.memory_space<hbm>> -> memref<8x128xf32, #tpu.memory_space<hbm>>
    tpu.wait_dma2 semaphore(%arg12 : memref<!tpu.dma_semaphore, #tpu.memory_space<semaphore_mem>>) src(%dma_wait3A_877 : memref<8x128xf32, #tpu.memory_space<hbm>>) dst(%dma_wait3A_875 : memref<8x128xf32, #tpu.memory_space<vmem>>)
    %get3A_878 = arith.constant 496 : index
    %get3A_879 = tpu.vector_load %arg6[%get3A_878] {strides = array<i32>} : memref<528xi32, #tpu.memory_space<vmem>>, vector<16xi32>,
    %eq3A_880 = arith.constant 14 : i32
    %eq3A_881 = vector.broadcast %eq3A_880 : i32 to vector<16xi32>
    %eq3A_882 = arith.cmpi eq, %iota3A, %eq3A_881 : vector<16xi32>
    %jit3A_883 = arith.constant 0 : i32
    %broadcast_in_dim3A_884 = vector.broadcast %jit3A_883 : i32 to vector<16xi32>
    %select_n3A_885 = arith.select %eq3A_882, %get3A_879, %broadcast_in_dim3A_884 : vector<16xi1>, vector<16xi32>
    %reduce_max3A_886 = arith.constant true
    %reduce_max3A_887 = vector.broadcast %reduce_max3A_886 : i1 to vector<16xi1>
    %reduce_max3A_888 = arith.constant -2147483648 : i32
    %reduce_max3A_889 = vector.broadcast %reduce_max3A_888 : i32 to vector<16xi32>
    %reduce_max3A_890 = arith.xori %select_n3A_885, %reduce_max3A_889 : vector<16xi32>
    %reduce_max3A_891 = tpu.scan <max>, %reduce_max3A_890 masked %reduce_max3A_887 : vector<16xi32>, vector<16xi1> -> vector<16xi32>
    %reduce_max3A_892 = arith.xori %reduce_max3A_891, %reduce_max3A_889 : vector<16xi32>
    %reduce_max3A_893 = vector.extract %reduce_max3A_892[15] : i32 from vector<16xi32>
    %shift_right_logical3A_894 = arith.constant 7 : i32
    %shift_right_logical3A_895 = arith.shrui %reduce_max3A_893, %shift_right_logical3A_894 : i32
    %min3A_896 = arith.constant 7811 : i32
    %min3A_897 = arith.minsi %shift_right_logical3A_895, %min3A_896 : i32
    %mul3A_898 = arith.constant 128 : i32
    %mul3A_899 = arith.muli %min3A_897, %mul3A_898 : i32
    %sub3A_900 = arith.subi %reduce_max3A_893, %mul3A_899 : i32
    %min3A_901 = arith.constant 127 : i32
    %min3A_902 = arith.minsi %sub3A_900, %min3A_901 : i32
    %sub3A_903 = arith.constant 999936 : i32
    %sub3A_904 = arith.subi %reduce_max3A_893, %sub3A_903 : i32
    %max3A_905 = arith.constant 0 : i32
    %max3A_906 = arith.maxsi %sub3A_904, %max3A_905 : i32
    %min3A_907 = arith.constant 63 : i32
    %min3A_908 = arith.minsi %max3A_906, %min3A_907 : i32
    %ge3A_909 = arith.constant 999936 : i32
    %ge3A_910 = arith.cmpi sge, %reduce_max3A_893, %ge3A_909 : i32
    %broadcast_in_dim3A_911 = vector.broadcast %min3A_902 : i32 to vector<16xi32>
    %add3A_912 = arith.constant 128 : i32
    %add3A_913 = vector.broadcast %add3A_912 : i32 to vector<16xi32>
    %add3A_914 = arith.addi %add3A_913, %iota3A : vector<16xi32>
    %gather3A_915 = tpu.vector_load_idx %arg7[%add3A_914, %broadcast_in_dim3A_911] : memref<256x128xf32, #tpu.memory_space<vmem>>[vector<16xi32>, vector<16xi32>], vector<16xf32>,
    %get3A_916 = arith.index_cast %min3A_908 : i32 to index
    %get3A_917 = arith.constant 0 : index
    %get3A_918 = tpu.vector_load %arg9[%get3A_916, %get3A_917] {strides = array<i32>} : memref<64x128xf32, #tpu.memory_space<vmem>>, vector<16xf32>,
    %select_n3A_919 = arith.select %ge3A_910, %get3A_918, %gather3A_915 : vector<16xf32>
    %swap3A_920 = arith.constant 510 : i32
    %swap3A_921 = arith.index_cast %swap3A_920 : i32 to index
    %swap3A_922 = arith.constant 0 : index
    %swap3A_923 = tpu.vector_load %arg8[%swap3A_921, %swap3A_922] {strides = array<i32>} : memref<512x64xf32, #tpu.memory_space<vmem>>, vector<16xf32>,
    tpu.vector_store %arg8[%swap3A_921, %swap3A_922], %select_n3A_919 {strides = array<i32>} : memref<512x64xf32, #tpu.memory_space<vmem>>, vector<16xf32>,
    %add3A_924 = arith.constant 144 : i32
    %add3A_925 = vector.broadcast %add3A_924 : i32 to vector<16xi32>
    %add3A_926 = arith.addi %add3A_925, %iota3A : vector<16xi32>
    %gather3A_927 = tpu.vector_load_idx %arg7[%add3A_926, %broadcast_in_dim3A_911] : memref<256x128xf32, #tpu.memory_space<vmem>>[vector<16xi32>, vector<16xi32>], vector<16xf32>,
    %get3A_928 = arith.index_cast %min3A_908 : i32 to index
    %get3A_929 = arith.constant 16 : index
    %get3A_930 = tpu.vector_load %arg9[%get3A_928, %get3A_929] {strides = array<i32>} : memref<64x128xf32, #tpu.memory_space<vmem>>, vector<16xf32>,
    %select_n3A_931 = arith.select %ge3A_910, %get3A_930, %gather3A_927 : vector<16xf32>
    %swap3A_932 = arith.constant 510 : i32
    %swap3A_933 = arith.index_cast %swap3A_932 : i32 to index
    %swap3A_934 = arith.constant 16 : index
    %swap3A_935 = tpu.vector_load %arg8[%swap3A_933, %swap3A_934] {strides = array<i32>} : memref<512x64xf32, #tpu.memory_space<vmem>>, vector<16xf32>,
    tpu.vector_store %arg8[%swap3A_933, %swap3A_934], %select_n3A_931 {strides = array<i32>} : memref<512x64xf32, #tpu.memory_space<vmem>>, vector<16xf32>,
    %add3A_936 = arith.constant 160 : i32
    %add3A_937 = vector.broadcast %add3A_936 : i32 to vector<16xi32>
    %add3A_938 = arith.addi %add3A_937, %iota3A : vector<16xi32>
    %gather3A_939 = tpu.vector_load_idx %arg7[%add3A_938, %broadcast_in_dim3A_911] : memref<256x128xf32, #tpu.memory_space<vmem>>[vector<16xi32>, vector<16xi32>], vector<16xf32>,
    %get3A_940 = arith.index_cast %min3A_908 : i32 to index
    %get3A_941 = arith.constant 32 : index
    %get3A_942 = tpu.vector_load %arg9[%get3A_940, %get3A_941] {strides = array<i32>} : memref<64x128xf32, #tpu.memory_space<vmem>>, vector<16xf32>,
    %select_n3A_943 = arith.select %ge3A_910, %get3A_942, %gather3A_939 : vector<16xf32>
    %swap3A_944 = arith.constant 510 : i32
    %swap3A_945 = arith.index_cast %swap3A_944 : i32 to index
    %swap3A_946 = arith.constant 32 : index
    %swap3A_947 = tpu.vector_load %arg8[%swap3A_945, %swap3A_946] {strides = array<i32>} : memref<512x64xf32, #tpu.memory_space<vmem>>, vector<16xf32>,
    tpu.vector_store %arg8[%swap3A_945, %swap3A_946], %select_n3A_943 {strides = array<i32>} : memref<512x64xf32, #tpu.memory_space<vmem>>, vector<16xf32>,
    %add3A_948 = arith.constant 176 : i32
    %add3A_949 = vector.broadcast %add3A_948 : i32 to vector<16xi32>
    %add3A_950 = arith.addi %add3A_949, %iota3A : vector<16xi32>
    %gather3A_951 = tpu.vector_load_idx %arg7[%add3A_950, %broadcast_in_dim3A_911] : memref<256x128xf32, #tpu.memory_space<vmem>>[vector<16xi32>, vector<16xi32>], vector<16xf32>,
    %get3A_952 = arith.index_cast %min3A_908 : i32 to index
    %get3A_953 = arith.constant 48 : index
    %get3A_954 = tpu.vector_load %arg9[%get3A_952, %get3A_953] {strides = array<i32>} : memref<64x128xf32, #tpu.memory_space<vmem>>, vector<16xf32>,
    %select_n3A_955 = arith.select %ge3A_910, %get3A_954, %gather3A_951 : vector<16xf32>
    %swap3A_956 = arith.constant 510 : i32
    %swap3A_957 = arith.index_cast %swap3A_956 : i32 to index
    %swap3A_958 = arith.constant 48 : index
    %swap3A_959 = tpu.vector_load %arg8[%swap3A_957, %swap3A_958] {strides = array<i32>} : memref<512x64xf32, #tpu.memory_space<vmem>>, vector<16xf32>,
    tpu.vector_store %arg8[%swap3A_957, %swap3A_958], %select_n3A_955 {strides = array<i32>} : memref<512x64xf32, #tpu.memory_space<vmem>>, vector<16xf32>,
    %get3A_960 = arith.constant 496 : index
    %get3A_961 = tpu.vector_load %arg6[%get3A_960] {strides = array<i32>} : memref<528xi32, #tpu.memory_space<vmem>>, vector<16xi32>,
    %eq3A_962 = arith.constant 15 : i32
    %eq3A_963 = vector.broadcast %eq3A_962 : i32 to vector<16xi32>
    %eq3A_964 = arith.cmpi eq, %iota3A, %eq3A_963 : vector<16xi32>
    %jit3A_965 = arith.constant 0 : i32
    %broadcast_in_dim3A_966 = vector.broadcast %jit3A_965 : i32 to vector<16xi32>
    %select_n3A_967 = arith.select %eq3A_964, %get3A_961, %broadcast_in_dim3A_966 : vector<16xi1>, vector<16xi32>
    %reduce_max3A_968 = arith.constant true
    %reduce_max3A_969 = vector.broadcast %reduce_max3A_968 : i1 to vector<16xi1>
    %reduce_max3A_970 = arith.constant -2147483648 : i32
    %reduce_max3A_971 = vector.broadcast %reduce_max3A_970 : i32 to vector<16xi32>
    %reduce_max3A_972 = arith.xori %select_n3A_967, %reduce_max3A_971 : vector<16xi32>
    %reduce_max3A_973 = tpu.scan <max>, %reduce_max3A_972 masked %reduce_max3A_969 : vector<16xi32>, vector<16xi1> -> vector<16xi32>
    %reduce_max3A_974 = arith.xori %reduce_max3A_973, %reduce_max3A_971 : vector<16xi32>
    %reduce_max3A_975 = vector.extract %reduce_max3A_974[15] : i32 from vector<16xi32>
    %shift_right_logical3A_976 = arith.constant 7 : i32
    %shift_right_logical3A_977 = arith.shrui %reduce_max3A_975, %shift_right_logical3A_976 : i32
    %min3A_978 = arith.constant 7811 : i32
    %min3A_979 = arith.minsi %shift_right_logical3A_977, %min3A_978 : i32
    %mul3A_980 = arith.constant 128 : i32
    %mul3A_981 = arith.muli %min3A_979, %mul3A_980 : i32
    %multiple_of3A_982 = tpu.assume_multiple %mul3A_981, 128 : i32
    %dma_wait3A_983 = arith.constant 192 : i32
    %dma_wait3A_984 = arith.constant 0 : i32
    %dma_wait3A_985 = tpu.memref_slice %arg7[%dma_wait3A_983, %dma_wait3A_984] : memref<256x128xf32, #tpu.memory_space<vmem>> -> memref<8x128xf32, #tpu.memory_space<vmem>>
    %dma_wait3A_986 = arith.constant 0 : i32
    %dma_wait3A_987 = tpu.memref_slice %arg3[%dma_wait3A_986, %multiple_of3A_982] : memref<64x1000000xf32, #tpu.memory_space<hbm>> -> memref<8x128xf32, #tpu.memory_space<hbm>>
    %dma_wait3A_988 = arith.constant 192 : i32
    %dma_wait3A_989 = arith.constant 0 : i32
    %dma_wait3A_990 = tpu.memref_slice %arg7[%dma_wait3A_988, %dma_wait3A_989] : memref<256x128xf32, #tpu.memory_space<vmem>> -> memref<8x128xf32, #tpu.memory_space<vmem>>
    %dma_wait3A_991 = arith.constant 0 : i32
    %dma_wait3A_992 = tpu.memref_slice %arg3[%dma_wait3A_991, %multiple_of3A_982] : memref<64x1000000xf32, #tpu.memory_space<hbm>> -> memref<8x128xf32, #tpu.memory_space<hbm>>
    tpu.wait_dma2 semaphore(%arg13 : memref<!tpu.dma_semaphore, #tpu.memory_space<semaphore_mem>>) src(%dma_wait3A_992 : memref<8x128xf32, #tpu.memory_space<hbm>>) dst(%dma_wait3A_990 : memref<8x128xf32, #tpu.memory_space<vmem>>)
    %dma_wait3A_993 = arith.constant 200 : i32
    %dma_wait3A_994 = arith.constant 0 : i32
    %dma_wait3A_995 = tpu.memref_slice %arg7[%dma_wait3A_993, %dma_wait3A_994] : memref<256x128xf32, #tpu.memory_space<vmem>> -> memref<8x128xf32, #tpu.memory_space<vmem>>
    %dma_wait3A_996 = arith.constant 8 : i32
    %dma_wait3A_997 = tpu.memref_slice %arg3[%dma_wait3A_996, %multiple_of3A_982] : memref<64x1000000xf32, #tpu.memory_space<hbm>> -> memref<8x128xf32, #tpu.memory_space<hbm>>
    %dma_wait3A_998 = arith.constant 200 : i32
    %dma_wait3A_999 = arith.constant 0 : i32
    %dma_wait3A_1000 = tpu.memref_slice %arg7[%dma_wait3A_998, %dma_wait3A_999] : memref<256x128xf32, #tpu.memory_space<vmem>> -> memref<8x128xf32, #tpu.memory_space<vmem>>
    %dma_wait3A_1001 = arith.constant 8 : i32
    %dma_wait3A_1002 = tpu.memref_slice %arg3[%dma_wait3A_1001, %multiple_of3A_982] : memref<64x1000000xf32, #tpu.memory_space<hbm>> -> memref<8x128xf32, #tpu.memory_space<hbm>>
    tpu.wait_dma2 semaphore(%arg13 : memref<!tpu.dma_semaphore, #tpu.memory_space<semaphore_mem>>) src(%dma_wait3A_1002 : memref<8x128xf32, #tpu.memory_space<hbm>>) dst(%dma_wait3A_1000 : memref<8x128xf32, #tpu.memory_space<vmem>>)
    %dma_wait3A_1003 = arith.constant 208 : i32
    %dma_wait3A_1004 = arith.constant 0 : i32
    %dma_wait3A_1005 = tpu.memref_slice %arg7[%dma_wait3A_1003, %dma_wait3A_1004] : memref<256x128xf32, #tpu.memory_space<vmem>> -> memref<8x128xf32, #tpu.memory_space<vmem>>
    %dma_wait3A_1006 = arith.constant 16 : i32
    %dma_wait3A_1007 = tpu.memref_slice %arg3[%dma_wait3A_1006, %multiple_of3A_982] : memref<64x1000000xf32, #tpu.memory_space<hbm>> -> memref<8x128xf32, #tpu.memory_space<hbm>>
    %dma_wait3A_1008 = arith.constant 208 : i32
    %dma_wait3A_1009 = arith.constant 0 : i32
    %dma_wait3A_1010 = tpu.memref_slice %arg7[%dma_wait3A_1008, %dma_wait3A_1009] : memref<256x128xf32, #tpu.memory_space<vmem>> -> memref<8x128xf32, #tpu.memory_space<vmem>>
    %dma_wait3A_1011 = arith.constant 16 : i32
    %dma_wait3A_1012 = tpu.memref_slice %arg3[%dma_wait3A_1011, %multiple_of3A_982] : memref<64x1000000xf32, #tpu.memory_space<hbm>> -> memref<8x128xf32, #tpu.memory_space<hbm>>
    tpu.wait_dma2 semaphore(%arg13 : memref<!tpu.dma_semaphore, #tpu.memory_space<semaphore_mem>>) src(%dma_wait3A_1012 : memref<8x128xf32, #tpu.memory_space<hbm>>) dst(%dma_wait3A_1010 : memref<8x128xf32, #tpu.memory_space<vmem>>)
    %dma_wait3A_1013 = arith.constant 216 : i32
    %dma_wait3A_1014 = arith.constant 0 : i32
    %dma_wait3A_1015 = tpu.memref_slice %arg7[%dma_wait3A_1013, %dma_wait3A_1014] : memref<256x128xf32, #tpu.memory_space<vmem>> -> memref<8x128xf32, #tpu.memory_space<vmem>>
    %dma_wait3A_1016 = arith.constant 24 : i32
    %dma_wait3A_1017 = tpu.memref_slice %arg3[%dma_wait3A_1016, %multiple_of3A_982] : memref<64x1000000xf32, #tpu.memory_space<hbm>> -> memref<8x128xf32, #tpu.memory_space<hbm>>
    %dma_wait3A_1018 = arith.constant 216 : i32
    %dma_wait3A_1019 = arith.constant 0 : i32
    %dma_wait3A_1020 = tpu.memref_slice %arg7[%dma_wait3A_1018, %dma_wait3A_1019] : memref<256x128xf32, #tpu.memory_space<vmem>> -> memref<8x128xf32, #tpu.memory_space<vmem>>
    %dma_wait3A_1021 = arith.constant 24 : i32
    %dma_wait3A_1022 = tpu.memref_slice %arg3[%dma_wait3A_1021, %multiple_of3A_982] : memref<64x1000000xf32, #tpu.memory_space<hbm>> -> memref<8x128xf32, #tpu.memory_space<hbm>>
    tpu.wait_dma2 semaphore(%arg13 : memref<!tpu.dma_semaphore, #tpu.memory_space<semaphore_mem>>) src(%dma_wait3A_1022 : memref<8x128xf32, #tpu.memory_space<hbm>>) dst(%dma_wait3A_1020 : memref<8x128xf32, #tpu.memory_space<vmem>>)
    %dma_wait3A_1023 = arith.constant 224 : i32
    %dma_wait3A_1024 = arith.constant 0 : i32
    %dma_wait3A_1025 = tpu.memref_slice %arg7[%dma_wait3A_1023, %dma_wait3A_1024] : memref<256x128xf32, #tpu.memory_space<vmem>> -> memref<8x128xf32, #tpu.memory_space<vmem>>
    %dma_wait3A_1026 = arith.constant 32 : i32
    %dma_wait3A_1027 = tpu.memref_slice %arg3[%dma_wait3A_1026, %multiple_of3A_982] : memref<64x1000000xf32, #tpu.memory_space<hbm>> -> memref<8x128xf32, #tpu.memory_space<hbm>>
    %dma_wait3A_1028 = arith.constant 224 : i32
    %dma_wait3A_1029 = arith.constant 0 : i32
    %dma_wait3A_1030 = tpu.memref_slice %arg7[%dma_wait3A_1028, %dma_wait3A_1029] : memref<256x128xf32, #tpu.memory_space<vmem>> -> memref<8x128xf32, #tpu.memory_space<vmem>>
    %dma_wait3A_1031 = arith.constant 32 : i32
    %dma_wait3A_1032 = tpu.memref_slice %arg3[%dma_wait3A_1031, %multiple_of3A_982] : memref<64x1000000xf32, #tpu.memory_space<hbm>> -> memref<8x128xf32, #tpu.memory_space<hbm>>
    tpu.wait_dma2 semaphore(%arg13 : memref<!tpu.dma_semaphore, #tpu.memory_space<semaphore_mem>>) src(%dma_wait3A_1032 : memref<8x128xf32, #tpu.memory_space<hbm>>) dst(%dma_wait3A_1030 : memref<8x128xf32, #tpu.memory_space<vmem>>)
    %dma_wait3A_1033 = arith.constant 232 : i32
    %dma_wait3A_1034 = arith.constant 0 : i32
    %dma_wait3A_1035 = tpu.memref_slice %arg7[%dma_wait3A_1033, %dma_wait3A_1034] : memref<256x128xf32, #tpu.memory_space<vmem>> -> memref<8x128xf32, #tpu.memory_space<vmem>>
    %dma_wait3A_1036 = arith.constant 40 : i32
    %dma_wait3A_1037 = tpu.memref_slice %arg3[%dma_wait3A_1036, %multiple_of3A_982] : memref<64x1000000xf32, #tpu.memory_space<hbm>> -> memref<8x128xf32, #tpu.memory_space<hbm>>
    %dma_wait3A_1038 = arith.constant 232 : i32
    %dma_wait3A_1039 = arith.constant 0 : i32
    %dma_wait3A_1040 = tpu.memref_slice %arg7[%dma_wait3A_1038, %dma_wait3A_1039] : memref<256x128xf32, #tpu.memory_space<vmem>> -> memref<8x128xf32, #tpu.memory_space<vmem>>
    %dma_wait3A_1041 = arith.constant 40 : i32
    %dma_wait3A_1042 = tpu.memref_slice %arg3[%dma_wait3A_1041, %multiple_of3A_982] : memref<64x1000000xf32, #tpu.memory_space<hbm>> -> memref<8x128xf32, #tpu.memory_space<hbm>>
    tpu.wait_dma2 semaphore(%arg13 : memref<!tpu.dma_semaphore, #tpu.memory_space<semaphore_mem>>) src(%dma_wait3A_1042 : memref<8x128xf32, #tpu.memory_space<hbm>>) dst(%dma_wait3A_1040 : memref<8x128xf32, #tpu.memory_space<vmem>>)
    %dma_wait3A_1043 = arith.constant 240 : i32
    %dma_wait3A_1044 = arith.constant 0 : i32
    %dma_wait3A_1045 = tpu.memref_slice %arg7[%dma_wait3A_1043, %dma_wait3A_1044] : memref<256x128xf32, #tpu.memory_space<vmem>> -> memref<8x128xf32, #tpu.memory_space<vmem>>
    %dma_wait3A_1046 = arith.constant 48 : i32
    %dma_wait3A_1047 = tpu.memref_slice %arg3[%dma_wait3A_1046, %multiple_of3A_982] : memref<64x1000000xf32, #tpu.memory_space<hbm>> -> memref<8x128xf32, #tpu.memory_space<hbm>>
    %dma_wait3A_1048 = arith.constant 240 : i32
    %dma_wait3A_1049 = arith.constant 0 : i32
    %dma_wait3A_1050 = tpu.memref_slice %arg7[%dma_wait3A_1048, %dma_wait3A_1049] : memref<256x128xf32, #tpu.memory_space<vmem>> -> memref<8x128xf32, #tpu.memory_space<vmem>>
    %dma_wait3A_1051 = arith.constant 48 : i32
    %dma_wait3A_1052 = tpu.memref_slice %arg3[%dma_wait3A_1051, %multiple_of3A_982] : memref<64x1000000xf32, #tpu.memory_space<hbm>> -> memref<8x128xf32, #tpu.memory_space<hbm>>
    tpu.wait_dma2 semaphore(%arg13 : memref<!tpu.dma_semaphore, #tpu.memory_space<semaphore_mem>>) src(%dma_wait3A_1052 : memref<8x128xf32, #tpu.memory_space<hbm>>) dst(%dma_wait3A_1050 : memref<8x128xf32, #tpu.memory_space<vmem>>)
    %dma_wait3A_1053 = arith.constant 248 : i32
    %dma_wait3A_1054 = arith.constant 0 : i32
    %dma_wait3A_1055 = tpu.memref_slice %arg7[%dma_wait3A_1053, %dma_wait3A_1054] : memref<256x128xf32, #tpu.memory_space<vmem>> -> memref<8x128xf32, #tpu.memory_space<vmem>>
    %dma_wait3A_1056 = arith.constant 56 : i32
    %dma_wait3A_1057 = tpu.memref_slice %arg3[%dma_wait3A_1056, %multiple_of3A_982] : memref<64x1000000xf32, #tpu.memory_space<hbm>> -> memref<8x128xf32, #tpu.memory_space<hbm>>
    %dma_wait3A_1058 = arith.constant 248 : i32
    %dma_wait3A_1059 = arith.constant 0 : i32
    %dma_wait3A_1060 = tpu.memref_slice %arg7[%dma_wait3A_1058, %dma_wait3A_1059] : memref<256x128xf32, #tpu.memory_space<vmem>> -> memref<8x128xf32, #tpu.memory_space<vmem>>
    %dma_wait3A_1061 = arith.constant 56 : i32
    %dma_wait3A_1062 = tpu.memref_slice %arg3[%dma_wait3A_1061, %multiple_of3A_982] : memref<64x1000000xf32, #tpu.memory_space<hbm>> -> memref<8x128xf32, #tpu.memory_space<hbm>>
    tpu.wait_dma2 semaphore(%arg13 : memref<!tpu.dma_semaphore, #tpu.memory_space<semaphore_mem>>) src(%dma_wait3A_1062 : memref<8x128xf32, #tpu.memory_space<hbm>>) dst(%dma_wait3A_1060 : memref<8x128xf32, #tpu.memory_space<vmem>>)
    %get3A_1063 = arith.constant 496 : index
    %get3A_1064 = tpu.vector_load %arg6[%get3A_1063] {strides = array<i32>} : memref<528xi32, #tpu.memory_space<vmem>>, vector<16xi32>,
    %eq3A_1065 = arith.constant 15 : i32
    %eq3A_1066 = vector.broadcast %eq3A_1065 : i32 to vector<16xi32>
    %eq3A_1067 = arith.cmpi eq, %iota3A, %eq3A_1066 : vector<16xi32>
    %jit3A_1068 = arith.constant 0 : i32
    %broadcast_in_dim3A_1069 = vector.broadcast %jit3A_1068 : i32 to vector<16xi32>
    %select_n3A_1070 = arith.select %eq3A_1067, %get3A_1064, %broadcast_in_dim3A_1069 : vector<16xi1>, vector<16xi32>
    %reduce_max3A_1071 = arith.constant true
    %reduce_max3A_1072 = vector.broadcast %reduce_max3A_1071 : i1 to vector<16xi1>
    %reduce_max3A_1073 = arith.constant -2147483648 : i32
    %reduce_max3A_1074 = vector.broadcast %reduce_max3A_1073 : i32 to vector<16xi32>
    %reduce_max3A_1075 = arith.xori %select_n3A_1070, %reduce_max3A_1074 : vector<16xi32>
    %reduce_max3A_1076 = tpu.scan <max>, %reduce_max3A_1075 masked %reduce_max3A_1072 : vector<16xi32>, vector<16xi1> -> vector<16xi32>
    %reduce_max3A_1077 = arith.xori %reduce_max3A_1076, %reduce_max3A_1074 : vector<16xi32>
    %reduce_max3A_1078 = vector.extract %reduce_max3A_1077[15] : i32 from vector<16xi32>
    %shift_right_logical3A_1079 = arith.constant 7 : i32
    %shift_right_logical3A_1080 = arith.shrui %reduce_max3A_1078, %shift_right_logical3A_1079 : i32
    %min3A_1081 = arith.constant 7811 : i32
    %min3A_1082 = arith.minsi %shift_right_logical3A_1080, %min3A_1081 : i32
    %mul3A_1083 = arith.constant 128 : i32
    %mul3A_1084 = arith.muli %min3A_1082, %mul3A_1083 : i32
    %sub3A_1085 = arith.subi %reduce_max3A_1078, %mul3A_1084 : i32
    %min3A_1086 = arith.constant 127 : i32
    %min3A_1087 = arith.minsi %sub3A_1085, %min3A_1086 : i32
    %sub3A_1088 = arith.constant 999936 : i32
    %sub3A_1089 = arith.subi %reduce_max3A_1078, %sub3A_1088 : i32
    %max3A_1090 = arith.constant 0 : i32
    %max3A_1091 = arith.maxsi %sub3A_1089, %max3A_1090 : i32
    %min3A_1092 = arith.constant 63 : i32
    %min3A_1093 = arith.minsi %max3A_1091, %min3A_1092 : i32
    %ge3A_1094 = arith.constant 999936 : i32
    %ge3A_1095 = arith.cmpi sge, %reduce_max3A_1078, %ge3A_1094 : i32
    %broadcast_in_dim3A_1096 = vector.broadcast %min3A_1087 : i32 to vector<16xi32>
    %add3A_1097 = arith.constant 192 : i32
    %add3A_1098 = vector.broadcast %add3A_1097 : i32 to vector<16xi32>
    %add3A_1099 = arith.addi %add3A_1098, %iota3A : vector<16xi32>
    %gather3A_1100 = tpu.vector_load_idx %arg7[%add3A_1099, %broadcast_in_dim3A_1096] : memref<256x128xf32, #tpu.memory_space<vmem>>[vector<16xi32>, vector<16xi32>], vector<16xf32>,
    %get3A_1101 = arith.index_cast %min3A_1093 : i32 to index
    %get3A_1102 = arith.constant 0 : index
    %get3A_1103 = tpu.vector_load %arg9[%get3A_1101, %get3A_1102] {strides = array<i32>} : memref<64x128xf32, #tpu.memory_space<vmem>>, vector<16xf32>,
    %select_n3A_1104 = arith.select %ge3A_1095, %get3A_1103, %gather3A_1100 : vector<16xf32>
    %swap3A_1105 = arith.constant 511 : i32
    %swap3A_1106 = arith.index_cast %swap3A_1105 : i32 to index
    %swap3A_1107 = arith.constant 0 : index
    %swap3A_1108 = tpu.vector_load %arg8[%swap3A_1106, %swap3A_1107] {strides = array<i32>} : memref<512x64xf32, #tpu.memory_space<vmem>>, vector<16xf32>,
    tpu.vector_store %arg8[%swap3A_1106, %swap3A_1107], %select_n3A_1104 {strides = array<i32>} : memref<512x64xf32, #tpu.memory_space<vmem>>, vector<16xf32>,
    %add3A_1109 = arith.constant 208 : i32
    %add3A_1110 = vector.broadcast %add3A_1109 : i32 to vector<16xi32>
    %add3A_1111 = arith.addi %add3A_1110, %iota3A : vector<16xi32>
    %gather3A_1112 = tpu.vector_load_idx %arg7[%add3A_1111, %broadcast_in_dim3A_1096] : memref<256x128xf32, #tpu.memory_space<vmem>>[vector<16xi32>, vector<16xi32>], vector<16xf32>,
    %get3A_1113 = arith.index_cast %min3A_1093 : i32 to index
    %get3A_1114 = arith.constant 16 : index
    %get3A_1115 = tpu.vector_load %arg9[%get3A_1113, %get3A_1114] {strides = array<i32>} : memref<64x128xf32, #tpu.memory_space<vmem>>, vector<16xf32>,
    %select_n3A_1116 = arith.select %ge3A_1095, %get3A_1115, %gather3A_1112 : vector<16xf32>
    %swap3A_1117 = arith.constant 511 : i32
    %swap3A_1118 = arith.index_cast %swap3A_1117 : i32 to index
    %swap3A_1119 = arith.constant 16 : index
    %swap3A_1120 = tpu.vector_load %arg8[%swap3A_1118, %swap3A_1119] {strides = array<i32>} : memref<512x64xf32, #tpu.memory_space<vmem>>, vector<16xf32>,
    tpu.vector_store %arg8[%swap3A_1118, %swap3A_1119], %select_n3A_1116 {strides = array<i32>} : memref<512x64xf32, #tpu.memory_space<vmem>>, vector<16xf32>,
    %add3A_1121 = arith.constant 224 : i32
    %add3A_1122 = vector.broadcast %add3A_1121 : i32 to vector<16xi32>
    %add3A_1123 = arith.addi %add3A_1122, %iota3A : vector<16xi32>
    %gather3A_1124 = tpu.vector_load_idx %arg7[%add3A_1123, %broadcast_in_dim3A_1096] : memref<256x128xf32, #tpu.memory_space<vmem>>[vector<16xi32>, vector<16xi32>], vector<16xf32>,
    %get3A_1125 = arith.index_cast %min3A_1093 : i32 to index
    %get3A_1126 = arith.constant 32 : index
    %get3A_1127 = tpu.vector_load %arg9[%get3A_1125, %get3A_1126] {strides = array<i32>} : memref<64x128xf32, #tpu.memory_space<vmem>>, vector<16xf32>,
    %select_n3A_1128 = arith.select %ge3A_1095, %get3A_1127, %gather3A_1124 : vector<16xf32>
    %swap3A_1129 = arith.constant 511 : i32
    %swap3A_1130 = arith.index_cast %swap3A_1129 : i32 to index
    %swap3A_1131 = arith.constant 32 : index
    %swap3A_1132 = tpu.vector_load %arg8[%swap3A_1130, %swap3A_1131] {strides = array<i32>} : memref<512x64xf32, #tpu.memory_space<vmem>>, vector<16xf32>,
    tpu.vector_store %arg8[%swap3A_1130, %swap3A_1131], %select_n3A_1128 {strides = array<i32>} : memref<512x64xf32, #tpu.memory_space<vmem>>, vector<16xf32>,
    %add3A_1133 = arith.constant 240 : i32
    %add3A_1134 = vector.broadcast %add3A_1133 : i32 to vector<16xi32>
    %add3A_1135 = arith.addi %add3A_1134, %iota3A : vector<16xi32>
    %gather3A_1136 = tpu.vector_load_idx %arg7[%add3A_1135, %broadcast_in_dim3A_1096] : memref<256x128xf32, #tpu.memory_space<vmem>>[vector<16xi32>, vector<16xi32>], vector<16xf32>,
    %get3A_1137 = arith.index_cast %min3A_1093 : i32 to index
    %get3A_1138 = arith.constant 48 : index
    %get3A_1139 = tpu.vector_load %arg9[%get3A_1137, %get3A_1138] {strides = array<i32>} : memref<64x128xf32, #tpu.memory_space<vmem>>, vector<16xf32>,
    %select_n3A_1140 = arith.select %ge3A_1095, %get3A_1139, %gather3A_1136 : vector<16xf32>
    %swap3A_1141 = arith.constant 511 : i32
    %swap3A_1142 = arith.index_cast %swap3A_1141 : i32 to index
    %swap3A_1143 = arith.constant 48 : index
    %swap3A_1144 = tpu.vector_load %arg8[%swap3A_1142, %swap3A_1143] {strides = array<i32>} : memref<512x64xf32, #tpu.memory_space<vmem>>, vector<16xf32>,
    tpu.vector_store %arg8[%swap3A_1142, %swap3A_1143], %select_n3A_1140 {strides = array<i32>} : memref<512x64xf32, #tpu.memory_space<vmem>>, vector<16xf32>,
    "tpu.region"() ({
      %run_scoped3A = tpu.sem_alloc : memref<!tpu.dma_semaphore, #tpu.memory_space<semaphore_mem>>
      %dma_start3A_1145 = arith.constant 0 : i32
      %dma_start3A_1146 = tpu.memref_slice %arg5[%mul3A_2, %dma_start3A_1145] : memref<16384x64xf32, #tpu.memory_space<hbm>> -> memref<512x64xf32, #tpu.memory_space<hbm>>
      %dma_start3A_1147 = arith.constant 0 : i32
      %dma_start3A_1148 = tpu.memref_slice %arg5[%mul3A_2, %dma_start3A_1147] : memref<16384x64xf32, #tpu.memory_space<hbm>> -> memref<512x64xf32, #tpu.memory_space<hbm>>
      tpu.enqueue_dma source(%arg8 : memref<512x64xf32, #tpu.memory_space<vmem>>) target(%dma_start3A_1148 : memref<512x64xf32, #tpu.memory_space<hbm>>) target_semaphore(%run_scoped3A : memref<!tpu.dma_semaphore, #tpu.memory_space<semaphore_mem>>)
      %dma_wait3A_1149 = arith.constant 0 : i32
      %dma_wait3A_1150 = tpu.memref_slice %arg5[%mul3A_2, %dma_wait3A_1149] : memref<16384x64xf32, #tpu.memory_space<hbm>> -> memref<512x64xf32, #tpu.memory_space<hbm>>
      %dma_wait3A_1151 = arith.constant 0 : i32
      %dma_wait3A_1152 = tpu.memref_slice %arg5[%mul3A_2, %dma_wait3A_1151] : memref<16384x64xf32, #tpu.memory_space<hbm>> -> memref<512x64xf32, #tpu.memory_space<hbm>>
      tpu.wait_dma2 semaphore(%run_scoped3A : memref<!tpu.dma_semaphore, #tpu.memory_space<semaphore_mem>>) src(%arg8 : memref<512x64xf32, #tpu.memory_space<vmem>>) dst(%dma_wait3A_1152 : memref<512x64xf32, #tpu.memory_space<hbm>>)
      tpu.yield
    }) : () -> ()
    return
  }
}

</mosaic_0001>

<sc_bundles>
// kernel: _sc_center.3.cloned.1.call-start
scs
__scs_entry_jumppad:
0x0: {  	(pc) =	sbr.rel $0x88, $3  }
0x1: {  	(tag) =	ssettag $0x0;
	lr =	simm.s32 $0x1  }
0x2: {  	[smem:$0x3F9E] =	sst lr;
	_ =	strace $0xD0000000  }
0x3: {  	_ = 	snop  }
0x4: {  	_ = 	snop  }
0x5: {  	_ = 	snop  }
0x6: {  	_ = 	snop  }
0x7: {  	_ = 	snop  }
__scs_overlays_trampoline_lowered:
0x8: {  	[smem:$0x3FAD] =	sst s0  }
0x9: {  	[smem:$0x3FAE] =	sst s1  }
0xa: {  	[smem:$0x3FAF] =	sst s2  }
0xb: {  	[smem:$0x3FB0] =	sst s3  }
0xc: {  	[smem:$0x3FB1] =	sst s4  }
0xd: {  	[smem:$0x3FB2] =	sst s5  }
0xe: {  	[smem:$0x3FB3] =	sst s6  }
0xf: {  	[smem:$0x3FB4] =	sst s7  }
0x10: {  	[smem:$0x3FB5] =	sst s8  }
0x11: {  	[smem:$0x3FB6] =	sst s9;
	s0 =	simm.s32 @!p0 $0x0  }
0x12: {  	s1 =	sld [smem:$0x3F9C];
	s0 =	simm.s32 @p0 $0x1  }
0x13: {  	[smem:$0x3FB7] =	sst s0;
	s0 =	simm.s32 @!p1 $0x0  }
0x14: {  	s2 =	sld [smem:$0x3F9B];
	s0 =	simm.s32 @p1 $0x1  }
0x15: {  	[smem:$0x3FB8] =	sst s0;
	s0 =	simm.s32 @!p2 $0x0  }
0x16: {  	s3 =	sld [smem:$0x3FDB];
	s0 =	simm.s32 @p2 $0x1  }
0x17: {  	s4 =	simm.s32 $0x1BF5;
	[smem:$0x3FBA] =	sst s0  }
0x18: {  	s0 =	sld [smem:$0x3F9D];
	_ =	swait.ge [sflag:s4], $0x0  }
0x19: {  	s7 =	sld [smem:$0x3F9E]  }
0x1a: {  	s8 =	sadd.s32 $0xFFFFE003, lr  }
0x1b: {  	s9 =	sadd.s32 $0xFFFFFEF7, lr;
	s5 =	simm.s32 $0xFFFFFFFF;
	p2 =	slt.u32 s8, $0xFFFFF086  }
0x1c: {  	p1 =	slt.u32 s9, $0xF7A;
	s5 =	simm.s32 @!p2 $0x0  }
0x1d: {  	s5 =	simm.s32 @p1 $0x1;
	p0 =	seq.s32 s7, s2  }
0x1e: {  	s7 =	smul.u32 @!p0 $0xF7A, s2;
	p2 =	seq.s32 @!p0 s5, $0x0  }
0x1f: {  	s9 =	smul.u32 $0xF7A, s1;
	s8 =	simm.s32 @!p0 $0x1BF5;
	p2 =	por !p2, p0  }
0x20: {  	[sflag:s8] =	ssyncset.s32 @!p0 $0xFFFFF086;
	s6 =	sadd.s32 @!p0 s3, s7;
	s7 =	simm.s32 @!p0 $0x108  }
0x21: {  	s3 =	sadd.s32 s3, s9;
	s6 =	sadd.s32 @!p0 $0x88, s6;
	s7 =	simm.s32 @p2 $0x1082  }
0x22: {  	[simem:s7], [sflag:s8] =	dma.local @!p0 [hbm:s6], $0xF7A  }
0x23: {  	s9 =	sor.u32 $0xD0000000, s2;
	s6 =	simm.s32 $0x108;
	_ =	swait.ge @!p0 [sflag:s8], $0x0  }
0x24: {  	s3 =	sadd.s32 $0x88, s3;
	s6 =	simm.s32 @!p1 $0x1082;
	[sflag:s4] =	ssyncset.s32 $0xFFFFF086  }
0x25: {  	[simem:s6], [sflag:s4] =	dma.local [hbm:s3], $0xF7A  }
0x26: {  	[smem:$0x3F9E] =	sst s1;
	(tag) =	ssettag s2;
	_ =	strace s9  }
0x27: {  	s1 =	sld [smem:$0x3FAE]  }
0x28: {  	s2 =	sld [smem:$0x3FAF]  }
0x29: {  	s4 =	sld [smem:$0x3FB1]  }
0x2a: {  	p0 =	seq.s32 s5, $0x0;
	s5 =	sld [smem:$0x3FB2]  }
0x2b: {  	s6 =	sld [smem:$0x3FB3]  }
0x2c: {  	s7 =	sld [smem:$0x3FB4]  }
0x2d: {  	s3 =	simm.s32 $0x108;
	s8 =	sld [smem:$0x3FB5]  }
0x2e: {  	s3 =	simm.s32 @!p0 $0x1082;
	s9 =	sld [smem:$0x3FB6]  }
0x2f: {  	lr =	sadd.s32 s0, s3;
	s0 =	sld [smem:$0x3FAD]  }
0x30: {  	s3 =	sld [smem:$0x3FB0]  }
0x31: {  	[smem:$0x3FB9] =	sst s10  }
0x32: {  	s10 =	sld [smem:$0x3FB7];
	_ =	sdelay $0x3  }
0x33: {  	p0 =	seq.s32 s10, $0x1;
	s10 =	sld [smem:$0x3FB9];
	_ =	sdelay $0x3  }
0x34: {  	[smem:$0x3FB9] =	sst s10  }
0x35: {  	s10 =	sld [smem:$0x3FB8];
	_ =	sdelay $0x3  }
0x36: {  	p1 =	seq.s32 s10, $0x1;
	s10 =	sld [smem:$0x3FB9];
	_ =	sdelay $0x3  }
0x37: {  	[smem:$0x3FB9] =	sst s10  }
0x38: {  	s10 =	sld [smem:$0x3FBA]  }
0x39: {  	_ = 	snop;
	(pc) =	sbr.ind lr, $3  }
0x3a: {  	_ = 	snop  }
0x3b: {  	_ = 	snop  }
0x3c: {  	p2 =	seq.s32 s10, $0x1;
	s10 =	sld [smem:$0x3FB9]  }
0x3d: {  	_ =	shalt  }
0x3e: {  	_ =	shalt  }
0x3f: {  	_ =	shalt  }
0x40: {  	_ =	shalt  }
0x41: {  	_ =	shalt  }
0x42: {  	_ =	shalt  }
0x43: {  	_ =	shalt  }
0x44: {  	_ =	shalt  }
0x45: {  	_ =	shalt  }
0x46: {  	_ =	shalt  }
0x47: {  	_ =	shalt  }
0x48: {  	_ =	shalt  }
0x49: {  	_ =	shalt  }
0x4a: {  	_ =	shalt  }
0x4b: {  	_ =	shalt  }
0x4c: {  	_ =	shalt  }
0x4d: {  	_ =	shalt  }
0x4e: {  	_ =	shalt  }
0x4f: {  	_ =	shalt  }
0x50: {  	_ =	shalt  }
0x51: {  	_ =	shalt  }
0x52: {  	_ =	shalt  }
0x53: {  	_ =	shalt  }
0x54: {  	_ =	shalt  }
0x55: {  	_ =	shalt  }
0x56: {  	_ =	shalt  }
0x57: {  	_ =	shalt  }
0x58: {  	_ =	shalt  }
0x59: {  	_ =	shalt  }
0x5a: {  	_ =	shalt  }
0x5b: {  	_ =	shalt  }
0x5c: {  	_ =	shalt  }
0x5d: {  	_ =	shalt  }
0x5e: {  	_ =	shalt  }
0x5f: {  	_ =	shalt  }
0x60: {  	_ =	shalt  }
0x61: {  	_ =	shalt  }
0x62: {  	_ =	shalt  }
0x63: {  	_ =	shalt  }
0x64: {  	_ =	shalt  }
0x65: {  	_ =	shalt  }
0x66: {  	_ =	shalt  }
0x67: {  	_ =	shalt  }
0x68: {  	_ =	shalt  }
0x69: {  	_ =	shalt  }
0x6a: {  	_ =	shalt  }
0x6b: {  	_ =	shalt  }
0x6c: {  	_ =	shalt  }
0x6d: {  	_ =	shalt  }
0x6e: {  	_ =	shalt  }
0x6f: {  	_ =	shalt  }
0x70: {  	_ =	shalt  }
0x71: {  	_ =	shalt  }
0x72: {  	_ =	shalt  }
0x73: {  	_ =	shalt  }
0x74: {  	_ =	shalt  }
0x75: {  	_ =	shalt  }
0x76: {  	_ =	shalt  }
0x77: {  	_ =	shalt  }
0x78: {  	_ =	shalt  }
0x79: {  	_ =	shalt  }
0x7a: {  	_ =	shalt  }
0x7b: {  	_ =	shalt  }
0x7c: {  	_ =	shalt  }
0x7d: {  	_ =	shalt  }
0x7e: {  	_ =	shalt  }
0x7f: {  	_ =	shalt  }
0x80: {  	_ =	shalt  }
0x81: {  	_ =	shalt  }
0x82: {  	_ =	shalt  }
0x83: {  	_ =	shalt  }
0x84: {  	_ =	shalt  }
0x85: {  	_ =	shalt  }
0x86: {  	_ =	shalt  }
0x87: {  	_ =	shalt  }
.Lfunc_end0:
.L_simem_size_0:
called_computation_lowered:
.L_overlay_start_0:
0x88: {  	s2 =	sld [smem:$0x3FD9]  }
0x89: {  	s3 =	sld [smem:$0x3FFE];
	_ =	sdelay $0x1  }
0x8a: {  	s1 =	srdreg.scid  }
0x8b: {  	s0 =	sand.u32 $0x1, s1  }
0x8c: {  	s17 =	sshll.u32 s0, $0xA;
	s2 =	sadd.s32 s3, s2  }
0x8d: {  	s2 =	sadd.s32 s2, s17  }
0x8e: {  	[smem:$0x3FC5] =	sst s2  }
0x8f: {  	_ = 	snop  }
0x90: {  	s2 =	sld [smem:$0x3FC9]  }
0x91: {  	s18 =	sld [smem:$0x3FC8]  }
0x92: {  	s4 =	sld [smem:$0x3FC7];
	(tm) =	ssettm $0x1  }
0x93: {  	s5 =	sld [smem:$0x3FFB];
	_ =	sdelay $0x3  }
0x94: {  	_ =	strace s5  }
0x95: {  	s5 =	sld [smem:$0x3FFC];
	_ =	sdelay $0x3  }
0x96: {  	_ =	strace s5  }
0x97: {  	s5 =	sld [smem:$0x3FFD];
	_ =	sdelay $0x3  }
0x98: {  	_ =	strace s5  }
0x99: {  	_ =	strace $0x8FFFFFFF  }
0x9a: {  	s19 =	sld [smem:$0x3FDB];
	_ =	sdelay $0x1  }
0x9b: {  	s6 =	simm.s32 $_scs_section_size  }
0x9c: {  	s7 =	simm.s32 $_size__tile_overlayer_lowered;
	s8 =	simm.s32 $_tile_overlayer_lowered  }
0x9d: {  	s22 =	simm.s32 $0x1BFF;
	s21 =	sshll.u32 s8, $0x1;
	s5 =	sadd.s32 s6, s19  }
0x9e: {  	s9 =	simm.s32 $0x0;
	s20 =	sshll.u32 s7, $0x1;
	s7 =	sadd.s32 s21, s5  }
0x9f: {  	[timem:s9], [sflag:s22] =	dma.local [hbm:s7], s20  }
0xa0: {  	_ =	swait.ge [sflag:s22], s20  }
0xa1: {  	s6 =	ssub.s32 $0x0, s20;
	[sflag:s22] =	ssyncset.done $0x0  }
0xa2: {  	[sflag:s22] =	ssyncadd.s32 s6;
	_ =	sdelay $0x1  }
0xa3: {  	s23 =	simm.s32 $0x1B8B  }
0xa4: {  	_ =	swait.ge [sflag:s23], $0x1  }
0xa5: {  	[sflag:s23] =	ssyncset.done $0x0  }
0xa6: {  	s25 =	simm.s32 $0x1B8E;
	s24 =	sld [smem:$0x3FFE];
	[sflag:s23] =	ssyncadd.s32 $0xFFFFFFFF  }
0xa7: {  	s26 =	simm.s32 $execute0_lowered;
	[smem:$0x3FD2] =	sst s25  }
0xa8: {  	s7 =	sshll.u32 s26, $0x1;
	_ =	strace $0x80000046;
	[dreg:$0x1] =	wrdreg $0xFFFFFFFF  }
0xa9: {  	s28 =	simm.s32 $_size_execute0_lowered;
	s5 =	sadd.s32 s5, s7;
	[dreg:$0x0] =	wrdreg $0x0  }
0xaa: {  	s7 =	sshll.u32 s28, $0x1;
	[dreg:$0x2] =	wrdreg s5  }
0xab: {  	[dreg:$0x3] =	wrdreg s7  }
0xac: {  	[dreg:$0x4] =	wrdreg $0xC0  }
0xad: {  	_ =	task [dreg:s9], $0x5FFFF  }
0xae: {  	[dreg:$0x1] =	wrdreg $0xFFFFFFFF  }
0xaf: {  	[dreg:$0x0] =	wrdreg $0x60  }
0xb0: {  	[dreg:$0x2] =	wrdreg s2  }
0xb1: {  	[dreg:$0x3] =	wrdreg s18  }
0xb2: {  	[dreg:$0x4] =	wrdreg s4  }
0xb3: {  	[dreg:$0x5] =	wrdreg s24  }
0xb4: {  	[dreg:$0x6] =	wrdreg $0x9  }
0xb5: {  	_ =	task.clear_ibuf [dreg:s9], $0x7FFFF;
	_ =	strace $0x90000046  }
0xb6: {  	s29 =	simm.s32 $0x9;
	_ =	strace $0x80000048  }
0xb7: {  	_ =	swait.ge [sflag:s29], $0x1  }
0xb8: {  	[sflag:s29] =	ssyncadd.s32 $0xFFFFFFFF  }
0xb9: {  	_ =	strace $0x90000048  }
0xba: {  	_ =	sfence  }
0xbb: {  	s30 =	sld [smem:$0x0];
	_ =	sdelay $0x2  }
0xbc: {  	s31 =	sshll.u32 s1, $0xD;
	s1 =	sshrl.u32 s1, $0x2  }
0xbd: {  	s3 =	sand.u32 $0x4000, s31;
	s1 =	sadd.s32 s1, s30  }
0xbe: {  	s0 =	sor.u32 s3, s0;
	s1 =	sshll.u32 s1, $0x11  }
0xbf: {  	s0 =	sor.u32 s1, s0  }
0xc0: {  	s0 =	sadd.s32 $0x8F2B, s0  }
0xc1: {  	[sflag:s0] =	ssyncadd.remote.s32 $0x1  }
0xc2: {  	_ =	sfence.sel $0xFFFF  }
0xc3: {  	[dreg:$0x0] =	wrdreg $0xFFFFFFFF;
	(pc) =	sbr.abs _section_cstart, $3  }
0xc4: {  	[dreg:$0x1] =	wrdreg $0xFFFFFFFF  }
0xc5: {  	_ =	task.clear_ibuf [dreg:s9], $0x2FFFF;
	_ =	strace $0x9FFFFFFF  }
0xc6: {  	(tm) =	ssettm $0x7FFFFFFF  }
0xc7: {  	_ =	shalt  }
tec
execute0_lowered:
.L_overlay_start_1:
0x0: {  	(tag) =	ssettag $0x1  }
0x1: {  	s0 =	rddreg [dreg:$0x0]  }
0x2: {  	s1 =	rddreg [dreg:$0x1]  }
0x3: {  	s2 =	rddreg [dreg:$0x3];
	s3 =	srdreg.scid  }
0x4: {  	s4 =	simm.s32 $0x0;
	s5 =	stileid.u32;
	s19 =	simm.s32 $0x5  }
0x5: {  	s10 =	simm.s32 $0x280;
	s24 =	simm.s32 $0x680;
	s21 =	simm.s32 $0xA80  }
0x6: {  	s22 =	simm.s32 $0xE80;
	s23 =	simm.s32 $0x1280;
	s28 =	simm.s32 $0x1E80  }
0x7: {  	s9 =	simm.s32 $0x2E80;
	s8 =	simm.s32 $0x3E80;
	s11 =	simm.s32 $0x4280  }
0x8: {  	s12 =	simm.s32 $0x4680;
	s13 =	simm.s32 $0x4A80;
	s29 =	simm.s32 $0x4E80  }
0x9: {  	s30 =	simm.s32 $0x5280;
	s31 =	simm.s32 $0x5680;
	s14 =	simm.s32 $0x1  }
0xa: {  	s15 =	simm.s32 $0x2;
	s16 =	simm.s32 $0x3;
	s17 =	simm.s32 $0x4  }
0xb: {  	v0 =	vlaneseq.u32;
	s20 =	simm.s32 $0x0;
	s3 =	sand.u32 $0x1, s3;
	[smem:$0x7FF] =	sst s4  }
0xc: {  	vm0 =	vmmov $0x1;
	vm1 =	vcmask $0x308;
	vm2 =	vcmask $0x70C;
	s5 =	sshll.u32 s5, $0xA;
	s6 =	sshll.u32 s3, $0x9;
	s3 =	ssub.s32 $0x2, s3  }
0xd: {  	vm3 =	vcmask $0xB10;
	vm4 =	vcmask $0x2F34;
	v1 =	vmul.u32 $0x80, v0;
	_ =	strace $0x80000047;
	s5 =	sor.u32 s6, s5;
	s7 =	sshrl.u32 s3, $0x1  }
0xe: {  	vm5 =	vcmask $0x3338;
	vm6 =	vcmask $0x373C;
	vm7 =	vmmov $0x7fff;
	s6 =	sshll.u32 s5, $0x4;
	s5 =	sshrl.u32 s5, $0x3;
	s3 =	ssub.s32 s3, s7  }
0xf: {  	v2 =	vor.u32 $0x800, v1;
	v3 =	vor.u32 $0x1000, v1;
	v4 =	vor.u32 $0x1800, v1;
	s7 =	simm.s32 $0x3A80;
	s2 =	sadd.s32 s6, s2;
	s0 =	sadd.s32 s0, s5  }
0x10: {  	v5 =	vor.u32 $0x2000, v1;
	v6 =	vor.u32 $0x2800, v1;
	v7 =	vor.u32 $0x3000, v1;
	s26 =	smax.u32 s3, $0x1;
	s3 =	simm.s32 $0x2680;
	s5 =	simm.s32 $0x3280  }
0x11: {  	v8 =	vor.u32 $0x3800, v1;
	v9 =	vor.u32 $0x4000, v1;
	v10 =	vor.u32 $0x4800, v1;
	s6 =	simm.s32 $0x3680;
	[dreg:$0x5] =	wrdreg s0;
	s25 =	sadd.s32 $0x400, s2  }
0x12: {  	v11 =	vor.u32 $0x5000, v1;
	v12 =	vor.u32 $0x5800, v1;
	v13 =	vor.u32 $0x6000, v1;
	[dreg:$0x7] =	wrdreg s26;
	s26 =	simm.s32 $0x1A80;
	s0 =	simm.s32 $0x2280  }
0x13: {  	v14 =	vor.u32 $0x6800, v1;
	v15 =	vor.u32 $0x7000, v1;
	v16 =	vor.u32 $0x7800, v1;
	s2 =	simm.s32 $0x2A80;
	[dreg:$0x6] =	wrdreg s25;
	s25 =	simm.s32 $0x1680  }
.LBB2_1:
0x14: {  	[dreg:$0x8] =	wrdreg s20  }
0x15: {  	s18 =	rddreg [dreg:$0x5]  }
0x16: {  	[tilespmem:s4], [sflag:$0x5] =	stream.linear.gather [hbm4b:s18+s4], $0x200, $0x38;
	[tilespmem:$0x1A280] =	vst v63  }
0x17: {  	_ =	swait.ge [sflag:s19], $0x200  }
0x18: {  	[sflag:s19] =	ssyncset.done $0x0  }
0x19: {  	[sflag:s19] =	ssyncadd.s32 $0xFFFFFE00  }
0x1a: {  	s20 =	simm.s32 $0x18280;
	s18 =	rddreg [dreg:$0x2]  }
0x1b: {  	[tilespmem:s20], [sflag:$0x5] =	stream.linear.gather [hbm4b:s18+s4], $0x2000, $0x38;
	[tilespmem:$0x1A280] =	vst v63  }
0x1c: {  	_ =	swait.ge [sflag:s19], $0x2000  }
0x1d: {  	[sflag:s19] =	ssyncset.done $0x0  }
0x1e: {  	[sflag:s19] =	ssyncadd.s32 $0xFFFFE000  }
0x1f: {  	v17 =	vld [tilespmem:$0x0];
	_ =	sdelay $0x4  }
0x20: {  	v17 =	vnsel vm0, $0x0, v17  }
0x21: {  	v17 =	vxor.u32 $0x80000000, v17  }
0x22: {  	(xrf0) =	vmax.scan.msk.u32 $0xffff, v17;
	_ =	sdelay $0x5  }
0x23: {  	v17, _, _ =	vpop (xrf0)  }
0x24: {  	(v2sf) =	vpush v17, $0xF;
	_ =	sdelay $0xe  }
0x25: {  	s19 =	spop (v2sf)  }
0x26: {  	s18 =	sshrl.u32 s19, $0x7  }
0x27: {  	s18 =	sxor.u32 $0x1000000, s18  }
0x28: {  	s18 =	smin.u32 s18, $0x1E83  }
0x29: {  	s18 =	sshll.u32 s18, $0x7  }
0x2a: {  	s18 =	sadd.s32 s1, s18  }
0x2b: {  	[tilespmem:s10], [sflag:$0x1] =	stream.linear.gather [hbm4b:s18+s4], $0x400, $0x38;
	[tilespmem:$0x1A280] =	vst v63  }
0x2c: {  	s20 =	sadd.s32 $0xF4280, s18  }
0x2d: {  	[tilespmem:s24], [sflag:$0x1] =	stream.linear.gather [hbm4b:s20+s4], $0x400, $0x38;
	[tilespmem:$0x1A280] =	vst v63  }
0x2e: {  	s20 =	sadd.s32 $0x1E8500, s18  }
0x2f: {  	[tilespmem:s21], [sflag:$0x1] =	stream.linear.gather [hbm4b:s20+s4], $0x400, $0x38;
	[tilespmem:$0x1A280] =	vst v63  }
0x30: {  	s20 =	sadd.s32 $0x2DC780, s18  }
0x31: {  	[tilespmem:s22], [sflag:$0x1] =	stream.linear.gather [hbm4b:s20+s4], $0x400, $0x38;
	[tilespmem:$0x1A280] =	vst v63  }
0x32: {  	s21 =	sadd.s32 $0x3D0A00, s18  }
0x33: {  	[tilespmem:s23], [sflag:$0x1] =	stream.linear.gather [hbm4b:s21+s4], $0x400, $0x38;
	[tilespmem:$0x1A280] =	vst v63  }
0x34: {  	s22 =	sadd.s32 $0x4C4C80, s18  }
0x35: {  	[tilespmem:s25], [sflag:$0x1] =	stream.linear.gather [hbm4b:s22+s4], $0x400, $0x38;
	[tilespmem:$0x1A280] =	vst v63  }
0x36: {  	s23 =	sadd.s32 $0x5B8F00, s18  }
0x37: {  	[tilespmem:s26], [sflag:$0x1] =	stream.linear.gather [hbm4b:s23+s4], $0x400, $0x38;
	[tilespmem:$0x1A280] =	vst v63  }
0x38: {  	s18 =	sadd.s32 $0x6AD180, s18  }
0x39: {  	[tilespmem:s28], [sflag:$0x1] =	stream.linear.gather [hbm4b:s18+s4], $0x400, $0x38;
	[tilespmem:$0x1A280] =	vst v63  }
0x3a: {  	v17 =	vld [tilespmem:$0x0];
	_ =	sdelay $0x4  }
0x3b: {  	v17 =	vsel vm1, $0x0, v17  }
0x3c: {  	v17 =	vxor.u32 $0x80000000, v17  }
0x3d: {  	(xrf0) =	vmax.scan.msk.u32 $0xffff, v17;
	_ =	sdelay $0x5  }
0x3e: {  	v17, _, _ =	vpop (xrf0)  }
0x3f: {  	(v2sf) =	vpush v17, $0xF;
	_ =	sdelay $0xe  }
0x40: {  	s25 =	spop (v2sf)  }
0x41: {  	s18 =	sshrl.u32 s25, $0x7  }
0x42: {  	s18 =	sxor.u32 $0x1000000, s18  }
0x43: {  	s18 =	smin.u32 s18, $0x1E83  }
0x44: {  	s18 =	sshll.u32 s18, $0x7  }
0x45: {  	s18 =	sadd.s32 s1, s18  }
0x46: {  	[tilespmem:s0], [sflag:$0x2] =	stream.linear.gather [hbm4b:s18+s4], $0x400, $0x38;
	[tilespmem:$0x1A280] =	vst v63  }
0x47: {  	s26 =	sadd.s32 $0xF4280, s18  }
0x48: {  	[tilespmem:s3], [sflag:$0x2] =	stream.linear.gather [hbm4b:s26+s4], $0x400, $0x38;
	[tilespmem:$0x1A280] =	vst v63  }
0x49: {  	s0 =	sadd.s32 $0x1E8500, s18  }
0x4a: {  	[tilespmem:s2], [sflag:$0x2] =	stream.linear.gather [hbm4b:s0+s4], $0x400, $0x38;
	[tilespmem:$0x1A280] =	vst v63  }
0x4b: {  	s3 =	sadd.s32 $0x2DC780, s18  }
0x4c: {  	[tilespmem:s9], [sflag:$0x2] =	stream.linear.gather [hbm4b:s3+s4], $0x400, $0x38;
	[tilespmem:$0x1A280] =	vst v63  }
0x4d: {  	s20 =	sadd.s32 $0x3D0A00, s18  }
0x4e: {  	[tilespmem:s5], [sflag:$0x2] =	stream.linear.gather [hbm4b:s20+s4], $0x400, $0x38;
	[tilespmem:$0x1A280] =	vst v63  }
0x4f: {  	s21 =	sadd.s32 $0x4C4C80, s18  }
0x50: {  	[tilespmem:s6], [sflag:$0x2] =	stream.linear.gather [hbm4b:s21+s4], $0x400, $0x38;
	[tilespmem:$0x1A280] =	vst v63  }
0x51: {  	s22 =	sadd.s32 $0x5B8F00, s18  }
0x52: {  	[tilespmem:s7], [sflag:$0x2] =	stream.linear.gather [hbm4b:s22+s4], $0x400, $0x38;
	[tilespmem:$0x1A280] =	vst v63  }
0x53: {  	s18 =	sadd.s32 $0x6AD180, s18  }
0x54: {  	[tilespmem:s8], [sflag:$0x2] =	stream.linear.gather [hbm4b:s18+s4], $0x400, $0x38;
	[tilespmem:$0x1A280] =	vst v63  }
0x55: {  	v17 =	vld [tilespmem:$0x0];
	_ =	sdelay $0x4  }
0x56: {  	v17 =	vsel vm2, $0x0, v17  }
0x57: {  	v17 =	vxor.u32 $0x80000000, v17  }
0x58: {  	(xrf0) =	vmax.scan.msk.u32 $0xffff, v17;
	_ =	sdelay $0x5  }
0x59: {  	v17, _, _ =	vpop (xrf0)  }
0x5a: {  	(v2sf) =	vpush v17, $0xF;
	_ =	sdelay $0xe  }
0x5b: {  	s23 =	spop (v2sf)  }
0x5c: {  	s18 =	sshrl.u32 s23, $0x7  }
0x5d: {  	s18 =	sxor.u32 $0x1000000, s18  }
0x5e: {  	s18 =	smin.u32 s18, $0x1E83  }
0x5f: {  	s18 =	sshll.u32 s18, $0x7  }
0x60: {  	s18 =	sadd.s32 s1, s18  }
0x61: {  	[tilespmem:s11], [sflag:$0x3] =	stream.linear.gather [hbm4b:s18+s4], $0x400, $0x38;
	[tilespmem:$0x1A280] =	vst v63  }
0x62: {  	s25 =	sadd.s32 $0xF4280, s18  }
0x63: {  	[tilespmem:s12], [sflag:$0x3] =	stream.linear.gather [hbm4b:s25+s4], $0x400, $0x38;
	[tilespmem:$0x1A280] =	vst v63  }
0x64: {  	s26 =	sadd.s32 $0x1E8500, s18  }
0x65: {  	[tilespmem:s13], [sflag:$0x3] =	stream.linear.gather [hbm4b:s26+s4], $0x400, $0x38;
	[tilespmem:$0x1A280] =	vst v63  }
0x66: {  	s0 =	sadd.s32 $0x2DC780, s18  }
0x67: {  	[tilespmem:s29], [sflag:$0x3] =	stream.linear.gather [hbm4b:s0+s4], $0x400, $0x38;
	[tilespmem:$0x1A280] =	vst v63  }
0x68: {  	s2 =	sadd.s32 $0x3D0A00, s18  }
0x69: {  	[tilespmem:s30], [sflag:$0x3] =	stream.linear.gather [hbm4b:s2+s4], $0x400, $0x38;
	[tilespmem:$0x1A280] =	vst v63  }
0x6a: {  	s3 =	sadd.s32 $0x4C4C80, s18  }
0x6b: {  	[tilespmem:s31], [sflag:$0x3] =	stream.linear.gather [hbm4b:s3+s4], $0x400, $0x38;
	[tilespmem:$0x1A280] =	vst v63  }
0x6c: {  	s6 =	simm.s32 $0x5A80;
	s5 =	sadd.s32 $0x5B8F00, s18  }
0x6d: {  	[tilespmem:s6], [sflag:$0x3] =	stream.linear.gather [hbm4b:s5+s4], $0x400, $0x38;
	[tilespmem:$0x1A280] =	vst v63  }
0x6e: {  	s7 =	simm.s32 $0x5E80;
	s18 =	sadd.s32 $0x6AD180, s18  }
0x6f: {  	[tilespmem:s7], [sflag:$0x3] =	stream.linear.gather [hbm4b:s18+s4], $0x400, $0x38;
	[tilespmem:$0x1A280] =	vst v63  }
0x70: {  	v17 =	vld [tilespmem:$0x0];
	_ =	sdelay $0x4  }
0x71: {  	v17 =	vsel vm3, $0x0, v17  }
0x72: {  	v17 =	vxor.u32 $0x80000000, v17  }
0x73: {  	(xrf0) =	vmax.scan.msk.u32 $0xffff, v17;
	_ =	sdelay $0x5  }
0x74: {  	v17, _, _ =	vpop (xrf0)  }
0x75: {  	(v2sf) =	vpush v17, $0xF;
	_ =	sdelay $0xe  }
0x76: {  	s8 =	spop (v2sf)  }
0x77: {  	s18 =	sshrl.u32 s8, $0x7  }
0x78: {  	s18 =	sxor.u32 $0x1000000, s18  }
0x79: {  	s28 =	simm.s32 $0x7E80;
	s18 =	smin.u32 s18, $0x1E83  }
0x7a: {  	s9 =	simm.s32 $0x6280;
	s20 =	simm.s32 $0x6A80;
	s18 =	sshll.u32 s18, $0x7  }
0x7b: {  	s12 =	simm.s32 $0x6680;
	s26 =	simm.s32 $0x7280;
	s18 =	sadd.s32 s1, s18  }
0x7c: {  	[tilespmem:s9], [sflag:$0x4] =	stream.linear.gather [hbm4b:s18+s4], $0x400, $0x38;
	[tilespmem:$0x1A280] =	vst v63  }
0x7d: {  	s29 =	simm.s32 $0x4E80;
	s0 =	simm.s32 $0x5280;
	s11 =	sadd.s32 $0xF4280, s18  }
0x7e: {  	[tilespmem:s12], [sflag:$0x4] =	stream.linear.gather [hbm4b:s11+s4], $0x400, $0x38;
	[tilespmem:$0x1A280] =	vst v63  }
0x7f: {  	s30 =	simm.s32 $0x7680;
	s2 =	simm.s32 $0x7A80;
	s13 =	sadd.s32 $0x1E8500, s18  }
0x80: {  	[tilespmem:s20], [sflag:$0x4] =	stream.linear.gather [hbm4b:s13+s4], $0x400, $0x38;
	[tilespmem:$0x1A280] =	vst v63  }
0x81: {  	s3 =	simm.s32 $0x6E80;
	s31 =	simm.s32 $0x1E80;
	s21 =	sadd.s32 $0x2DC780, s18  }
0x82: {  	[tilespmem:s3], [sflag:$0x4] =	stream.linear.gather [hbm4b:s21+s4], $0x400, $0x38;
	[tilespmem:$0x1A280] =	vst v63  }
0x83: {  	s5 =	simm.s32 $0x3280;
	s6 =	simm.s32 $0x3680;
	s22 =	sadd.s32 $0x3D0A00, s18  }
0x84: {  	[tilespmem:s26], [sflag:$0x4] =	stream.linear.gather [hbm4b:s22+s4], $0x400, $0x38;
	[tilespmem:$0x1A280] =	vst v63  }
0x85: {  	s7 =	simm.s32 $0x3A80;
	s8 =	simm.s32 $0x3E80;
	s23 =	sadd.s32 $0x4C4C80, s18  }
0x86: {  	[tilespmem:s30], [sflag:$0x4] =	stream.linear.gather [hbm4b:s23+s4], $0x400, $0x38;
	[tilespmem:$0x1A280] =	vst v63  }
0x87: {  	s19 =	simm.s32 $0x4;
	s25 =	sadd.s32 $0x5B8F00, s18;
	s18 =	sadd.s32 $0x6AD180, s18  }
0x88: {  	[tilespmem:s2], [sflag:$0x4] =	stream.linear.gather [hbm4b:s25+s4], $0x400, $0x38;
	[tilespmem:$0x1A280] =	vst v63  }
0x89: {  	s9 =	simm.s32 $0x2E80;
	s11 =	simm.s32 $0x4280;
	s12 =	simm.s32 $0x4680  }
0x8a: {  	[tilespmem:s28], [sflag:$0x4] =	stream.linear.gather [hbm4b:s18+s4], $0x400, $0x38;
	[tilespmem:$0x1A280] =	vst v63  }
0x8b: {  	s13 =	simm.s32 $0x4A80;
	s25 =	simm.s32 $0x5680;
	s18 =	simm.s32 $0x8380  }
.LBB2_2:
0x8c: {  	_ =	swait.ge [sflag:s14], $0x400  }
0x8d: {  	[sflag:s14] =	ssyncset.done $0x0  }
0x8e: {  	[sflag:s14] =	ssyncadd.s32 $0xFFFFFC00  }
0x8f: {  	_ =	swait.ge [sflag:s14], $0x400  }
0x90: {  	[sflag:s14] =	ssyncset.done $0x0  }
0x91: {  	[sflag:s14] =	ssyncadd.s32 $0xFFFFFC00  }
0x92: {  	_ =	swait.ge [sflag:s14], $0x400  }
0x93: {  	[sflag:s14] =	ssyncset.done $0x0  }
0x94: {  	[sflag:s14] =	ssyncadd.s32 $0xFFFFFC00  }
0x95: {  	_ =	swait.ge [sflag:s14], $0x400  }
0x96: {  	[sflag:s14] =	ssyncset.done $0x0  }
0x97: {  	[sflag:s14] =	ssyncadd.s32 $0xFFFFFC00  }
0x98: {  	_ =	swait.ge [sflag:s14], $0x400  }
0x99: {  	[sflag:s14] =	ssyncset.done $0x0  }
0x9a: {  	[sflag:s14] =	ssyncadd.s32 $0xFFFFFC00  }
0x9b: {  	_ =	swait.ge [sflag:s14], $0x400  }
0x9c: {  	[sflag:s14] =	ssyncset.done $0x0  }
0x9d: {  	[sflag:s14] =	ssyncadd.s32 $0xFFFFFC00  }
0x9e: {  	_ =	swait.ge [sflag:s14], $0x400  }
0x9f: {  	[sflag:s14] =	ssyncset.done $0x0  }
0xa0: {  	[sflag:s14] =	ssyncadd.s32 $0xFFFFFC00  }
0xa1: {  	_ =	swait.ge [sflag:s14], $0x400  }
0xa2: {  	s20 =	sadd.s32 $0xFFFFFFFC, s19;
	[sflag:s14] =	ssyncset.done $0x0  }
0xa3: {  	s21 =	sand.u32 $0xFFFFFFF0, s20;
	[sflag:s14] =	ssyncadd.s32 $0xFFFFFC00  }
0xa4: {  	v17 =	vld [tilespmem:s21+$0x0];
	_ =	sdelay $0x2  }
0xa5: {  	s20 =	sand.u32 $0xC, s20  }
0xa6: {  	v18 =	vmov s20  }
0xa7: {  	vm8 =	veq.s32 v18, v0;
	v17 =	vxor.u32 $0x80000000, v17  }
0xa8: {  	v17 =	vnsel vm8, $0x80000000, v17  }
0xa9: {  	(xrf0) =	vmax.scan.msk.u32 $0xffff, v17;
	_ =	sdelay $0x5  }
0xaa: {  	v17, _, _ =	vpop (xrf0)  }
0xab: {  	(v2sf) =	vpush v17, $0xF;
	_ =	sdelay $0xe  }
0xac: {  	s21 =	spop (v2sf)  }
0xad: {  	s23 =	sxor.u32 $0x80000000, s21  }
0xae: {  	s22 =	sshrl.u32 s23, $0x7  }
0xaf: {  	s22 =	smin.u32 s22, $0x1E83  }
0xb0: {  	s22 =	sshll.u32 s22, $0x7  }
0xb1: {  	s22 =	ssub.s32 s23, s22  }
0xb2: {  	p0 =	slt.s32 s22, $0x7F  }
0xb3: {  	s20 =	sadd.s32 $0x7FF0BE00, s21;
	s22 =	simm.s32 @!p0 $0x7F  }
0xb4: {  	p0 =	sgt.s32 s20, $0x0;
	v17 =	vadd.s32 s22, v1  }
0xb5: {  	s20 =	simm.s32 @!p0 $0x0  }
0xb6: {  	s20 =	smin.u32 s20, $0x3F  }
0xb7: {  	s20 =	sshll.u32 s20, $0x7  }
0xb8: {  	v18 =	vld [tilespmem:s20+$0x18280]  }
0xb9: {  	v17 =	vld.idx.msk [tilespmem:v17+s10+$0x0], $0xffff;
	_ =	sdelay $0x1  }
0xba: {  	v19 =	vadd.s32 s22, v2;
	_ =	sdelay $0x1  }
0xbb: {  	p3 =	sgt.s32 s23, $0xF41FF  }
0xbc: {  	v17 =	vpsel p3, v18, v17  }
0xbd: {  	[tilespmem:s18+$0xFFFFFF00] =	vst v17  }
0xbe: {  	v17 =	vld.idx.msk [tilespmem:v19+s10+$0x0], $0xffff  }
0xbf: {  	v18 =	vld [tilespmem:s20+$0x18290];
	_ =	sdelay $0x1  }
0xc0: {  	v19 =	vadd.s32 s22, v3;
	_ =	sdelay $0x2  }
0xc1: {  	v17 =	vpsel p3, v18, v17  }
0xc2: {  	[tilespmem:s18+$0xFFFFFF10] =	vst v17  }
0xc3: {  	v17 =	vld.idx.msk [tilespmem:v19+s10+$0x0], $0xffff  }
0xc4: {  	v18 =	vld [tilespmem:s20+$0x182A0];
	_ =	sdelay $0x1  }
0xc5: {  	v19 =	vadd.s32 s22, v4;
	_ =	sdelay $0x2  }
0xc6: {  	v17 =	vpsel p3, v18, v17  }
0xc7: {  	[tilespmem:s18+$0xFFFFFF20] =	vst v17  }
0xc8: {  	v17 =	vld.idx.msk [tilespmem:v19+s10+$0x0], $0xffff  }
0xc9: {  	v18 =	vld [tilespmem:s20+$0x182B0];
	_ =	sdelay $0x4  }
0xca: {  	v17 =	vpsel p3, v18, v17  }
0xcb: {  	s20 =	sand.u32 $0x1F0, s19;
	[tilespmem:s18+$0xFFFFFF30] =	vst v17  }
0xcc: {  	v17 =	vld [tilespmem:s20+$0x0];
	_ =	sdelay $0x2  }
0xcd: {  	s21 =	sand.u32 $0xC, s19  }
0xce: {  	v18 =	vmov s21  }
0xcf: {  	vm8 =	veq.s32 v18, v0;
	v17 =	vxor.u32 $0x80000000, v17  }
0xd0: {  	v17 =	vnsel vm8, $0x80000000, v17  }
0xd1: {  	(xrf0) =	vmax.scan.msk.u32 $0xffff, v17;
	_ =	sdelay $0x5  }
0xd2: {  	v17, _, _ =	vpop (xrf0)  }
0xd3: {  	(v2sf) =	vpush v17, $0xF;
	_ =	sdelay $0xe  }
0xd4: {  	s23 =	spop (v2sf)  }
0xd5: {  	s22 =	sshrl.u32 s23, $0x7  }
0xd6: {  	s22 =	sxor.u32 $0x1000000, s22  }
0xd7: {  	s22 =	smin.u32 s22, $0x1E83  }
0xd8: {  	s22 =	sshll.u32 s22, $0x7  }
0xd9: {  	s22 =	sadd.s32 s1, s22  }
0xda: {  	[tilespmem:s10], [sflag:$0x1] =	stream.linear.gather [hbm4b:s22+s4], $0x400, $0x38;
	[tilespmem:$0x1A280] =	vst v63  }
0xdb: {  	s23 =	sadd.s32 $0xF4280, s22  }
0xdc: {  	[tilespmem:s24], [sflag:$0x1] =	stream.linear.gather [hbm4b:s23+s4], $0x400, $0x38;
	[tilespmem:$0x1A280] =	vst v63  }
0xdd: {  	s23 =	sadd.s32 $0x1E8500, s22;
	s24 =	simm.s32 $0xA80  }
0xde: {  	[tilespmem:s24], [sflag:$0x1] =	stream.linear.gather [hbm4b:s23+s4], $0x400, $0x38;
	[tilespmem:$0x1A280] =	vst v63  }
0xdf: {  	s23 =	sadd.s32 $0x2DC780, s22;
	s24 =	simm.s32 $0xE80  }
0xe0: {  	[tilespmem:s24], [sflag:$0x1] =	stream.linear.gather [hbm4b:s23+s4], $0x400, $0x38;
	[tilespmem:$0x1A280] =	vst v63  }
0xe1: {  	s23 =	sadd.s32 $0x3D0A00, s22;
	s24 =	simm.s32 $0x1280  }
0xe2: {  	[tilespmem:s24], [sflag:$0x1] =	stream.linear.gather [hbm4b:s23+s4], $0x400, $0x38;
	[tilespmem:$0x1A280] =	vst v63  }
0xe3: {  	s23 =	sadd.s32 $0x4C4C80, s22;
	s24 =	simm.s32 $0x1680  }
0xe4: {  	[tilespmem:s24], [sflag:$0x1] =	stream.linear.gather [hbm4b:s23+s4], $0x400, $0x38;
	[tilespmem:$0x1A280] =	vst v63  }
0xe5: {  	s23 =	sadd.s32 $0x5B8F00, s22;
	s24 =	simm.s32 $0x1A80  }
0xe6: {  	[tilespmem:s24], [sflag:$0x1] =	stream.linear.gather [hbm4b:s23+s4], $0x400, $0x38;
	[tilespmem:$0x1A280] =	vst v63  }
0xe7: {  	s22 =	sadd.s32 $0x6AD180, s22  }
0xe8: {  	[tilespmem:s31], [sflag:$0x1] =	stream.linear.gather [hbm4b:s22+s4], $0x400, $0x38;
	[tilespmem:$0x1A280] =	vst v63  }
0xe9: {  	_ =	swait.ge [sflag:s15], $0x400  }
0xea: {  	[sflag:s15] =	ssyncset.done $0x0  }
0xeb: {  	[sflag:s15] =	ssyncadd.s32 $0xFFFFFC00  }
0xec: {  	_ =	swait.ge [sflag:s15], $0x400  }
0xed: {  	[sflag:s15] =	ssyncset.done $0x0  }
0xee: {  	[sflag:s15] =	ssyncadd.s32 $0xFFFFFC00  }
0xef: {  	_ =	swait.ge [sflag:s15], $0x400  }
0xf0: {  	[sflag:s15] =	ssyncset.done $0x0  }
0xf1: {  	[sflag:s15] =	ssyncadd.s32 $0xFFFFFC00  }
0xf2: {  	_ =	swait.ge [sflag:s15], $0x400  }
0xf3: {  	[sflag:s15] =	ssyncset.done $0x0  }
0xf4: {  	[sflag:s15] =	ssyncadd.s32 $0xFFFFFC00  }
0xf5: {  	_ =	swait.ge [sflag:s15], $0x400  }
0xf6: {  	[sflag:s15] =	ssyncset.done $0x0  }
0xf7: {  	[sflag:s15] =	ssyncadd.s32 $0xFFFFFC00  }
0xf8: {  	_ =	swait.ge [sflag:s15], $0x400  }
0xf9: {  	[sflag:s15] =	ssyncset.done $0x0  }
0xfa: {  	[sflag:s15] =	ssyncadd.s32 $0xFFFFFC00  }
0xfb: {  	_ =	swait.ge [sflag:s15], $0x400  }
0xfc: {  	[sflag:s15] =	ssyncset.done $0x0  }
0xfd: {  	[sflag:s15] =	ssyncadd.s32 $0xFFFFFC00  }
0xfe: {  	_ =	swait.ge [sflag:s15], $0x400  }
0xff: {  	s22 =	sadd.s32 $0xFFFFFFFD, s19;
	[sflag:s15] =	ssyncset.done $0x0  }
0x100: {  	s24 =	sand.u32 $0xFFFFFFF0, s22;
	[sflag:s15] =	ssyncadd.s32 $0xFFFFFC00  }
0x101: {  	v17 =	vld [tilespmem:s24+$0x0];
	_ =	sdelay $0x2  }
0x102: {  	s22 =	sand.u32 $0xD, s22  }
0x103: {  	v18 =	vmov s22  }
0x104: {  	vm8 =	veq.s32 v18, v0;
	v17 =	vxor.u32 $0x80000000, v17  }
0x105: {  	v17 =	vnsel vm8, $0x80000000, v17  }
0x106: {  	(xrf0) =	vmax.scan.msk.u32 $0xffff, v17;
	_ =	sdelay $0x5  }
0x107: {  	v17, _, _ =	vpop (xrf0)  }
0x108: {  	(v2sf) =	vpush v17, $0xF;
	_ =	sdelay $0xe  }
0x109: {  	s22 =	spop (v2sf)  }
0x10a: {  	s23 =	sxor.u32 $0x80000000, s22  }
0x10b: {  	s24 =	sshrl.u32 s23, $0x7  }
0x10c: {  	s24 =	smin.u32 s24, $0x1E83  }
0x10d: {  	s24 =	sshll.u32 s24, $0x7  }
0x10e: {  	s24 =	ssub.s32 s23, s24  }
0x10f: {  	p0 =	slt.s32 s24, $0x7F  }
0x110: {  	s22 =	sadd.s32 $0x7FF0BE00, s22;
	s24 =	simm.s32 @!p0 $0x7F  }
0x111: {  	p0 =	sgt.s32 s22, $0x0;
	v17 =	vadd.s32 s24, v5  }
0x112: {  	s22 =	simm.s32 @!p0 $0x0  }
0x113: {  	s22 =	smin.u32 s22, $0x3F  }
0x114: {  	s22 =	sshll.u32 s22, $0x7  }
0x115: {  	v18 =	vld [tilespmem:s22+$0x18280]  }
0x116: {  	v17 =	vld.idx.msk [tilespmem:v17+s10+$0x0], $0xffff;
	_ =	sdelay $0x1  }
0x117: {  	v19 =	vadd.s32 s24, v6;
	_ =	sdelay $0x1  }
0x118: {  	p4 =	sgt.s32 s23, $0xF41FF  }
0x119: {  	v17 =	vpsel p4, v18, v17  }
0x11a: {  	[tilespmem:s18+$0xFFFFFF80] =	vst v17  }
0x11b: {  	v17 =	vld.idx.msk [tilespmem:v19+s10+$0x0], $0xffff  }
0x11c: {  	v18 =	vld [tilespmem:s22+$0x18290];
	_ =	sdelay $0x1  }
0x11d: {  	v19 =	vadd.s32 s24, v7;
	_ =	sdelay $0x2  }
0x11e: {  	v17 =	vpsel p4, v18, v17  }
0x11f: {  	[tilespmem:s18+$0xFFFFFF90] =	vst v17  }
0x120: {  	v17 =	vld.idx.msk [tilespmem:v19+s10+$0x0], $0xffff  }
0x121: {  	v18 =	vld [tilespmem:s22+$0x182A0];
	_ =	sdelay $0x1  }
0x122: {  	v19 =	vadd.s32 s24, v8;
	_ =	sdelay $0x2  }
0x123: {  	v17 =	vpsel p4, v18, v17  }
0x124: {  	[tilespmem:s18+$0xFFFFFFA0] =	vst v17  }
0x125: {  	v17 =	vld.idx.msk [tilespmem:v19+s10+$0x0], $0xffff  }
0x126: {  	v18 =	vld [tilespmem:s22+$0x182B0];
	_ =	sdelay $0x4  }
0x127: {  	v17 =	vpsel p4, v18, v17  }
0x128: {  	[tilespmem:s18+$0xFFFFFFB0] =	vst v17  }
0x129: {  	v17 =	vld [tilespmem:s20+$0x0];
	_ =	sdelay $0x2  }
0x12a: {  	s24 =	sor.u32 $0x1, s21  }
0x12b: {  	v18 =	vmov s24  }
0x12c: {  	vm8 =	veq.s32 v18, v0;
	v17 =	vxor.u32 $0x80000000, v17  }
0x12d: {  	v17 =	vnsel vm8, $0x80000000, v17  }
0x12e: {  	(xrf0) =	vmax.scan.msk.u32 $0xffff, v17;
	_ =	sdelay $0x5  }
0x12f: {  	v17, _, _ =	vpop (xrf0)  }
0x130: {  	(v2sf) =	vpush v17, $0xF;
	_ =	sdelay $0xe  }
0x131: {  	s23 =	spop (v2sf)  }
0x132: {  	s22 =	sshrl.u32 s23, $0x7  }
0x133: {  	s22 =	sxor.u32 $0x1000000, s22  }
0x134: {  	s22 =	smin.u32 s22, $0x1E83  }
0x135: {  	s22 =	sshll.u32 s22, $0x7  }
0x136: {  	s24 =	simm.s32 $0x2280;
	s22 =	sadd.s32 s1, s22  }
0x137: {  	[tilespmem:s24], [sflag:$0x2] =	stream.linear.gather [hbm4b:s22+s4], $0x400, $0x38;
	[tilespmem:$0x1A280] =	vst v63  }
0x138: {  	s23 =	sadd.s32 $0xF4280, s22;
	s24 =	simm.s32 $0x2680  }
0x139: {  	[tilespmem:s24], [sflag:$0x2] =	stream.linear.gather [hbm4b:s23+s4], $0x400, $0x38;
	[tilespmem:$0x1A280] =	vst v63  }
0x13a: {  	s23 =	sadd.s32 $0x1E8500, s22;
	s24 =	simm.s32 $0x2A80  }
0x13b: {  	[tilespmem:s24], [sflag:$0x2] =	stream.linear.gather [hbm4b:s23+s4], $0x400, $0x38;
	[tilespmem:$0x1A280] =	vst v63  }
0x13c: {  	s24 =	sadd.s32 $0x2DC780, s22  }
0x13d: {  	[tilespmem:s9], [sflag:$0x2] =	stream.linear.gather [hbm4b:s24+s4], $0x400, $0x38;
	[tilespmem:$0x1A280] =	vst v63  }
0x13e: {  	s24 =	sadd.s32 $0x3D0A00, s22  }
0x13f: {  	[tilespmem:s5], [sflag:$0x2] =	stream.linear.gather [hbm4b:s24+s4], $0x400, $0x38;
	[tilespmem:$0x1A280] =	vst v63  }
0x140: {  	s24 =	sadd.s32 $0x4C4C80, s22  }
0x141: {  	[tilespmem:s6], [sflag:$0x2] =	stream.linear.gather [hbm4b:s24+s4], $0x400, $0x38;
	[tilespmem:$0x1A280] =	vst v63  }
0x142: {  	s24 =	sadd.s32 $0x5B8F00, s22  }
0x143: {  	[tilespmem:s7], [sflag:$0x2] =	stream.linear.gather [hbm4b:s24+s4], $0x400, $0x38;
	[tilespmem:$0x1A280] =	vst v63  }
0x144: {  	s22 =	sadd.s32 $0x6AD180, s22  }
0x145: {  	[tilespmem:s8], [sflag:$0x2] =	stream.linear.gather [hbm4b:s22+s4], $0x400, $0x38;
	[tilespmem:$0x1A280] =	vst v63  }
0x146: {  	_ =	swait.ge [sflag:s16], $0x400  }
0x147: {  	[sflag:s16] =	ssyncset.done $0x0  }
0x148: {  	[sflag:s16] =	ssyncadd.s32 $0xFFFFFC00  }
0x149: {  	_ =	swait.ge [sflag:s16], $0x400  }
0x14a: {  	[sflag:s16] =	ssyncset.done $0x0  }
0x14b: {  	[sflag:s16] =	ssyncadd.s32 $0xFFFFFC00  }
0x14c: {  	_ =	swait.ge [sflag:s16], $0x400  }
0x14d: {  	[sflag:s16] =	ssyncset.done $0x0  }
0x14e: {  	[sflag:s16] =	ssyncadd.s32 $0xFFFFFC00  }
0x14f: {  	_ =	swait.ge [sflag:s16], $0x400  }
0x150: {  	[sflag:s16] =	ssyncset.done $0x0  }
0x151: {  	[sflag:s16] =	ssyncadd.s32 $0xFFFFFC00  }
0x152: {  	_ =	swait.ge [sflag:s16], $0x400  }
0x153: {  	[sflag:s16] =	ssyncset.done $0x0  }
0x154: {  	[sflag:s16] =	ssyncadd.s32 $0xFFFFFC00  }
0x155: {  	_ =	swait.ge [sflag:s16], $0x400  }
0x156: {  	[sflag:s16] =	ssyncset.done $0x0  }
0x157: {  	[sflag:s16] =	ssyncadd.s32 $0xFFFFFC00  }
0x158: {  	_ =	swait.ge [sflag:s16], $0x400  }
0x159: {  	[sflag:s16] =	ssyncset.done $0x0  }
0x15a: {  	[sflag:s16] =	ssyncadd.s32 $0xFFFFFC00  }
0x15b: {  	_ =	swait.ge [sflag:s16], $0x400  }
0x15c: {  	s22 =	sadd.s32 $0xFFFFFFFE, s19;
	[sflag:s16] =	ssyncset.done $0x0  }
0x15d: {  	s24 =	sand.u32 $0xFFFFFFF0, s22;
	[sflag:s16] =	ssyncadd.s32 $0xFFFFFC00  }
0x15e: {  	v17 =	vld [tilespmem:s24+$0x0];
	_ =	sdelay $0x2  }
0x15f: {  	s22 =	sand.u32 $0xE, s22  }
0x160: {  	v18 =	vmov s22  }
0x161: {  	vm8 =	veq.s32 v18, v0;
	v17 =	vxor.u32 $0x80000000, v17  }
0x162: {  	v17 =	vnsel vm8, $0x80000000, v17  }
0x163: {  	(xrf0) =	vmax.scan.msk.u32 $0xffff, v17;
	_ =	sdelay $0x5  }
0x164: {  	v17, _, _ =	vpop (xrf0)  }
0x165: {  	(v2sf) =	vpush v17, $0xF;
	_ =	sdelay $0xe  }
0x166: {  	s22 =	spop (v2sf)  }
0x167: {  	s23 =	sxor.u32 $0x80000000, s22  }
0x168: {  	s24 =	sshrl.u32 s23, $0x7  }
0x169: {  	s24 =	smin.u32 s24, $0x1E83  }
0x16a: {  	s24 =	sshll.u32 s24, $0x7  }
0x16b: {  	s24 =	ssub.s32 s23, s24  }
0x16c: {  	p0 =	slt.s32 s24, $0x7F  }
0x16d: {  	s22 =	sadd.s32 $0x7FF0BE00, s22;
	s24 =	simm.s32 @!p0 $0x7F  }
0x16e: {  	p0 =	sgt.s32 s22, $0x0;
	v17 =	vadd.s32 s24, v9  }
0x16f: {  	s22 =	simm.s32 @!p0 $0x0  }
0x170: {  	s22 =	smin.u32 s22, $0x3F  }
0x171: {  	s22 =	sshll.u32 s22, $0x7  }
0x172: {  	v18 =	vld [tilespmem:s22+$0x18280]  }
0x173: {  	v17 =	vld.idx.msk [tilespmem:v17+s10+$0x0], $0xffff;
	_ =	sdelay $0x1  }
0x174: {  	v19 =	vadd.s32 s24, v10;
	_ =	sdelay $0x1  }
0x175: {  	p5 =	sgt.s32 s23, $0xF41FF  }
0x176: {  	v17 =	vpsel p5, v18, v17  }
0x177: {  	[tilespmem:s18+$0x0] =	vst v17  }
0x178: {  	v17 =	vld.idx.msk [tilespmem:v19+s10+$0x0], $0xffff  }
0x179: {  	v18 =	vld [tilespmem:s22+$0x18290];
	_ =	sdelay $0x1  }
0x17a: {  	v19 =	vadd.s32 s24, v11;
	_ =	sdelay $0x2  }
0x17b: {  	v17 =	vpsel p5, v18, v17  }
0x17c: {  	[tilespmem:s18+$0x10] =	vst v17  }
0x17d: {  	v17 =	vld.idx.msk [tilespmem:v19+s10+$0x0], $0xffff  }
0x17e: {  	v18 =	vld [tilespmem:s22+$0x182A0];
	_ =	sdelay $0x1  }
0x17f: {  	v19 =	vadd.s32 s24, v12;
	_ =	sdelay $0x2  }
0x180: {  	v17 =	vpsel p5, v18, v17  }
0x181: {  	[tilespmem:s18+$0x20] =	vst v17  }
0x182: {  	v17 =	vld.idx.msk [tilespmem:v19+s10+$0x0], $0xffff  }
0x183: {  	v18 =	vld [tilespmem:s22+$0x182B0];
	_ =	sdelay $0x4  }
0x184: {  	v17 =	vpsel p5, v18, v17  }
0x185: {  	[tilespmem:s18+$0x30] =	vst v17  }
0x186: {  	v17 =	vld [tilespmem:s20+$0x0];
	_ =	sdelay $0x2  }
0x187: {  	s24 =	sor.u32 $0x2, s21  }
0x188: {  	v18 =	vmov s24  }
0x189: {  	vm8 =	veq.s32 v18, v0;
	v17 =	vxor.u32 $0x80000000, v17  }
0x18a: {  	v17 =	vnsel vm8, $0x80000000, v17  }
0x18b: {  	(xrf0) =	vmax.scan.msk.u32 $0xffff, v17;
	_ =	sdelay $0x5  }
0x18c: {  	v17, _, _ =	vpop (xrf0)  }
0x18d: {  	(v2sf) =	vpush v17, $0xF;
	_ =	sdelay $0xe  }
0x18e: {  	s23 =	spop (v2sf)  }
0x18f: {  	s22 =	sshrl.u32 s23, $0x7  }
0x190: {  	s22 =	sxor.u32 $0x1000000, s22  }
0x191: {  	s22 =	smin.u32 s22, $0x1E83  }
0x192: {  	s22 =	sshll.u32 s22, $0x7  }
0x193: {  	s22 =	sadd.s32 s1, s22  }
0x194: {  	[tilespmem:s11], [sflag:$0x3] =	stream.linear.gather [hbm4b:s22+s4], $0x400, $0x38;
	[tilespmem:$0x1A280] =	vst v63  }
0x195: {  	s24 =	sadd.s32 $0xF4280, s22  }
0x196: {  	[tilespmem:s12], [sflag:$0x3] =	stream.linear.gather [hbm4b:s24+s4], $0x400, $0x38;
	[tilespmem:$0x1A280] =	vst v63  }
0x197: {  	s24 =	sadd.s32 $0x1E8500, s22  }
0x198: {  	[tilespmem:s13], [sflag:$0x3] =	stream.linear.gather [hbm4b:s24+s4], $0x400, $0x38;
	[tilespmem:$0x1A280] =	vst v63  }
0x199: {  	s24 =	sadd.s32 $0x2DC780, s22  }
0x19a: {  	[tilespmem:s29], [sflag:$0x3] =	stream.linear.gather [hbm4b:s24+s4], $0x400, $0x38;
	[tilespmem:$0x1A280] =	vst v63  }
0x19b: {  	s24 =	sadd.s32 $0x3D0A00, s22  }
0x19c: {  	[tilespmem:s0], [sflag:$0x3] =	stream.linear.gather [hbm4b:s24+s4], $0x400, $0x38;
	[tilespmem:$0x1A280] =	vst v63  }
0x19d: {  	s24 =	sadd.s32 $0x4C4C80, s22  }
0x19e: {  	[tilespmem:s25], [sflag:$0x3] =	stream.linear.gather [hbm4b:s24+s4], $0x400, $0x38;
	[tilespmem:$0x1A280] =	vst v63  }
0x19f: {  	s23 =	sadd.s32 $0x5B8F00, s22;
	s24 =	simm.s32 $0x5A80  }
0x1a0: {  	[tilespmem:s24], [sflag:$0x3] =	stream.linear.gather [hbm4b:s23+s4], $0x400, $0x38;
	[tilespmem:$0x1A280] =	vst v63  }
0x1a1: {  	s22 =	sadd.s32 $0x6AD180, s22;
	s24 =	simm.s32 $0x5E80  }
0x1a2: {  	[tilespmem:s24], [sflag:$0x3] =	stream.linear.gather [hbm4b:s22+s4], $0x400, $0x38;
	[tilespmem:$0x1A280] =	vst v63  }
0x1a3: {  	_ =	swait.ge [sflag:s17], $0x400  }
0x1a4: {  	[sflag:s17] =	ssyncset.done $0x0  }
0x1a5: {  	[sflag:s17] =	ssyncadd.s32 $0xFFFFFC00  }
0x1a6: {  	_ =	swait.ge [sflag:s17], $0x400  }
0x1a7: {  	[sflag:s17] =	ssyncset.done $0x0  }
0x1a8: {  	[sflag:s17] =	ssyncadd.s32 $0xFFFFFC00  }
0x1a9: {  	_ =	swait.ge [sflag:s17], $0x400  }
0x1aa: {  	[sflag:s17] =	ssyncset.done $0x0  }
0x1ab: {  	[sflag:s17] =	ssyncadd.s32 $0xFFFFFC00  }
0x1ac: {  	_ =	swait.ge [sflag:s17], $0x400  }
0x1ad: {  	[sflag:s17] =	ssyncset.done $0x0  }
0x1ae: {  	[sflag:s17] =	ssyncadd.s32 $0xFFFFFC00  }
0x1af: {  	_ =	swait.ge [sflag:s17], $0x400  }
0x1b0: {  	[sflag:s17] =	ssyncset.done $0x0  }
0x1b1: {  	[sflag:s17] =	ssyncadd.s32 $0xFFFFFC00  }
0x1b2: {  	_ =	swait.ge [sflag:s17], $0x400  }
0x1b3: {  	[sflag:s17] =	ssyncset.done $0x0  }
0x1b4: {  	[sflag:s17] =	ssyncadd.s32 $0xFFFFFC00  }
0x1b5: {  	_ =	swait.ge [sflag:s17], $0x400  }
0x1b6: {  	[sflag:s17] =	ssyncset.done $0x0  }
0x1b7: {  	[sflag:s17] =	ssyncadd.s32 $0xFFFFFC00  }
0x1b8: {  	_ =	swait.ge [sflag:s17], $0x400  }
0x1b9: {  	s22 =	sadd.s32 $0xFFFFFFFF, s19;
	[sflag:s17] =	ssyncset.done $0x0  }
0x1ba: {  	s24 =	sand.u32 $0xFFFFFFF0, s22;
	[sflag:s17] =	ssyncadd.s32 $0xFFFFFC00  }
0x1bb: {  	v17 =	vld [tilespmem:s24+$0x0];
	_ =	sdelay $0x2  }
0x1bc: {  	s22 =	sand.u32 $0xF, s22  }
0x1bd: {  	v18 =	vmov s22  }
0x1be: {  	vm8 =	veq.s32 v18, v0;
	v17 =	vxor.u32 $0x80000000, v17  }
0x1bf: {  	v17 =	vnsel vm8, $0x80000000, v17  }
0x1c0: {  	(xrf0) =	vmax.scan.msk.u32 $0xffff, v17;
	_ =	sdelay $0x5  }
0x1c1: {  	v17, _, _ =	vpop (xrf0)  }
0x1c2: {  	(v2sf) =	vpush v17, $0xF;
	_ =	sdelay $0xe  }
0x1c3: {  	s22 =	spop (v2sf)  }
0x1c4: {  	s23 =	sxor.u32 $0x80000000, s22  }
0x1c5: {  	s24 =	sshrl.u32 s23, $0x7  }
0x1c6: {  	s24 =	smin.u32 s24, $0x1E83  }
0x1c7: {  	s24 =	sshll.u32 s24, $0x7  }
0x1c8: {  	s24 =	ssub.s32 s23, s24  }
0x1c9: {  	p0 =	slt.s32 s24, $0x7F  }
0x1ca: {  	s22 =	sadd.s32 $0x7FF0BE00, s22;
	s24 =	simm.s32 @!p0 $0x7F  }
0x1cb: {  	p0 =	sgt.s32 s22, $0x0;
	v17 =	vadd.s32 s24, v13  }
0x1cc: {  	s22 =	simm.s32 @!p0 $0x0  }
0x1cd: {  	s22 =	smin.u32 s22, $0x3F  }
0x1ce: {  	s22 =	sshll.u32 s22, $0x7  }
0x1cf: {  	v18 =	vld [tilespmem:s22+$0x18280]  }
0x1d0: {  	v17 =	vld.idx.msk [tilespmem:v17+s10+$0x0], $0xffff;
	_ =	sdelay $0x1  }
0x1d1: {  	v19 =	vadd.s32 s24, v14;
	_ =	sdelay $0x1  }
0x1d2: {  	p6 =	sgt.s32 s23, $0xF41FF  }
0x1d3: {  	v17 =	vpsel p6, v18, v17  }
0x1d4: {  	[tilespmem:s18+$0x80] =	vst v17  }
0x1d5: {  	v17 =	vld.idx.msk [tilespmem:v19+s10+$0x0], $0xffff  }
0x1d6: {  	v18 =	vld [tilespmem:s22+$0x18290];
	_ =	sdelay $0x1  }
0x1d7: {  	v19 =	vadd.s32 s24, v15;
	_ =	sdelay $0x2  }
0x1d8: {  	v17 =	vpsel p6, v18, v17  }
0x1d9: {  	[tilespmem:s18+$0x90] =	vst v17  }
0x1da: {  	v17 =	vld.idx.msk [tilespmem:v19+s10+$0x0], $0xffff  }
0x1db: {  	v18 =	vld [tilespmem:s22+$0x182A0];
	_ =	sdelay $0x2  }
0x1dc: {  	v19 =	vadd.s32 s24, v16;
	_ =	sdelay $0x1  }
0x1dd: {  	v17 =	vpsel p6, v18, v17  }
0x1de: {  	[tilespmem:s18+$0xA0] =	vst v17  }
0x1df: {  	v17 =	vld [tilespmem:s22+$0x182B0]  }
0x1e0: {  	v18 =	vld.idx.msk [tilespmem:v19+s10+$0x0], $0xffff;
	_ =	sdelay $0x4  }
0x1e1: {  	v17 =	vpsel p6, v17, v18  }
0x1e2: {  	[tilespmem:s18+$0xB0] =	vst v17  }
0x1e3: {  	v17 =	vld [tilespmem:s20+$0x0];
	_ =	sdelay $0x2  }
0x1e4: {  	s21 =	sor.u32 $0x3, s21  }
0x1e5: {  	v18 =	vmov s21  }
0x1e6: {  	vm8 =	veq.s32 v18, v0;
	v17 =	vxor.u32 $0x80000000, v17  }
0x1e7: {  	v17 =	vnsel vm8, $0x80000000, v17  }
0x1e8: {  	(xrf0) =	vmax.scan.msk.u32 $0xffff, v17;
	_ =	sdelay $0x5  }
0x1e9: {  	v17, _, _ =	vpop (xrf0)  }
0x1ea: {  	(v2sf) =	vpush v17, $0xF;
	_ =	sdelay $0xe  }
0x1eb: {  	s22 =	spop (v2sf)  }
0x1ec: {  	s20 =	sshrl.u32 s22, $0x7  }
0x1ed: {  	s20 =	sxor.u32 $0x1000000, s20  }
0x1ee: {  	s20 =	smin.u32 s20, $0x1E83  }
0x1ef: {  	s20 =	sshll.u32 s20, $0x7  }
0x1f0: {  	s23 =	simm.s32 $0x6280;
	s20 =	sadd.s32 s1, s20  }
0x1f1: {  	[tilespmem:s23], [sflag:$0x4] =	stream.linear.gather [hbm4b:s20+s4], $0x400, $0x38;
	[tilespmem:$0x1A280] =	vst v63  }
0x1f2: {  	s22 =	sadd.s32 $0xF4280, s20;
	s23 =	simm.s32 $0x6680  }
0x1f3: {  	[tilespmem:s23], [sflag:$0x4] =	stream.linear.gather [hbm4b:s22+s4], $0x400, $0x38;
	[tilespmem:$0x1A280] =	vst v63  }
0x1f4: {  	s22 =	sadd.s32 $0x1E8500, s20;
	s23 =	simm.s32 $0x6A80  }
0x1f5: {  	[tilespmem:s23], [sflag:$0x4] =	stream.linear.gather [hbm4b:s22+s4], $0x400, $0x38;
	[tilespmem:$0x1A280] =	vst v63  }
0x1f6: {  	s22 =	sadd.s32 $0x2DC780, s20  }
0x1f7: {  	[tilespmem:s3], [sflag:$0x4] =	stream.linear.gather [hbm4b:s22+s4], $0x400, $0x38;
	[tilespmem:$0x1A280] =	vst v63  }
0x1f8: {  	s23 =	sadd.s32 $0x3D0A00, s20  }
0x1f9: {  	[tilespmem:s26], [sflag:$0x4] =	stream.linear.gather [hbm4b:s23+s4], $0x400, $0x38;
	[tilespmem:$0x1A280] =	vst v63  }
0x1fa: {  	p0 =	sne.s32 s19, $0x1FC;
	s22 =	sadd.s32 $0x4C4C80, s20  }
0x1fb: {  	[tilespmem:s30], [sflag:$0x4] =	stream.linear.gather [hbm4b:s22+s4], $0x400, $0x38;
	[tilespmem:$0x1A280] =	vst v63  }
.Ltmp0:
0x1fc: {  	_ = 	snop;
	(pc) =	sbr.rel @p0 .LBB2_2-.Ltmp0, $4  }
0x1fd: {  	s19 =	sadd.s32 $0x4, s19;
	s23 =	sadd.s32 $0x5B8F00, s20  }
0x1fe: {  	[tilespmem:s2], [sflag:$0x4] =	stream.linear.gather [hbm4b:s23+s4], $0x400, $0x38;
	[tilespmem:$0x1A280] =	vst v63  }
0x1ff: {  	s24 =	simm.s32 $0x680;
	s18 =	sadd.s32 $0x200, s18;
	s20 =	sadd.s32 $0x6AD180, s20  }
0x200: {  	[tilespmem:s28], [sflag:$0x4] =	stream.linear.gather [hbm4b:s20+s4], $0x400, $0x38;
	[tilespmem:$0x1A280] =	vst v63  }
0x201: {  	_ =	swait.ge [sflag:s14], $0x400  }
0x202: {  	[sflag:s14] =	ssyncset.done $0x0  }
0x203: {  	[sflag:s14] =	ssyncadd.s32 $0xFFFFFC00  }
0x204: {  	_ =	swait.ge [sflag:s14], $0x400  }
0x205: {  	[sflag:s14] =	ssyncset.done $0x0  }
0x206: {  	[sflag:s14] =	ssyncadd.s32 $0xFFFFFC00  }
0x207: {  	_ =	swait.ge [sflag:s14], $0x400  }
0x208: {  	[sflag:s14] =	ssyncset.done $0x0  }
0x209: {  	[sflag:s14] =	ssyncadd.s32 $0xFFFFFC00  }
0x20a: {  	_ =	swait.ge [sflag:s14], $0x400  }
0x20b: {  	[sflag:s14] =	ssyncset.done $0x0  }
0x20c: {  	[sflag:s14] =	ssyncadd.s32 $0xFFFFFC00  }
0x20d: {  	_ =	swait.ge [sflag:s14], $0x400  }
0x20e: {  	[sflag:s14] =	ssyncset.done $0x0  }
0x20f: {  	[sflag:s14] =	ssyncadd.s32 $0xFFFFFC00  }
0x210: {  	_ =	swait.ge [sflag:s14], $0x400  }
0x211: {  	[sflag:s14] =	ssyncset.done $0x0  }
0x212: {  	[sflag:s14] =	ssyncadd.s32 $0xFFFFFC00  }
0x213: {  	_ =	swait.ge [sflag:s14], $0x400  }
0x214: {  	[sflag:s14] =	ssyncset.done $0x0  }
0x215: {  	[sflag:s14] =	ssyncadd.s32 $0xFFFFFC00  }
0x216: {  	_ =	swait.ge [sflag:s14], $0x400  }
0x217: {  	[sflag:s14] =	ssyncset.done $0x0  }
0x218: {  	[sflag:s14] =	ssyncadd.s32 $0xFFFFFC00  }
0x219: {  	v17 =	vld [tilespmem:$0x1F0];
	_ =	sdelay $0x4  }
0x21a: {  	v17 =	vsel vm4, $0x0, v17  }
0x21b: {  	v17 =	vxor.u32 $0x80000000, v17  }
0x21c: {  	(xrf0) =	vmax.scan.msk.u32 $0xffff, v17;
	_ =	sdelay $0x5  }
0x21d: {  	v17, _, _ =	vpop (xrf0)  }
0x21e: {  	(v2sf) =	vpush v17, $0xF;
	_ =	sdelay $0xe  }
0x21f: {  	s18 =	spop (v2sf)  }
0x220: {  	s19 =	sxor.u32 $0x80000000, s18  }
0x221: {  	s20 =	sshrl.u32 s19, $0x7  }
0x222: {  	s20 =	smin.u32 s20, $0x1E83  }
0x223: {  	s20 =	sshll.u32 s20, $0x7  }
0x224: {  	s20 =	ssub.s32 s19, s20  }
0x225: {  	p0 =	slt.s32 s20, $0x7F  }
0x226: {  	s18 =	sadd.s32 $0x7FF0BE00, s18;
	s20 =	simm.s32 @!p0 $0x7F  }
0x227: {  	p0 =	sgt.s32 s18, $0x0;
	v17 =	vadd.s32 s20, v1  }
0x228: {  	s18 =	simm.s32 @!p0 $0x0  }
0x229: {  	s18 =	smin.u32 s18, $0x3F  }
0x22a: {  	s18 =	sshll.u32 s18, $0x7  }
0x22b: {  	v18 =	vld [tilespmem:s18+$0x18280]  }
0x22c: {  	v17 =	vld.idx.msk [tilespmem:v17+s10+$0x0], $0xffff;
	_ =	sdelay $0x1  }
0x22d: {  	v19 =	vadd.s32 s20, v2;
	_ =	sdelay $0x1  }
0x22e: {  	p3 =	sgt.s32 s19, $0xF41FF  }
0x22f: {  	v17 =	vpsel p3, v18, v17  }
0x230: {  	[tilespmem:$0x18080] =	vst v17  }
0x231: {  	v17 =	vld.idx.msk [tilespmem:v19+s10+$0x0], $0xffff  }
0x232: {  	v18 =	vld [tilespmem:s18+$0x18290];
	_ =	sdelay $0x1  }
0x233: {  	v19 =	vadd.s32 s20, v3;
	_ =	sdelay $0x2  }
0x234: {  	v17 =	vpsel p3, v18, v17  }
0x235: {  	[tilespmem:$0x18090] =	vst v17  }
0x236: {  	v17 =	vld.idx.msk [tilespmem:v19+s10+$0x0], $0xffff  }
0x237: {  	v18 =	vld [tilespmem:s18+$0x182A0];
	_ =	sdelay $0x1  }
0x238: {  	v19 =	vadd.s32 s20, v4;
	_ =	sdelay $0x2  }
0x239: {  	v17 =	vpsel p3, v18, v17  }
0x23a: {  	[tilespmem:$0x180A0] =	vst v17  }
0x23b: {  	v17 =	vld.idx.msk [tilespmem:v19+s10+$0x0], $0xffff  }
0x23c: {  	v18 =	vld [tilespmem:s18+$0x182B0];
	_ =	sdelay $0x4  }
0x23d: {  	v17 =	vpsel p3, v18, v17  }
0x23e: {  	[tilespmem:$0x180B0] =	vst v17  }
0x23f: {  	_ =	swait.ge [sflag:s15], $0x400  }
0x240: {  	[sflag:s15] =	ssyncset.done $0x0  }
0x241: {  	[sflag:s15] =	ssyncadd.s32 $0xFFFFFC00  }
0x242: {  	_ =	swait.ge [sflag:s15], $0x400  }
0x243: {  	[sflag:s15] =	ssyncset.done $0x0  }
0x244: {  	[sflag:s15] =	ssyncadd.s32 $0xFFFFFC00  }
0x245: {  	_ =	swait.ge [sflag:s15], $0x400  }
0x246: {  	[sflag:s15] =	ssyncset.done $0x0  }
0x247: {  	[sflag:s15] =	ssyncadd.s32 $0xFFFFFC00  }
0x248: {  	_ =	swait.ge [sflag:s15], $0x400  }
0x249: {  	[sflag:s15] =	ssyncset.done $0x0  }
0x24a: {  	[sflag:s15] =	ssyncadd.s32 $0xFFFFFC00  }
0x24b: {  	_ =	swait.ge [sflag:s15], $0x400  }
0x24c: {  	[sflag:s15] =	ssyncset.done $0x0  }
0x24d: {  	[sflag:s15] =	ssyncadd.s32 $0xFFFFFC00  }
0x24e: {  	_ =	swait.ge [sflag:s15], $0x400  }
0x24f: {  	[sflag:s15] =	ssyncset.done $0x0  }
0x250: {  	[sflag:s15] =	ssyncadd.s32 $0xFFFFFC00  }
0x251: {  	_ =	swait.ge [sflag:s15], $0x400  }
0x252: {  	[sflag:s15] =	ssyncset.done $0x0  }
0x253: {  	[sflag:s15] =	ssyncadd.s32 $0xFFFFFC00  }
0x254: {  	_ =	swait.ge [sflag:s15], $0x400  }
0x255: {  	[sflag:s15] =	ssyncset.done $0x0  }
0x256: {  	[sflag:s15] =	ssyncadd.s32 $0xFFFFFC00  }
0x257: {  	v17 =	vld [tilespmem:$0x1F0];
	_ =	sdelay $0x4  }
0x258: {  	v17 =	vsel vm5, $0x0, v17  }
0x259: {  	v17 =	vxor.u32 $0x80000000, v17  }
0x25a: {  	(xrf0) =	vmax.scan.msk.u32 $0xffff, v17;
	_ =	sdelay $0x5  }
0x25b: {  	v17, _, _ =	vpop (xrf0)  }
0x25c: {  	(v2sf) =	vpush v17, $0xF;
	_ =	sdelay $0xe  }
0x25d: {  	s7 =	spop (v2sf)  }
0x25e: {  	s8 =	sxor.u32 $0x80000000, s7  }
0x25f: {  	s9 =	sshrl.u32 s8, $0x7  }
0x260: {  	s20 =	smin.u32 s9, $0x1E83  }
0x261: {  	s20 =	sshll.u32 s20, $0x7  }
0x262: {  	s20 =	ssub.s32 s8, s20  }
0x263: {  	p0 =	slt.s32 s20, $0x7F  }
0x264: {  	s18 =	sadd.s32 $0x7FF0BE00, s7;
	s20 =	simm.s32 @!p0 $0x7F  }
0x265: {  	p0 =	sgt.s32 s18, $0x0;
	v17 =	vadd.s32 s20, v5  }
0x266: {  	s18 =	simm.s32 @!p0 $0x0  }
0x267: {  	s18 =	smin.u32 s18, $0x3F  }
0x268: {  	s18 =	sshll.u32 s18, $0x7  }
0x269: {  	v18 =	vld [tilespmem:s18+$0x18280]  }
0x26a: {  	v17 =	vld.idx.msk [tilespmem:v17+s10+$0x0], $0xffff;
	_ =	sdelay $0x1  }
0x26b: {  	v19 =	vadd.s32 s20, v6;
	_ =	sdelay $0x1  }
0x26c: {  	p4 =	sgt.s32 s8, $0xF41FF  }
0x26d: {  	v17 =	vpsel p4, v18, v17  }
0x26e: {  	[tilespmem:$0x18100] =	vst v17  }
0x26f: {  	v17 =	vld.idx.msk [tilespmem:v19+s10+$0x0], $0xffff  }
0x270: {  	v18 =	vld [tilespmem:s18+$0x18290];
	_ =	sdelay $0x1  }
0x271: {  	v19 =	vadd.s32 s20, v7;
	_ =	sdelay $0x2  }
0x272: {  	v17 =	vpsel p4, v18, v17  }
0x273: {  	[tilespmem:$0x18110] =	vst v17  }
0x274: {  	v17 =	vld.idx.msk [tilespmem:v19+s10+$0x0], $0xffff  }
0x275: {  	v18 =	vld [tilespmem:s18+$0x182A0];
	_ =	sdelay $0x1  }
0x276: {  	v19 =	vadd.s32 s20, v8;
	_ =	sdelay $0x2  }
0x277: {  	v17 =	vpsel p4, v18, v17  }
0x278: {  	[tilespmem:$0x18120] =	vst v17  }
0x279: {  	v17 =	vld.idx.msk [tilespmem:v19+s10+$0x0], $0xffff  }
0x27a: {  	v18 =	vld [tilespmem:s18+$0x182B0];
	_ =	sdelay $0x4  }
0x27b: {  	v17 =	vpsel p4, v18, v17  }
0x27c: {  	[tilespmem:$0x18130] =	vst v17  }
0x27d: {  	_ =	swait.ge [sflag:s16], $0x400  }
0x27e: {  	[sflag:s16] =	ssyncset.done $0x0  }
0x27f: {  	[sflag:s16] =	ssyncadd.s32 $0xFFFFFC00  }
0x280: {  	_ =	swait.ge [sflag:s16], $0x400  }
0x281: {  	[sflag:s16] =	ssyncset.done $0x0  }
0x282: {  	[sflag:s16] =	ssyncadd.s32 $0xFFFFFC00  }
0x283: {  	_ =	swait.ge [sflag:s16], $0x400  }
0x284: {  	[sflag:s16] =	ssyncset.done $0x0  }
0x285: {  	[sflag:s16] =	ssyncadd.s32 $0xFFFFFC00  }
0x286: {  	_ =	swait.ge [sflag:s16], $0x400  }
0x287: {  	[sflag:s16] =	ssyncset.done $0x0  }
0x288: {  	[sflag:s16] =	ssyncadd.s32 $0xFFFFFC00  }
0x289: {  	_ =	swait.ge [sflag:s16], $0x400  }
0x28a: {  	[sflag:s16] =	ssyncset.done $0x0  }
0x28b: {  	[sflag:s16] =	ssyncadd.s32 $0xFFFFFC00  }
0x28c: {  	_ =	swait.ge [sflag:s16], $0x400  }
0x28d: {  	[sflag:s16] =	ssyncset.done $0x0  }
0x28e: {  	[sflag:s16] =	ssyncadd.s32 $0xFFFFFC00  }
0x28f: {  	_ =	swait.ge [sflag:s16], $0x400  }
0x290: {  	[sflag:s16] =	ssyncset.done $0x0  }
0x291: {  	[sflag:s16] =	ssyncadd.s32 $0xFFFFFC00  }
0x292: {  	_ =	swait.ge [sflag:s16], $0x400  }
0x293: {  	[sflag:s16] =	ssyncset.done $0x0  }
0x294: {  	[sflag:s16] =	ssyncadd.s32 $0xFFFFFC00  }
0x295: {  	v17 =	vld [tilespmem:$0x1F0];
	_ =	sdelay $0x4  }
0x296: {  	v17 =	vsel vm6, $0x0, v17  }
0x297: {  	v17 =	vxor.u32 $0x80000000, v17  }
0x298: {  	(xrf0) =	vmax.scan.msk.u32 $0xffff, v17;
	_ =	sdelay $0x5  }
0x299: {  	v17, _, _ =	vpop (xrf0)  }
0x29a: {  	(v2sf) =	vpush v17, $0xF;
	_ =	sdelay $0xe  }
0x29b: {  	s11 =	spop (v2sf)  }
0x29c: {  	s12 =	sxor.u32 $0x80000000, s11  }
0x29d: {  	s13 =	sshrl.u32 s12, $0x7  }
0x29e: {  	s20 =	smin.u32 s13, $0x1E83  }
0x29f: {  	s20 =	sshll.u32 s20, $0x7  }
0x2a0: {  	s20 =	ssub.s32 s12, s20  }
0x2a1: {  	p0 =	slt.s32 s20, $0x7F  }
0x2a2: {  	s18 =	sadd.s32 $0x7FF0BE00, s11;
	s20 =	simm.s32 @!p0 $0x7F  }
0x2a3: {  	p0 =	sgt.s32 s18, $0x0;
	v17 =	vadd.s32 s20, v9  }
0x2a4: {  	s18 =	simm.s32 @!p0 $0x0  }
0x2a5: {  	s18 =	smin.u32 s18, $0x3F  }
0x2a6: {  	s18 =	sshll.u32 s18, $0x7  }
0x2a7: {  	v18 =	vld [tilespmem:s18+$0x18280]  }
0x2a8: {  	v17 =	vld.idx.msk [tilespmem:v17+s10+$0x0], $0xffff;
	_ =	sdelay $0x1  }
0x2a9: {  	v19 =	vadd.s32 s20, v10;
	_ =	sdelay $0x1  }
0x2aa: {  	p5 =	sgt.s32 s12, $0xF41FF  }
0x2ab: {  	v17 =	vpsel p5, v18, v17  }
0x2ac: {  	[tilespmem:$0x18180] =	vst v17  }
0x2ad: {  	v17 =	vld.idx.msk [tilespmem:v19+s10+$0x0], $0xffff  }
0x2ae: {  	v18 =	vld [tilespmem:s18+$0x18290];
	_ =	sdelay $0x1  }
0x2af: {  	v19 =	vadd.s32 s20, v11;
	_ =	sdelay $0x2  }
0x2b0: {  	v17 =	vpsel p5, v18, v17  }
0x2b1: {  	[tilespmem:$0x18190] =	vst v17  }
0x2b2: {  	v17 =	vld.idx.msk [tilespmem:v19+s10+$0x0], $0xffff  }
0x2b3: {  	v18 =	vld [tilespmem:s18+$0x182A0];
	_ =	sdelay $0x1  }
0x2b4: {  	v19 =	vadd.s32 s20, v12;
	_ =	sdelay $0x2  }
0x2b5: {  	v17 =	vpsel p5, v18, v17  }
0x2b6: {  	[tilespmem:$0x181A0] =	vst v17  }
0x2b7: {  	v17 =	vld.idx.msk [tilespmem:v19+s10+$0x0], $0xffff  }
0x2b8: {  	v18 =	vld [tilespmem:s18+$0x182B0];
	_ =	sdelay $0x4  }
0x2b9: {  	v17 =	vpsel p5, v18, v17  }
0x2ba: {  	[tilespmem:$0x181B0] =	vst v17  }
0x2bb: {  	_ =	swait.ge [sflag:s17], $0x400  }
0x2bc: {  	[sflag:s17] =	ssyncset.done $0x0  }
0x2bd: {  	[sflag:s17] =	ssyncadd.s32 $0xFFFFFC00  }
0x2be: {  	_ =	swait.ge [sflag:s17], $0x400  }
0x2bf: {  	[sflag:s17] =	ssyncset.done $0x0  }
0x2c0: {  	[sflag:s17] =	ssyncadd.s32 $0xFFFFFC00  }
0x2c1: {  	_ =	swait.ge [sflag:s17], $0x400  }
0x2c2: {  	[sflag:s17] =	ssyncset.done $0x0  }
0x2c3: {  	[sflag:s17] =	ssyncadd.s32 $0xFFFFFC00  }
0x2c4: {  	_ =	swait.ge [sflag:s17], $0x400  }
0x2c5: {  	[sflag:s17] =	ssyncset.done $0x0  }
0x2c6: {  	[sflag:s17] =	ssyncadd.s32 $0xFFFFFC00  }
0x2c7: {  	_ =	swait.ge [sflag:s17], $0x400  }
0x2c8: {  	[sflag:s17] =	ssyncset.done $0x0  }
0x2c9: {  	[sflag:s17] =	ssyncadd.s32 $0xFFFFFC00  }
0x2ca: {  	_ =	swait.ge [sflag:s17], $0x400  }
0x2cb: {  	[sflag:s17] =	ssyncset.done $0x0  }
0x2cc: {  	[sflag:s17] =	ssyncadd.s32 $0xFFFFFC00  }
0x2cd: {  	_ =	swait.ge [sflag:s17], $0x400  }
0x2ce: {  	[sflag:s17] =	ssyncset.done $0x0  }
0x2cf: {  	[sflag:s17] =	ssyncadd.s32 $0xFFFFFC00  }
0x2d0: {  	_ =	swait.ge [sflag:s17], $0x400  }
0x2d1: {  	[sflag:s17] =	ssyncset.done $0x0  }
0x2d2: {  	[sflag:s17] =	ssyncadd.s32 $0xFFFFFC00  }
0x2d3: {  	v17 =	vld [tilespmem:$0x1F0];
	_ =	sdelay $0x4  }
0x2d4: {  	v17 =	vsel vm7, $0x0, v17  }
0x2d5: {  	v17 =	vxor.u32 $0x80000000, v17  }
0x2d6: {  	(xrf0) =	vmax.scan.msk.u32 $0xffff, v17;
	_ =	sdelay $0x5  }
0x2d7: {  	v17, _, _ =	vpop (xrf0)  }
0x2d8: {  	(v2sf) =	vpush v17, $0xF;
	_ =	sdelay $0xe  }
0x2d9: {  	s19 =	spop (v2sf)  }
0x2da: {  	s21 =	sxor.u32 $0x80000000, s19  }
0x2db: {  	s22 =	sshrl.u32 s21, $0x7  }
0x2dc: {  	s20 =	smin.u32 s22, $0x1E83  }
0x2dd: {  	s20 =	sshll.u32 s20, $0x7  }
0x2de: {  	s20 =	ssub.s32 s21, s20  }
0x2df: {  	p0 =	slt.s32 s20, $0x7F  }
0x2e0: {  	s18 =	sadd.s32 $0x7FF0BE00, s19;
	s20 =	simm.s32 @!p0 $0x7F  }
0x2e1: {  	p0 =	sgt.s32 s18, $0x0;
	v17 =	vadd.s32 s20, v13  }
0x2e2: {  	s18 =	simm.s32 @!p0 $0x0  }
0x2e3: {  	s18 =	smin.u32 s18, $0x3F  }
0x2e4: {  	s18 =	sshll.u32 s18, $0x7  }
0x2e5: {  	v18 =	vld [tilespmem:s18+$0x18280]  }
0x2e6: {  	v17 =	vld.idx.msk [tilespmem:v17+s10+$0x0], $0xffff;
	_ =	sdelay $0x1  }
0x2e7: {  	v19 =	vadd.s32 s20, v14;
	_ =	sdelay $0x1  }
0x2e8: {  	p6 =	sgt.s32 s21, $0xF41FF  }
0x2e9: {  	v17 =	vpsel p6, v18, v17  }
0x2ea: {  	[tilespmem:$0x18200] =	vst v17  }
0x2eb: {  	v17 =	vld.idx.msk [tilespmem:v19+s10+$0x0], $0xffff  }
0x2ec: {  	v18 =	vld [tilespmem:s18+$0x18290];
	_ =	sdelay $0x1  }
0x2ed: {  	v19 =	vadd.s32 s20, v15;
	_ =	sdelay $0x2  }
0x2ee: {  	v17 =	vpsel p6, v18, v17  }
0x2ef: {  	[tilespmem:$0x18210] =	vst v17  }
0x2f0: {  	v17 =	vld.idx.msk [tilespmem:v19+s10+$0x0], $0xffff  }
0x2f1: {  	v18 =	vld [tilespmem:s18+$0x182A0];
	_ =	sdelay $0x1  }
0x2f2: {  	v19 =	vadd.s32 s20, v16;
	_ =	sdelay $0x2  }
0x2f3: {  	v17 =	vpsel p6, v18, v17  }
0x2f4: {  	[tilespmem:$0x18220] =	vst v17  }
0x2f5: {  	v17 =	vld.idx.msk [tilespmem:v19+s10+$0x0], $0xffff  }
0x2f6: {  	v18 =	vld [tilespmem:s18+$0x182B0];
	_ =	sdelay $0x4  }
0x2f7: {  	s0 =	simm.s32 $0x8280;
	v17 =	vpsel p6, v18, v17  }
0x2f8: {  	s28 =	simm.s32 $0x1E80;
	s23 =	rddreg [dreg:$0x6];
	s19 =	simm.s32 $0x5;
	[tilespmem:$0x18230] =	vst v17  }
0x2f9: {  	[hbm4b:s23+s4] =	stream.linear.scatter [tilespmem:s0], [sflag:$0x5], $0x10000, $0x38;
	[tilespmem:$0x1A280] =	vst v63  }
0x2fa: {  	s3 =	simm.s32 $0x2680;
	s2 =	simm.s32 $0x2A80;
	_ =	swait.ge [sflag:s19], $0x10000  }
0x2fb: {  	s5 =	simm.s32 $0x3280;
	s6 =	simm.s32 $0x3680;
	s25 =	rddreg [dreg:$0x8]  }
0x2fc: {  	s29 =	simm.s32 $0x4E80;
	s26 =	rddreg [dreg:$0x7];
	s20 =	sadd.s32 $0x1, s25  }
0x2fd: {  	s30 =	simm.s32 $0x5280;
	s31 =	simm.s32 $0x5680;
	p0 =	sne.s32 s20, s26  }
.Ltmp1:
0x2fe: {  	s7 =	simm.s32 $0x3A80;
	s9 =	simm.s32 $0x2E80;
	(pc) =	sbr.rel @p0 .LBB2_1-.Ltmp1, $4  }
0x2ff: {  	s8 =	simm.s32 $0x3E80;
	s11 =	simm.s32 $0x4280;
	s13 =	simm.s32 $0x4A80  }
0x300: {  	s12 =	simm.s32 $0x4680;
	s22 =	simm.s32 $0xE80;
	s21 =	simm.s32 $0xA80  }
0x301: {  	s23 =	simm.s32 $0x1280;
	s0 =	simm.s32 $0x2280;
	[sflag:s19] =	ssyncset.done $0x0  }
0x302: {  	[sflag:s19] =	ssyncadd.s32 $0xFFFF0000;
	s25 =	simm.s32 $0x1680;
	s26 =	simm.s32 $0x1A80  }
0x303: {  	_ =	sfence.sel $0x180000  }
0x304: {  	[bflag:$0x0] =	sbarrier.arrive $0xFFFF  }
0x305: {  	_ =	strace $0x90000047  }
0x306: {  	s0 =	stileid.u32;
	[bflag:$0x2] =	sbarrier.arrive $0xFFFF  }
0x307: {  	p0 =	sne.s32 s0, $0x0;
	s0 =	rddreg [dreg:$0x4]  }
0x308: {  	s0 =	sadd.s32 @!p0 $0x100000, s0  }
0x309: {  	[sflag:s0] =	ssyncadd.tile.s32 @!p0 $0x1;
	_ =	shalt  }
.Lfunc_end2:
_tile_overlayer_lowered:
.L_overlay_start_2:
0x30a: {  	(tag) =	ssettag $0x2  }
0x30b: {  	s0 =	rddreg [dreg:$0x0];
	s2 =	stileid.u32  }
0x30c: {  	s1 =	rddreg [dreg:$0x1];
	p0 =	sne.s32 s2, $0x0  }
0x30d: {  	s3 =	rddreg [dreg:$0x2];
	[bflag:$0x3] =	sbarrier.arrive $0xFFFF;
	s2 =	simm.s32 @!p0 $0x1C05  }
0x30e: {  	[timem:s3], [sflag:s2] =	dma.local @!p0 [hbm:s0], s1  }
0x30f: {  	s0 =	simm.s32 @!p0 $0x5  }
0x310: {  	_ =	swait.ge @!p0 [sflag:s0], s1  }
0x311: {  	s1 =	ssub.s32 @!p0 $0x0, s1;
	[sflag:s0] =	ssyncset.done @!p0 $0x0  }
0x312: {  	[sflag:s0] =	ssyncadd.s32 @!p0 s1  }
0x313: {  	[bflag:$0x3] =	sbarrier.arrive $0xFFFF  }
0x314: {  	_ =	shalt  }

</sc_bundles>
